<compile_context>
chip_gen: v7x
topology: tpu7x:2x2x1
jax: 0.10.2.dev20260603
libtpu: 0.0.44.dev20260713+nightly
codegen_flags: <defaults>
</compile_context>

<pallas_src>
import functools

import jax
import jax.numpy as jnp
from jax import lax
from jax.experimental import pallas as pl
from jax.experimental.pallas import tpu as pltpu
from jax.experimental.pallas import tpu_sc as plsc

_N = 10000
_E = 320000
_H = 128
_C = 6

_NC = 1
_NS = 16
_NW = _NC * _NS
_L = 16
_G = 112
_NCH = 180
_EPT = _NCH * _G
_EPAD = _NW * _EPT
_NP = 10240
_RPT = _NP // _NS

_R = 1000
_GRID = _N // _R



def _prep0_body(x_ref, idm_ref, w_ref, wid_ref, avs_ref, avd_ref,
                hc_ref, as_ref, ad_ref):
    xb = x_ref[...]
    h = jnp.dot(xb, w_ref[...], preferred_element_type=jnp.float32)
    hid = jnp.dot(xb, wid_ref[...], preferred_element_type=jnp.float32)
    hc = jnp.where(idm_ref[...] > 0, hid, h)
    hc_ref[...] = hc
    as_ref[...] = jnp.dot(hc, avs_ref[...], preferred_element_type=jnp.float32)
    ad_ref[...] = jnp.dot(hc, avd_ref[...], preferred_element_type=jnp.float32)


def _prepn_body(p0_ref, dent_ref, idm_ref, w_ref, wid_ref,
                avs_ref, avd_ref, hc_ref, as_ref, ad_ref):
    den = jnp.sum(dent_ref[...], axis=1, keepdims=True) + 1e-9
    xb = jnp.maximum(p0_ref[...] / den, 0.0)
    h = jnp.dot(xb, w_ref[...], preferred_element_type=jnp.float32)
    hid = jnp.dot(xb, wid_ref[...], preferred_element_type=jnp.float32)
    hc = jnp.where(idm_ref[...] > 0, hid, h)
    hc_ref[...] = hc
    as_ref[...] = jnp.dot(hc, avs_ref[...], preferred_element_type=jnp.float32)
    ad_ref[...] = jnp.dot(hc, avd_ref[...], preferred_element_type=jnp.float32)


def _head_body(p0_ref, dent_ref, wm1_ref, bm1_ref, wm2_ref, bm2_ref,
               o_ref):
    den = jnp.sum(dent_ref[...], axis=1, keepdims=True) + 1e-9
    hb = jnp.maximum(p0_ref[...] / den, 0.0)
    h1 = jnp.maximum(
        jnp.dot(hb, wm1_ref[...], preferred_element_type=jnp.float32)
        + bm1_ref[...], 0.0)
    o_ref[...] = (jnp.dot(h1, wm2_ref[...], preferred_element_type=jnp.float32)
                  + bm2_ref[...])


_rows = lambda i: (i, 0)
_full = lambda i: (0, 0)


def _prep0(x, idm, w, wid, avs, avd):
    return pl.pallas_call(
        _prep0_body,
        grid=(_GRID,),
        in_specs=[
            pl.BlockSpec((_R, _H), _rows),
            pl.BlockSpec((_R, 1), _rows),
            pl.BlockSpec((_H, _H), _full),
            pl.BlockSpec((_H, _H), _full),
            pl.BlockSpec((_H, 1), _full),
            pl.BlockSpec((_H, 1), _full),
        ],
        out_specs=[
            pl.BlockSpec((_R, _H), _rows),
            pl.BlockSpec((_R, 1), _rows),
            pl.BlockSpec((_R, 1), _rows),
        ],
        out_shape=[
            jax.ShapeDtypeStruct((_N, _H), jnp.float32),
            jax.ShapeDtypeStruct((_N, 1), jnp.float32),
            jax.ShapeDtypeStruct((_N, 1), jnp.float32),
        ],
    )(x, idm, w, wid, avs, avd)


def _prepn(p0, dent, idm, w, wid, avs, avd):
    return pl.pallas_call(
        _prepn_body,
        grid=(_GRID,),
        in_specs=[
            pl.BlockSpec((_R, _H), _rows),
            pl.BlockSpec((_R, _NW), _rows),
            pl.BlockSpec((_R, 1), _rows),
            pl.BlockSpec((_H, _H), _full),
            pl.BlockSpec((_H, _H), _full),
            pl.BlockSpec((_H, 1), _full),
            pl.BlockSpec((_H, 1), _full),
        ],
        out_specs=[
            pl.BlockSpec((_R, _H), _rows),
            pl.BlockSpec((_R, 1), _rows),
            pl.BlockSpec((_R, 1), _rows),
        ],
        out_shape=[
            jax.ShapeDtypeStruct((_N, _H), jnp.float32),
            jax.ShapeDtypeStruct((_N, 1), jnp.float32),
            jax.ShapeDtypeStruct((_N, 1), jnp.float32),
        ],
    )(p0, dent, idm, w, wid, avs, avd)


def _head(p0, dent, wm1, bm1, wm2p, bm2p):
    return pl.pallas_call(
        _head_body,
        grid=(_GRID,),
        in_specs=[
            pl.BlockSpec((_R, _H), _rows),
            pl.BlockSpec((_R, _NW), _rows),
            pl.BlockSpec((_H, 256), _full),
            pl.BlockSpec((1, 256), _full),
            pl.BlockSpec((256, _H), _full),
            pl.BlockSpec((1, _H), _full),
        ],
        out_specs=pl.BlockSpec((_R, _H), _rows),
        out_shape=jax.ShapeDtypeStruct((_N, _H), jnp.float32),
    )(p0, dent, wm1, bm1, wm2p, bm2p)



def _alpha_body(as_hbm, ad_hbm, src_hbm, dst_hbm, ex_hbm, den_hbm,
                src_v, dst_v, as_v, ad_v, den_v):
    s = lax.axis_index("s")
    wid = s
    base_e = wid * _EPT

    pltpu.sync_copy(src_hbm.at[wid], src_v)
    pltpu.sync_copy(dst_hbm.at[wid], dst_v)
    pltpu.sync_copy(as_hbm, as_v)
    pltpu.sync_copy(ad_hbm, ad_v)

    zero16 = jnp.zeros((_L,), jnp.float32)

    def _zden(i, carry):
        den_v[pl.ds(i * _L, _L)] = zero16
        return carry

    lax.fori_loop(0, _N // _L, _zden, 0)

    def _chunk(j, carry):
        for g in range(_G // _L):
            sl = pl.ds(g * _L, _L)
            s16 = src_v[j, sl]
            d16 = dst_v[j, sl]
            al = (plsc.load_gather(as_v, [s16])
                  + plsc.load_gather(ad_v, [d16]))
            e = jnp.where(al >= 0.0, al, 0.2 * al)
            ex = jnp.exp(e)
            pos = base_e + j * _G + g * _L + lax.iota(jnp.int32, _L)
            ex = jnp.where(pos < _E, ex, 0.0)
            plsc.addupdate_scatter(den_v, [d16], ex)
            src_v[j, sl] = plsc.bitcast(ex, jnp.int32)
        return carry

    lax.fori_loop(0, _NCH, _chunk, 0)

    pltpu.sync_copy(src_v, ex_hbm.at[wid])
    pltpu.sync_copy(den_v, den_hbm.at[wid])


def _alpha_pass(alpha_s, alpha_d, srcp, dstp):
    mesh = plsc.VectorSubcoreMesh(core_axis_name="c", subcore_axis_name="s",
                                  num_cores=1)
    kern = functools.partial(
        pl.kernel,
        mesh=mesh,
        compiler_params=pltpu.CompilerParams(needs_layout_passes=False),
        out_type=[
            jax.ShapeDtypeStruct((_NW, _NCH, _G), jnp.int32),
            jax.ShapeDtypeStruct((_NW, _N), jnp.float32),
        ],
        scratch_types=[
            pltpu.VMEM((_NCH, _G), jnp.int32),
            pltpu.VMEM((_NCH, _G), jnp.int32),
            pltpu.VMEM((_N,), jnp.float32),
            pltpu.VMEM((_N,), jnp.float32),
            pltpu.VMEM((_N,), jnp.float32),
        ],
    )(_alpha_body)
    return kern(alpha_s, alpha_d, srcp, dstp)


def _spmm_body(hc_hbm, sd_hbm, ex_hbm, out_hbm,
               sd_v, ex_v, buf_a, buf_b, buf_c,
               acc_sh, is0, is1, is2, gs_a, gs_b, gs_c):
    s = lax.axis_index("s")
    wid = s
    isems = (is0, is1, is2)
    bufs = (buf_a, buf_b, buf_c)
    gsems = (gs_a, gs_b, gs_c)

    zero16 = jnp.zeros((_L,), jnp.float32)

    def _zrow(r, carry):
        for q in range(_H // _L):
            buf_a[r, pl.ds(q * _L, _L)] = zero16
        return carry

    lax.fori_loop(0, _G, _zrow, 0)

    rbase = s * _RPT
    for t in range(_RPT // _G):
        pltpu.sync_copy(buf_a, acc_sh.at[pl.ds(rbase + t * _G, _G)])
    rem = _RPT - (_RPT // _G) * _G
    if rem:
        pltpu.sync_copy(buf_a.at[pl.ds(0, rem)],
                        acc_sh.at[pl.ds(rbase + (_RPT // _G) * _G, rem)])
    plsc.subcore_barrier()

    def _idx_start(j, slot):
        pltpu.async_copy(sd_hbm.at[wid, j], sd_v.at[slot], isems[slot])
        pltpu.async_copy(ex_hbm.at[wid, j], ex_v.at[slot], isems[slot])

    def _idx_wait(j, slot):
        pltpu.make_async_copy(sd_hbm.at[wid, j], sd_v.at[slot],
                              isems[slot]).wait()
        pltpu.make_async_copy(ex_hbm.at[wid, j], ex_v.at[slot],
                              isems[slot]).wait()

    def _gather_start(slot, b):
        pltpu.async_copy(hc_hbm.at[sd_v.at[slot, 0]], bufs[b], gsems[b])

    def _gather_wait(slot, b):
        pltpu.make_async_copy(hc_hbm.at[sd_v.at[slot, 0]], bufs[b],
                              gsems[b]).wait()

    for k in (0, 1):
        _idx_start(k, k)
    for k in (0, 1):
        _idx_wait(k, k)
        _gather_start(k, k)

    def _body6(i, carry):
        j0 = i * 6
        for k in range(6):
            j = j0 + k
            slot = k % 3
            b = k % 3
            nslot = (k + 2) % 3

            @pl.when(j + 2 < _NCH)
            def _():
                _idx_start(j + 2, nslot)

            _gather_wait(slot, b)

            buf = bufs[b]

            def _srow(r4, carry2):
                for u in range(4):
                    r = r4 * 4 + u
                    sc = plsc.load_gather(
                        ex_v, [jnp.full((_L,), k % 3, jnp.int32),
                               jnp.full((_L,), r, jnp.int32)])
                    scf = plsc.bitcast(sc, jnp.float32)
                    for q in range(_H // _L):
                        slq = pl.ds(q * _L, _L)
                        buf[r, slq] = buf[r, slq] * scf
                return carry2

            lax.fori_loop(0, _G // 4, _srow, 0)

            @pl.when(j + 2 < _NCH)
            def _():
                _idx_wait(j + 2, nslot)
                _gather_start(nslot, nslot)

            pltpu.sync_copy(buf, acc_sh.at[sd_v.at[slot, 1]], add=True)
        return carry

    lax.fori_loop(0, _NCH // 6, _body6, 0)

    plsc.subcore_barrier()
    pltpu.sync_copy(acc_sh.at[pl.ds(rbase, _RPT)],
                    out_hbm.at[pl.ds(rbase, _RPT)])


def _spmm_pass(hc, sd, ex_e):
    mesh = plsc.VectorSubcoreMesh(core_axis_name="c", subcore_axis_name="s",
                                  num_cores=1)
    kern = functools.partial(
        pl.kernel,
        mesh=mesh,
        compiler_params=pltpu.CompilerParams(needs_layout_passes=False),
        out_type=jax.ShapeDtypeStruct((_NP, _H), jnp.float32),
        scratch_types=[
            pltpu.VMEM((3, 2, _G), jnp.int32),
            pltpu.VMEM((3, _G), jnp.int32),
            pltpu.VMEM((_G, _H), jnp.float32),
            pltpu.VMEM((_G, _H), jnp.float32),
            pltpu.VMEM((_G, _H), jnp.float32),
            pltpu.VMEM_SHARED((_NP, _H), jnp.float32),
        ] + [pltpu.SemaphoreType.DMA] * 6,
    )(_spmm_body)
    return kern(hc, sd, ex_e)



def kernel(x, edge_index, id_index, edge_weight,
           W0, Wid0, as0, ad0,
           W1, Wid1, as1, ad1,
           W2, Wid2, as2, ad2,
           Wm1, bm1, Wm2, bm2):
    idm = id_index.reshape(_N, 1)
    pad = _EPAD - _E
    src = jnp.pad(edge_index[0], (0, pad)).reshape(_NW, _NCH, _G)
    dst = jnp.pad(edge_index[1], (0, pad)).reshape(_NW, _NCH, _G)
    sd = jnp.stack([src, dst], axis=2)

    hc, acs, acd = _prep0(x, idm, W0, Wid0,
                          as0.reshape(_H, 1), ad0.reshape(_H, 1))

    ws = jnp.stack([W1, W2, W1])
    wids = jnp.stack([Wid1, Wid2, Wid1])
    avss = jnp.stack([as1.reshape(_H, 1), as2.reshape(_H, 1),
                      as1.reshape(_H, 1)])
    avds = jnp.stack([ad1.reshape(_H, 1), ad2.reshape(_H, 1),
                      ad1.reshape(_H, 1)])

    def _body(carry, wts):
        hc_l, acs_l, acd_l, _, _ = carry
        w, wid, avs, avd = wts
        ex_e, den_p = _alpha_pass(acs_l.reshape(_N), acd_l.reshape(_N),
                                  src, dst)
        out_p = _spmm_pass(hc_l, sd, ex_e)
        hc_n, acs_n, acd_n = _prepn(out_p[:_N], den_p.T,
                                    idm, w, wid, avs, avd)
        return (hc_n, acs_n, acd_n, out_p, den_p), None

    init = (hc, acs, acd,
            jnp.zeros((_NP, _H), jnp.float32),
            jnp.zeros((_NW, _N), jnp.float32))
    (_, _, _, out_p, den_p), _ = lax.scan(_body, init, (ws, wids, avss, avds))

    wm2p = jnp.pad(Wm2, ((0, 0), (0, _H - _C)))
    bm2p = jnp.pad(bm2, (0, _H - _C)).reshape(1, _H)
    o = _head(out_p[:_N], den_p.T, Wm1, bm1.reshape(1, 256),
              wm2p, bm2p)
    return o[:, :_C]

# --- scband reference (transcript-rebuilt; emitter-appended) ---
"""Pipeline reference for scband-idgatmodel-10986526343325 (READ-ONLY COPY).

The authoritative reference and input builder live on the scoring server;
editing this copy changes nothing except your own understanding.
"""

import jax, jax.numpy as jnp
import numpy as np

N = 10000
E = 320000
D = 128
H = 128  # dim_inner
C = 6    # num_labels


def setup_inputs(seed: int = 0) -> dict:
    key = jax.random.key(seed)
    ks = jax.random.split(key, 24)
    inp = {}
    inp["x"] = jax.random.normal(ks[0], (N, D), dtype=jnp.float32)
    inp["edge_index"] = jax.random.randint(ks[1], (2, E), 0, N)
    inp["id_index"] = jax.random.randint(ks[2], (N,), 0, 2)
    inp["edge_weight"] = jax.random.uniform(ks[3], (E,), dtype=jnp.float32)
    # IDGAT layer params: per-layer regular W, identity W_id, attention vectors a_src/a_dst
    dims = [(D, H), (H, H), (H, H)]
    for i, (din, dout) in enumerate(dims):
        inp[f"W{i}"] = jax.random.normal(ks[4 + 4 * i], (din, dout), dtype=jnp.float32) * 0.05
        inp[f"Wid{i}"] = jax.random.normal(ks[5 + 4 * i], (din, dout), dtype=jnp.float32) * 0.05
        inp[f"as{i}"] = jax.random.normal(ks[6 + 4 * i], (dout,), dtype=jnp.float32) * 0.05
        inp[f"ad{i}"] = jax.random.normal(ks[7 + 4 * i], (dout,), dtype=jnp.float32) * 0.05
    # MLP head: Flatten -> Dense(256, relu) -> Dense(num_labels)
    inp["Wm1"] = jax.random.normal(ks[16], (H, 256), dtype=jnp.float32) * 0.05
    inp["bm1"] = jnp.zeros((256,), dtype=jnp.float32)
    inp["Wm2"] = jax.random.normal(ks[17], (256, C), dtype=jnp.float32) * 0.05
    inp["bm2"] = jnp.zeros((C,), dtype=jnp.float32)
    return inp


def _idgat_layer(x, src, dst, id_mask, W, Wid, a_s, a_d):
    # identity-aware transform: identity nodes use Wid, others use W
    h = x @ W
    hid = x @ Wid
    hc = jnp.where(id_mask[:, None] > 0, hid, h)
    # GAT attention logits per edge
    alpha_s = hc @ a_s  # [N]
    alpha_d = hc @ a_d  # [N]
    e = jax.nn.leaky_relu(alpha_s[src] + alpha_d[dst], negative_slope=0.2)
    # segment softmax over destination nodes
    m = jax.ops.segment_max(e, dst, num_segments=N)
    m = jnp.where(jnp.isfinite(m), m, 0.0)
    ex = jnp.exp(e - m[dst])
    denom = jax.ops.segment_sum(ex, dst, num_segments=N)
    coef = ex / (denom[dst] + 1e-9)
    out = jax.ops.segment_sum(coef[:, None] * hc[src], dst, num_segments=N)
    return jax.nn.relu(out)


def reference(x, edge_index, id_index, edge_weight,
              W0, Wid0, as0, ad0,
              W1, Wid1, as1, ad1,
              W2, Wid2, as2, ad2,
              Wm1, bm1, Wm2, bm2):
    src = edge_index[0]
    dst = edge_index[1]
    h = _idgat_layer(x, src, dst, id_index, W0, Wid0, as0, ad0)
    h = _idgat_layer(h, src, dst, id_index, W1, Wid1, as1, ad1)
    h = _idgat_layer(h, src, dst, id_index, W2, Wid2, as2, ad2)
    # MLP head (Flatten is identity on [N, H])
    h = jax.nn.relu(h @ Wm1 + bm1)
    return h @ Wm2 + bm2

if __name__ == "__main__":
    import jax
    _d = setup_inputs()
    print(jax.jit(kernel)(*tuple(_d.values())))

</pallas_src>

<mosaic_0001>
#map = affine_map<(d0, d1) -> (0)>
#map1 = affine_map<(d0, d1) -> (0, 0, 0)>
#map2 = affine_map<(d0, d1) -> (0, 0)>
module attributes {stable_mosaic.version = 14 : i64} {
  func.func @_alpha_body(%arg0: i32, %arg1: i32, %arg2: memref<10000xf32, #tpu.memory_space<hbm>>, %arg3: memref<10000xf32, #tpu.memory_space<hbm>>, %arg4: memref<16x180x112xi32, #tpu.memory_space<hbm>>, %arg5: memref<16x180x112xi32, #tpu.memory_space<hbm>>, %arg6: memref<16x180x112xi32, #tpu.memory_space<hbm>>, %arg7: memref<16x10000xf32, #tpu.memory_space<hbm>>, %arg8: memref<180x112xi32, #tpu.memory_space<vmem>>, %arg9: memref<180x112xi32, #tpu.memory_space<vmem>>, %arg10: memref<10000xf32, #tpu.memory_space<vmem>>, %arg11: memref<10000xf32, #tpu.memory_space<vmem>>, %arg12: memref<10000xf32, #tpu.memory_space<vmem>>) attributes {dimension_semantics = [#tpu.dimension_semantics<core_parallel>, #tpu.dimension_semantics<subcore_parallel>], iteration_bounds = array<i64: 1, 16>, scalar_prefetch = 0 : i64, scratch_operands = 5 : i64, tpu.core_type = #tpu.core_type<sc_vector_subcore>, window_params = [{transform_indices = #map}, {transform_indices = #map}, {transform_indices = #map1}, {transform_indices = #map1}, {transform_indices = #map1}, {transform_indices = #map2}]} {
    %mul3A = arith.constant 20160 : i32
    %mul3A_0 = arith.muli %arg1, %mul3A : i32
    "tpu.region"() ({
      %run_scoped3A = tpu.sem_alloc : memref<!tpu.dma_semaphore, #tpu.memory_space<semaphore_mem>>
      %dma_start3A = arith.constant 0 : i32
      %dma_start3A_13 = arith.constant 0 : i32
      %dma_start3A_14 = tpu.memref_slice %arg4[%arg1, %dma_start3A, %dma_start3A_13] : memref<16x180x112xi32, #tpu.memory_space<hbm>> -> memref<1x180x112xi32, #tpu.memory_space<hbm>>
      %dma_start3A_15 = tpu.memref_squeeze %dma_start3A_14 : memref<1x180x112xi32, #tpu.memory_space<hbm>> -> memref<180x112xi32, #tpu.memory_space<hbm>>
      %dma_start3A_16 = arith.constant 0 : i32
      %dma_start3A_17 = arith.constant 0 : i32
      %dma_start3A_18 = tpu.memref_slice %arg4[%arg1, %dma_start3A_16, %dma_start3A_17] : memref<16x180x112xi32, #tpu.memory_space<hbm>> -> memref<1x180x112xi32, #tpu.memory_space<hbm>>
      %dma_start3A_19 = tpu.memref_squeeze %dma_start3A_18 : memref<1x180x112xi32, #tpu.memory_space<hbm>> -> memref<180x112xi32, #tpu.memory_space<hbm>>
      tpu.enqueue_dma source(%dma_start3A_19 : memref<180x112xi32, #tpu.memory_space<hbm>>) target(%arg8 : memref<180x112xi32, #tpu.memory_space<vmem>>) target_semaphore(%run_scoped3A : memref<!tpu.dma_semaphore, #tpu.memory_space<semaphore_mem>>)
      %dma_wait3A = arith.constant 0 : i32
      %dma_wait3A_20 = arith.constant 0 : i32
      %dma_wait3A_21 = tpu.memref_slice %arg4[%arg1, %dma_wait3A, %dma_wait3A_20] : memref<16x180x112xi32, #tpu.memory_space<hbm>> -> memref<1x180x112xi32, #tpu.memory_space<hbm>>
      %dma_wait3A_22 = tpu.memref_squeeze %dma_wait3A_21 : memref<1x180x112xi32, #tpu.memory_space<hbm>> -> memref<180x112xi32, #tpu.memory_space<hbm>>
      %dma_wait3A_23 = arith.constant 0 : i32
      %dma_wait3A_24 = arith.constant 0 : i32
      %dma_wait3A_25 = tpu.memref_slice %arg4[%arg1, %dma_wait3A_23, %dma_wait3A_24] : memref<16x180x112xi32, #tpu.memory_space<hbm>> -> memref<1x180x112xi32, #tpu.memory_space<hbm>>
      %dma_wait3A_26 = tpu.memref_squeeze %dma_wait3A_25 : memref<1x180x112xi32, #tpu.memory_space<hbm>> -> memref<180x112xi32, #tpu.memory_space<hbm>>
      tpu.wait_dma2 semaphore(%run_scoped3A : memref<!tpu.dma_semaphore, #tpu.memory_space<semaphore_mem>>) src(%dma_wait3A_26 : memref<180x112xi32, #tpu.memory_space<hbm>>) dst(%arg8 : memref<180x112xi32, #tpu.memory_space<vmem>>)
      tpu.yield
    }) : () -> ()
    "tpu.region"() ({
      %run_scoped3A = tpu.sem_alloc : memref<!tpu.dma_semaphore, #tpu.memory_space<semaphore_mem>>
      %dma_start3A = arith.constant 0 : i32
      %dma_start3A_13 = arith.constant 0 : i32
      %dma_start3A_14 = tpu.memref_slice %arg5[%arg1, %dma_start3A, %dma_start3A_13] : memref<16x180x112xi32, #tpu.memory_space<hbm>> -> memref<1x180x112xi32, #tpu.memory_space<hbm>>
      %dma_start3A_15 = tpu.memref_squeeze %dma_start3A_14 : memref<1x180x112xi32, #tpu.memory_space<hbm>> -> memref<180x112xi32, #tpu.memory_space<hbm>>
      %dma_start3A_16 = arith.constant 0 : i32
      %dma_start3A_17 = arith.constant 0 : i32
      %dma_start3A_18 = tpu.memref_slice %arg5[%arg1, %dma_start3A_16, %dma_start3A_17] : memref<16x180x112xi32, #tpu.memory_space<hbm>> -> memref<1x180x112xi32, #tpu.memory_space<hbm>>
      %dma_start3A_19 = tpu.memref_squeeze %dma_start3A_18 : memref<1x180x112xi32, #tpu.memory_space<hbm>> -> memref<180x112xi32, #tpu.memory_space<hbm>>
      tpu.enqueue_dma source(%dma_start3A_19 : memref<180x112xi32, #tpu.memory_space<hbm>>) target(%arg9 : memref<180x112xi32, #tpu.memory_space<vmem>>) target_semaphore(%run_scoped3A : memref<!tpu.dma_semaphore, #tpu.memory_space<semaphore_mem>>)
      %dma_wait3A = arith.constant 0 : i32
      %dma_wait3A_20 = arith.constant 0 : i32
      %dma_wait3A_21 = tpu.memref_slice %arg5[%arg1, %dma_wait3A, %dma_wait3A_20] : memref<16x180x112xi32, #tpu.memory_space<hbm>> -> memref<1x180x112xi32, #tpu.memory_space<hbm>>
      %dma_wait3A_22 = tpu.memref_squeeze %dma_wait3A_21 : memref<1x180x112xi32, #tpu.memory_space<hbm>> -> memref<180x112xi32, #tpu.memory_space<hbm>>
      %dma_wait3A_23 = arith.constant 0 : i32
      %dma_wait3A_24 = arith.constant 0 : i32
      %dma_wait3A_25 = tpu.memref_slice %arg5[%arg1, %dma_wait3A_23, %dma_wait3A_24] : memref<16x180x112xi32, #tpu.memory_space<hbm>> -> memref<1x180x112xi32, #tpu.memory_space<hbm>>
      %dma_wait3A_26 = tpu.memref_squeeze %dma_wait3A_25 : memref<1x180x112xi32, #tpu.memory_space<hbm>> -> memref<180x112xi32, #tpu.memory_space<hbm>>
      tpu.wait_dma2 semaphore(%run_scoped3A : memref<!tpu.dma_semaphore, #tpu.memory_space<semaphore_mem>>) src(%dma_wait3A_26 : memref<180x112xi32, #tpu.memory_space<hbm>>) dst(%arg9 : memref<180x112xi32, #tpu.memory_space<vmem>>)
      tpu.yield
    }) : () -> ()
    "tpu.region"() ({
      %run_scoped3A = tpu.sem_alloc : memref<!tpu.dma_semaphore, #tpu.memory_space<semaphore_mem>>
      tpu.enqueue_dma source(%arg2 : memref<10000xf32, #tpu.memory_space<hbm>>) target(%arg10 : memref<10000xf32, #tpu.memory_space<vmem>>) target_semaphore(%run_scoped3A : memref<!tpu.dma_semaphore, #tpu.memory_space<semaphore_mem>>)
      tpu.wait_dma2 semaphore(%run_scoped3A : memref<!tpu.dma_semaphore, #tpu.memory_space<semaphore_mem>>) src(%arg2 : memref<10000xf32, #tpu.memory_space<hbm>>) dst(%arg10 : memref<10000xf32, #tpu.memory_space<vmem>>)
      tpu.yield
    }) : () -> ()
    "tpu.region"() ({
      %run_scoped3A = tpu.sem_alloc : memref<!tpu.dma_semaphore, #tpu.memory_space<semaphore_mem>>
      tpu.enqueue_dma source(%arg3 : memref<10000xf32, #tpu.memory_space<hbm>>) target(%arg11 : memref<10000xf32, #tpu.memory_space<vmem>>) target_semaphore(%run_scoped3A : memref<!tpu.dma_semaphore, #tpu.memory_space<semaphore_mem>>)
      tpu.wait_dma2 semaphore(%run_scoped3A : memref<!tpu.dma_semaphore, #tpu.memory_space<semaphore_mem>>) src(%arg3 : memref<10000xf32, #tpu.memory_space<hbm>>) dst(%arg11 : memref<10000xf32, #tpu.memory_space<vmem>>)
      tpu.yield
    }) : () -> ()
    %broadcast_in_dim3A = arith.constant 0.000000e+00 : f32
    %broadcast_in_dim3A_1 = vector.broadcast %broadcast_in_dim3A : f32 to vector<16xf32>
    %scan3A = arith.constant 0 : i32
    %scan3A_2 = arith.constant 0 : i32
    %scan3A_3 = arith.constant 625 : i32
    %scan3A_4 = arith.addi %scan3A_2, %scan3A_3 : i32
    %scan3A_5 = arith.constant 1 : i32
    scf.for %scan3A_13 = %scan3A_2 to %scan3A_4 step %scan3A_5  : i32 {
      %mul3A_14 = arith.constant 16 : i32
      %mul3A_15 = arith.muli %scan3A_13, %mul3A_14 : i32
      %swap3A = arith.index_cast %mul3A_15 : i32 to index
      %swap3A_16 = tpu.vector_load %arg12[%swap3A] {strides = array<i32>} : memref<10000xf32, #tpu.memory_space<vmem>>, vector<16xf32>,
      tpu.vector_store %arg12[%swap3A], %broadcast_in_dim3A_1 {strides = array<i32>} : memref<10000xf32, #tpu.memory_space<vmem>>, vector<16xf32>,
    }
    %scan3A_6 = arith.constant 625 : i32
    %scan3A_7 = arith.constant 0 : i32
    %scan3A_8 = arith.constant 0 : i32
    %scan3A_9 = arith.constant 180 : i32
    %scan3A_10 = arith.addi %scan3A_8, %scan3A_9 : i32
    %scan3A_11 = arith.constant 1 : i32
    scf.for %scan3A_13 = %scan3A_8 to %scan3A_10 step %scan3A_11  : i32 {
      %get3A = arith.index_cast %scan3A_13 : i32 to index
      %get3A_14 = arith.constant 0 : index
      %get3A_15 = tpu.vector_load %arg8[%get3A, %get3A_14] {strides = array<i32>} : memref<180x112xi32, #tpu.memory_space<vmem>>, vector<16xi32>,
      %get3A_16 = arith.index_cast %scan3A_13 : i32 to index
      %get3A_17 = arith.constant 0 : index
      %get3A_18 = tpu.vector_load %arg9[%get3A_16, %get3A_17] {strides = array<i32>} : memref<180x112xi32, #tpu.memory_space<vmem>>, vector<16xi32>,
      %gather3A = tpu.vector_load_idx %arg10[%get3A_15] : memref<10000xf32, #tpu.memory_space<vmem>>[vector<16xi32>], vector<16xf32>,
      %gather3A_19 = tpu.vector_load_idx %arg11[%get3A_18] : memref<10000xf32, #tpu.memory_space<vmem>>[vector<16xi32>], vector<16xf32>,
      %add3A = arith.addf %gather3A, %gather3A_19 : vector<16xf32>
      %ge3A = arith.constant 0.000000e+00 : f32
      %ge3A_20 = vector.broadcast %ge3A : f32 to vector<16xf32>
      %ge3A_21 = arith.cmpf oge, %add3A, %ge3A_20 : vector<16xf32>
      %mul3A_22 = arith.constant 2.000000e-01 : f32
      %mul3A_23 = vector.broadcast %mul3A_22 : f32 to vector<16xf32>
      %mul3A_24 = arith.mulf %mul3A_23, %add3A : vector<16xf32>
      %select_n3A = arith.select %ge3A_21, %add3A, %mul3A_24 : vector<16xi1>, vector<16xf32>
      %exp3A = math.exp %select_n3A : vector<16xf32>
      %mul3A_25 = arith.constant 112 : i32
      %mul3A_26 = arith.muli %scan3A_13, %mul3A_25 : i32
      %add3A_27 = arith.addi %mul3A_0, %mul3A_26 : i32
      %add3A_28 = arith.constant 0 : i32
      %add3A_29 = arith.addi %add3A_27, %add3A_28 : i32
      %iota3A = tpu.iota {dimensions = array<i32: 0>} : vector<16xi32>
      %add3A_30 = vector.broadcast %add3A_29 : i32 to vector<16xi32>
      %add3A_31 = arith.addi %add3A_30, %iota3A : vector<16xi32>
      %lt3A = arith.constant 320000 : i32
      %lt3A_32 = vector.broadcast %lt3A : i32 to vector<16xi32>
      %lt3A_33 = arith.cmpi slt, %add3A_31, %lt3A_32 : vector<16xi32>
      %jit3A = arith.constant 0.000000e+00 : f32
      %broadcast_in_dim3A_34 = vector.broadcast %jit3A : f32 to vector<16xf32>
      %select_n3A_35 = arith.select %lt3A_33, %exp3A, %broadcast_in_dim3A_34 : vector<16xi1>, vector<16xf32>
      tpu.vector_store_idx %arg12[%get3A_18], %select_n3A_35 {add = true} : memref<10000xf32, #tpu.memory_space<vmem>>[vector<16xi32>], vector<16xf32>,
      %bitcast3A = vector.bitcast %select_n3A_35 : vector<16xf32> to vector<16xi32>
      %swap3A = arith.index_cast %scan3A_13 : i32 to index
      %swap3A_36 = arith.constant 0 : index
      %swap3A_37 = tpu.vector_load %arg8[%swap3A, %swap3A_36] {strides = array<i32>} : memref<180x112xi32, #tpu.memory_space<vmem>>, vector<16xi32>,
      tpu.vector_store %arg8[%swap3A, %swap3A_36], %bitcast3A {strides = array<i32>} : memref<180x112xi32, #tpu.memory_space<vmem>>, vector<16xi32>,
      %get3A_38 = arith.index_cast %scan3A_13 : i32 to index
      %get3A_39 = arith.constant 16 : index
      %get3A_40 = tpu.vector_load %arg8[%get3A_38, %get3A_39] {strides = array<i32>} : memref<180x112xi32, #tpu.memory_space<vmem>>, vector<16xi32>,
      %get3A_41 = arith.index_cast %scan3A_13 : i32 to index
      %get3A_42 = arith.constant 16 : index
      %get3A_43 = tpu.vector_load %arg9[%get3A_41, %get3A_42] {strides = array<i32>} : memref<180x112xi32, #tpu.memory_space<vmem>>, vector<16xi32>,
      %gather3A_44 = tpu.vector_load_idx %arg10[%get3A_40] : memref<10000xf32, #tpu.memory_space<vmem>>[vector<16xi32>], vector<16xf32>,
      %gather3A_45 = tpu.vector_load_idx %arg11[%get3A_43] : memref<10000xf32, #tpu.memory_space<vmem>>[vector<16xi32>], vector<16xf32>,
      %add3A_46 = arith.addf %gather3A_44, %gather3A_45 : vector<16xf32>
      %ge3A_47 = arith.constant 0.000000e+00 : f32
      %ge3A_48 = vector.broadcast %ge3A_47 : f32 to vector<16xf32>
      %ge3A_49 = arith.cmpf oge, %add3A_46, %ge3A_48 : vector<16xf32>
      %mul3A_50 = arith.constant 2.000000e-01 : f32
      %mul3A_51 = vector.broadcast %mul3A_50 : f32 to vector<16xf32>
      %mul3A_52 = arith.mulf %mul3A_51, %add3A_46 : vector<16xf32>
      %select_n3A_53 = arith.select %ge3A_49, %add3A_46, %mul3A_52 : vector<16xi1>, vector<16xf32>
      %exp3A_54 = math.exp %select_n3A_53 : vector<16xf32>
      %mul3A_55 = arith.constant 112 : i32
      %mul3A_56 = arith.muli %scan3A_13, %mul3A_55 : i32
      %add3A_57 = arith.addi %mul3A_0, %mul3A_56 : i32
      %add3A_58 = arith.constant 16 : i32
      %add3A_59 = arith.addi %add3A_57, %add3A_58 : i32
      %iota3A_60 = tpu.iota {dimensions = array<i32: 0>} : vector<16xi32>
      %add3A_61 = vector.broadcast %add3A_59 : i32 to vector<16xi32>
      %add3A_62 = arith.addi %add3A_61, %iota3A_60 : vector<16xi32>
      %lt3A_63 = arith.constant 320000 : i32
      %lt3A_64 = vector.broadcast %lt3A_63 : i32 to vector<16xi32>
      %lt3A_65 = arith.cmpi slt, %add3A_62, %lt3A_64 : vector<16xi32>
      %jit3A_66 = arith.constant 0.000000e+00 : f32
      %broadcast_in_dim3A_67 = vector.broadcast %jit3A_66 : f32 to vector<16xf32>
      %select_n3A_68 = arith.select %lt3A_65, %exp3A_54, %broadcast_in_dim3A_67 : vector<16xi1>, vector<16xf32>
      tpu.vector_store_idx %arg12[%get3A_43], %select_n3A_68 {add = true} : memref<10000xf32, #tpu.memory_space<vmem>>[vector<16xi32>], vector<16xf32>,
      %bitcast3A_69 = vector.bitcast %select_n3A_68 : vector<16xf32> to vector<16xi32>
      %swap3A_70 = arith.index_cast %scan3A_13 : i32 to index
      %swap3A_71 = arith.constant 16 : index
      %swap3A_72 = tpu.vector_load %arg8[%swap3A_70, %swap3A_71] {strides = array<i32>} : memref<180x112xi32, #tpu.memory_space<vmem>>, vector<16xi32>,
      tpu.vector_store %arg8[%swap3A_70, %swap3A_71], %bitcast3A_69 {strides = array<i32>} : memref<180x112xi32, #tpu.memory_space<vmem>>, vector<16xi32>,
      %get3A_73 = arith.index_cast %scan3A_13 : i32 to index
      %get3A_74 = arith.constant 32 : index
      %get3A_75 = tpu.vector_load %arg8[%get3A_73, %get3A_74] {strides = array<i32>} : memref<180x112xi32, #tpu.memory_space<vmem>>, vector<16xi32>,
      %get3A_76 = arith.index_cast %scan3A_13 : i32 to index
      %get3A_77 = arith.constant 32 : index
      %get3A_78 = tpu.vector_load %arg9[%get3A_76, %get3A_77] {strides = array<i32>} : memref<180x112xi32, #tpu.memory_space<vmem>>, vector<16xi32>,
      %gather3A_79 = tpu.vector_load_idx %arg10[%get3A_75] : memref<10000xf32, #tpu.memory_space<vmem>>[vector<16xi32>], vector<16xf32>,
      %gather3A_80 = tpu.vector_load_idx %arg11[%get3A_78] : memref<10000xf32, #tpu.memory_space<vmem>>[vector<16xi32>], vector<16xf32>,
      %add3A_81 = arith.addf %gather3A_79, %gather3A_80 : vector<16xf32>
      %ge3A_82 = arith.constant 0.000000e+00 : f32
      %ge3A_83 = vector.broadcast %ge3A_82 : f32 to vector<16xf32>
      %ge3A_84 = arith.cmpf oge, %add3A_81, %ge3A_83 : vector<16xf32>
      %mul3A_85 = arith.constant 2.000000e-01 : f32
      %mul3A_86 = vector.broadcast %mul3A_85 : f32 to vector<16xf32>
      %mul3A_87 = arith.mulf %mul3A_86, %add3A_81 : vector<16xf32>
      %select_n3A_88 = arith.select %ge3A_84, %add3A_81, %mul3A_87 : vector<16xi1>, vector<16xf32>
      %exp3A_89 = math.exp %select_n3A_88 : vector<16xf32>
      %mul3A_90 = arith.constant 112 : i32
      %mul3A_91 = arith.muli %scan3A_13, %mul3A_90 : i32
      %add3A_92 = arith.addi %mul3A_0, %mul3A_91 : i32
      %add3A_93 = arith.constant 32 : i32
      %add3A_94 = arith.addi %add3A_92, %add3A_93 : i32
      %iota3A_95 = tpu.iota {dimensions = array<i32: 0>} : vector<16xi32>
      %add3A_96 = vector.broadcast %add3A_94 : i32 to vector<16xi32>
      %add3A_97 = arith.addi %add3A_96, %iota3A_95 : vector<16xi32>
      %lt3A_98 = arith.constant 320000 : i32
      %lt3A_99 = vector.broadcast %lt3A_98 : i32 to vector<16xi32>
      %lt3A_100 = arith.cmpi slt, %add3A_97, %lt3A_99 : vector<16xi32>
      %jit3A_101 = arith.constant 0.000000e+00 : f32
      %broadcast_in_dim3A_102 = vector.broadcast %jit3A_101 : f32 to vector<16xf32>
      %select_n3A_103 = arith.select %lt3A_100, %exp3A_89, %broadcast_in_dim3A_102 : vector<16xi1>, vector<16xf32>
      tpu.vector_store_idx %arg12[%get3A_78], %select_n3A_103 {add = true} : memref<10000xf32, #tpu.memory_space<vmem>>[vector<16xi32>], vector<16xf32>,
      %bitcast3A_104 = vector.bitcast %select_n3A_103 : vector<16xf32> to vector<16xi32>
      %swap3A_105 = arith.index_cast %scan3A_13 : i32 to index
      %swap3A_106 = arith.constant 32 : index
      %swap3A_107 = tpu.vector_load %arg8[%swap3A_105, %swap3A_106] {strides = array<i32>} : memref<180x112xi32, #tpu.memory_space<vmem>>, vector<16xi32>,
      tpu.vector_store %arg8[%swap3A_105, %swap3A_106], %bitcast3A_104 {strides = array<i32>} : memref<180x112xi32, #tpu.memory_space<vmem>>, vector<16xi32>,
      %get3A_108 = arith.index_cast %scan3A_13 : i32 to index
      %get3A_109 = arith.constant 48 : index
      %get3A_110 = tpu.vector_load %arg8[%get3A_108, %get3A_109] {strides = array<i32>} : memref<180x112xi32, #tpu.memory_space<vmem>>, vector<16xi32>,
      %get3A_111 = arith.index_cast %scan3A_13 : i32 to index
      %get3A_112 = arith.constant 48 : index
      %get3A_113 = tpu.vector_load %arg9[%get3A_111, %get3A_112] {strides = array<i32>} : memref<180x112xi32, #tpu.memory_space<vmem>>, vector<16xi32>,
      %gather3A_114 = tpu.vector_load_idx %arg10[%get3A_110] : memref<10000xf32, #tpu.memory_space<vmem>>[vector<16xi32>], vector<16xf32>,
      %gather3A_115 = tpu.vector_load_idx %arg11[%get3A_113] : memref<10000xf32, #tpu.memory_space<vmem>>[vector<16xi32>], vector<16xf32>,
      %add3A_116 = arith.addf %gather3A_114, %gather3A_115 : vector<16xf32>
      %ge3A_117 = arith.constant 0.000000e+00 : f32
      %ge3A_118 = vector.broadcast %ge3A_117 : f32 to vector<16xf32>
      %ge3A_119 = arith.cmpf oge, %add3A_116, %ge3A_118 : vector<16xf32>
      %mul3A_120 = arith.constant 2.000000e-01 : f32
      %mul3A_121 = vector.broadcast %mul3A_120 : f32 to vector<16xf32>
      %mul3A_122 = arith.mulf %mul3A_121, %add3A_116 : vector<16xf32>
      %select_n3A_123 = arith.select %ge3A_119, %add3A_116, %mul3A_122 : vector<16xi1>, vector<16xf32>
      %exp3A_124 = math.exp %select_n3A_123 : vector<16xf32>
      %mul3A_125 = arith.constant 112 : i32
      %mul3A_126 = arith.muli %scan3A_13, %mul3A_125 : i32
      %add3A_127 = arith.addi %mul3A_0, %mul3A_126 : i32
      %add3A_128 = arith.constant 48 : i32
      %add3A_129 = arith.addi %add3A_127, %add3A_128 : i32
      %iota3A_130 = tpu.iota {dimensions = array<i32: 0>} : vector<16xi32>
      %add3A_131 = vector.broadcast %add3A_129 : i32 to vector<16xi32>
      %add3A_132 = arith.addi %add3A_131, %iota3A_130 : vector<16xi32>
      %lt3A_133 = arith.constant 320000 : i32
      %lt3A_134 = vector.broadcast %lt3A_133 : i32 to vector<16xi32>
      %lt3A_135 = arith.cmpi slt, %add3A_132, %lt3A_134 : vector<16xi32>
      %jit3A_136 = arith.constant 0.000000e+00 : f32
      %broadcast_in_dim3A_137 = vector.broadcast %jit3A_136 : f32 to vector<16xf32>
      %select_n3A_138 = arith.select %lt3A_135, %exp3A_124, %broadcast_in_dim3A_137 : vector<16xi1>, vector<16xf32>
      tpu.vector_store_idx %arg12[%get3A_113], %select_n3A_138 {add = true} : memref<10000xf32, #tpu.memory_space<vmem>>[vector<16xi32>], vector<16xf32>,
      %bitcast3A_139 = vector.bitcast %select_n3A_138 : vector<16xf32> to vector<16xi32>
      %swap3A_140 = arith.index_cast %scan3A_13 : i32 to index
      %swap3A_141 = arith.constant 48 : index
      %swap3A_142 = tpu.vector_load %arg8[%swap3A_140, %swap3A_141] {strides = array<i32>} : memref<180x112xi32, #tpu.memory_space<vmem>>, vector<16xi32>,
      tpu.vector_store %arg8[%swap3A_140, %swap3A_141], %bitcast3A_139 {strides = array<i32>} : memref<180x112xi32, #tpu.memory_space<vmem>>, vector<16xi32>,
      %get3A_143 = arith.index_cast %scan3A_13 : i32 to index
      %get3A_144 = arith.constant 64 : index
      %get3A_145 = tpu.vector_load %arg8[%get3A_143, %get3A_144] {strides = array<i32>} : memref<180x112xi32, #tpu.memory_space<vmem>>, vector<16xi32>,
      %get3A_146 = arith.index_cast %scan3A_13 : i32 to index
      %get3A_147 = arith.constant 64 : index
      %get3A_148 = tpu.vector_load %arg9[%get3A_146, %get3A_147] {strides = array<i32>} : memref<180x112xi32, #tpu.memory_space<vmem>>, vector<16xi32>,
      %gather3A_149 = tpu.vector_load_idx %arg10[%get3A_145] : memref<10000xf32, #tpu.memory_space<vmem>>[vector<16xi32>], vector<16xf32>,
      %gather3A_150 = tpu.vector_load_idx %arg11[%get3A_148] : memref<10000xf32, #tpu.memory_space<vmem>>[vector<16xi32>], vector<16xf32>,
      %add3A_151 = arith.addf %gather3A_149, %gather3A_150 : vector<16xf32>
      %ge3A_152 = arith.constant 0.000000e+00 : f32
      %ge3A_153 = vector.broadcast %ge3A_152 : f32 to vector<16xf32>
      %ge3A_154 = arith.cmpf oge, %add3A_151, %ge3A_153 : vector<16xf32>
      %mul3A_155 = arith.constant 2.000000e-01 : f32
      %mul3A_156 = vector.broadcast %mul3A_155 : f32 to vector<16xf32>
      %mul3A_157 = arith.mulf %mul3A_156, %add3A_151 : vector<16xf32>
      %select_n3A_158 = arith.select %ge3A_154, %add3A_151, %mul3A_157 : vector<16xi1>, vector<16xf32>
      %exp3A_159 = math.exp %select_n3A_158 : vector<16xf32>
      %mul3A_160 = arith.constant 112 : i32
      %mul3A_161 = arith.muli %scan3A_13, %mul3A_160 : i32
      %add3A_162 = arith.addi %mul3A_0, %mul3A_161 : i32
      %add3A_163 = arith.constant 64 : i32
      %add3A_164 = arith.addi %add3A_162, %add3A_163 : i32
      %iota3A_165 = tpu.iota {dimensions = array<i32: 0>} : vector<16xi32>
      %add3A_166 = vector.broadcast %add3A_164 : i32 to vector<16xi32>
      %add3A_167 = arith.addi %add3A_166, %iota3A_165 : vector<16xi32>
      %lt3A_168 = arith.constant 320000 : i32
      %lt3A_169 = vector.broadcast %lt3A_168 : i32 to vector<16xi32>
      %lt3A_170 = arith.cmpi slt, %add3A_167, %lt3A_169 : vector<16xi32>
      %jit3A_171 = arith.constant 0.000000e+00 : f32
      %broadcast_in_dim3A_172 = vector.broadcast %jit3A_171 : f32 to vector<16xf32>
      %select_n3A_173 = arith.select %lt3A_170, %exp3A_159, %broadcast_in_dim3A_172 : vector<16xi1>, vector<16xf32>
      tpu.vector_store_idx %arg12[%get3A_148], %select_n3A_173 {add = true} : memref<10000xf32, #tpu.memory_space<vmem>>[vector<16xi32>], vector<16xf32>,
      %bitcast3A_174 = vector.bitcast %select_n3A_173 : vector<16xf32> to vector<16xi32>
      %swap3A_175 = arith.index_cast %scan3A_13 : i32 to index
      %swap3A_176 = arith.constant 64 : index
      %swap3A_177 = tpu.vector_load %arg8[%swap3A_175, %swap3A_176] {strides = array<i32>} : memref<180x112xi32, #tpu.memory_space<vmem>>, vector<16xi32>,
      tpu.vector_store %arg8[%swap3A_175, %swap3A_176], %bitcast3A_174 {strides = array<i32>} : memref<180x112xi32, #tpu.memory_space<vmem>>, vector<16xi32>,
      %get3A_178 = arith.index_cast %scan3A_13 : i32 to index
      %get3A_179 = arith.constant 80 : index
      %get3A_180 = tpu.vector_load %arg8[%get3A_178, %get3A_179] {strides = array<i32>} : memref<180x112xi32, #tpu.memory_space<vmem>>, vector<16xi32>,
      %get3A_181 = arith.index_cast %scan3A_13 : i32 to index
      %get3A_182 = arith.constant 80 : index
      %get3A_183 = tpu.vector_load %arg9[%get3A_181, %get3A_182] {strides = array<i32>} : memref<180x112xi32, #tpu.memory_space<vmem>>, vector<16xi32>,
      %gather3A_184 = tpu.vector_load_idx %arg10[%get3A_180] : memref<10000xf32, #tpu.memory_space<vmem>>[vector<16xi32>], vector<16xf32>,
      %gather3A_185 = tpu.vector_load_idx %arg11[%get3A_183] : memref<10000xf32, #tpu.memory_space<vmem>>[vector<16xi32>], vector<16xf32>,
      %add3A_186 = arith.addf %gather3A_184, %gather3A_185 : vector<16xf32>
      %ge3A_187 = arith.constant 0.000000e+00 : f32
      %ge3A_188 = vector.broadcast %ge3A_187 : f32 to vector<16xf32>
      %ge3A_189 = arith.cmpf oge, %add3A_186, %ge3A_188 : vector<16xf32>
      %mul3A_190 = arith.constant 2.000000e-01 : f32
      %mul3A_191 = vector.broadcast %mul3A_190 : f32 to vector<16xf32>
      %mul3A_192 = arith.mulf %mul3A_191, %add3A_186 : vector<16xf32>
      %select_n3A_193 = arith.select %ge3A_189, %add3A_186, %mul3A_192 : vector<16xi1>, vector<16xf32>
      %exp3A_194 = math.exp %select_n3A_193 : vector<16xf32>
      %mul3A_195 = arith.constant 112 : i32
      %mul3A_196 = arith.muli %scan3A_13, %mul3A_195 : i32
      %add3A_197 = arith.addi %mul3A_0, %mul3A_196 : i32
      %add3A_198 = arith.constant 80 : i32
      %add3A_199 = arith.addi %add3A_197, %add3A_198 : i32
      %iota3A_200 = tpu.iota {dimensions = array<i32: 0>} : vector<16xi32>
      %add3A_201 = vector.broadcast %add3A_199 : i32 to vector<16xi32>
      %add3A_202 = arith.addi %add3A_201, %iota3A_200 : vector<16xi32>
      %lt3A_203 = arith.constant 320000 : i32
      %lt3A_204 = vector.broadcast %lt3A_203 : i32 to vector<16xi32>
      %lt3A_205 = arith.cmpi slt, %add3A_202, %lt3A_204 : vector<16xi32>
      %jit3A_206 = arith.constant 0.000000e+00 : f32
      %broadcast_in_dim3A_207 = vector.broadcast %jit3A_206 : f32 to vector<16xf32>
      %select_n3A_208 = arith.select %lt3A_205, %exp3A_194, %broadcast_in_dim3A_207 : vector<16xi1>, vector<16xf32>
      tpu.vector_store_idx %arg12[%get3A_183], %select_n3A_208 {add = true} : memref<10000xf32, #tpu.memory_space<vmem>>[vector<16xi32>], vector<16xf32>,
      %bitcast3A_209 = vector.bitcast %select_n3A_208 : vector<16xf32> to vector<16xi32>
      %swap3A_210 = arith.index_cast %scan3A_13 : i32 to index
      %swap3A_211 = arith.constant 80 : index
      %swap3A_212 = tpu.vector_load %arg8[%swap3A_210, %swap3A_211] {strides = array<i32>} : memref<180x112xi32, #tpu.memory_space<vmem>>, vector<16xi32>,
      tpu.vector_store %arg8[%swap3A_210, %swap3A_211], %bitcast3A_209 {strides = array<i32>} : memref<180x112xi32, #tpu.memory_space<vmem>>, vector<16xi32>,
      %get3A_213 = arith.index_cast %scan3A_13 : i32 to index
      %get3A_214 = arith.constant 96 : index
      %get3A_215 = tpu.vector_load %arg8[%get3A_213, %get3A_214] {strides = array<i32>} : memref<180x112xi32, #tpu.memory_space<vmem>>, vector<16xi32>,
      %get3A_216 = arith.index_cast %scan3A_13 : i32 to index
      %get3A_217 = arith.constant 96 : index
      %get3A_218 = tpu.vector_load %arg9[%get3A_216, %get3A_217] {strides = array<i32>} : memref<180x112xi32, #tpu.memory_space<vmem>>, vector<16xi32>,
      %gather3A_219 = tpu.vector_load_idx %arg10[%get3A_215] : memref<10000xf32, #tpu.memory_space<vmem>>[vector<16xi32>], vector<16xf32>,
      %gather3A_220 = tpu.vector_load_idx %arg11[%get3A_218] : memref<10000xf32, #tpu.memory_space<vmem>>[vector<16xi32>], vector<16xf32>,
      %add3A_221 = arith.addf %gather3A_219, %gather3A_220 : vector<16xf32>
      %ge3A_222 = arith.constant 0.000000e+00 : f32
      %ge3A_223 = vector.broadcast %ge3A_222 : f32 to vector<16xf32>
      %ge3A_224 = arith.cmpf oge, %add3A_221, %ge3A_223 : vector<16xf32>
      %mul3A_225 = arith.constant 2.000000e-01 : f32
      %mul3A_226 = vector.broadcast %mul3A_225 : f32 to vector<16xf32>
      %mul3A_227 = arith.mulf %mul3A_226, %add3A_221 : vector<16xf32>
      %select_n3A_228 = arith.select %ge3A_224, %add3A_221, %mul3A_227 : vector<16xi1>, vector<16xf32>
      %exp3A_229 = math.exp %select_n3A_228 : vector<16xf32>
      %mul3A_230 = arith.constant 112 : i32
      %mul3A_231 = arith.muli %scan3A_13, %mul3A_230 : i32
      %add3A_232 = arith.addi %mul3A_0, %mul3A_231 : i32
      %add3A_233 = arith.constant 96 : i32
      %add3A_234 = arith.addi %add3A_232, %add3A_233 : i32
      %iota3A_235 = tpu.iota {dimensions = array<i32: 0>} : vector<16xi32>
      %add3A_236 = vector.broadcast %add3A_234 : i32 to vector<16xi32>
      %add3A_237 = arith.addi %add3A_236, %iota3A_235 : vector<16xi32>
      %lt3A_238 = arith.constant 320000 : i32
      %lt3A_239 = vector.broadcast %lt3A_238 : i32 to vector<16xi32>
      %lt3A_240 = arith.cmpi slt, %add3A_237, %lt3A_239 : vector<16xi32>
      %jit3A_241 = arith.constant 0.000000e+00 : f32
      %broadcast_in_dim3A_242 = vector.broadcast %jit3A_241 : f32 to vector<16xf32>
      %select_n3A_243 = arith.select %lt3A_240, %exp3A_229, %broadcast_in_dim3A_242 : vector<16xi1>, vector<16xf32>
      tpu.vector_store_idx %arg12[%get3A_218], %select_n3A_243 {add = true} : memref<10000xf32, #tpu.memory_space<vmem>>[vector<16xi32>], vector<16xf32>,
      %bitcast3A_244 = vector.bitcast %select_n3A_243 : vector<16xf32> to vector<16xi32>
      %swap3A_245 = arith.index_cast %scan3A_13 : i32 to index
      %swap3A_246 = arith.constant 96 : index
      %swap3A_247 = tpu.vector_load %arg8[%swap3A_245, %swap3A_246] {strides = array<i32>} : memref<180x112xi32, #tpu.memory_space<vmem>>, vector<16xi32>,
      tpu.vector_store %arg8[%swap3A_245, %swap3A_246], %bitcast3A_244 {strides = array<i32>} : memref<180x112xi32, #tpu.memory_space<vmem>>, vector<16xi32>,
    }
    %scan3A_12 = arith.constant 180 : i32
    "tpu.region"() ({
      %run_scoped3A = tpu.sem_alloc : memref<!tpu.dma_semaphore, #tpu.memory_space<semaphore_mem>>
      %dma_start3A = arith.constant 0 : i32
      %dma_start3A_13 = arith.constant 0 : i32
      %dma_start3A_14 = tpu.memref_slice %arg6[%arg1, %dma_start3A, %dma_start3A_13] : memref<16x180x112xi32, #tpu.memory_space<hbm>> -> memref<1x180x112xi32, #tpu.memory_space<hbm>>
      %dma_start3A_15 = tpu.memref_squeeze %dma_start3A_14 : memref<1x180x112xi32, #tpu.memory_space<hbm>> -> memref<180x112xi32, #tpu.memory_space<hbm>>
      %dma_start3A_16 = arith.constant 0 : i32
      %dma_start3A_17 = arith.constant 0 : i32
      %dma_start3A_18 = tpu.memref_slice %arg6[%arg1, %dma_start3A_16, %dma_start3A_17] : memref<16x180x112xi32, #tpu.memory_space<hbm>> -> memref<1x180x112xi32, #tpu.memory_space<hbm>>
      %dma_start3A_19 = tpu.memref_squeeze %dma_start3A_18 : memref<1x180x112xi32, #tpu.memory_space<hbm>> -> memref<180x112xi32, #tpu.memory_space<hbm>>
      tpu.enqueue_dma source(%arg8 : memref<180x112xi32, #tpu.memory_space<vmem>>) target(%dma_start3A_19 : memref<180x112xi32, #tpu.memory_space<hbm>>) target_semaphore(%run_scoped3A : memref<!tpu.dma_semaphore, #tpu.memory_space<semaphore_mem>>)
      %dma_wait3A = arith.constant 0 : i32
      %dma_wait3A_20 = arith.constant 0 : i32
      %dma_wait3A_21 = tpu.memref_slice %arg6[%arg1, %dma_wait3A, %dma_wait3A_20] : memref<16x180x112xi32, #tpu.memory_space<hbm>> -> memref<1x180x112xi32, #tpu.memory_space<hbm>>
      %dma_wait3A_22 = tpu.memref_squeeze %dma_wait3A_21 : memref<1x180x112xi32, #tpu.memory_space<hbm>> -> memref<180x112xi32, #tpu.memory_space<hbm>>
      %dma_wait3A_23 = arith.constant 0 : i32
      %dma_wait3A_24 = arith.constant 0 : i32
      %dma_wait3A_25 = tpu.memref_slice %arg6[%arg1, %dma_wait3A_23, %dma_wait3A_24] : memref<16x180x112xi32, #tpu.memory_space<hbm>> -> memref<1x180x112xi32, #tpu.memory_space<hbm>>
      %dma_wait3A_26 = tpu.memref_squeeze %dma_wait3A_25 : memref<1x180x112xi32, #tpu.memory_space<hbm>> -> memref<180x112xi32, #tpu.memory_space<hbm>>
      tpu.wait_dma2 semaphore(%run_scoped3A : memref<!tpu.dma_semaphore, #tpu.memory_space<semaphore_mem>>) src(%arg8 : memref<180x112xi32, #tpu.memory_space<vmem>>) dst(%dma_wait3A_26 : memref<180x112xi32, #tpu.memory_space<hbm>>)
      tpu.yield
    }) : () -> ()
    "tpu.region"() ({
      %run_scoped3A = tpu.sem_alloc : memref<!tpu.dma_semaphore, #tpu.memory_space<semaphore_mem>>
      %dma_start3A = arith.constant 0 : i32
      %dma_start3A_13 = tpu.memref_slice %arg7[%arg1, %dma_start3A] : memref<16x10000xf32, #tpu.memory_space<hbm>> -> memref<1x10000xf32, #tpu.memory_space<hbm>>
      %dma_start3A_14 = tpu.memref_squeeze %dma_start3A_13 : memref<1x10000xf32, #tpu.memory_space<hbm>> -> memref<10000xf32, #tpu.memory_space<hbm>>
      %dma_start3A_15 = arith.constant 0 : i32
      %dma_start3A_16 = tpu.memref_slice %arg7[%arg1, %dma_start3A_15] : memref<16x10000xf32, #tpu.memory_space<hbm>> -> memref<1x10000xf32, #tpu.memory_space<hbm>>
      %dma_start3A_17 = tpu.memref_squeeze %dma_start3A_16 : memref<1x10000xf32, #tpu.memory_space<hbm>> -> memref<10000xf32, #tpu.memory_space<hbm>>
      tpu.enqueue_dma source(%arg12 : memref<10000xf32, #tpu.memory_space<vmem>>) target(%dma_start3A_17 : memref<10000xf32, #tpu.memory_space<hbm>>) target_semaphore(%run_scoped3A : memref<!tpu.dma_semaphore, #tpu.memory_space<semaphore_mem>>)
      %dma_wait3A = arith.constant 0 : i32
      %dma_wait3A_18 = tpu.memref_slice %arg7[%arg1, %dma_wait3A] : memref<16x10000xf32, #tpu.memory_space<hbm>> -> memref<1x10000xf32, #tpu.memory_space<hbm>>
      %dma_wait3A_19 = tpu.memref_squeeze %dma_wait3A_18 : memref<1x10000xf32, #tpu.memory_space<hbm>> -> memref<10000xf32, #tpu.memory_space<hbm>>
      %dma_wait3A_20 = arith.constant 0 : i32
      %dma_wait3A_21 = tpu.memref_slice %arg7[%arg1, %dma_wait3A_20] : memref<16x10000xf32, #tpu.memory_space<hbm>> -> memref<1x10000xf32, #tpu.memory_space<hbm>>
      %dma_wait3A_22 = tpu.memref_squeeze %dma_wait3A_21 : memref<1x10000xf32, #tpu.memory_space<hbm>> -> memref<10000xf32, #tpu.memory_space<hbm>>
      tpu.wait_dma2 semaphore(%run_scoped3A : memref<!tpu.dma_semaphore, #tpu.memory_space<semaphore_mem>>) src(%arg12 : memref<10000xf32, #tpu.memory_space<vmem>>) dst(%dma_wait3A_22 : memref<10000xf32, #tpu.memory_space<hbm>>)
      tpu.yield
    }) : () -> ()
    return
  }
}

#map = affine_map<(d0, d1) -> (0, 0)>
#map1 = affine_map<(d0, d1) -> (0, 0, 0, 0)>
#map2 = affine_map<(d0, d1) -> (0, 0, 0)>
module attributes {stable_mosaic.version = 14 : i64} {
  func.func @_spmm_body(%arg0: i32, %arg1: i32, %arg2: memref<10000x128xf32, #tpu.memory_space<hbm>>, %arg3: memref<16x180x2x112xi32, #tpu.memory_space<hbm>>, %arg4: memref<16x180x112xi32, #tpu.memory_space<hbm>>, %arg5: memref<10240x128xf32, #tpu.memory_space<hbm>>, %arg6: memref<3x2x112xi32, #tpu.memory_space<vmem>>, %arg7: memref<3x112xi32, #tpu.memory_space<vmem>>, %arg8: memref<112x128xf32, #tpu.memory_space<vmem>>, %arg9: memref<112x128xf32, #tpu.memory_space<vmem>>, %arg10: memref<112x128xf32, #tpu.memory_space<vmem>>, %arg11: memref<10240x128xf32, #tpu.memory_space<vmem_shared>>, %arg12: memref<!tpu.dma_semaphore, #tpu.memory_space<semaphore_mem>>, %arg13: memref<!tpu.dma_semaphore, #tpu.memory_space<semaphore_mem>>, %arg14: memref<!tpu.dma_semaphore, #tpu.memory_space<semaphore_mem>>, %arg15: memref<!tpu.dma_semaphore, #tpu.memory_space<semaphore_mem>>, %arg16: memref<!tpu.dma_semaphore, #tpu.memory_space<semaphore_mem>>, %arg17: memref<!tpu.dma_semaphore, #tpu.memory_space<semaphore_mem>>) attributes {dimension_semantics = [#tpu.dimension_semantics<core_parallel>, #tpu.dimension_semantics<subcore_parallel>], iteration_bounds = array<i64: 1, 16>, scalar_prefetch = 0 : i64, scratch_operands = 12 : i64, tpu.core_type = #tpu.core_type<sc_vector_subcore>, window_params = [{transform_indices = #map}, {transform_indices = #map1}, {transform_indices = #map2}, {transform_indices = #map}]} {
    %broadcast_in_dim3A = arith.constant 0.000000e+00 : f32
    %broadcast_in_dim3A_0 = vector.broadcast %broadcast_in_dim3A : f32 to vector<16xf32>
    %scan3A = arith.constant 0 : i32
    %scan3A_1 = arith.constant 0 : i32
    %scan3A_2 = arith.constant 112 : i32
    %scan3A_3 = arith.addi %scan3A_1, %scan3A_2 : i32
    %scan3A_4 = arith.constant 1 : i32
    scf.for %scan3A_167 = %scan3A_1 to %scan3A_3 step %scan3A_4  : i32 {
      %swap3A = arith.index_cast %scan3A_167 : i32 to index
      %swap3A_168 = arith.constant 0 : index
      %swap3A_169 = tpu.vector_load %arg8[%swap3A, %swap3A_168] {strides = array<i32>} : memref<112x128xf32, #tpu.memory_space<vmem>>, vector<16xf32>,
      tpu.vector_store %arg8[%swap3A, %swap3A_168], %broadcast_in_dim3A_0 {strides = array<i32>} : memref<112x128xf32, #tpu.memory_space<vmem>>, vector<16xf32>,
      %swap3A_170 = arith.index_cast %scan3A_167 : i32 to index
      %swap3A_171 = arith.constant 16 : index
      %swap3A_172 = tpu.vector_load %arg8[%swap3A_170, %swap3A_171] {strides = array<i32>} : memref<112x128xf32, #tpu.memory_space<vmem>>, vector<16xf32>,
      tpu.vector_store %arg8[%swap3A_170, %swap3A_171], %broadcast_in_dim3A_0 {strides = array<i32>} : memref<112x128xf32, #tpu.memory_space<vmem>>, vector<16xf32>,
      %swap3A_173 = arith.index_cast %scan3A_167 : i32 to index
      %swap3A_174 = arith.constant 32 : index
      %swap3A_175 = tpu.vector_load %arg8[%swap3A_173, %swap3A_174] {strides = array<i32>} : memref<112x128xf32, #tpu.memory_space<vmem>>, vector<16xf32>,
      tpu.vector_store %arg8[%swap3A_173, %swap3A_174], %broadcast_in_dim3A_0 {strides = array<i32>} : memref<112x128xf32, #tpu.memory_space<vmem>>, vector<16xf32>,
      %swap3A_176 = arith.index_cast %scan3A_167 : i32 to index
      %swap3A_177 = arith.constant 48 : index
      %swap3A_178 = tpu.vector_load %arg8[%swap3A_176, %swap3A_177] {strides = array<i32>} : memref<112x128xf32, #tpu.memory_space<vmem>>, vector<16xf32>,
      tpu.vector_store %arg8[%swap3A_176, %swap3A_177], %broadcast_in_dim3A_0 {strides = array<i32>} : memref<112x128xf32, #tpu.memory_space<vmem>>, vector<16xf32>,
      %swap3A_179 = arith.index_cast %scan3A_167 : i32 to index
      %swap3A_180 = arith.constant 64 : index
      %swap3A_181 = tpu.vector_load %arg8[%swap3A_179, %swap3A_180] {strides = array<i32>} : memref<112x128xf32, #tpu.memory_space<vmem>>, vector<16xf32>,
      tpu.vector_store %arg8[%swap3A_179, %swap3A_180], %broadcast_in_dim3A_0 {strides = array<i32>} : memref<112x128xf32, #tpu.memory_space<vmem>>, vector<16xf32>,
      %swap3A_182 = arith.index_cast %scan3A_167 : i32 to index
      %swap3A_183 = arith.constant 80 : index
      %swap3A_184 = tpu.vector_load %arg8[%swap3A_182, %swap3A_183] {strides = array<i32>} : memref<112x128xf32, #tpu.memory_space<vmem>>, vector<16xf32>,
      tpu.vector_store %arg8[%swap3A_182, %swap3A_183], %broadcast_in_dim3A_0 {strides = array<i32>} : memref<112x128xf32, #tpu.memory_space<vmem>>, vector<16xf32>,
      %swap3A_185 = arith.index_cast %scan3A_167 : i32 to index
      %swap3A_186 = arith.constant 96 : index
      %swap3A_187 = tpu.vector_load %arg8[%swap3A_185, %swap3A_186] {strides = array<i32>} : memref<112x128xf32, #tpu.memory_space<vmem>>, vector<16xf32>,
      tpu.vector_store %arg8[%swap3A_185, %swap3A_186], %broadcast_in_dim3A_0 {strides = array<i32>} : memref<112x128xf32, #tpu.memory_space<vmem>>, vector<16xf32>,
      %swap3A_188 = arith.index_cast %scan3A_167 : i32 to index
      %swap3A_189 = arith.constant 112 : index
      %swap3A_190 = tpu.vector_load %arg8[%swap3A_188, %swap3A_189] {strides = array<i32>} : memref<112x128xf32, #tpu.memory_space<vmem>>, vector<16xf32>,
      tpu.vector_store %arg8[%swap3A_188, %swap3A_189], %broadcast_in_dim3A_0 {strides = array<i32>} : memref<112x128xf32, #tpu.memory_space<vmem>>, vector<16xf32>,
    }
    %scan3A_5 = arith.constant 112 : i32
    %mul3A = arith.constant 640 : i32
    %mul3A_6 = arith.muli %arg1, %mul3A : i32
    %add3A = arith.constant 0 : i32
    %add3A_7 = arith.addi %mul3A_6, %add3A : i32
    "tpu.region"() ({
      %run_scoped3A = tpu.sem_alloc : memref<!tpu.dma_semaphore, #tpu.memory_space<semaphore_mem>>
      %dma_start3A_167 = arith.constant 0 : i32
      %dma_start3A_168 = tpu.memref_slice %arg11[%add3A_7, %dma_start3A_167] : memref<10240x128xf32, #tpu.memory_space<vmem_shared>> -> memref<112x128xf32, #tpu.memory_space<vmem_shared>>
      %dma_start3A_169 = arith.constant 0 : i32
      %dma_start3A_170 = tpu.memref_slice %arg11[%add3A_7, %dma_start3A_169] : memref<10240x128xf32, #tpu.memory_space<vmem_shared>> -> memref<112x128xf32, #tpu.memory_space<vmem_shared>>
      tpu.enqueue_dma source(%arg8 : memref<112x128xf32, #tpu.memory_space<vmem>>) target(%dma_start3A_170 : memref<112x128xf32, #tpu.memory_space<vmem_shared>>) target_semaphore(%run_scoped3A : memref<!tpu.dma_semaphore, #tpu.memory_space<semaphore_mem>>)
      %dma_wait3A_171 = arith.constant 0 : i32
      %dma_wait3A_172 = tpu.memref_slice %arg11[%add3A_7, %dma_wait3A_171] : memref<10240x128xf32, #tpu.memory_space<vmem_shared>> -> memref<112x128xf32, #tpu.memory_space<vmem_shared>>
      %dma_wait3A_173 = arith.constant 0 : i32
      %dma_wait3A_174 = tpu.memref_slice %arg11[%add3A_7, %dma_wait3A_173] : memref<10240x128xf32, #tpu.memory_space<vmem_shared>> -> memref<112x128xf32, #tpu.memory_space<vmem_shared>>
      tpu.wait_dma2 semaphore(%run_scoped3A : memref<!tpu.dma_semaphore, #tpu.memory_space<semaphore_mem>>) src(%arg8 : memref<112x128xf32, #tpu.memory_space<vmem>>) dst(%dma_wait3A_174 : memref<112x128xf32, #tpu.memory_space<vmem_shared>>)
      tpu.yield
    }) : () -> ()
    %add3A_8 = arith.constant 112 : i32
    %add3A_9 = arith.addi %mul3A_6, %add3A_8 : i32
    "tpu.region"() ({
      %run_scoped3A = tpu.sem_alloc : memref<!tpu.dma_semaphore, #tpu.memory_space<semaphore_mem>>
      %dma_start3A_167 = arith.constant 0 : i32
      %dma_start3A_168 = tpu.memref_slice %arg11[%add3A_9, %dma_start3A_167] : memref<10240x128xf32, #tpu.memory_space<vmem_shared>> -> memref<112x128xf32, #tpu.memory_space<vmem_shared>>
      %dma_start3A_169 = arith.constant 0 : i32
      %dma_start3A_170 = tpu.memref_slice %arg11[%add3A_9, %dma_start3A_169] : memref<10240x128xf32, #tpu.memory_space<vmem_shared>> -> memref<112x128xf32, #tpu.memory_space<vmem_shared>>
      tpu.enqueue_dma source(%arg8 : memref<112x128xf32, #tpu.memory_space<vmem>>) target(%dma_start3A_170 : memref<112x128xf32, #tpu.memory_space<vmem_shared>>) target_semaphore(%run_scoped3A : memref<!tpu.dma_semaphore, #tpu.memory_space<semaphore_mem>>)
      %dma_wait3A_171 = arith.constant 0 : i32
      %dma_wait3A_172 = tpu.memref_slice %arg11[%add3A_9, %dma_wait3A_171] : memref<10240x128xf32, #tpu.memory_space<vmem_shared>> -> memref<112x128xf32, #tpu.memory_space<vmem_shared>>
      %dma_wait3A_173 = arith.constant 0 : i32
      %dma_wait3A_174 = tpu.memref_slice %arg11[%add3A_9, %dma_wait3A_173] : memref<10240x128xf32, #tpu.memory_space<vmem_shared>> -> memref<112x128xf32, #tpu.memory_space<vmem_shared>>
      tpu.wait_dma2 semaphore(%run_scoped3A : memref<!tpu.dma_semaphore, #tpu.memory_space<semaphore_mem>>) src(%arg8 : memref<112x128xf32, #tpu.memory_space<vmem>>) dst(%dma_wait3A_174 : memref<112x128xf32, #tpu.memory_space<vmem_shared>>)
      tpu.yield
    }) : () -> ()
    %add3A_10 = arith.constant 224 : i32
    %add3A_11 = arith.addi %mul3A_6, %add3A_10 : i32
    "tpu.region"() ({
      %run_scoped3A = tpu.sem_alloc : memref<!tpu.dma_semaphore, #tpu.memory_space<semaphore_mem>>
      %dma_start3A_167 = arith.constant 0 : i32
      %dma_start3A_168 = tpu.memref_slice %arg11[%add3A_11, %dma_start3A_167] : memref<10240x128xf32, #tpu.memory_space<vmem_shared>> -> memref<112x128xf32, #tpu.memory_space<vmem_shared>>
      %dma_start3A_169 = arith.constant 0 : i32
      %dma_start3A_170 = tpu.memref_slice %arg11[%add3A_11, %dma_start3A_169] : memref<10240x128xf32, #tpu.memory_space<vmem_shared>> -> memref<112x128xf32, #tpu.memory_space<vmem_shared>>
      tpu.enqueue_dma source(%arg8 : memref<112x128xf32, #tpu.memory_space<vmem>>) target(%dma_start3A_170 : memref<112x128xf32, #tpu.memory_space<vmem_shared>>) target_semaphore(%run_scoped3A : memref<!tpu.dma_semaphore, #tpu.memory_space<semaphore_mem>>)
      %dma_wait3A_171 = arith.constant 0 : i32
      %dma_wait3A_172 = tpu.memref_slice %arg11[%add3A_11, %dma_wait3A_171] : memref<10240x128xf32, #tpu.memory_space<vmem_shared>> -> memref<112x128xf32, #tpu.memory_space<vmem_shared>>
      %dma_wait3A_173 = arith.constant 0 : i32
      %dma_wait3A_174 = tpu.memref_slice %arg11[%add3A_11, %dma_wait3A_173] : memref<10240x128xf32, #tpu.memory_space<vmem_shared>> -> memref<112x128xf32, #tpu.memory_space<vmem_shared>>
      tpu.wait_dma2 semaphore(%run_scoped3A : memref<!tpu.dma_semaphore, #tpu.memory_space<semaphore_mem>>) src(%arg8 : memref<112x128xf32, #tpu.memory_space<vmem>>) dst(%dma_wait3A_174 : memref<112x128xf32, #tpu.memory_space<vmem_shared>>)
      tpu.yield
    }) : () -> ()
    %add3A_12 = arith.constant 336 : i32
    %add3A_13 = arith.addi %mul3A_6, %add3A_12 : i32
    "tpu.region"() ({
      %run_scoped3A = tpu.sem_alloc : memref<!tpu.dma_semaphore, #tpu.memory_space<semaphore_mem>>
      %dma_start3A_167 = arith.constant 0 : i32
      %dma_start3A_168 = tpu.memref_slice %arg11[%add3A_13, %dma_start3A_167] : memref<10240x128xf32, #tpu.memory_space<vmem_shared>> -> memref<112x128xf32, #tpu.memory_space<vmem_shared>>
      %dma_start3A_169 = arith.constant 0 : i32
      %dma_start3A_170 = tpu.memref_slice %arg11[%add3A_13, %dma_start3A_169] : memref<10240x128xf32, #tpu.memory_space<vmem_shared>> -> memref<112x128xf32, #tpu.memory_space<vmem_shared>>
      tpu.enqueue_dma source(%arg8 : memref<112x128xf32, #tpu.memory_space<vmem>>) target(%dma_start3A_170 : memref<112x128xf32, #tpu.memory_space<vmem_shared>>) target_semaphore(%run_scoped3A : memref<!tpu.dma_semaphore, #tpu.memory_space<semaphore_mem>>)
      %dma_wait3A_171 = arith.constant 0 : i32
      %dma_wait3A_172 = tpu.memref_slice %arg11[%add3A_13, %dma_wait3A_171] : memref<10240x128xf32, #tpu.memory_space<vmem_shared>> -> memref<112x128xf32, #tpu.memory_space<vmem_shared>>
      %dma_wait3A_173 = arith.constant 0 : i32
      %dma_wait3A_174 = tpu.memref_slice %arg11[%add3A_13, %dma_wait3A_173] : memref<10240x128xf32, #tpu.memory_space<vmem_shared>> -> memref<112x128xf32, #tpu.memory_space<vmem_shared>>
      tpu.wait_dma2 semaphore(%run_scoped3A : memref<!tpu.dma_semaphore, #tpu.memory_space<semaphore_mem>>) src(%arg8 : memref<112x128xf32, #tpu.memory_space<vmem>>) dst(%dma_wait3A_174 : memref<112x128xf32, #tpu.memory_space<vmem_shared>>)
      tpu.yield
    }) : () -> ()
    %add3A_14 = arith.constant 448 : i32
    %add3A_15 = arith.addi %mul3A_6, %add3A_14 : i32
    "tpu.region"() ({
      %run_scoped3A = tpu.sem_alloc : memref<!tpu.dma_semaphore, #tpu.memory_space<semaphore_mem>>
      %dma_start3A_167 = arith.constant 0 : i32
      %dma_start3A_168 = tpu.memref_slice %arg11[%add3A_15, %dma_start3A_167] : memref<10240x128xf32, #tpu.memory_space<vmem_shared>> -> memref<112x128xf32, #tpu.memory_space<vmem_shared>>
      %dma_start3A_169 = arith.constant 0 : i32
      %dma_start3A_170 = tpu.memref_slice %arg11[%add3A_15, %dma_start3A_169] : memref<10240x128xf32, #tpu.memory_space<vmem_shared>> -> memref<112x128xf32, #tpu.memory_space<vmem_shared>>
      tpu.enqueue_dma source(%arg8 : memref<112x128xf32, #tpu.memory_space<vmem>>) target(%dma_start3A_170 : memref<112x128xf32, #tpu.memory_space<vmem_shared>>) target_semaphore(%run_scoped3A : memref<!tpu.dma_semaphore, #tpu.memory_space<semaphore_mem>>)
      %dma_wait3A_171 = arith.constant 0 : i32
      %dma_wait3A_172 = tpu.memref_slice %arg11[%add3A_15, %dma_wait3A_171] : memref<10240x128xf32, #tpu.memory_space<vmem_shared>> -> memref<112x128xf32, #tpu.memory_space<vmem_shared>>
      %dma_wait3A_173 = arith.constant 0 : i32
      %dma_wait3A_174 = tpu.memref_slice %arg11[%add3A_15, %dma_wait3A_173] : memref<10240x128xf32, #tpu.memory_space<vmem_shared>> -> memref<112x128xf32, #tpu.memory_space<vmem_shared>>
      tpu.wait_dma2 semaphore(%run_scoped3A : memref<!tpu.dma_semaphore, #tpu.memory_space<semaphore_mem>>) src(%arg8 : memref<112x128xf32, #tpu.memory_space<vmem>>) dst(%dma_wait3A_174 : memref<112x128xf32, #tpu.memory_space<vmem_shared>>)
      tpu.yield
    }) : () -> ()
    %add3A_16 = arith.constant 560 : i32
    %add3A_17 = arith.addi %mul3A_6, %add3A_16 : i32
    "tpu.region"() ({
      %run_scoped3A = tpu.sem_alloc : memref<!tpu.dma_semaphore, #tpu.memory_space<semaphore_mem>>
      %dma_start3A_167 = arith.constant 0 : i32
      %dma_start3A_168 = arith.constant 0 : i32
      %dma_start3A_169 = tpu.memref_slice %arg8[%dma_start3A_167, %dma_start3A_168] : memref<112x128xf32, #tpu.memory_space<vmem>> -> memref<80x128xf32, #tpu.memory_space<vmem>>
      %dma_start3A_170 = arith.constant 0 : i32
      %dma_start3A_171 = tpu.memref_slice %arg11[%add3A_17, %dma_start3A_170] : memref<10240x128xf32, #tpu.memory_space<vmem_shared>> -> memref<80x128xf32, #tpu.memory_space<vmem_shared>>
      %dma_start3A_172 = arith.constant 0 : i32
      %dma_start3A_173 = tpu.memref_slice %arg11[%add3A_17, %dma_start3A_172] : memref<10240x128xf32, #tpu.memory_space<vmem_shared>> -> memref<80x128xf32, #tpu.memory_space<vmem_shared>>
      %dma_start3A_174 = arith.constant 0 : i32
      %dma_start3A_175 = arith.constant 0 : i32
      %dma_start3A_176 = tpu.memref_slice %arg8[%dma_start3A_174, %dma_start3A_175] : memref<112x128xf32, #tpu.memory_space<vmem>> -> memref<80x128xf32, #tpu.memory_space<vmem>>
      tpu.enqueue_dma source(%dma_start3A_176 : memref<80x128xf32, #tpu.memory_space<vmem>>) target(%dma_start3A_173 : memref<80x128xf32, #tpu.memory_space<vmem_shared>>) target_semaphore(%run_scoped3A : memref<!tpu.dma_semaphore, #tpu.memory_space<semaphore_mem>>)
      %dma_wait3A_177 = arith.constant 0 : i32
      %dma_wait3A_178 = arith.constant 0 : i32
      %dma_wait3A_179 = tpu.memref_slice %arg8[%dma_wait3A_177, %dma_wait3A_178] : memref<112x128xf32, #tpu.memory_space<vmem>> -> memref<80x128xf32, #tpu.memory_space<vmem>>
      %dma_wait3A_180 = arith.constant 0 : i32
      %dma_wait3A_181 = tpu.memref_slice %arg11[%add3A_17, %dma_wait3A_180] : memref<10240x128xf32, #tpu.memory_space<vmem_shared>> -> memref<80x128xf32, #tpu.memory_space<vmem_shared>>
      %dma_wait3A_182 = arith.constant 0 : i32
      %dma_wait3A_183 = tpu.memref_slice %arg11[%add3A_17, %dma_wait3A_182] : memref<10240x128xf32, #tpu.memory_space<vmem_shared>> -> memref<80x128xf32, #tpu.memory_space<vmem_shared>>
      %dma_wait3A_184 = arith.constant 0 : i32
      %dma_wait3A_185 = arith.constant 0 : i32
      %dma_wait3A_186 = tpu.memref_slice %arg8[%dma_wait3A_184, %dma_wait3A_185] : memref<112x128xf32, #tpu.memory_space<vmem>> -> memref<80x128xf32, #tpu.memory_space<vmem>>
      tpu.wait_dma2 semaphore(%run_scoped3A : memref<!tpu.dma_semaphore, #tpu.memory_space<semaphore_mem>>) src(%dma_wait3A_186 : memref<80x128xf32, #tpu.memory_space<vmem>>) dst(%dma_wait3A_183 : memref<80x128xf32, #tpu.memory_space<vmem_shared>>)
      tpu.yield
    }) : () -> ()
    %barrier3A = arith.constant 0 : index
    tpu.barrier barrier_id(%barrier3A)
    %dma_start3A = arith.constant 0 : i32
    %dma_start3A_18 = arith.constant 0 : i32
    %dma_start3A_19 = arith.constant 0 : i32
    %dma_start3A_20 = arith.constant 0 : i32
    %dma_start3A_21 = tpu.memref_slice %arg6[%dma_start3A_18, %dma_start3A_19, %dma_start3A_20] : memref<3x2x112xi32, #tpu.memory_space<vmem>> -> memref<1x2x112xi32, #tpu.memory_space<vmem>>
    %dma_start3A_22 = tpu.memref_squeeze %dma_start3A_21 : memref<1x2x112xi32, #tpu.memory_space<vmem>> -> memref<2x112xi32, #tpu.memory_space<vmem>>
    %dma_start3A_23 = arith.constant 0 : i32
    %dma_start3A_24 = arith.constant 0 : i32
    %dma_start3A_25 = tpu.memref_slice %arg3[%arg1, %dma_start3A, %dma_start3A_23, %dma_start3A_24] : memref<16x180x2x112xi32, #tpu.memory_space<hbm>> -> memref<1x1x2x112xi32, #tpu.memory_space<hbm>>
    %dma_start3A_26 = tpu.memref_squeeze %dma_start3A_25 : memref<1x1x2x112xi32, #tpu.memory_space<hbm>> -> memref<2x112xi32, #tpu.memory_space<hbm>>
    %dma_start3A_27 = arith.constant 0 : i32
    %dma_start3A_28 = arith.constant 0 : i32
    %dma_start3A_29 = tpu.memref_slice %arg6[%dma_start3A_18, %dma_start3A_27, %dma_start3A_28] : memref<3x2x112xi32, #tpu.memory_space<vmem>> -> memref<1x2x112xi32, #tpu.memory_space<vmem>>
    %dma_start3A_30 = tpu.memref_squeeze %dma_start3A_29 : memref<1x2x112xi32, #tpu.memory_space<vmem>> -> memref<2x112xi32, #tpu.memory_space<vmem>>
    %dma_start3A_31 = arith.constant 0 : i32
    %dma_start3A_32 = arith.constant 0 : i32
    %dma_start3A_33 = tpu.memref_slice %arg3[%arg1, %dma_start3A, %dma_start3A_31, %dma_start3A_32] : memref<16x180x2x112xi32, #tpu.memory_space<hbm>> -> memref<1x1x2x112xi32, #tpu.memory_space<hbm>>
    %dma_start3A_34 = tpu.memref_squeeze %dma_start3A_33 : memref<1x1x2x112xi32, #tpu.memory_space<hbm>> -> memref<2x112xi32, #tpu.memory_space<hbm>>
    tpu.enqueue_dma source(%dma_start3A_34 : memref<2x112xi32, #tpu.memory_space<hbm>>) target(%dma_start3A_30 : memref<2x112xi32, #tpu.memory_space<vmem>>) target_semaphore(%arg12 : memref<!tpu.dma_semaphore, #tpu.memory_space<semaphore_mem>>)
    %dma_start3A_35 = arith.constant 0 : i32
    %dma_start3A_36 = arith.constant 0 : i32
    %dma_start3A_37 = arith.constant 0 : i32
    %dma_start3A_38 = tpu.memref_slice %arg7[%dma_start3A_36, %dma_start3A_37] : memref<3x112xi32, #tpu.memory_space<vmem>> -> memref<1x112xi32, #tpu.memory_space<vmem>>
    %dma_start3A_39 = tpu.memref_squeeze %dma_start3A_38 : memref<1x112xi32, #tpu.memory_space<vmem>> -> memref<112xi32, #tpu.memory_space<vmem>>
    %dma_start3A_40 = arith.constant 0 : i32
    %dma_start3A_41 = tpu.memref_slice %arg4[%arg1, %dma_start3A_35, %dma_start3A_40] : memref<16x180x112xi32, #tpu.memory_space<hbm>> -> memref<1x1x112xi32, #tpu.memory_space<hbm>>
    %dma_start3A_42 = tpu.memref_squeeze %dma_start3A_41 : memref<1x1x112xi32, #tpu.memory_space<hbm>> -> memref<112xi32, #tpu.memory_space<hbm>>
    %dma_start3A_43 = arith.constant 0 : i32
    %dma_start3A_44 = tpu.memref_slice %arg7[%dma_start3A_36, %dma_start3A_43] : memref<3x112xi32, #tpu.memory_space<vmem>> -> memref<1x112xi32, #tpu.memory_space<vmem>>
    %dma_start3A_45 = tpu.memref_squeeze %dma_start3A_44 : memref<1x112xi32, #tpu.memory_space<vmem>> -> memref<112xi32, #tpu.memory_space<vmem>>
    %dma_start3A_46 = arith.constant 0 : i32
    %dma_start3A_47 = tpu.memref_slice %arg4[%arg1, %dma_start3A_35, %dma_start3A_46] : memref<16x180x112xi32, #tpu.memory_space<hbm>> -> memref<1x1x112xi32, #tpu.memory_space<hbm>>
    %dma_start3A_48 = tpu.memref_squeeze %dma_start3A_47 : memref<1x1x112xi32, #tpu.memory_space<hbm>> -> memref<112xi32, #tpu.memory_space<hbm>>
    tpu.enqueue_dma source(%dma_start3A_48 : memref<112xi32, #tpu.memory_space<hbm>>) target(%dma_start3A_45 : memref<112xi32, #tpu.memory_space<vmem>>) target_semaphore(%arg12 : memref<!tpu.dma_semaphore, #tpu.memory_space<semaphore_mem>>)
    %dma_start3A_49 = arith.constant 1 : i32
    %dma_start3A_50 = arith.constant 1 : i32
    %dma_start3A_51 = arith.constant 0 : i32
    %dma_start3A_52 = arith.constant 0 : i32
    %dma_start3A_53 = tpu.memref_slice %arg6[%dma_start3A_50, %dma_start3A_51, %dma_start3A_52] : memref<3x2x112xi32, #tpu.memory_space<vmem>> -> memref<1x2x112xi32, #tpu.memory_space<vmem>>
    %dma_start3A_54 = tpu.memref_squeeze %dma_start3A_53 : memref<1x2x112xi32, #tpu.memory_space<vmem>> -> memref<2x112xi32, #tpu.memory_space<vmem>>
    %dma_start3A_55 = arith.constant 0 : i32
    %dma_start3A_56 = arith.constant 0 : i32
    %dma_start3A_57 = tpu.memref_slice %arg3[%arg1, %dma_start3A_49, %dma_start3A_55, %dma_start3A_56] : memref<16x180x2x112xi32, #tpu.memory_space<hbm>> -> memref<1x1x2x112xi32, #tpu.memory_space<hbm>>
    %dma_start3A_58 = tpu.memref_squeeze %dma_start3A_57 : memref<1x1x2x112xi32, #tpu.memory_space<hbm>> -> memref<2x112xi32, #tpu.memory_space<hbm>>
    %dma_start3A_59 = arith.constant 0 : i32
    %dma_start3A_60 = arith.constant 0 : i32
    %dma_start3A_61 = tpu.memref_slice %arg6[%dma_start3A_50, %dma_start3A_59, %dma_start3A_60] : memref<3x2x112xi32, #tpu.memory_space<vmem>> -> memref<1x2x112xi32, #tpu.memory_space<vmem>>
    %dma_start3A_62 = tpu.memref_squeeze %dma_start3A_61 : memref<1x2x112xi32, #tpu.memory_space<vmem>> -> memref<2x112xi32, #tpu.memory_space<vmem>>
    %dma_start3A_63 = arith.constant 0 : i32
    %dma_start3A_64 = arith.constant 0 : i32
    %dma_start3A_65 = tpu.memref_slice %arg3[%arg1, %dma_start3A_49, %dma_start3A_63, %dma_start3A_64] : memref<16x180x2x112xi32, #tpu.memory_space<hbm>> -> memref<1x1x2x112xi32, #tpu.memory_space<hbm>>
    %dma_start3A_66 = tpu.memref_squeeze %dma_start3A_65 : memref<1x1x2x112xi32, #tpu.memory_space<hbm>> -> memref<2x112xi32, #tpu.memory_space<hbm>>
    tpu.enqueue_dma source(%dma_start3A_66 : memref<2x112xi32, #tpu.memory_space<hbm>>) target(%dma_start3A_62 : memref<2x112xi32, #tpu.memory_space<vmem>>) target_semaphore(%arg13 : memref<!tpu.dma_semaphore, #tpu.memory_space<semaphore_mem>>)
    %dma_start3A_67 = arith.constant 1 : i32
    %dma_start3A_68 = arith.constant 1 : i32
    %dma_start3A_69 = arith.constant 0 : i32
    %dma_start3A_70 = tpu.memref_slice %arg7[%dma_start3A_68, %dma_start3A_69] : memref<3x112xi32, #tpu.memory_space<vmem>> -> memref<1x112xi32, #tpu.memory_space<vmem>>
    %dma_start3A_71 = tpu.memref_squeeze %dma_start3A_70 : memref<1x112xi32, #tpu.memory_space<vmem>> -> memref<112xi32, #tpu.memory_space<vmem>>
    %dma_start3A_72 = arith.constant 0 : i32
    %dma_start3A_73 = tpu.memref_slice %arg4[%arg1, %dma_start3A_67, %dma_start3A_72] : memref<16x180x112xi32, #tpu.memory_space<hbm>> -> memref<1x1x112xi32, #tpu.memory_space<hbm>>
    %dma_start3A_74 = tpu.memref_squeeze %dma_start3A_73 : memref<1x1x112xi32, #tpu.memory_space<hbm>> -> memref<112xi32, #tpu.memory_space<hbm>>
    %dma_start3A_75 = arith.constant 0 : i32
    %dma_start3A_76 = tpu.memref_slice %arg7[%dma_start3A_68, %dma_start3A_75] : memref<3x112xi32, #tpu.memory_space<vmem>> -> memref<1x112xi32, #tpu.memory_space<vmem>>
    %dma_start3A_77 = tpu.memref_squeeze %dma_start3A_76 : memref<1x112xi32, #tpu.memory_space<vmem>> -> memref<112xi32, #tpu.memory_space<vmem>>
    %dma_start3A_78 = arith.constant 0 : i32
    %dma_start3A_79 = tpu.memref_slice %arg4[%arg1, %dma_start3A_67, %dma_start3A_78] : memref<16x180x112xi32, #tpu.memory_space<hbm>> -> memref<1x1x112xi32, #tpu.memory_space<hbm>>
    %dma_start3A_80 = tpu.memref_squeeze %dma_start3A_79 : memref<1x1x112xi32, #tpu.memory_space<hbm>> -> memref<112xi32, #tpu.memory_space<hbm>>
    tpu.enqueue_dma source(%dma_start3A_80 : memref<112xi32, #tpu.memory_space<hbm>>) target(%dma_start3A_77 : memref<112xi32, #tpu.memory_space<vmem>>) target_semaphore(%arg13 : memref<!tpu.dma_semaphore, #tpu.memory_space<semaphore_mem>>)
    %dma_wait3A = arith.constant 0 : i32
    %dma_wait3A_81 = arith.constant 0 : i32
    %dma_wait3A_82 = arith.constant 0 : i32
    %dma_wait3A_83 = arith.constant 0 : i32
    %dma_wait3A_84 = tpu.memref_slice %arg6[%dma_wait3A_81, %dma_wait3A_82, %dma_wait3A_83] : memref<3x2x112xi32, #tpu.memory_space<vmem>> -> memref<1x2x112xi32, #tpu.memory_space<vmem>>
    %dma_wait3A_85 = tpu.memref_squeeze %dma_wait3A_84 : memref<1x2x112xi32, #tpu.memory_space<vmem>> -> memref<2x112xi32, #tpu.memory_space<vmem>>
    %dma_wait3A_86 = arith.constant 0 : i32
    %dma_wait3A_87 = arith.constant 0 : i32
    %dma_wait3A_88 = tpu.memref_slice %arg3[%arg1, %dma_wait3A, %dma_wait3A_86, %dma_wait3A_87] : memref<16x180x2x112xi32, #tpu.memory_space<hbm>> -> memref<1x1x2x112xi32, #tpu.memory_space<hbm>>
    %dma_wait3A_89 = tpu.memref_squeeze %dma_wait3A_88 : memref<1x1x2x112xi32, #tpu.memory_space<hbm>> -> memref<2x112xi32, #tpu.memory_space<hbm>>
    %dma_wait3A_90 = arith.constant 0 : i32
    %dma_wait3A_91 = arith.constant 0 : i32
    %dma_wait3A_92 = tpu.memref_slice %arg6[%dma_wait3A_81, %dma_wait3A_90, %dma_wait3A_91] : memref<3x2x112xi32, #tpu.memory_space<vmem>> -> memref<1x2x112xi32, #tpu.memory_space<vmem>>
    %dma_wait3A_93 = tpu.memref_squeeze %dma_wait3A_92 : memref<1x2x112xi32, #tpu.memory_space<vmem>> -> memref<2x112xi32, #tpu.memory_space<vmem>>
    %dma_wait3A_94 = arith.constant 0 : i32
    %dma_wait3A_95 = arith.constant 0 : i32
    %dma_wait3A_96 = tpu.memref_slice %arg3[%arg1, %dma_wait3A, %dma_wait3A_94, %dma_wait3A_95] : memref<16x180x2x112xi32, #tpu.memory_space<hbm>> -> memref<1x1x2x112xi32, #tpu.memory_space<hbm>>
    %dma_wait3A_97 = tpu.memref_squeeze %dma_wait3A_96 : memref<1x1x2x112xi32, #tpu.memory_space<hbm>> -> memref<2x112xi32, #tpu.memory_space<hbm>>
    tpu.wait_dma2 semaphore(%arg12 : memref<!tpu.dma_semaphore, #tpu.memory_space<semaphore_mem>>) src(%dma_wait3A_97 : memref<2x112xi32, #tpu.memory_space<hbm>>) dst(%dma_wait3A_93 : memref<2x112xi32, #tpu.memory_space<vmem>>)
    %dma_wait3A_98 = arith.constant 0 : i32
    %dma_wait3A_99 = arith.constant 0 : i32
    %dma_wait3A_100 = arith.constant 0 : i32
    %dma_wait3A_101 = tpu.memref_slice %arg7[%dma_wait3A_99, %dma_wait3A_100] : memref<3x112xi32, #tpu.memory_space<vmem>> -> memref<1x112xi32, #tpu.memory_space<vmem>>
    %dma_wait3A_102 = tpu.memref_squeeze %dma_wait3A_101 : memref<1x112xi32, #tpu.memory_space<vmem>> -> memref<112xi32, #tpu.memory_space<vmem>>
    %dma_wait3A_103 = arith.constant 0 : i32
    %dma_wait3A_104 = tpu.memref_slice %arg4[%arg1, %dma_wait3A_98, %dma_wait3A_103] : memref<16x180x112xi32, #tpu.memory_space<hbm>> -> memref<1x1x112xi32, #tpu.memory_space<hbm>>
    %dma_wait3A_105 = tpu.memref_squeeze %dma_wait3A_104 : memref<1x1x112xi32, #tpu.memory_space<hbm>> -> memref<112xi32, #tpu.memory_space<hbm>>
    %dma_wait3A_106 = arith.constant 0 : i32
    %dma_wait3A_107 = tpu.memref_slice %arg7[%dma_wait3A_99, %dma_wait3A_106] : memref<3x112xi32, #tpu.memory_space<vmem>> -> memref<1x112xi32, #tpu.memory_space<vmem>>
    %dma_wait3A_108 = tpu.memref_squeeze %dma_wait3A_107 : memref<1x112xi32, #tpu.memory_space<vmem>> -> memref<112xi32, #tpu.memory_space<vmem>>
    %dma_wait3A_109 = arith.constant 0 : i32
    %dma_wait3A_110 = tpu.memref_slice %arg4[%arg1, %dma_wait3A_98, %dma_wait3A_109] : memref<16x180x112xi32, #tpu.memory_space<hbm>> -> memref<1x1x112xi32, #tpu.memory_space<hbm>>
    %dma_wait3A_111 = tpu.memref_squeeze %dma_wait3A_110 : memref<1x1x112xi32, #tpu.memory_space<hbm>> -> memref<112xi32, #tpu.memory_space<hbm>>
    tpu.wait_dma2 semaphore(%arg12 : memref<!tpu.dma_semaphore, #tpu.memory_space<semaphore_mem>>) src(%dma_wait3A_111 : memref<112xi32, #tpu.memory_space<hbm>>) dst(%dma_wait3A_108 : memref<112xi32, #tpu.memory_space<vmem>>)
    %dma_start3A_112 = arith.constant 0 : i32
    %dma_start3A_113 = arith.constant 0 : i32
    %dma_start3A_114 = arith.constant 0 : i32
    %dma_start3A_115 = tpu.memref_slice %arg6[%dma_start3A_112, %dma_start3A_113, %dma_start3A_114] : memref<3x2x112xi32, #tpu.memory_space<vmem>> -> memref<1x1x112xi32, #tpu.memory_space<vmem>>
    %dma_start3A_116 = tpu.memref_squeeze %dma_start3A_115 : memref<1x1x112xi32, #tpu.memory_space<vmem>> -> memref<112xi32, #tpu.memory_space<vmem>>
    %dma_start3A_117 = arith.constant 0 : i32
    %dma_start3A_118 = arith.constant 0 : i32
    %dma_start3A_119 = tpu.memref_slice %arg2[%dma_start3A_117, %dma_start3A_118] : memref<10000x128xf32, #tpu.memory_space<hbm>> -> memref<10000x128xf32, #tpu.memory_space<hbm>>
    tpu.enqueue_indirect_dma source(%dma_start3A_119 : memref<10000x128xf32, #tpu.memory_space<hbm>>) target(%arg8 : memref<112x128xf32, #tpu.memory_space<vmem>>) offsets(%dma_start3A_116 : memref<112xi32, #tpu.memory_space<vmem>>) semaphore(%arg15 : memref<!tpu.dma_semaphore, #tpu.memory_space<semaphore_mem>>)
    %dma_wait3A_120 = arith.constant 1 : i32
    %dma_wait3A_121 = arith.constant 1 : i32
    %dma_wait3A_122 = arith.constant 0 : i32
    %dma_wait3A_123 = arith.constant 0 : i32
    %dma_wait3A_124 = tpu.memref_slice %arg6[%dma_wait3A_121, %dma_wait3A_122, %dma_wait3A_123] : memref<3x2x112xi32, #tpu.memory_space<vmem>> -> memref<1x2x112xi32, #tpu.memory_space<vmem>>
    %dma_wait3A_125 = tpu.memref_squeeze %dma_wait3A_124 : memref<1x2x112xi32, #tpu.memory_space<vmem>> -> memref<2x112xi32, #tpu.memory_space<vmem>>
    %dma_wait3A_126 = arith.constant 0 : i32
    %dma_wait3A_127 = arith.constant 0 : i32
    %dma_wait3A_128 = tpu.memref_slice %arg3[%arg1, %dma_wait3A_120, %dma_wait3A_126, %dma_wait3A_127] : memref<16x180x2x112xi32, #tpu.memory_space<hbm>> -> memref<1x1x2x112xi32, #tpu.memory_space<hbm>>
    %dma_wait3A_129 = tpu.memref_squeeze %dma_wait3A_128 : memref<1x1x2x112xi32, #tpu.memory_space<hbm>> -> memref<2x112xi32, #tpu.memory_space<hbm>>
    %dma_wait3A_130 = arith.constant 0 : i32
    %dma_wait3A_131 = arith.constant 0 : i32
    %dma_wait3A_132 = tpu.memref_slice %arg6[%dma_wait3A_121, %dma_wait3A_130, %dma_wait3A_131] : memref<3x2x112xi32, #tpu.memory_space<vmem>> -> memref<1x2x112xi32, #tpu.memory_space<vmem>>
    %dma_wait3A_133 = tpu.memref_squeeze %dma_wait3A_132 : memref<1x2x112xi32, #tpu.memory_space<vmem>> -> memref<2x112xi32, #tpu.memory_space<vmem>>
    %dma_wait3A_134 = arith.constant 0 : i32
    %dma_wait3A_135 = arith.constant 0 : i32
    %dma_wait3A_136 = tpu.memref_slice %arg3[%arg1, %dma_wait3A_120, %dma_wait3A_134, %dma_wait3A_135] : memref<16x180x2x112xi32, #tpu.memory_space<hbm>> -> memref<1x1x2x112xi32, #tpu.memory_space<hbm>>
    %dma_wait3A_137 = tpu.memref_squeeze %dma_wait3A_136 : memref<1x1x2x112xi32, #tpu.memory_space<hbm>> -> memref<2x112xi32, #tpu.memory_space<hbm>>
    tpu.wait_dma2 semaphore(%arg13 : memref<!tpu.dma_semaphore, #tpu.memory_space<semaphore_mem>>) src(%dma_wait3A_137 : memref<2x112xi32, #tpu.memory_space<hbm>>) dst(%dma_wait3A_133 : memref<2x112xi32, #tpu.memory_space<vmem>>)
    %dma_wait3A_138 = arith.constant 1 : i32
    %dma_wait3A_139 = arith.constant 1 : i32
    %dma_wait3A_140 = arith.constant 0 : i32
    %dma_wait3A_141 = tpu.memref_slice %arg7[%dma_wait3A_139, %dma_wait3A_140] : memref<3x112xi32, #tpu.memory_space<vmem>> -> memref<1x112xi32, #tpu.memory_space<vmem>>
    %dma_wait3A_142 = tpu.memref_squeeze %dma_wait3A_141 : memref<1x112xi32, #tpu.memory_space<vmem>> -> memref<112xi32, #tpu.memory_space<vmem>>
    %dma_wait3A_143 = arith.constant 0 : i32
    %dma_wait3A_144 = tpu.memref_slice %arg4[%arg1, %dma_wait3A_138, %dma_wait3A_143] : memref<16x180x112xi32, #tpu.memory_space<hbm>> -> memref<1x1x112xi32, #tpu.memory_space<hbm>>
    %dma_wait3A_145 = tpu.memref_squeeze %dma_wait3A_144 : memref<1x1x112xi32, #tpu.memory_space<hbm>> -> memref<112xi32, #tpu.memory_space<hbm>>
    %dma_wait3A_146 = arith.constant 0 : i32
    %dma_wait3A_147 = tpu.memref_slice %arg7[%dma_wait3A_139, %dma_wait3A_146] : memref<3x112xi32, #tpu.memory_space<vmem>> -> memref<1x112xi32, #tpu.memory_space<vmem>>
    %dma_wait3A_148 = tpu.memref_squeeze %dma_wait3A_147 : memref<1x112xi32, #tpu.memory_space<vmem>> -> memref<112xi32, #tpu.memory_space<vmem>>
    %dma_wait3A_149 = arith.constant 0 : i32
    %dma_wait3A_150 = tpu.memref_slice %arg4[%arg1, %dma_wait3A_138, %dma_wait3A_149] : memref<16x180x112xi32, #tpu.memory_space<hbm>> -> memref<1x1x112xi32, #tpu.memory_space<hbm>>
    %dma_wait3A_151 = tpu.memref_squeeze %dma_wait3A_150 : memref<1x1x112xi32, #tpu.memory_space<hbm>> -> memref<112xi32, #tpu.memory_space<hbm>>
    tpu.wait_dma2 semaphore(%arg13 : memref<!tpu.dma_semaphore, #tpu.memory_space<semaphore_mem>>) src(%dma_wait3A_151 : memref<112xi32, #tpu.memory_space<hbm>>) dst(%dma_wait3A_148 : memref<112xi32, #tpu.memory_space<vmem>>)
    %dma_start3A_152 = arith.constant 1 : i32
    %dma_start3A_153 = arith.constant 0 : i32
    %dma_start3A_154 = arith.constant 0 : i32
    %dma_start3A_155 = tpu.memref_slice %arg6[%dma_start3A_152, %dma_start3A_153, %dma_start3A_154] : memref<3x2x112xi32, #tpu.memory_space<vmem>> -> memref<1x1x112xi32, #tpu.memory_space<vmem>>
    %dma_start3A_156 = tpu.memref_squeeze %dma_start3A_155 : memref<1x1x112xi32, #tpu.memory_space<vmem>> -> memref<112xi32, #tpu.memory_space<vmem>>
    %dma_start3A_157 = arith.constant 0 : i32
    %dma_start3A_158 = arith.constant 0 : i32
    %dma_start3A_159 = tpu.memref_slice %arg2[%dma_start3A_157, %dma_start3A_158] : memref<10000x128xf32, #tpu.memory_space<hbm>> -> memref<10000x128xf32, #tpu.memory_space<hbm>>
    tpu.enqueue_indirect_dma source(%dma_start3A_159 : memref<10000x128xf32, #tpu.memory_space<hbm>>) target(%arg9 : memref<112x128xf32, #tpu.memory_space<vmem>>) offsets(%dma_start3A_156 : memref<112xi32, #tpu.memory_space<vmem>>) semaphore(%arg16 : memref<!tpu.dma_semaphore, #tpu.memory_space<semaphore_mem>>)
    %scan3A_160 = arith.constant 0 : i32
    %scan3A_161 = arith.constant 0 : i32
    %scan3A_162 = arith.constant 30 : i32
    %scan3A_163 = arith.addi %scan3A_161, %scan3A_162 : i32
    %scan3A_164 = arith.constant 1 : i32
    scf.for %scan3A_167 = %scan3A_161 to %scan3A_163 step %scan3A_164  : i32 {
      %mul3A_168 = arith.constant 6 : i32
      %mul3A_169 = arith.muli %scan3A_167, %mul3A_168 : i32
      %add3A_170 = arith.constant 0 : i32
      %add3A_171 = arith.addi %mul3A_169, %add3A_170 : i32
      %add3A_172 = arith.constant 2 : i32
      %add3A_173 = arith.addi %add3A_171, %add3A_172 : i32
      %lt3A = arith.constant 180 : i32
      %lt3A_174 = arith.cmpi slt, %add3A_173, %lt3A : i32
      %convert_element_type3A = arith.extui %lt3A_174 : i1 to i32
      %cond3A = arith.constant 0 : i32
      %cond3A_175 = arith.cmpi ne, %convert_element_type3A, %cond3A : i32
      scf.if %cond3A_175 {
        %add3A_358 = arith.constant 2 : i32
        %add3A_359 = arith.addi %add3A_171, %add3A_358 : i32
        %dma_start3A_360 = arith.constant 2 : i32
        %dma_start3A_361 = arith.constant 0 : i32
        %dma_start3A_362 = arith.constant 0 : i32
        %dma_start3A_363 = tpu.memref_slice %arg6[%dma_start3A_360, %dma_start3A_361, %dma_start3A_362] : memref<3x2x112xi32, #tpu.memory_space<vmem>> -> memref<1x2x112xi32, #tpu.memory_space<vmem>>
        %dma_start3A_364 = tpu.memref_squeeze %dma_start3A_363 : memref<1x2x112xi32, #tpu.memory_space<vmem>> -> memref<2x112xi32, #tpu.memory_space<vmem>>
        %dma_start3A_365 = arith.constant 0 : i32
        %dma_start3A_366 = arith.constant 0 : i32
        %dma_start3A_367 = tpu.memref_slice %arg3[%arg1, %add3A_359, %dma_start3A_365, %dma_start3A_366] : memref<16x180x2x112xi32, #tpu.memory_space<hbm>> -> memref<1x1x2x112xi32, #tpu.memory_space<hbm>>
        %dma_start3A_368 = tpu.memref_squeeze %dma_start3A_367 : memref<1x1x2x112xi32, #tpu.memory_space<hbm>> -> memref<2x112xi32, #tpu.memory_space<hbm>>
        %dma_start3A_369 = arith.constant 0 : i32
        %dma_start3A_370 = arith.constant 0 : i32
        %dma_start3A_371 = tpu.memref_slice %arg6[%dma_start3A_360, %dma_start3A_369, %dma_start3A_370] : memref<3x2x112xi32, #tpu.memory_space<vmem>> -> memref<1x2x112xi32, #tpu.memory_space<vmem>>
        %dma_start3A_372 = tpu.memref_squeeze %dma_start3A_371 : memref<1x2x112xi32, #tpu.memory_space<vmem>> -> memref<2x112xi32, #tpu.memory_space<vmem>>
        %dma_start3A_373 = arith.constant 0 : i32
        %dma_start3A_374 = arith.constant 0 : i32
        %dma_start3A_375 = tpu.memref_slice %arg3[%arg1, %add3A_359, %dma_start3A_373, %dma_start3A_374] : memref<16x180x2x112xi32, #tpu.memory_space<hbm>> -> memref<1x1x2x112xi32, #tpu.memory_space<hbm>>
        %dma_start3A_376 = tpu.memref_squeeze %dma_start3A_375 : memref<1x1x2x112xi32, #tpu.memory_space<hbm>> -> memref<2x112xi32, #tpu.memory_space<hbm>>
        tpu.enqueue_dma source(%dma_start3A_376 : memref<2x112xi32, #tpu.memory_space<hbm>>) target(%dma_start3A_372 : memref<2x112xi32, #tpu.memory_space<vmem>>) target_semaphore(%arg14 : memref<!tpu.dma_semaphore, #tpu.memory_space<semaphore_mem>>)
        %dma_start3A_377 = arith.constant 2 : i32
        %dma_start3A_378 = arith.constant 0 : i32
        %dma_start3A_379 = tpu.memref_slice %arg7[%dma_start3A_377, %dma_start3A_378] : memref<3x112xi32, #tpu.memory_space<vmem>> -> memref<1x112xi32, #tpu.memory_space<vmem>>
        %dma_start3A_380 = tpu.memref_squeeze %dma_start3A_379 : memref<1x112xi32, #tpu.memory_space<vmem>> -> memref<112xi32, #tpu.memory_space<vmem>>
        %dma_start3A_381 = arith.constant 0 : i32
        %dma_start3A_382 = tpu.memref_slice %arg4[%arg1, %add3A_359, %dma_start3A_381] : memref<16x180x112xi32, #tpu.memory_space<hbm>> -> memref<1x1x112xi32, #tpu.memory_space<hbm>>
        %dma_start3A_383 = tpu.memref_squeeze %dma_start3A_382 : memref<1x1x112xi32, #tpu.memory_space<hbm>> -> memref<112xi32, #tpu.memory_space<hbm>>
        %dma_start3A_384 = arith.constant 0 : i32
        %dma_start3A_385 = tpu.memref_slice %arg7[%dma_start3A_377, %dma_start3A_384] : memref<3x112xi32, #tpu.memory_space<vmem>> -> memref<1x112xi32, #tpu.memory_space<vmem>>
        %dma_start3A_386 = tpu.memref_squeeze %dma_start3A_385 : memref<1x112xi32, #tpu.memory_space<vmem>> -> memref<112xi32, #tpu.memory_space<vmem>>
        %dma_start3A_387 = arith.constant 0 : i32
        %dma_start3A_388 = tpu.memref_slice %arg4[%arg1, %add3A_359, %dma_start3A_387] : memref<16x180x112xi32, #tpu.memory_space<hbm>> -> memref<1x1x112xi32, #tpu.memory_space<hbm>>
        %dma_start3A_389 = tpu.memref_squeeze %dma_start3A_388 : memref<1x1x112xi32, #tpu.memory_space<hbm>> -> memref<112xi32, #tpu.memory_space<hbm>>
        tpu.enqueue_dma source(%dma_start3A_389 : memref<112xi32, #tpu.memory_space<hbm>>) target(%dma_start3A_386 : memref<112xi32, #tpu.memory_space<vmem>>) target_semaphore(%arg14 : memref<!tpu.dma_semaphore, #tpu.memory_space<semaphore_mem>>)
      } else {
      }
      %dma_wait3A_176 = arith.constant 0 : i32
      %dma_wait3A_177 = arith.constant 0 : i32
      %dma_wait3A_178 = arith.constant 0 : i32
      %dma_wait3A_179 = tpu.memref_slice %arg6[%dma_wait3A_176, %dma_wait3A_177, %dma_wait3A_178] : memref<3x2x112xi32, #tpu.memory_space<vmem>> -> memref<1x1x112xi32, #tpu.memory_space<vmem>>
      %dma_wait3A_180 = tpu.memref_squeeze %dma_wait3A_179 : memref<1x1x112xi32, #tpu.memory_space<vmem>> -> memref<112xi32, #tpu.memory_space<vmem>>
      %dma_wait3A_181 = arith.constant 0 : i32
      %dma_wait3A_182 = arith.constant 0 : i32
      %dma_wait3A_183 = tpu.memref_slice %arg2[%dma_wait3A_181, %dma_wait3A_182] : memref<10000x128xf32, #tpu.memory_space<hbm>> -> memref<10000x128xf32, #tpu.memory_space<hbm>>
      tpu.wait_indirect_dma semaphore(%arg15 : memref<!tpu.dma_semaphore, #tpu.memory_space<semaphore_mem>>) src(%dma_wait3A_183 : memref<10000x128xf32, #tpu.memory_space<hbm>>) dst(%arg8 : memref<112x128xf32, #tpu.memory_space<vmem>>)
      %scan3A_184 = arith.constant 0 : i32
      %scan3A_185 = arith.constant 0 : i32
      %scan3A_186 = arith.constant 28 : i32
      %scan3A_187 = arith.addi %scan3A_185, %scan3A_186 : i32
      %scan3A_188 = arith.constant 1 : i32
      scf.for %scan3A_358 = %scan3A_185 to %scan3A_187 step %scan3A_188  : i32 {
        %mul3A_359 = arith.constant 4 : i32
        %mul3A_360 = arith.muli %scan3A_358, %mul3A_359 : i32
        %add3A_361 = arith.constant 0 : i32
        %add3A_362 = arith.addi %mul3A_360, %add3A_361 : i32
        %broadcast_in_dim3A_363 = arith.constant 0 : i32
        %broadcast_in_dim3A_364 = vector.broadcast %broadcast_in_dim3A_363 : i32 to vector<16xi32>
        %broadcast_in_dim3A_365 = vector.broadcast %add3A_362 : i32 to vector<16xi32>
        %gather3A = tpu.vector_load_idx %arg7[%broadcast_in_dim3A_364, %broadcast_in_dim3A_365] : memref<3x112xi32, #tpu.memory_space<vmem>>[vector<16xi32>, vector<16xi32>], vector<16xi32>,
        %bitcast3A = vector.bitcast %gather3A : vector<16xi32> to vector<16xf32>
        %get3A = arith.index_cast %add3A_362 : i32 to index
        %get3A_366 = arith.constant 0 : index
        %get3A_367 = tpu.vector_load %arg8[%get3A, %get3A_366] {strides = array<i32>} : memref<112x128xf32, #tpu.memory_space<vmem>>, vector<16xf32>,
        %mul3A_368 = arith.mulf %get3A_367, %bitcast3A : vector<16xf32>
        %swap3A = arith.index_cast %add3A_362 : i32 to index
        %swap3A_369 = arith.constant 0 : index
        %swap3A_370 = tpu.vector_load %arg8[%swap3A, %swap3A_369] {strides = array<i32>} : memref<112x128xf32, #tpu.memory_space<vmem>>, vector<16xf32>,
        tpu.vector_store %arg8[%swap3A, %swap3A_369], %mul3A_368 {strides = array<i32>} : memref<112x128xf32, #tpu.memory_space<vmem>>, vector<16xf32>,
        %get3A_371 = arith.index_cast %add3A_362 : i32 to index
        %get3A_372 = arith.constant 16 : index
        %get3A_373 = tpu.vector_load %arg8[%get3A_371, %get3A_372] {strides = array<i32>} : memref<112x128xf32, #tpu.memory_space<vmem>>, vector<16xf32>,
        %mul3A_374 = arith.mulf %get3A_373, %bitcast3A : vector<16xf32>
        %swap3A_375 = arith.index_cast %add3A_362 : i32 to index
        %swap3A_376 = arith.constant 16 : index
        %swap3A_377 = tpu.vector_load %arg8[%swap3A_375, %swap3A_376] {strides = array<i32>} : memref<112x128xf32, #tpu.memory_space<vmem>>, vector<16xf32>,
        tpu.vector_store %arg8[%swap3A_375, %swap3A_376], %mul3A_374 {strides = array<i32>} : memref<112x128xf32, #tpu.memory_space<vmem>>, vector<16xf32>,
        %get3A_378 = arith.index_cast %add3A_362 : i32 to index
        %get3A_379 = arith.constant 32 : index
        %get3A_380 = tpu.vector_load %arg8[%get3A_378, %get3A_379] {strides = array<i32>} : memref<112x128xf32, #tpu.memory_space<vmem>>, vector<16xf32>,
        %mul3A_381 = arith.mulf %get3A_380, %bitcast3A : vector<16xf32>
        %swap3A_382 = arith.index_cast %add3A_362 : i32 to index
        %swap3A_383 = arith.constant 32 : index
        %swap3A_384 = tpu.vector_load %arg8[%swap3A_382, %swap3A_383] {strides = array<i32>} : memref<112x128xf32, #tpu.memory_space<vmem>>, vector<16xf32>,
        tpu.vector_store %arg8[%swap3A_382, %swap3A_383], %mul3A_381 {strides = array<i32>} : memref<112x128xf32, #tpu.memory_space<vmem>>, vector<16xf32>,
        %get3A_385 = arith.index_cast %add3A_362 : i32 to index
        %get3A_386 = arith.constant 48 : index
        %get3A_387 = tpu.vector_load %arg8[%get3A_385, %get3A_386] {strides = array<i32>} : memref<112x128xf32, #tpu.memory_space<vmem>>, vector<16xf32>,
        %mul3A_388 = arith.mulf %get3A_387, %bitcast3A : vector<16xf32>
        %swap3A_389 = arith.index_cast %add3A_362 : i32 to index
        %swap3A_390 = arith.constant 48 : index
        %swap3A_391 = tpu.vector_load %arg8[%swap3A_389, %swap3A_390] {strides = array<i32>} : memref<112x128xf32, #tpu.memory_space<vmem>>, vector<16xf32>,
        tpu.vector_store %arg8[%swap3A_389, %swap3A_390], %mul3A_388 {strides = array<i32>} : memref<112x128xf32, #tpu.memory_space<vmem>>, vector<16xf32>,
        %get3A_392 = arith.index_cast %add3A_362 : i32 to index
        %get3A_393 = arith.constant 64 : index
        %get3A_394 = tpu.vector_load %arg8[%get3A_392, %get3A_393] {strides = array<i32>} : memref<112x128xf32, #tpu.memory_space<vmem>>, vector<16xf32>,
        %mul3A_395 = arith.mulf %get3A_394, %bitcast3A : vector<16xf32>
        %swap3A_396 = arith.index_cast %add3A_362 : i32 to index
        %swap3A_397 = arith.constant 64 : index
        %swap3A_398 = tpu.vector_load %arg8[%swap3A_396, %swap3A_397] {strides = array<i32>} : memref<112x128xf32, #tpu.memory_space<vmem>>, vector<16xf32>,
        tpu.vector_store %arg8[%swap3A_396, %swap3A_397], %mul3A_395 {strides = array<i32>} : memref<112x128xf32, #tpu.memory_space<vmem>>, vector<16xf32>,
        %get3A_399 = arith.index_cast %add3A_362 : i32 to index
        %get3A_400 = arith.constant 80 : index
        %get3A_401 = tpu.vector_load %arg8[%get3A_399, %get3A_400] {strides = array<i32>} : memref<112x128xf32, #tpu.memory_space<vmem>>, vector<16xf32>,
        %mul3A_402 = arith.mulf %get3A_401, %bitcast3A : vector<16xf32>
        %swap3A_403 = arith.index_cast %add3A_362 : i32 to index
        %swap3A_404 = arith.constant 80 : index
        %swap3A_405 = tpu.vector_load %arg8[%swap3A_403, %swap3A_404] {strides = array<i32>} : memref<112x128xf32, #tpu.memory_space<vmem>>, vector<16xf32>,
        tpu.vector_store %arg8[%swap3A_403, %swap3A_404], %mul3A_402 {strides = array<i32>} : memref<112x128xf32, #tpu.memory_space<vmem>>, vector<16xf32>,
        %get3A_406 = arith.index_cast %add3A_362 : i32 to index
        %get3A_407 = arith.constant 96 : index
        %get3A_408 = tpu.vector_load %arg8[%get3A_406, %get3A_407] {strides = array<i32>} : memref<112x128xf32, #tpu.memory_space<vmem>>, vector<16xf32>,
        %mul3A_409 = arith.mulf %get3A_408, %bitcast3A : vector<16xf32>
        %swap3A_410 = arith.index_cast %add3A_362 : i32 to index
        %swap3A_411 = arith.constant 96 : index
        %swap3A_412 = tpu.vector_load %arg8[%swap3A_410, %swap3A_411] {strides = array<i32>} : memref<112x128xf32, #tpu.memory_space<vmem>>, vector<16xf32>,
        tpu.vector_store %arg8[%swap3A_410, %swap3A_411], %mul3A_409 {strides = array<i32>} : memref<112x128xf32, #tpu.memory_space<vmem>>, vector<16xf32>,
        %get3A_413 = arith.index_cast %add3A_362 : i32 to index
        %get3A_414 = arith.constant 112 : index
        %get3A_415 = tpu.vector_load %arg8[%get3A_413, %get3A_414] {strides = array<i32>} : memref<112x128xf32, #tpu.memory_space<vmem>>, vector<16xf32>,
        %mul3A_416 = arith.mulf %get3A_415, %bitcast3A : vector<16xf32>
        %swap3A_417 = arith.index_cast %add3A_362 : i32 to index
        %swap3A_418 = arith.constant 112 : index
        %swap3A_419 = tpu.vector_load %arg8[%swap3A_417, %swap3A_418] {strides = array<i32>} : memref<112x128xf32, #tpu.memory_space<vmem>>, vector<16xf32>,
        tpu.vector_store %arg8[%swap3A_417, %swap3A_418], %mul3A_416 {strides = array<i32>} : memref<112x128xf32, #tpu.memory_space<vmem>>, vector<16xf32>,
        %mul3A_420 = arith.constant 4 : i32
        %mul3A_421 = arith.muli %scan3A_358, %mul3A_420 : i32
        %add3A_422 = arith.constant 1 : i32
        %add3A_423 = arith.addi %mul3A_421, %add3A_422 : i32
        %broadcast_in_dim3A_424 = arith.constant 0 : i32
        %broadcast_in_dim3A_425 = vector.broadcast %broadcast_in_dim3A_424 : i32 to vector<16xi32>
        %broadcast_in_dim3A_426 = vector.broadcast %add3A_423 : i32 to vector<16xi32>
        %gather3A_427 = tpu.vector_load_idx %arg7[%broadcast_in_dim3A_425, %broadcast_in_dim3A_426] : memref<3x112xi32, #tpu.memory_space<vmem>>[vector<16xi32>, vector<16xi32>], vector<16xi32>,
        %bitcast3A_428 = vector.bitcast %gather3A_427 : vector<16xi32> to vector<16xf32>
        %get3A_429 = arith.index_cast %add3A_423 : i32 to index
        %get3A_430 = arith.constant 0 : index
        %get3A_431 = tpu.vector_load %arg8[%get3A_429, %get3A_430] {strides = array<i32>} : memref<112x128xf32, #tpu.memory_space<vmem>>, vector<16xf32>,
        %mul3A_432 = arith.mulf %get3A_431, %bitcast3A_428 : vector<16xf32>
        %swap3A_433 = arith.index_cast %add3A_423 : i32 to index
        %swap3A_434 = arith.constant 0 : index
        %swap3A_435 = tpu.vector_load %arg8[%swap3A_433, %swap3A_434] {strides = array<i32>} : memref<112x128xf32, #tpu.memory_space<vmem>>, vector<16xf32>,
        tpu.vector_store %arg8[%swap3A_433, %swap3A_434], %mul3A_432 {strides = array<i32>} : memref<112x128xf32, #tpu.memory_space<vmem>>, vector<16xf32>,
        %get3A_436 = arith.index_cast %add3A_423 : i32 to index
        %get3A_437 = arith.constant 16 : index
        %get3A_438 = tpu.vector_load %arg8[%get3A_436, %get3A_437] {strides = array<i32>} : memref<112x128xf32, #tpu.memory_space<vmem>>, vector<16xf32>,
        %mul3A_439 = arith.mulf %get3A_438, %bitcast3A_428 : vector<16xf32>
        %swap3A_440 = arith.index_cast %add3A_423 : i32 to index
        %swap3A_441 = arith.constant 16 : index
        %swap3A_442 = tpu.vector_load %arg8[%swap3A_440, %swap3A_441] {strides = array<i32>} : memref<112x128xf32, #tpu.memory_space<vmem>>, vector<16xf32>,
        tpu.vector_store %arg8[%swap3A_440, %swap3A_441], %mul3A_439 {strides = array<i32>} : memref<112x128xf32, #tpu.memory_space<vmem>>, vector<16xf32>,
        %get3A_443 = arith.index_cast %add3A_423 : i32 to index
        %get3A_444 = arith.constant 32 : index
        %get3A_445 = tpu.vector_load %arg8[%get3A_443, %get3A_444] {strides = array<i32>} : memref<112x128xf32, #tpu.memory_space<vmem>>, vector<16xf32>,
        %mul3A_446 = arith.mulf %get3A_445, %bitcast3A_428 : vector<16xf32>
        %swap3A_447 = arith.index_cast %add3A_423 : i32 to index
        %swap3A_448 = arith.constant 32 : index
        %swap3A_449 = tpu.vector_load %arg8[%swap3A_447, %swap3A_448] {strides = array<i32>} : memref<112x128xf32, #tpu.memory_space<vmem>>, vector<16xf32>,
        tpu.vector_store %arg8[%swap3A_447, %swap3A_448], %mul3A_446 {strides = array<i32>} : memref<112x128xf32, #tpu.memory_space<vmem>>, vector<16xf32>,
        %get3A_450 = arith.index_cast %add3A_423 : i32 to index
        %get3A_451 = arith.constant 48 : index
        %get3A_452 = tpu.vector_load %arg8[%get3A_450, %get3A_451] {strides = array<i32>} : memref<112x128xf32, #tpu.memory_space<vmem>>, vector<16xf32>,
        %mul3A_453 = arith.mulf %get3A_452, %bitcast3A_428 : vector<16xf32>
        %swap3A_454 = arith.index_cast %add3A_423 : i32 to index
        %swap3A_455 = arith.constant 48 : index
        %swap3A_456 = tpu.vector_load %arg8[%swap3A_454, %swap3A_455] {strides = array<i32>} : memref<112x128xf32, #tpu.memory_space<vmem>>, vector<16xf32>,
        tpu.vector_store %arg8[%swap3A_454, %swap3A_455], %mul3A_453 {strides = array<i32>} : memref<112x128xf32, #tpu.memory_space<vmem>>, vector<16xf32>,
        %get3A_457 = arith.index_cast %add3A_423 : i32 to index
        %get3A_458 = arith.constant 64 : index
        %get3A_459 = tpu.vector_load %arg8[%get3A_457, %get3A_458] {strides = array<i32>} : memref<112x128xf32, #tpu.memory_space<vmem>>, vector<16xf32>,
        %mul3A_460 = arith.mulf %get3A_459, %bitcast3A_428 : vector<16xf32>
        %swap3A_461 = arith.index_cast %add3A_423 : i32 to index
        %swap3A_462 = arith.constant 64 : index
        %swap3A_463 = tpu.vector_load %arg8[%swap3A_461, %swap3A_462] {strides = array<i32>} : memref<112x128xf32, #tpu.memory_space<vmem>>, vector<16xf32>,
        tpu.vector_store %arg8[%swap3A_461, %swap3A_462], %mul3A_460 {strides = array<i32>} : memref<112x128xf32, #tpu.memory_space<vmem>>, vector<16xf32>,
        %get3A_464 = arith.index_cast %add3A_423 : i32 to index
        %get3A_465 = arith.constant 80 : index
        %get3A_466 = tpu.vector_load %arg8[%get3A_464, %get3A_465] {strides = array<i32>} : memref<112x128xf32, #tpu.memory_space<vmem>>, vector<16xf32>,
        %mul3A_467 = arith.mulf %get3A_466, %bitcast3A_428 : vector<16xf32>
        %swap3A_468 = arith.index_cast %add3A_423 : i32 to index
        %swap3A_469 = arith.constant 80 : index
        %swap3A_470 = tpu.vector_load %arg8[%swap3A_468, %swap3A_469] {strides = array<i32>} : memref<112x128xf32, #tpu.memory_space<vmem>>, vector<16xf32>,
        tpu.vector_store %arg8[%swap3A_468, %swap3A_469], %mul3A_467 {strides = array<i32>} : memref<112x128xf32, #tpu.memory_space<vmem>>, vector<16xf32>,
        %get3A_471 = arith.index_cast %add3A_423 : i32 to index
        %get3A_472 = arith.constant 96 : index
        %get3A_473 = tpu.vector_load %arg8[%get3A_471, %get3A_472] {strides = array<i32>} : memref<112x128xf32, #tpu.memory_space<vmem>>, vector<16xf32>,
        %mul3A_474 = arith.mulf %get3A_473, %bitcast3A_428 : vector<16xf32>
        %swap3A_475 = arith.index_cast %add3A_423 : i32 to index
        %swap3A_476 = arith.constant 96 : index
        %swap3A_477 = tpu.vector_load %arg8[%swap3A_475, %swap3A_476] {strides = array<i32>} : memref<112x128xf32, #tpu.memory_space<vmem>>, vector<16xf32>,
        tpu.vector_store %arg8[%swap3A_475, %swap3A_476], %mul3A_474 {strides = array<i32>} : memref<112x128xf32, #tpu.memory_space<vmem>>, vector<16xf32>,
        %get3A_478 = arith.index_cast %add3A_423 : i32 to index
        %get3A_479 = arith.constant 112 : index
        %get3A_480 = tpu.vector_load %arg8[%get3A_478, %get3A_479] {strides = array<i32>} : memref<112x128xf32, #tpu.memory_space<vmem>>, vector<16xf32>,
        %mul3A_481 = arith.mulf %get3A_480, %bitcast3A_428 : vector<16xf32>
        %swap3A_482 = arith.index_cast %add3A_423 : i32 to index
        %swap3A_483 = arith.constant 112 : index
        %swap3A_484 = tpu.vector_load %arg8[%swap3A_482, %swap3A_483] {strides = array<i32>} : memref<112x128xf32, #tpu.memory_space<vmem>>, vector<16xf32>,
        tpu.vector_store %arg8[%swap3A_482, %swap3A_483], %mul3A_481 {strides = array<i32>} : memref<112x128xf32, #tpu.memory_space<vmem>>, vector<16xf32>,
        %mul3A_485 = arith.constant 4 : i32
        %mul3A_486 = arith.muli %scan3A_358, %mul3A_485 : i32
        %add3A_487 = arith.constant 2 : i32
        %add3A_488 = arith.addi %mul3A_486, %add3A_487 : i32
        %broadcast_in_dim3A_489 = arith.constant 0 : i32
        %broadcast_in_dim3A_490 = vector.broadcast %broadcast_in_dim3A_489 : i32 to vector<16xi32>
        %broadcast_in_dim3A_491 = vector.broadcast %add3A_488 : i32 to vector<16xi32>
        %gather3A_492 = tpu.vector_load_idx %arg7[%broadcast_in_dim3A_490, %broadcast_in_dim3A_491] : memref<3x112xi32, #tpu.memory_space<vmem>>[vector<16xi32>, vector<16xi32>], vector<16xi32>,
        %bitcast3A_493 = vector.bitcast %gather3A_492 : vector<16xi32> to vector<16xf32>
        %get3A_494 = arith.index_cast %add3A_488 : i32 to index
        %get3A_495 = arith.constant 0 : index
        %get3A_496 = tpu.vector_load %arg8[%get3A_494, %get3A_495] {strides = array<i32>} : memref<112x128xf32, #tpu.memory_space<vmem>>, vector<16xf32>,
        %mul3A_497 = arith.mulf %get3A_496, %bitcast3A_493 : vector<16xf32>
        %swap3A_498 = arith.index_cast %add3A_488 : i32 to index
        %swap3A_499 = arith.constant 0 : index
        %swap3A_500 = tpu.vector_load %arg8[%swap3A_498, %swap3A_499] {strides = array<i32>} : memref<112x128xf32, #tpu.memory_space<vmem>>, vector<16xf32>,
        tpu.vector_store %arg8[%swap3A_498, %swap3A_499], %mul3A_497 {strides = array<i32>} : memref<112x128xf32, #tpu.memory_space<vmem>>, vector<16xf32>,
        %get3A_501 = arith.index_cast %add3A_488 : i32 to index
        %get3A_502 = arith.constant 16 : index
        %get3A_503 = tpu.vector_load %arg8[%get3A_501, %get3A_502] {strides = array<i32>} : memref<112x128xf32, #tpu.memory_space<vmem>>, vector<16xf32>,
        %mul3A_504 = arith.mulf %get3A_503, %bitcast3A_493 : vector<16xf32>
        %swap3A_505 = arith.index_cast %add3A_488 : i32 to index
        %swap3A_506 = arith.constant 16 : index
        %swap3A_507 = tpu.vector_load %arg8[%swap3A_505, %swap3A_506] {strides = array<i32>} : memref<112x128xf32, #tpu.memory_space<vmem>>, vector<16xf32>,
        tpu.vector_store %arg8[%swap3A_505, %swap3A_506], %mul3A_504 {strides = array<i32>} : memref<112x128xf32, #tpu.memory_space<vmem>>, vector<16xf32>,
        %get3A_508 = arith.index_cast %add3A_488 : i32 to index
        %get3A_509 = arith.constant 32 : index
        %get3A_510 = tpu.vector_load %arg8[%get3A_508, %get3A_509] {strides = array<i32>} : memref<112x128xf32, #tpu.memory_space<vmem>>, vector<16xf32>,
        %mul3A_511 = arith.mulf %get3A_510, %bitcast3A_493 : vector<16xf32>
        %swap3A_512 = arith.index_cast %add3A_488 : i32 to index
        %swap3A_513 = arith.constant 32 : index
        %swap3A_514 = tpu.vector_load %arg8[%swap3A_512, %swap3A_513] {strides = array<i32>} : memref<112x128xf32, #tpu.memory_space<vmem>>, vector<16xf32>,
        tpu.vector_store %arg8[%swap3A_512, %swap3A_513], %mul3A_511 {strides = array<i32>} : memref<112x128xf32, #tpu.memory_space<vmem>>, vector<16xf32>,
        %get3A_515 = arith.index_cast %add3A_488 : i32 to index
        %get3A_516 = arith.constant 48 : index
        %get3A_517 = tpu.vector_load %arg8[%get3A_515, %get3A_516] {strides = array<i32>} : memref<112x128xf32, #tpu.memory_space<vmem>>, vector<16xf32>,
        %mul3A_518 = arith.mulf %get3A_517, %bitcast3A_493 : vector<16xf32>
        %swap3A_519 = arith.index_cast %add3A_488 : i32 to index
        %swap3A_520 = arith.constant 48 : index
        %swap3A_521 = tpu.vector_load %arg8[%swap3A_519, %swap3A_520] {strides = array<i32>} : memref<112x128xf32, #tpu.memory_space<vmem>>, vector<16xf32>,
        tpu.vector_store %arg8[%swap3A_519, %swap3A_520], %mul3A_518 {strides = array<i32>} : memref<112x128xf32, #tpu.memory_space<vmem>>, vector<16xf32>,
        %get3A_522 = arith.index_cast %add3A_488 : i32 to index
        %get3A_523 = arith.constant 64 : index
        %get3A_524 = tpu.vector_load %arg8[%get3A_522, %get3A_523] {strides = array<i32>} : memref<112x128xf32, #tpu.memory_space<vmem>>, vector<16xf32>,
        %mul3A_525 = arith.mulf %get3A_524, %bitcast3A_493 : vector<16xf32>
        %swap3A_526 = arith.index_cast %add3A_488 : i32 to index
        %swap3A_527 = arith.constant 64 : index
        %swap3A_528 = tpu.vector_load %arg8[%swap3A_526, %swap3A_527] {strides = array<i32>} : memref<112x128xf32, #tpu.memory_space<vmem>>, vector<16xf32>,
        tpu.vector_store %arg8[%swap3A_526, %swap3A_527], %mul3A_525 {strides = array<i32>} : memref<112x128xf32, #tpu.memory_space<vmem>>, vector<16xf32>,
        %get3A_529 = arith.index_cast %add3A_488 : i32 to index
        %get3A_530 = arith.constant 80 : index
        %get3A_531 = tpu.vector_load %arg8[%get3A_529, %get3A_530] {strides = array<i32>} : memref<112x128xf32, #tpu.memory_space<vmem>>, vector<16xf32>,
        %mul3A_532 = arith.mulf %get3A_531, %bitcast3A_493 : vector<16xf32>
        %swap3A_533 = arith.index_cast %add3A_488 : i32 to index
        %swap3A_534 = arith.constant 80 : index
        %swap3A_535 = tpu.vector_load %arg8[%swap3A_533, %swap3A_534] {strides = array<i32>} : memref<112x128xf32, #tpu.memory_space<vmem>>, vector<16xf32>,
        tpu.vector_store %arg8[%swap3A_533, %swap3A_534], %mul3A_532 {strides = array<i32>} : memref<112x128xf32, #tpu.memory_space<vmem>>, vector<16xf32>,
        %get3A_536 = arith.index_cast %add3A_488 : i32 to index
        %get3A_537 = arith.constant 96 : index
        %get3A_538 = tpu.vector_load %arg8[%get3A_536, %get3A_537] {strides = array<i32>} : memref<112x128xf32, #tpu.memory_space<vmem>>, vector<16xf32>,
        %mul3A_539 = arith.mulf %get3A_538, %bitcast3A_493 : vector<16xf32>
        %swap3A_540 = arith.index_cast %add3A_488 : i32 to index
        %swap3A_541 = arith.constant 96 : index
        %swap3A_542 = tpu.vector_load %arg8[%swap3A_540, %swap3A_541] {strides = array<i32>} : memref<112x128xf32, #tpu.memory_space<vmem>>, vector<16xf32>,
        tpu.vector_store %arg8[%swap3A_540, %swap3A_541], %mul3A_539 {strides = array<i32>} : memref<112x128xf32, #tpu.memory_space<vmem>>, vector<16xf32>,
        %get3A_543 = arith.index_cast %add3A_488 : i32 to index
        %get3A_544 = arith.constant 112 : index
        %get3A_545 = tpu.vector_load %arg8[%get3A_543, %get3A_544] {strides = array<i32>} : memref<112x128xf32, #tpu.memory_space<vmem>>, vector<16xf32>,
        %mul3A_546 = arith.mulf %get3A_545, %bitcast3A_493 : vector<16xf32>
        %swap3A_547 = arith.index_cast %add3A_488 : i32 to index
        %swap3A_548 = arith.constant 112 : index
        %swap3A_549 = tpu.vector_load %arg8[%swap3A_547, %swap3A_548] {strides = array<i32>} : memref<112x128xf32, #tpu.memory_space<vmem>>, vector<16xf32>,
        tpu.vector_store %arg8[%swap3A_547, %swap3A_548], %mul3A_546 {strides = array<i32>} : memref<112x128xf32, #tpu.memory_space<vmem>>, vector<16xf32>,
        %mul3A_550 = arith.constant 4 : i32
        %mul3A_551 = arith.muli %scan3A_358, %mul3A_550 : i32
        %add3A_552 = arith.constant 3 : i32
        %add3A_553 = arith.addi %mul3A_551, %add3A_552 : i32
        %broadcast_in_dim3A_554 = arith.constant 0 : i32
        %broadcast_in_dim3A_555 = vector.broadcast %broadcast_in_dim3A_554 : i32 to vector<16xi32>
        %broadcast_in_dim3A_556 = vector.broadcast %add3A_553 : i32 to vector<16xi32>
        %gather3A_557 = tpu.vector_load_idx %arg7[%broadcast_in_dim3A_555, %broadcast_in_dim3A_556] : memref<3x112xi32, #tpu.memory_space<vmem>>[vector<16xi32>, vector<16xi32>], vector<16xi32>,
        %bitcast3A_558 = vector.bitcast %gather3A_557 : vector<16xi32> to vector<16xf32>
        %get3A_559 = arith.index_cast %add3A_553 : i32 to index
        %get3A_560 = arith.constant 0 : index
        %get3A_561 = tpu.vector_load %arg8[%get3A_559, %get3A_560] {strides = array<i32>} : memref<112x128xf32, #tpu.memory_space<vmem>>, vector<16xf32>,
        %mul3A_562 = arith.mulf %get3A_561, %bitcast3A_558 : vector<16xf32>
        %swap3A_563 = arith.index_cast %add3A_553 : i32 to index
        %swap3A_564 = arith.constant 0 : index
        %swap3A_565 = tpu.vector_load %arg8[%swap3A_563, %swap3A_564] {strides = array<i32>} : memref<112x128xf32, #tpu.memory_space<vmem>>, vector<16xf32>,
        tpu.vector_store %arg8[%swap3A_563, %swap3A_564], %mul3A_562 {strides = array<i32>} : memref<112x128xf32, #tpu.memory_space<vmem>>, vector<16xf32>,
        %get3A_566 = arith.index_cast %add3A_553 : i32 to index
        %get3A_567 = arith.constant 16 : index
        %get3A_568 = tpu.vector_load %arg8[%get3A_566, %get3A_567] {strides = array<i32>} : memref<112x128xf32, #tpu.memory_space<vmem>>, vector<16xf32>,
        %mul3A_569 = arith.mulf %get3A_568, %bitcast3A_558 : vector<16xf32>
        %swap3A_570 = arith.index_cast %add3A_553 : i32 to index
        %swap3A_571 = arith.constant 16 : index
        %swap3A_572 = tpu.vector_load %arg8[%swap3A_570, %swap3A_571] {strides = array<i32>} : memref<112x128xf32, #tpu.memory_space<vmem>>, vector<16xf32>,
        tpu.vector_store %arg8[%swap3A_570, %swap3A_571], %mul3A_569 {strides = array<i32>} : memref<112x128xf32, #tpu.memory_space<vmem>>, vector<16xf32>,
        %get3A_573 = arith.index_cast %add3A_553 : i32 to index
        %get3A_574 = arith.constant 32 : index
        %get3A_575 = tpu.vector_load %arg8[%get3A_573, %get3A_574] {strides = array<i32>} : memref<112x128xf32, #tpu.memory_space<vmem>>, vector<16xf32>,
        %mul3A_576 = arith.mulf %get3A_575, %bitcast3A_558 : vector<16xf32>
        %swap3A_577 = arith.index_cast %add3A_553 : i32 to index
        %swap3A_578 = arith.constant 32 : index
        %swap3A_579 = tpu.vector_load %arg8[%swap3A_577, %swap3A_578] {strides = array<i32>} : memref<112x128xf32, #tpu.memory_space<vmem>>, vector<16xf32>,
        tpu.vector_store %arg8[%swap3A_577, %swap3A_578], %mul3A_576 {strides = array<i32>} : memref<112x128xf32, #tpu.memory_space<vmem>>, vector<16xf32>,
        %get3A_580 = arith.index_cast %add3A_553 : i32 to index
        %get3A_581 = arith.constant 48 : index
        %get3A_582 = tpu.vector_load %arg8[%get3A_580, %get3A_581] {strides = array<i32>} : memref<112x128xf32, #tpu.memory_space<vmem>>, vector<16xf32>,
        %mul3A_583 = arith.mulf %get3A_582, %bitcast3A_558 : vector<16xf32>
        %swap3A_584 = arith.index_cast %add3A_553 : i32 to index
        %swap3A_585 = arith.constant 48 : index
        %swap3A_586 = tpu.vector_load %arg8[%swap3A_584, %swap3A_585] {strides = array<i32>} : memref<112x128xf32, #tpu.memory_space<vmem>>, vector<16xf32>,
        tpu.vector_store %arg8[%swap3A_584, %swap3A_585], %mul3A_583 {strides = array<i32>} : memref<112x128xf32, #tpu.memory_space<vmem>>, vector<16xf32>,
        %get3A_587 = arith.index_cast %add3A_553 : i32 to index
        %get3A_588 = arith.constant 64 : index
        %get3A_589 = tpu.vector_load %arg8[%get3A_587, %get3A_588] {strides = array<i32>} : memref<112x128xf32, #tpu.memory_space<vmem>>, vector<16xf32>,
        %mul3A_590 = arith.mulf %get3A_589, %bitcast3A_558 : vector<16xf32>
        %swap3A_591 = arith.index_cast %add3A_553 : i32 to index
        %swap3A_592 = arith.constant 64 : index
        %swap3A_593 = tpu.vector_load %arg8[%swap3A_591, %swap3A_592] {strides = array<i32>} : memref<112x128xf32, #tpu.memory_space<vmem>>, vector<16xf32>,
        tpu.vector_store %arg8[%swap3A_591, %swap3A_592], %mul3A_590 {strides = array<i32>} : memref<112x128xf32, #tpu.memory_space<vmem>>, vector<16xf32>,
        %get3A_594 = arith.index_cast %add3A_553 : i32 to index
        %get3A_595 = arith.constant 80 : index
        %get3A_596 = tpu.vector_load %arg8[%get3A_594, %get3A_595] {strides = array<i32>} : memref<112x128xf32, #tpu.memory_space<vmem>>, vector<16xf32>,
        %mul3A_597 = arith.mulf %get3A_596, %bitcast3A_558 : vector<16xf32>
        %swap3A_598 = arith.index_cast %add3A_553 : i32 to index
        %swap3A_599 = arith.constant 80 : index
        %swap3A_600 = tpu.vector_load %arg8[%swap3A_598, %swap3A_599] {strides = array<i32>} : memref<112x128xf32, #tpu.memory_space<vmem>>, vector<16xf32>,
        tpu.vector_store %arg8[%swap3A_598, %swap3A_599], %mul3A_597 {strides = array<i32>} : memref<112x128xf32, #tpu.memory_space<vmem>>, vector<16xf32>,
        %get3A_601 = arith.index_cast %add3A_553 : i32 to index
        %get3A_602 = arith.constant 96 : index
        %get3A_603 = tpu.vector_load %arg8[%get3A_601, %get3A_602] {strides = array<i32>} : memref<112x128xf32, #tpu.memory_space<vmem>>, vector<16xf32>,
        %mul3A_604 = arith.mulf %get3A_603, %bitcast3A_558 : vector<16xf32>
        %swap3A_605 = arith.index_cast %add3A_553 : i32 to index
        %swap3A_606 = arith.constant 96 : index
        %swap3A_607 = tpu.vector_load %arg8[%swap3A_605, %swap3A_606] {strides = array<i32>} : memref<112x128xf32, #tpu.memory_space<vmem>>, vector<16xf32>,
        tpu.vector_store %arg8[%swap3A_605, %swap3A_606], %mul3A_604 {strides = array<i32>} : memref<112x128xf32, #tpu.memory_space<vmem>>, vector<16xf32>,
        %get3A_608 = arith.index_cast %add3A_553 : i32 to index
        %get3A_609 = arith.constant 112 : index
        %get3A_610 = tpu.vector_load %arg8[%get3A_608, %get3A_609] {strides = array<i32>} : memref<112x128xf32, #tpu.memory_space<vmem>>, vector<16xf32>,
        %mul3A_611 = arith.mulf %get3A_610, %bitcast3A_558 : vector<16xf32>
        %swap3A_612 = arith.index_cast %add3A_553 : i32 to index
        %swap3A_613 = arith.constant 112 : index
        %swap3A_614 = tpu.vector_load %arg8[%swap3A_612, %swap3A_613] {strides = array<i32>} : memref<112x128xf32, #tpu.memory_space<vmem>>, vector<16xf32>,
        tpu.vector_store %arg8[%swap3A_612, %swap3A_613], %mul3A_611 {strides = array<i32>} : memref<112x128xf32, #tpu.memory_space<vmem>>, vector<16xf32>,
      }
      %scan3A_189 = arith.constant 28 : i32
      %add3A_190 = arith.constant 2 : i32
      %add3A_191 = arith.addi %add3A_171, %add3A_190 : i32
      %lt3A_192 = arith.constant 180 : i32
      %lt3A_193 = arith.cmpi slt, %add3A_191, %lt3A_192 : i32
      %convert_element_type3A_194 = arith.extui %lt3A_193 : i1 to i32
      %cond3A_195 = arith.constant 0 : i32
      %cond3A_196 = arith.cmpi ne, %convert_element_type3A_194, %cond3A_195 : i32
      scf.if %cond3A_196 {
        %add3A_358 = arith.constant 2 : i32
        %add3A_359 = arith.addi %add3A_171, %add3A_358 : i32
        %dma_wait3A_360 = arith.constant 2 : i32
        %dma_wait3A_361 = arith.constant 0 : i32
        %dma_wait3A_362 = arith.constant 0 : i32
        %dma_wait3A_363 = tpu.memref_slice %arg6[%dma_wait3A_360, %dma_wait3A_361, %dma_wait3A_362] : memref<3x2x112xi32, #tpu.memory_space<vmem>> -> memref<1x2x112xi32, #tpu.memory_space<vmem>>
        %dma_wait3A_364 = tpu.memref_squeeze %dma_wait3A_363 : memref<1x2x112xi32, #tpu.memory_space<vmem>> -> memref<2x112xi32, #tpu.memory_space<vmem>>
        %dma_wait3A_365 = arith.constant 0 : i32
        %dma_wait3A_366 = arith.constant 0 : i32
        %dma_wait3A_367 = tpu.memref_slice %arg3[%arg1, %add3A_359, %dma_wait3A_365, %dma_wait3A_366] : memref<16x180x2x112xi32, #tpu.memory_space<hbm>> -> memref<1x1x2x112xi32, #tpu.memory_space<hbm>>
        %dma_wait3A_368 = tpu.memref_squeeze %dma_wait3A_367 : memref<1x1x2x112xi32, #tpu.memory_space<hbm>> -> memref<2x112xi32, #tpu.memory_space<hbm>>
        %dma_wait3A_369 = arith.constant 0 : i32
        %dma_wait3A_370 = arith.constant 0 : i32
        %dma_wait3A_371 = tpu.memref_slice %arg6[%dma_wait3A_360, %dma_wait3A_369, %dma_wait3A_370] : memref<3x2x112xi32, #tpu.memory_space<vmem>> -> memref<1x2x112xi32, #tpu.memory_space<vmem>>
        %dma_wait3A_372 = tpu.memref_squeeze %dma_wait3A_371 : memref<1x2x112xi32, #tpu.memory_space<vmem>> -> memref<2x112xi32, #tpu.memory_space<vmem>>
        %dma_wait3A_373 = arith.constant 0 : i32
        %dma_wait3A_374 = arith.constant 0 : i32
        %dma_wait3A_375 = tpu.memref_slice %arg3[%arg1, %add3A_359, %dma_wait3A_373, %dma_wait3A_374] : memref<16x180x2x112xi32, #tpu.memory_space<hbm>> -> memref<1x1x2x112xi32, #tpu.memory_space<hbm>>
        %dma_wait3A_376 = tpu.memref_squeeze %dma_wait3A_375 : memref<1x1x2x112xi32, #tpu.memory_space<hbm>> -> memref<2x112xi32, #tpu.memory_space<hbm>>
        tpu.wait_dma2 semaphore(%arg14 : memref<!tpu.dma_semaphore, #tpu.memory_space<semaphore_mem>>) src(%dma_wait3A_376 : memref<2x112xi32, #tpu.memory_space<hbm>>) dst(%dma_wait3A_372 : memref<2x112xi32, #tpu.memory_space<vmem>>)
        %dma_wait3A_377 = arith.constant 2 : i32
        %dma_wait3A_378 = arith.constant 0 : i32
        %dma_wait3A_379 = tpu.memref_slice %arg7[%dma_wait3A_377, %dma_wait3A_378] : memref<3x112xi32, #tpu.memory_space<vmem>> -> memref<1x112xi32, #tpu.memory_space<vmem>>
        %dma_wait3A_380 = tpu.memref_squeeze %dma_wait3A_379 : memref<1x112xi32, #tpu.memory_space<vmem>> -> memref<112xi32, #tpu.memory_space<vmem>>
        %dma_wait3A_381 = arith.constant 0 : i32
        %dma_wait3A_382 = tpu.memref_slice %arg4[%arg1, %add3A_359, %dma_wait3A_381] : memref<16x180x112xi32, #tpu.memory_space<hbm>> -> memref<1x1x112xi32, #tpu.memory_space<hbm>>
        %dma_wait3A_383 = tpu.memref_squeeze %dma_wait3A_382 : memref<1x1x112xi32, #tpu.memory_space<hbm>> -> memref<112xi32, #tpu.memory_space<hbm>>
        %dma_wait3A_384 = arith.constant 0 : i32
        %dma_wait3A_385 = tpu.memref_slice %arg7[%dma_wait3A_377, %dma_wait3A_384] : memref<3x112xi32, #tpu.memory_space<vmem>> -> memref<1x112xi32, #tpu.memory_space<vmem>>
        %dma_wait3A_386 = tpu.memref_squeeze %dma_wait3A_385 : memref<1x112xi32, #tpu.memory_space<vmem>> -> memref<112xi32, #tpu.memory_space<vmem>>
        %dma_wait3A_387 = arith.constant 0 : i32
        %dma_wait3A_388 = tpu.memref_slice %arg4[%arg1, %add3A_359, %dma_wait3A_387] : memref<16x180x112xi32, #tpu.memory_space<hbm>> -> memref<1x1x112xi32, #tpu.memory_space<hbm>>
        %dma_wait3A_389 = tpu.memref_squeeze %dma_wait3A_388 : memref<1x1x112xi32, #tpu.memory_space<hbm>> -> memref<112xi32, #tpu.memory_space<hbm>>
        tpu.wait_dma2 semaphore(%arg14 : memref<!tpu.dma_semaphore, #tpu.memory_space<semaphore_mem>>) src(%dma_wait3A_389 : memref<112xi32, #tpu.memory_space<hbm>>) dst(%dma_wait3A_386 : memref<112xi32, #tpu.memory_space<vmem>>)
        %dma_start3A_390 = arith.constant 2 : i32
        %dma_start3A_391 = arith.constant 0 : i32
        %dma_start3A_392 = arith.constant 0 : i32
        %dma_start3A_393 = tpu.memref_slice %arg6[%dma_start3A_390, %dma_start3A_391, %dma_start3A_392] : memref<3x2x112xi32, #tpu.memory_space<vmem>> -> memref<1x1x112xi32, #tpu.memory_space<vmem>>
        %dma_start3A_394 = tpu.memref_squeeze %dma_start3A_393 : memref<1x1x112xi32, #tpu.memory_space<vmem>> -> memref<112xi32, #tpu.memory_space<vmem>>
        %dma_start3A_395 = arith.constant 0 : i32
        %dma_start3A_396 = arith.constant 0 : i32
        %dma_start3A_397 = tpu.memref_slice %arg2[%dma_start3A_395, %dma_start3A_396] : memref<10000x128xf32, #tpu.memory_space<hbm>> -> memref<10000x128xf32, #tpu.memory_space<hbm>>
        tpu.enqueue_indirect_dma source(%dma_start3A_397 : memref<10000x128xf32, #tpu.memory_space<hbm>>) target(%arg10 : memref<112x128xf32, #tpu.memory_space<vmem>>) offsets(%dma_start3A_394 : memref<112xi32, #tpu.memory_space<vmem>>) semaphore(%arg17 : memref<!tpu.dma_semaphore, #tpu.memory_space<semaphore_mem>>)
      } else {
      }
      %run_scoped3A = arith.constant 0 : i32
      %run_scoped3A_197 = arith.constant 1 : i32
      "tpu.region"() ({
        %run_scoped3A_358 = tpu.sem_alloc : memref<!tpu.dma_semaphore, #tpu.memory_space<semaphore_mem>>
        %dma_start3A_359 = arith.constant 0 : i32
        %dma_start3A_360 = tpu.memref_slice %arg6[%run_scoped3A, %run_scoped3A_197, %dma_start3A_359] : memref<3x2x112xi32, #tpu.memory_space<vmem>> -> memref<1x1x112xi32, #tpu.memory_space<vmem>>
        %dma_start3A_361 = tpu.memref_squeeze %dma_start3A_360 : memref<1x1x112xi32, #tpu.memory_space<vmem>> -> memref<112xi32, #tpu.memory_space<vmem>>
        %dma_start3A_362 = arith.constant 0 : i32
        %dma_start3A_363 = arith.constant 0 : i32
        %dma_start3A_364 = tpu.memref_slice %arg11[%dma_start3A_362, %dma_start3A_363] : memref<10240x128xf32, #tpu.memory_space<vmem_shared>> -> memref<10240x128xf32, #tpu.memory_space<vmem_shared>>
        tpu.enqueue_indirect_dma source(%arg8 : memref<112x128xf32, #tpu.memory_space<vmem>>) target(%dma_start3A_364 : memref<10240x128xf32, #tpu.memory_space<vmem_shared>>) offsets(%dma_start3A_361 : memref<112xi32, #tpu.memory_space<vmem>>) semaphore(%run_scoped3A_358 : memref<!tpu.dma_semaphore, #tpu.memory_space<semaphore_mem>>) {add = true}
        %dma_wait3A_365 = arith.constant 0 : i32
        %dma_wait3A_366 = tpu.memref_slice %arg6[%run_scoped3A, %run_scoped3A_197, %dma_wait3A_365] : memref<3x2x112xi32, #tpu.memory_space<vmem>> -> memref<1x1x112xi32, #tpu.memory_space<vmem>>
        %dma_wait3A_367 = tpu.memref_squeeze %dma_wait3A_366 : memref<1x1x112xi32, #tpu.memory_space<vmem>> -> memref<112xi32, #tpu.memory_space<vmem>>
        %dma_wait3A_368 = arith.constant 0 : i32
        %dma_wait3A_369 = arith.constant 0 : i32
        %dma_wait3A_370 = tpu.memref_slice %arg11[%dma_wait3A_368, %dma_wait3A_369] : memref<10240x128xf32, #tpu.memory_space<vmem_shared>> -> memref<10240x128xf32, #tpu.memory_space<vmem_shared>>
        tpu.wait_indirect_dma semaphore(%run_scoped3A_358 : memref<!tpu.dma_semaphore, #tpu.memory_space<semaphore_mem>>) src(%arg8 : memref<112x128xf32, #tpu.memory_space<vmem>>) dst(%dma_wait3A_370 : memref<10240x128xf32, #tpu.memory_space<vmem_shared>>)
        tpu.yield
      }) : () -> ()
      %add3A_198 = arith.constant 1 : i32
      %add3A_199 = arith.addi %mul3A_169, %add3A_198 : i32
      %add3A_200 = arith.constant 2 : i32
      %add3A_201 = arith.addi %add3A_199, %add3A_200 : i32
      %lt3A_202 = arith.constant 180 : i32
      %lt3A_203 = arith.cmpi slt, %add3A_201, %lt3A_202 : i32
      %convert_element_type3A_204 = arith.extui %lt3A_203 : i1 to i32
      %cond3A_205 = arith.constant 0 : i32
      %cond3A_206 = arith.cmpi ne, %convert_element_type3A_204, %cond3A_205 : i32
      scf.if %cond3A_206 {
        %add3A_358 = arith.constant 2 : i32
        %add3A_359 = arith.addi %add3A_199, %add3A_358 : i32
        %dma_start3A_360 = arith.constant 0 : i32
        %dma_start3A_361 = arith.constant 0 : i32
        %dma_start3A_362 = arith.constant 0 : i32
        %dma_start3A_363 = tpu.memref_slice %arg6[%dma_start3A_360, %dma_start3A_361, %dma_start3A_362] : memref<3x2x112xi32, #tpu.memory_space<vmem>> -> memref<1x2x112xi32, #tpu.memory_space<vmem>>
        %dma_start3A_364 = tpu.memref_squeeze %dma_start3A_363 : memref<1x2x112xi32, #tpu.memory_space<vmem>> -> memref<2x112xi32, #tpu.memory_space<vmem>>
        %dma_start3A_365 = arith.constant 0 : i32
        %dma_start3A_366 = arith.constant 0 : i32
        %dma_start3A_367 = tpu.memref_slice %arg3[%arg1, %add3A_359, %dma_start3A_365, %dma_start3A_366] : memref<16x180x2x112xi32, #tpu.memory_space<hbm>> -> memref<1x1x2x112xi32, #tpu.memory_space<hbm>>
        %dma_start3A_368 = tpu.memref_squeeze %dma_start3A_367 : memref<1x1x2x112xi32, #tpu.memory_space<hbm>> -> memref<2x112xi32, #tpu.memory_space<hbm>>
        %dma_start3A_369 = arith.constant 0 : i32
        %dma_start3A_370 = arith.constant 0 : i32
        %dma_start3A_371 = tpu.memref_slice %arg6[%dma_start3A_360, %dma_start3A_369, %dma_start3A_370] : memref<3x2x112xi32, #tpu.memory_space<vmem>> -> memref<1x2x112xi32, #tpu.memory_space<vmem>>
        %dma_start3A_372 = tpu.memref_squeeze %dma_start3A_371 : memref<1x2x112xi32, #tpu.memory_space<vmem>> -> memref<2x112xi32, #tpu.memory_space<vmem>>
        %dma_start3A_373 = arith.constant 0 : i32
        %dma_start3A_374 = arith.constant 0 : i32
        %dma_start3A_375 = tpu.memref_slice %arg3[%arg1, %add3A_359, %dma_start3A_373, %dma_start3A_374] : memref<16x180x2x112xi32, #tpu.memory_space<hbm>> -> memref<1x1x2x112xi32, #tpu.memory_space<hbm>>
        %dma_start3A_376 = tpu.memref_squeeze %dma_start3A_375 : memref<1x1x2x112xi32, #tpu.memory_space<hbm>> -> memref<2x112xi32, #tpu.memory_space<hbm>>
        tpu.enqueue_dma source(%dma_start3A_376 : memref<2x112xi32, #tpu.memory_space<hbm>>) target(%dma_start3A_372 : memref<2x112xi32, #tpu.memory_space<vmem>>) target_semaphore(%arg12 : memref<!tpu.dma_semaphore, #tpu.memory_space<semaphore_mem>>)
        %dma_start3A_377 = arith.constant 0 : i32
        %dma_start3A_378 = arith.constant 0 : i32
        %dma_start3A_379 = tpu.memref_slice %arg7[%dma_start3A_377, %dma_start3A_378] : memref<3x112xi32, #tpu.memory_space<vmem>> -> memref<1x112xi32, #tpu.memory_space<vmem>>
        %dma_start3A_380 = tpu.memref_squeeze %dma_start3A_379 : memref<1x112xi32, #tpu.memory_space<vmem>> -> memref<112xi32, #tpu.memory_space<vmem>>
        %dma_start3A_381 = arith.constant 0 : i32
        %dma_start3A_382 = tpu.memref_slice %arg4[%arg1, %add3A_359, %dma_start3A_381] : memref<16x180x112xi32, #tpu.memory_space<hbm>> -> memref<1x1x112xi32, #tpu.memory_space<hbm>>
        %dma_start3A_383 = tpu.memref_squeeze %dma_start3A_382 : memref<1x1x112xi32, #tpu.memory_space<hbm>> -> memref<112xi32, #tpu.memory_space<hbm>>
        %dma_start3A_384 = arith.constant 0 : i32
        %dma_start3A_385 = tpu.memref_slice %arg7[%dma_start3A_377, %dma_start3A_384] : memref<3x112xi32, #tpu.memory_space<vmem>> -> memref<1x112xi32, #tpu.memory_space<vmem>>
        %dma_start3A_386 = tpu.memref_squeeze %dma_start3A_385 : memref<1x112xi32, #tpu.memory_space<vmem>> -> memref<112xi32, #tpu.memory_space<vmem>>
        %dma_start3A_387 = arith.constant 0 : i32
        %dma_start3A_388 = tpu.memref_slice %arg4[%arg1, %add3A_359, %dma_start3A_387] : memref<16x180x112xi32, #tpu.memory_space<hbm>> -> memref<1x1x112xi32, #tpu.memory_space<hbm>>
        %dma_start3A_389 = tpu.memref_squeeze %dma_start3A_388 : memref<1x1x112xi32, #tpu.memory_space<hbm>> -> memref<112xi32, #tpu.memory_space<hbm>>
        tpu.enqueue_dma source(%dma_start3A_389 : memref<112xi32, #tpu.memory_space<hbm>>) target(%dma_start3A_386 : memref<112xi32, #tpu.memory_space<vmem>>) target_semaphore(%arg12 : memref<!tpu.dma_semaphore, #tpu.memory_space<semaphore_mem>>)
      } else {
      }
      %dma_wait3A_207 = arith.constant 1 : i32
      %dma_wait3A_208 = arith.constant 0 : i32
      %dma_wait3A_209 = arith.constant 0 : i32
      %dma_wait3A_210 = tpu.memref_slice %arg6[%dma_wait3A_207, %dma_wait3A_208, %dma_wait3A_209] : memref<3x2x112xi32, #tpu.memory_space<vmem>> -> memref<1x1x112xi32, #tpu.memory_space<vmem>>
      %dma_wait3A_211 = tpu.memref_squeeze %dma_wait3A_210 : memref<1x1x112xi32, #tpu.memory_space<vmem>> -> memref<112xi32, #tpu.memory_space<vmem>>
      %dma_wait3A_212 = arith.constant 0 : i32
      %dma_wait3A_213 = arith.constant 0 : i32
      %dma_wait3A_214 = tpu.memref_slice %arg2[%dma_wait3A_212, %dma_wait3A_213] : memref<10000x128xf32, #tpu.memory_space<hbm>> -> memref<10000x128xf32, #tpu.memory_space<hbm>>
      tpu.wait_indirect_dma semaphore(%arg16 : memref<!tpu.dma_semaphore, #tpu.memory_space<semaphore_mem>>) src(%dma_wait3A_214 : memref<10000x128xf32, #tpu.memory_space<hbm>>) dst(%arg9 : memref<112x128xf32, #tpu.memory_space<vmem>>)
      %scan3A_215 = arith.constant 0 : i32
      %scan3A_216 = arith.constant 0 : i32
      %scan3A_217 = arith.constant 28 : i32
      %scan3A_218 = arith.addi %scan3A_216, %scan3A_217 : i32
      %scan3A_219 = arith.constant 1 : i32
      scf.for %scan3A_358 = %scan3A_216 to %scan3A_218 step %scan3A_219  : i32 {
        %mul3A_359 = arith.constant 4 : i32
        %mul3A_360 = arith.muli %scan3A_358, %mul3A_359 : i32
        %add3A_361 = arith.constant 0 : i32
        %add3A_362 = arith.addi %mul3A_360, %add3A_361 : i32
        %broadcast_in_dim3A_363 = arith.constant 1 : i32
        %broadcast_in_dim3A_364 = vector.broadcast %broadcast_in_dim3A_363 : i32 to vector<16xi32>
        %broadcast_in_dim3A_365 = vector.broadcast %add3A_362 : i32 to vector<16xi32>
        %gather3A = tpu.vector_load_idx %arg7[%broadcast_in_dim3A_364, %broadcast_in_dim3A_365] : memref<3x112xi32, #tpu.memory_space<vmem>>[vector<16xi32>, vector<16xi32>], vector<16xi32>,
        %bitcast3A = vector.bitcast %gather3A : vector<16xi32> to vector<16xf32>
        %get3A = arith.index_cast %add3A_362 : i32 to index
        %get3A_366 = arith.constant 0 : index
        %get3A_367 = tpu.vector_load %arg9[%get3A, %get3A_366] {strides = array<i32>} : memref<112x128xf32, #tpu.memory_space<vmem>>, vector<16xf32>,
        %mul3A_368 = arith.mulf %get3A_367, %bitcast3A : vector<16xf32>
        %swap3A = arith.index_cast %add3A_362 : i32 to index
        %swap3A_369 = arith.constant 0 : index
        %swap3A_370 = tpu.vector_load %arg9[%swap3A, %swap3A_369] {strides = array<i32>} : memref<112x128xf32, #tpu.memory_space<vmem>>, vector<16xf32>,
        tpu.vector_store %arg9[%swap3A, %swap3A_369], %mul3A_368 {strides = array<i32>} : memref<112x128xf32, #tpu.memory_space<vmem>>, vector<16xf32>,
        %get3A_371 = arith.index_cast %add3A_362 : i32 to index
        %get3A_372 = arith.constant 16 : index
        %get3A_373 = tpu.vector_load %arg9[%get3A_371, %get3A_372] {strides = array<i32>} : memref<112x128xf32, #tpu.memory_space<vmem>>, vector<16xf32>,
        %mul3A_374 = arith.mulf %get3A_373, %bitcast3A : vector<16xf32>
        %swap3A_375 = arith.index_cast %add3A_362 : i32 to index
        %swap3A_376 = arith.constant 16 : index
        %swap3A_377 = tpu.vector_load %arg9[%swap3A_375, %swap3A_376] {strides = array<i32>} : memref<112x128xf32, #tpu.memory_space<vmem>>, vector<16xf32>,
        tpu.vector_store %arg9[%swap3A_375, %swap3A_376], %mul3A_374 {strides = array<i32>} : memref<112x128xf32, #tpu.memory_space<vmem>>, vector<16xf32>,
        %get3A_378 = arith.index_cast %add3A_362 : i32 to index
        %get3A_379 = arith.constant 32 : index
        %get3A_380 = tpu.vector_load %arg9[%get3A_378, %get3A_379] {strides = array<i32>} : memref<112x128xf32, #tpu.memory_space<vmem>>, vector<16xf32>,
        %mul3A_381 = arith.mulf %get3A_380, %bitcast3A : vector<16xf32>
        %swap3A_382 = arith.index_cast %add3A_362 : i32 to index
        %swap3A_383 = arith.constant 32 : index
        %swap3A_384 = tpu.vector_load %arg9[%swap3A_382, %swap3A_383] {strides = array<i32>} : memref<112x128xf32, #tpu.memory_space<vmem>>, vector<16xf32>,
        tpu.vector_store %arg9[%swap3A_382, %swap3A_383], %mul3A_381 {strides = array<i32>} : memref<112x128xf32, #tpu.memory_space<vmem>>, vector<16xf32>,
        %get3A_385 = arith.index_cast %add3A_362 : i32 to index
        %get3A_386 = arith.constant 48 : index
        %get3A_387 = tpu.vector_load %arg9[%get3A_385, %get3A_386] {strides = array<i32>} : memref<112x128xf32, #tpu.memory_space<vmem>>, vector<16xf32>,
        %mul3A_388 = arith.mulf %get3A_387, %bitcast3A : vector<16xf32>
        %swap3A_389 = arith.index_cast %add3A_362 : i32 to index
        %swap3A_390 = arith.constant 48 : index
        %swap3A_391 = tpu.vector_load %arg9[%swap3A_389, %swap3A_390] {strides = array<i32>} : memref<112x128xf32, #tpu.memory_space<vmem>>, vector<16xf32>,
        tpu.vector_store %arg9[%swap3A_389, %swap3A_390], %mul3A_388 {strides = array<i32>} : memref<112x128xf32, #tpu.memory_space<vmem>>, vector<16xf32>,
        %get3A_392 = arith.index_cast %add3A_362 : i32 to index
        %get3A_393 = arith.constant 64 : index
        %get3A_394 = tpu.vector_load %arg9[%get3A_392, %get3A_393] {strides = array<i32>} : memref<112x128xf32, #tpu.memory_space<vmem>>, vector<16xf32>,
        %mul3A_395 = arith.mulf %get3A_394, %bitcast3A : vector<16xf32>
        %swap3A_396 = arith.index_cast %add3A_362 : i32 to index
        %swap3A_397 = arith.constant 64 : index
        %swap3A_398 = tpu.vector_load %arg9[%swap3A_396, %swap3A_397] {strides = array<i32>} : memref<112x128xf32, #tpu.memory_space<vmem>>, vector<16xf32>,
        tpu.vector_store %arg9[%swap3A_396, %swap3A_397], %mul3A_395 {strides = array<i32>} : memref<112x128xf32, #tpu.memory_space<vmem>>, vector<16xf32>,
        %get3A_399 = arith.index_cast %add3A_362 : i32 to index
        %get3A_400 = arith.constant 80 : index
        %get3A_401 = tpu.vector_load %arg9[%get3A_399, %get3A_400] {strides = array<i32>} : memref<112x128xf32, #tpu.memory_space<vmem>>, vector<16xf32>,
        %mul3A_402 = arith.mulf %get3A_401, %bitcast3A : vector<16xf32>
        %swap3A_403 = arith.index_cast %add3A_362 : i32 to index
        %swap3A_404 = arith.constant 80 : index
        %swap3A_405 = tpu.vector_load %arg9[%swap3A_403, %swap3A_404] {strides = array<i32>} : memref<112x128xf32, #tpu.memory_space<vmem>>, vector<16xf32>,
        tpu.vector_store %arg9[%swap3A_403, %swap3A_404], %mul3A_402 {strides = array<i32>} : memref<112x128xf32, #tpu.memory_space<vmem>>, vector<16xf32>,
        %get3A_406 = arith.index_cast %add3A_362 : i32 to index
        %get3A_407 = arith.constant 96 : index
        %get3A_408 = tpu.vector_load %arg9[%get3A_406, %get3A_407] {strides = array<i32>} : memref<112x128xf32, #tpu.memory_space<vmem>>, vector<16xf32>,
        %mul3A_409 = arith.mulf %get3A_408, %bitcast3A : vector<16xf32>
        %swap3A_410 = arith.index_cast %add3A_362 : i32 to index
        %swap3A_411 = arith.constant 96 : index
        %swap3A_412 = tpu.vector_load %arg9[%swap3A_410, %swap3A_411] {strides = array<i32>} : memref<112x128xf32, #tpu.memory_space<vmem>>, vector<16xf32>,
        tpu.vector_store %arg9[%swap3A_410, %swap3A_411], %mul3A_409 {strides = array<i32>} : memref<112x128xf32, #tpu.memory_space<vmem>>, vector<16xf32>,
        %get3A_413 = arith.index_cast %add3A_362 : i32 to index
        %get3A_414 = arith.constant 112 : index
        %get3A_415 = tpu.vector_load %arg9[%get3A_413, %get3A_414] {strides = array<i32>} : memref<112x128xf32, #tpu.memory_space<vmem>>, vector<16xf32>,
        %mul3A_416 = arith.mulf %get3A_415, %bitcast3A : vector<16xf32>
        %swap3A_417 = arith.index_cast %add3A_362 : i32 to index
        %swap3A_418 = arith.constant 112 : index
        %swap3A_419 = tpu.vector_load %arg9[%swap3A_417, %swap3A_418] {strides = array<i32>} : memref<112x128xf32, #tpu.memory_space<vmem>>, vector<16xf32>,
        tpu.vector_store %arg9[%swap3A_417, %swap3A_418], %mul3A_416 {strides = array<i32>} : memref<112x128xf32, #tpu.memory_space<vmem>>, vector<16xf32>,
        %mul3A_420 = arith.constant 4 : i32
        %mul3A_421 = arith.muli %scan3A_358, %mul3A_420 : i32
        %add3A_422 = arith.constant 1 : i32
        %add3A_423 = arith.addi %mul3A_421, %add3A_422 : i32
        %broadcast_in_dim3A_424 = arith.constant 1 : i32
        %broadcast_in_dim3A_425 = vector.broadcast %broadcast_in_dim3A_424 : i32 to vector<16xi32>
        %broadcast_in_dim3A_426 = vector.broadcast %add3A_423 : i32 to vector<16xi32>
        %gather3A_427 = tpu.vector_load_idx %arg7[%broadcast_in_dim3A_425, %broadcast_in_dim3A_426] : memref<3x112xi32, #tpu.memory_space<vmem>>[vector<16xi32>, vector<16xi32>], vector<16xi32>,
        %bitcast3A_428 = vector.bitcast %gather3A_427 : vector<16xi32> to vector<16xf32>
        %get3A_429 = arith.index_cast %add3A_423 : i32 to index
        %get3A_430 = arith.constant 0 : index
        %get3A_431 = tpu.vector_load %arg9[%get3A_429, %get3A_430] {strides = array<i32>} : memref<112x128xf32, #tpu.memory_space<vmem>>, vector<16xf32>,
        %mul3A_432 = arith.mulf %get3A_431, %bitcast3A_428 : vector<16xf32>
        %swap3A_433 = arith.index_cast %add3A_423 : i32 to index
        %swap3A_434 = arith.constant 0 : index
        %swap3A_435 = tpu.vector_load %arg9[%swap3A_433, %swap3A_434] {strides = array<i32>} : memref<112x128xf32, #tpu.memory_space<vmem>>, vector<16xf32>,
        tpu.vector_store %arg9[%swap3A_433, %swap3A_434], %mul3A_432 {strides = array<i32>} : memref<112x128xf32, #tpu.memory_space<vmem>>, vector<16xf32>,
        %get3A_436 = arith.index_cast %add3A_423 : i32 to index
        %get3A_437 = arith.constant 16 : index
        %get3A_438 = tpu.vector_load %arg9[%get3A_436, %get3A_437] {strides = array<i32>} : memref<112x128xf32, #tpu.memory_space<vmem>>, vector<16xf32>,
        %mul3A_439 = arith.mulf %get3A_438, %bitcast3A_428 : vector<16xf32>
        %swap3A_440 = arith.index_cast %add3A_423 : i32 to index
        %swap3A_441 = arith.constant 16 : index
        %swap3A_442 = tpu.vector_load %arg9[%swap3A_440, %swap3A_441] {strides = array<i32>} : memref<112x128xf32, #tpu.memory_space<vmem>>, vector<16xf32>,
        tpu.vector_store %arg9[%swap3A_440, %swap3A_441], %mul3A_439 {strides = array<i32>} : memref<112x128xf32, #tpu.memory_space<vmem>>, vector<16xf32>,
        %get3A_443 = arith.index_cast %add3A_423 : i32 to index
        %get3A_444 = arith.constant 32 : index
        %get3A_445 = tpu.vector_load %arg9[%get3A_443, %get3A_444] {strides = array<i32>} : memref<112x128xf32, #tpu.memory_space<vmem>>, vector<16xf32>,
        %mul3A_446 = arith.mulf %get3A_445, %bitcast3A_428 : vector<16xf32>
        %swap3A_447 = arith.index_cast %add3A_423 : i32 to index
        %swap3A_448 = arith.constant 32 : index
        %swap3A_449 = tpu.vector_load %arg9[%swap3A_447, %swap3A_448] {strides = array<i32>} : memref<112x128xf32, #tpu.memory_space<vmem>>, vector<16xf32>,
        tpu.vector_store %arg9[%swap3A_447, %swap3A_448], %mul3A_446 {strides = array<i32>} : memref<112x128xf32, #tpu.memory_space<vmem>>, vector<16xf32>,
        %get3A_450 = arith.index_cast %add3A_423 : i32 to index
        %get3A_451 = arith.constant 48 : index
        %get3A_452 = tpu.vector_load %arg9[%get3A_450, %get3A_451] {strides = array<i32>} : memref<112x128xf32, #tpu.memory_space<vmem>>, vector<16xf32>,
        %mul3A_453 = arith.mulf %get3A_452, %bitcast3A_428 : vector<16xf32>
        %swap3A_454 = arith.index_cast %add3A_423 : i32 to index
        %swap3A_455 = arith.constant 48 : index
        %swap3A_456 = tpu.vector_load %arg9[%swap3A_454, %swap3A_455] {strides = array<i32>} : memref<112x128xf32, #tpu.memory_space<vmem>>, vector<16xf32>,
        tpu.vector_store %arg9[%swap3A_454, %swap3A_455], %mul3A_453 {strides = array<i32>} : memref<112x128xf32, #tpu.memory_space<vmem>>, vector<16xf32>,
        %get3A_457 = arith.index_cast %add3A_423 : i32 to index
        %get3A_458 = arith.constant 64 : index
        %get3A_459 = tpu.vector_load %arg9[%get3A_457, %get3A_458] {strides = array<i32>} : memref<112x128xf32, #tpu.memory_space<vmem>>, vector<16xf32>,
        %mul3A_460 = arith.mulf %get3A_459, %bitcast3A_428 : vector<16xf32>
        %swap3A_461 = arith.index_cast %add3A_423 : i32 to index
        %swap3A_462 = arith.constant 64 : index
        %swap3A_463 = tpu.vector_load %arg9[%swap3A_461, %swap3A_462] {strides = array<i32>} : memref<112x128xf32, #tpu.memory_space<vmem>>, vector<16xf32>,
        tpu.vector_store %arg9[%swap3A_461, %swap3A_462], %mul3A_460 {strides = array<i32>} : memref<112x128xf32, #tpu.memory_space<vmem>>, vector<16xf32>,
        %get3A_464 = arith.index_cast %add3A_423 : i32 to index
        %get3A_465 = arith.constant 80 : index
        %get3A_466 = tpu.vector_load %arg9[%get3A_464, %get3A_465] {strides = array<i32>} : memref<112x128xf32, #tpu.memory_space<vmem>>, vector<16xf32>,
        %mul3A_467 = arith.mulf %get3A_466, %bitcast3A_428 : vector<16xf32>
        %swap3A_468 = arith.index_cast %add3A_423 : i32 to index
        %swap3A_469 = arith.constant 80 : index
        %swap3A_470 = tpu.vector_load %arg9[%swap3A_468, %swap3A_469] {strides = array<i32>} : memref<112x128xf32, #tpu.memory_space<vmem>>, vector<16xf32>,
        tpu.vector_store %arg9[%swap3A_468, %swap3A_469], %mul3A_467 {strides = array<i32>} : memref<112x128xf32, #tpu.memory_space<vmem>>, vector<16xf32>,
        %get3A_471 = arith.index_cast %add3A_423 : i32 to index
        %get3A_472 = arith.constant 96 : index
        %get3A_473 = tpu.vector_load %arg9[%get3A_471, %get3A_472] {strides = array<i32>} : memref<112x128xf32, #tpu.memory_space<vmem>>, vector<16xf32>,
        %mul3A_474 = arith.mulf %get3A_473, %bitcast3A_428 : vector<16xf32>
        %swap3A_475 = arith.index_cast %add3A_423 : i32 to index
        %swap3A_476 = arith.constant 96 : index
        %swap3A_477 = tpu.vector_load %arg9[%swap3A_475, %swap3A_476] {strides = array<i32>} : memref<112x128xf32, #tpu.memory_space<vmem>>, vector<16xf32>,
        tpu.vector_store %arg9[%swap3A_475, %swap3A_476], %mul3A_474 {strides = array<i32>} : memref<112x128xf32, #tpu.memory_space<vmem>>, vector<16xf32>,
        %get3A_478 = arith.index_cast %add3A_423 : i32 to index
        %get3A_479 = arith.constant 112 : index
        %get3A_480 = tpu.vector_load %arg9[%get3A_478, %get3A_479] {strides = array<i32>} : memref<112x128xf32, #tpu.memory_space<vmem>>, vector<16xf32>,
        %mul3A_481 = arith.mulf %get3A_480, %bitcast3A_428 : vector<16xf32>
        %swap3A_482 = arith.index_cast %add3A_423 : i32 to index
        %swap3A_483 = arith.constant 112 : index
        %swap3A_484 = tpu.vector_load %arg9[%swap3A_482, %swap3A_483] {strides = array<i32>} : memref<112x128xf32, #tpu.memory_space<vmem>>, vector<16xf32>,
        tpu.vector_store %arg9[%swap3A_482, %swap3A_483], %mul3A_481 {strides = array<i32>} : memref<112x128xf32, #tpu.memory_space<vmem>>, vector<16xf32>,
        %mul3A_485 = arith.constant 4 : i32
        %mul3A_486 = arith.muli %scan3A_358, %mul3A_485 : i32
        %add3A_487 = arith.constant 2 : i32
        %add3A_488 = arith.addi %mul3A_486, %add3A_487 : i32
        %broadcast_in_dim3A_489 = arith.constant 1 : i32
        %broadcast_in_dim3A_490 = vector.broadcast %broadcast_in_dim3A_489 : i32 to vector<16xi32>
        %broadcast_in_dim3A_491 = vector.broadcast %add3A_488 : i32 to vector<16xi32>
        %gather3A_492 = tpu.vector_load_idx %arg7[%broadcast_in_dim3A_490, %broadcast_in_dim3A_491] : memref<3x112xi32, #tpu.memory_space<vmem>>[vector<16xi32>, vector<16xi32>], vector<16xi32>,
        %bitcast3A_493 = vector.bitcast %gather3A_492 : vector<16xi32> to vector<16xf32>
        %get3A_494 = arith.index_cast %add3A_488 : i32 to index
        %get3A_495 = arith.constant 0 : index
        %get3A_496 = tpu.vector_load %arg9[%get3A_494, %get3A_495] {strides = array<i32>} : memref<112x128xf32, #tpu.memory_space<vmem>>, vector<16xf32>,
        %mul3A_497 = arith.mulf %get3A_496, %bitcast3A_493 : vector<16xf32>
        %swap3A_498 = arith.index_cast %add3A_488 : i32 to index
        %swap3A_499 = arith.constant 0 : index
        %swap3A_500 = tpu.vector_load %arg9[%swap3A_498, %swap3A_499] {strides = array<i32>} : memref<112x128xf32, #tpu.memory_space<vmem>>, vector<16xf32>,
        tpu.vector_store %arg9[%swap3A_498, %swap3A_499], %mul3A_497 {strides = array<i32>} : memref<112x128xf32, #tpu.memory_space<vmem>>, vector<16xf32>,
        %get3A_501 = arith.index_cast %add3A_488 : i32 to index
        %get3A_502 = arith.constant 16 : index
        %get3A_503 = tpu.vector_load %arg9[%get3A_501, %get3A_502] {strides = array<i32>} : memref<112x128xf32, #tpu.memory_space<vmem>>, vector<16xf32>,
        %mul3A_504 = arith.mulf %get3A_503, %bitcast3A_493 : vector<16xf32>
        %swap3A_505 = arith.index_cast %add3A_488 : i32 to index
        %swap3A_506 = arith.constant 16 : index
        %swap3A_507 = tpu.vector_load %arg9[%swap3A_505, %swap3A_506] {strides = array<i32>} : memref<112x128xf32, #tpu.memory_space<vmem>>, vector<16xf32>,
        tpu.vector_store %arg9[%swap3A_505, %swap3A_506], %mul3A_504 {strides = array<i32>} : memref<112x128xf32, #tpu.memory_space<vmem>>, vector<16xf32>,
        %get3A_508 = arith.index_cast %add3A_488 : i32 to index
        %get3A_509 = arith.constant 32 : index
        %get3A_510 = tpu.vector_load %arg9[%get3A_508, %get3A_509] {strides = array<i32>} : memref<112x128xf32, #tpu.memory_space<vmem>>, vector<16xf32>,
        %mul3A_511 = arith.mulf %get3A_510, %bitcast3A_493 : vector<16xf32>
        %swap3A_512 = arith.index_cast %add3A_488 : i32 to index
        %swap3A_513 = arith.constant 32 : index
        %swap3A_514 = tpu.vector_load %arg9[%swap3A_512, %swap3A_513] {strides = array<i32>} : memref<112x128xf32, #tpu.memory_space<vmem>>, vector<16xf32>,
        tpu.vector_store %arg9[%swap3A_512, %swap3A_513], %mul3A_511 {strides = array<i32>} : memref<112x128xf32, #tpu.memory_space<vmem>>, vector<16xf32>,
        %get3A_515 = arith.index_cast %add3A_488 : i32 to index
        %get3A_516 = arith.constant 48 : index
        %get3A_517 = tpu.vector_load %arg9[%get3A_515, %get3A_516] {strides = array<i32>} : memref<112x128xf32, #tpu.memory_space<vmem>>, vector<16xf32>,
        %mul3A_518 = arith.mulf %get3A_517, %bitcast3A_493 : vector<16xf32>
        %swap3A_519 = arith.index_cast %add3A_488 : i32 to index
        %swap3A_520 = arith.constant 48 : index
        %swap3A_521 = tpu.vector_load %arg9[%swap3A_519, %swap3A_520] {strides = array<i32>} : memref<112x128xf32, #tpu.memory_space<vmem>>, vector<16xf32>,
        tpu.vector_store %arg9[%swap3A_519, %swap3A_520], %mul3A_518 {strides = array<i32>} : memref<112x128xf32, #tpu.memory_space<vmem>>, vector<16xf32>,
        %get3A_522 = arith.index_cast %add3A_488 : i32 to index
        %get3A_523 = arith.constant 64 : index
        %get3A_524 = tpu.vector_load %arg9[%get3A_522, %get3A_523] {strides = array<i32>} : memref<112x128xf32, #tpu.memory_space<vmem>>, vector<16xf32>,
        %mul3A_525 = arith.mulf %get3A_524, %bitcast3A_493 : vector<16xf32>
        %swap3A_526 = arith.index_cast %add3A_488 : i32 to index
        %swap3A_527 = arith.constant 64 : index
        %swap3A_528 = tpu.vector_load %arg9[%swap3A_526, %swap3A_527] {strides = array<i32>} : memref<112x128xf32, #tpu.memory_space<vmem>>, vector<16xf32>,
        tpu.vector_store %arg9[%swap3A_526, %swap3A_527], %mul3A_525 {strides = array<i32>} : memref<112x128xf32, #tpu.memory_space<vmem>>, vector<16xf32>,
        %get3A_529 = arith.index_cast %add3A_488 : i32 to index
        %get3A_530 = arith.constant 80 : index
        %get3A_531 = tpu.vector_load %arg9[%get3A_529, %get3A_530] {strides = array<i32>} : memref<112x128xf32, #tpu.memory_space<vmem>>, vector<16xf32>,
        %mul3A_532 = arith.mulf %get3A_531, %bitcast3A_493 : vector<16xf32>
        %swap3A_533 = arith.index_cast %add3A_488 : i32 to index
        %swap3A_534 = arith.constant 80 : index
        %swap3A_535 = tpu.vector_load %arg9[%swap3A_533, %swap3A_534] {strides = array<i32>} : memref<112x128xf32, #tpu.memory_space<vmem>>, vector<16xf32>,
        tpu.vector_store %arg9[%swap3A_533, %swap3A_534], %mul3A_532 {strides = array<i32>} : memref<112x128xf32, #tpu.memory_space<vmem>>, vector<16xf32>,
        %get3A_536 = arith.index_cast %add3A_488 : i32 to index
        %get3A_537 = arith.constant 96 : index
        %get3A_538 = tpu.vector_load %arg9[%get3A_536, %get3A_537] {strides = array<i32>} : memref<112x128xf32, #tpu.memory_space<vmem>>, vector<16xf32>,
        %mul3A_539 = arith.mulf %get3A_538, %bitcast3A_493 : vector<16xf32>
        %swap3A_540 = arith.index_cast %add3A_488 : i32 to index
        %swap3A_541 = arith.constant 96 : index
        %swap3A_542 = tpu.vector_load %arg9[%swap3A_540, %swap3A_541] {strides = array<i32>} : memref<112x128xf32, #tpu.memory_space<vmem>>, vector<16xf32>,
        tpu.vector_store %arg9[%swap3A_540, %swap3A_541], %mul3A_539 {strides = array<i32>} : memref<112x128xf32, #tpu.memory_space<vmem>>, vector<16xf32>,
        %get3A_543 = arith.index_cast %add3A_488 : i32 to index
        %get3A_544 = arith.constant 112 : index
        %get3A_545 = tpu.vector_load %arg9[%get3A_543, %get3A_544] {strides = array<i32>} : memref<112x128xf32, #tpu.memory_space<vmem>>, vector<16xf32>,
        %mul3A_546 = arith.mulf %get3A_545, %bitcast3A_493 : vector<16xf32>
        %swap3A_547 = arith.index_cast %add3A_488 : i32 to index
        %swap3A_548 = arith.constant 112 : index
        %swap3A_549 = tpu.vector_load %arg9[%swap3A_547, %swap3A_548] {strides = array<i32>} : memref<112x128xf32, #tpu.memory_space<vmem>>, vector<16xf32>,
        tpu.vector_store %arg9[%swap3A_547, %swap3A_548], %mul3A_546 {strides = array<i32>} : memref<112x128xf32, #tpu.memory_space<vmem>>, vector<16xf32>,
        %mul3A_550 = arith.constant 4 : i32
        %mul3A_551 = arith.muli %scan3A_358, %mul3A_550 : i32
        %add3A_552 = arith.constant 3 : i32
        %add3A_553 = arith.addi %mul3A_551, %add3A_552 : i32
        %broadcast_in_dim3A_554 = arith.constant 1 : i32
        %broadcast_in_dim3A_555 = vector.broadcast %broadcast_in_dim3A_554 : i32 to vector<16xi32>
        %broadcast_in_dim3A_556 = vector.broadcast %add3A_553 : i32 to vector<16xi32>
        %gather3A_557 = tpu.vector_load_idx %arg7[%broadcast_in_dim3A_555, %broadcast_in_dim3A_556] : memref<3x112xi32, #tpu.memory_space<vmem>>[vector<16xi32>, vector<16xi32>], vector<16xi32>,
        %bitcast3A_558 = vector.bitcast %gather3A_557 : vector<16xi32> to vector<16xf32>
        %get3A_559 = arith.index_cast %add3A_553 : i32 to index
        %get3A_560 = arith.constant 0 : index
        %get3A_561 = tpu.vector_load %arg9[%get3A_559, %get3A_560] {strides = array<i32>} : memref<112x128xf32, #tpu.memory_space<vmem>>, vector<16xf32>,
        %mul3A_562 = arith.mulf %get3A_561, %bitcast3A_558 : vector<16xf32>
        %swap3A_563 = arith.index_cast %add3A_553 : i32 to index
        %swap3A_564 = arith.constant 0 : index
        %swap3A_565 = tpu.vector_load %arg9[%swap3A_563, %swap3A_564] {strides = array<i32>} : memref<112x128xf32, #tpu.memory_space<vmem>>, vector<16xf32>,
        tpu.vector_store %arg9[%swap3A_563, %swap3A_564], %mul3A_562 {strides = array<i32>} : memref<112x128xf32, #tpu.memory_space<vmem>>, vector<16xf32>,
        %get3A_566 = arith.index_cast %add3A_553 : i32 to index
        %get3A_567 = arith.constant 16 : index
        %get3A_568 = tpu.vector_load %arg9[%get3A_566, %get3A_567] {strides = array<i32>} : memref<112x128xf32, #tpu.memory_space<vmem>>, vector<16xf32>,
        %mul3A_569 = arith.mulf %get3A_568, %bitcast3A_558 : vector<16xf32>
        %swap3A_570 = arith.index_cast %add3A_553 : i32 to index
        %swap3A_571 = arith.constant 16 : index
        %swap3A_572 = tpu.vector_load %arg9[%swap3A_570, %swap3A_571] {strides = array<i32>} : memref<112x128xf32, #tpu.memory_space<vmem>>, vector<16xf32>,
        tpu.vector_store %arg9[%swap3A_570, %swap3A_571], %mul3A_569 {strides = array<i32>} : memref<112x128xf32, #tpu.memory_space<vmem>>, vector<16xf32>,
        %get3A_573 = arith.index_cast %add3A_553 : i32 to index
        %get3A_574 = arith.constant 32 : index
        %get3A_575 = tpu.vector_load %arg9[%get3A_573, %get3A_574] {strides = array<i32>} : memref<112x128xf32, #tpu.memory_space<vmem>>, vector<16xf32>,
        %mul3A_576 = arith.mulf %get3A_575, %bitcast3A_558 : vector<16xf32>
        %swap3A_577 = arith.index_cast %add3A_553 : i32 to index
        %swap3A_578 = arith.constant 32 : index
        %swap3A_579 = tpu.vector_load %arg9[%swap3A_577, %swap3A_578] {strides = array<i32>} : memref<112x128xf32, #tpu.memory_space<vmem>>, vector<16xf32>,
        tpu.vector_store %arg9[%swap3A_577, %swap3A_578], %mul3A_576 {strides = array<i32>} : memref<112x128xf32, #tpu.memory_space<vmem>>, vector<16xf32>,
        %get3A_580 = arith.index_cast %add3A_553 : i32 to index
        %get3A_581 = arith.constant 48 : index
        %get3A_582 = tpu.vector_load %arg9[%get3A_580, %get3A_581] {strides = array<i32>} : memref<112x128xf32, #tpu.memory_space<vmem>>, vector<16xf32>,
        %mul3A_583 = arith.mulf %get3A_582, %bitcast3A_558 : vector<16xf32>
        %swap3A_584 = arith.index_cast %add3A_553 : i32 to index
        %swap3A_585 = arith.constant 48 : index
        %swap3A_586 = tpu.vector_load %arg9[%swap3A_584, %swap3A_585] {strides = array<i32>} : memref<112x128xf32, #tpu.memory_space<vmem>>, vector<16xf32>,
        tpu.vector_store %arg9[%swap3A_584, %swap3A_585], %mul3A_583 {strides = array<i32>} : memref<112x128xf32, #tpu.memory_space<vmem>>, vector<16xf32>,
        %get3A_587 = arith.index_cast %add3A_553 : i32 to index
        %get3A_588 = arith.constant 64 : index
        %get3A_589 = tpu.vector_load %arg9[%get3A_587, %get3A_588] {strides = array<i32>} : memref<112x128xf32, #tpu.memory_space<vmem>>, vector<16xf32>,
        %mul3A_590 = arith.mulf %get3A_589, %bitcast3A_558 : vector<16xf32>
        %swap3A_591 = arith.index_cast %add3A_553 : i32 to index
        %swap3A_592 = arith.constant 64 : index
        %swap3A_593 = tpu.vector_load %arg9[%swap3A_591, %swap3A_592] {strides = array<i32>} : memref<112x128xf32, #tpu.memory_space<vmem>>, vector<16xf32>,
        tpu.vector_store %arg9[%swap3A_591, %swap3A_592], %mul3A_590 {strides = array<i32>} : memref<112x128xf32, #tpu.memory_space<vmem>>, vector<16xf32>,
        %get3A_594 = arith.index_cast %add3A_553 : i32 to index
        %get3A_595 = arith.constant 80 : index
        %get3A_596 = tpu.vector_load %arg9[%get3A_594, %get3A_595] {strides = array<i32>} : memref<112x128xf32, #tpu.memory_space<vmem>>, vector<16xf32>,
        %mul3A_597 = arith.mulf %get3A_596, %bitcast3A_558 : vector<16xf32>
        %swap3A_598 = arith.index_cast %add3A_553 : i32 to index
        %swap3A_599 = arith.constant 80 : index
        %swap3A_600 = tpu.vector_load %arg9[%swap3A_598, %swap3A_599] {strides = array<i32>} : memref<112x128xf32, #tpu.memory_space<vmem>>, vector<16xf32>,
        tpu.vector_store %arg9[%swap3A_598, %swap3A_599], %mul3A_597 {strides = array<i32>} : memref<112x128xf32, #tpu.memory_space<vmem>>, vector<16xf32>,
        %get3A_601 = arith.index_cast %add3A_553 : i32 to index
        %get3A_602 = arith.constant 96 : index
        %get3A_603 = tpu.vector_load %arg9[%get3A_601, %get3A_602] {strides = array<i32>} : memref<112x128xf32, #tpu.memory_space<vmem>>, vector<16xf32>,
        %mul3A_604 = arith.mulf %get3A_603, %bitcast3A_558 : vector<16xf32>
        %swap3A_605 = arith.index_cast %add3A_553 : i32 to index
        %swap3A_606 = arith.constant 96 : index
        %swap3A_607 = tpu.vector_load %arg9[%swap3A_605, %swap3A_606] {strides = array<i32>} : memref<112x128xf32, #tpu.memory_space<vmem>>, vector<16xf32>,
        tpu.vector_store %arg9[%swap3A_605, %swap3A_606], %mul3A_604 {strides = array<i32>} : memref<112x128xf32, #tpu.memory_space<vmem>>, vector<16xf32>,
        %get3A_608 = arith.index_cast %add3A_553 : i32 to index
        %get3A_609 = arith.constant 112 : index
        %get3A_610 = tpu.vector_load %arg9[%get3A_608, %get3A_609] {strides = array<i32>} : memref<112x128xf32, #tpu.memory_space<vmem>>, vector<16xf32>,
        %mul3A_611 = arith.mulf %get3A_610, %bitcast3A_558 : vector<16xf32>
        %swap3A_612 = arith.index_cast %add3A_553 : i32 to index
        %swap3A_613 = arith.constant 112 : index
        %swap3A_614 = tpu.vector_load %arg9[%swap3A_612, %swap3A_613] {strides = array<i32>} : memref<112x128xf32, #tpu.memory_space<vmem>>, vector<16xf32>,
        tpu.vector_store %arg9[%swap3A_612, %swap3A_613], %mul3A_611 {strides = array<i32>} : memref<112x128xf32, #tpu.memory_space<vmem>>, vector<16xf32>,
      }
      %scan3A_220 = arith.constant 28 : i32
      %add3A_221 = arith.constant 2 : i32
      %add3A_222 = arith.addi %add3A_199, %add3A_221 : i32
      %lt3A_223 = arith.constant 180 : i32
      %lt3A_224 = arith.cmpi slt, %add3A_222, %lt3A_223 : i32
      %convert_element_type3A_225 = arith.extui %lt3A_224 : i1 to i32
      %cond3A_226 = arith.constant 0 : i32
      %cond3A_227 = arith.cmpi ne, %convert_element_type3A_225, %cond3A_226 : i32
      scf.if %cond3A_227 {
        %add3A_358 = arith.constant 2 : i32
        %add3A_359 = arith.addi %add3A_199, %add3A_358 : i32
        %dma_wait3A_360 = arith.constant 0 : i32
        %dma_wait3A_361 = arith.constant 0 : i32
        %dma_wait3A_362 = arith.constant 0 : i32
        %dma_wait3A_363 = tpu.memref_slice %arg6[%dma_wait3A_360, %dma_wait3A_361, %dma_wait3A_362] : memref<3x2x112xi32, #tpu.memory_space<vmem>> -> memref<1x2x112xi32, #tpu.memory_space<vmem>>
        %dma_wait3A_364 = tpu.memref_squeeze %dma_wait3A_363 : memref<1x2x112xi32, #tpu.memory_space<vmem>> -> memref<2x112xi32, #tpu.memory_space<vmem>>
        %dma_wait3A_365 = arith.constant 0 : i32
        %dma_wait3A_366 = arith.constant 0 : i32
        %dma_wait3A_367 = tpu.memref_slice %arg3[%arg1, %add3A_359, %dma_wait3A_365, %dma_wait3A_366] : memref<16x180x2x112xi32, #tpu.memory_space<hbm>> -> memref<1x1x2x112xi32, #tpu.memory_space<hbm>>
        %dma_wait3A_368 = tpu.memref_squeeze %dma_wait3A_367 : memref<1x1x2x112xi32, #tpu.memory_space<hbm>> -> memref<2x112xi32, #tpu.memory_space<hbm>>
        %dma_wait3A_369 = arith.constant 0 : i32
        %dma_wait3A_370 = arith.constant 0 : i32
        %dma_wait3A_371 = tpu.memref_slice %arg6[%dma_wait3A_360, %dma_wait3A_369, %dma_wait3A_370] : memref<3x2x112xi32, #tpu.memory_space<vmem>> -> memref<1x2x112xi32, #tpu.memory_space<vmem>>
        %dma_wait3A_372 = tpu.memref_squeeze %dma_wait3A_371 : memref<1x2x112xi32, #tpu.memory_space<vmem>> -> memref<2x112xi32, #tpu.memory_space<vmem>>
        %dma_wait3A_373 = arith.constant 0 : i32
        %dma_wait3A_374 = arith.constant 0 : i32
        %dma_wait3A_375 = tpu.memref_slice %arg3[%arg1, %add3A_359, %dma_wait3A_373, %dma_wait3A_374] : memref<16x180x2x112xi32, #tpu.memory_space<hbm>> -> memref<1x1x2x112xi32, #tpu.memory_space<hbm>>
        %dma_wait3A_376 = tpu.memref_squeeze %dma_wait3A_375 : memref<1x1x2x112xi32, #tpu.memory_space<hbm>> -> memref<2x112xi32, #tpu.memory_space<hbm>>
        tpu.wait_dma2 semaphore(%arg12 : memref<!tpu.dma_semaphore, #tpu.memory_space<semaphore_mem>>) src(%dma_wait3A_376 : memref<2x112xi32, #tpu.memory_space<hbm>>) dst(%dma_wait3A_372 : memref<2x112xi32, #tpu.memory_space<vmem>>)
        %dma_wait3A_377 = arith.constant 0 : i32
        %dma_wait3A_378 = arith.constant 0 : i32
        %dma_wait3A_379 = tpu.memref_slice %arg7[%dma_wait3A_377, %dma_wait3A_378] : memref<3x112xi32, #tpu.memory_space<vmem>> -> memref<1x112xi32, #tpu.memory_space<vmem>>
        %dma_wait3A_380 = tpu.memref_squeeze %dma_wait3A_379 : memref<1x112xi32, #tpu.memory_space<vmem>> -> memref<112xi32, #tpu.memory_space<vmem>>
        %dma_wait3A_381 = arith.constant 0 : i32
        %dma_wait3A_382 = tpu.memref_slice %arg4[%arg1, %add3A_359, %dma_wait3A_381] : memref<16x180x112xi32, #tpu.memory_space<hbm>> -> memref<1x1x112xi32, #tpu.memory_space<hbm>>
        %dma_wait3A_383 = tpu.memref_squeeze %dma_wait3A_382 : memref<1x1x112xi32, #tpu.memory_space<hbm>> -> memref<112xi32, #tpu.memory_space<hbm>>
        %dma_wait3A_384 = arith.constant 0 : i32
        %dma_wait3A_385 = tpu.memref_slice %arg7[%dma_wait3A_377, %dma_wait3A_384] : memref<3x112xi32, #tpu.memory_space<vmem>> -> memref<1x112xi32, #tpu.memory_space<vmem>>
        %dma_wait3A_386 = tpu.memref_squeeze %dma_wait3A_385 : memref<1x112xi32, #tpu.memory_space<vmem>> -> memref<112xi32, #tpu.memory_space<vmem>>
        %dma_wait3A_387 = arith.constant 0 : i32
        %dma_wait3A_388 = tpu.memref_slice %arg4[%arg1, %add3A_359, %dma_wait3A_387] : memref<16x180x112xi32, #tpu.memory_space<hbm>> -> memref<1x1x112xi32, #tpu.memory_space<hbm>>
        %dma_wait3A_389 = tpu.memref_squeeze %dma_wait3A_388 : memref<1x1x112xi32, #tpu.memory_space<hbm>> -> memref<112xi32, #tpu.memory_space<hbm>>
        tpu.wait_dma2 semaphore(%arg12 : memref<!tpu.dma_semaphore, #tpu.memory_space<semaphore_mem>>) src(%dma_wait3A_389 : memref<112xi32, #tpu.memory_space<hbm>>) dst(%dma_wait3A_386 : memref<112xi32, #tpu.memory_space<vmem>>)
        %dma_start3A_390 = arith.constant 0 : i32
        %dma_start3A_391 = arith.constant 0 : i32
        %dma_start3A_392 = arith.constant 0 : i32
        %dma_start3A_393 = tpu.memref_slice %arg6[%dma_start3A_390, %dma_start3A_391, %dma_start3A_392] : memref<3x2x112xi32, #tpu.memory_space<vmem>> -> memref<1x1x112xi32, #tpu.memory_space<vmem>>
        %dma_start3A_394 = tpu.memref_squeeze %dma_start3A_393 : memref<1x1x112xi32, #tpu.memory_space<vmem>> -> memref<112xi32, #tpu.memory_space<vmem>>
        %dma_start3A_395 = arith.constant 0 : i32
        %dma_start3A_396 = arith.constant 0 : i32
        %dma_start3A_397 = tpu.memref_slice %arg2[%dma_start3A_395, %dma_start3A_396] : memref<10000x128xf32, #tpu.memory_space<hbm>> -> memref<10000x128xf32, #tpu.memory_space<hbm>>
        tpu.enqueue_indirect_dma source(%dma_start3A_397 : memref<10000x128xf32, #tpu.memory_space<hbm>>) target(%arg8 : memref<112x128xf32, #tpu.memory_space<vmem>>) offsets(%dma_start3A_394 : memref<112xi32, #tpu.memory_space<vmem>>) semaphore(%arg15 : memref<!tpu.dma_semaphore, #tpu.memory_space<semaphore_mem>>)
      } else {
      }
      %run_scoped3A_228 = arith.constant 1 : i32
      %run_scoped3A_229 = arith.constant 1 : i32
      "tpu.region"() ({
        %run_scoped3A_358 = tpu.sem_alloc : memref<!tpu.dma_semaphore, #tpu.memory_space<semaphore_mem>>
        %dma_start3A_359 = arith.constant 0 : i32
        %dma_start3A_360 = tpu.memref_slice %arg6[%run_scoped3A_228, %run_scoped3A_229, %dma_start3A_359] : memref<3x2x112xi32, #tpu.memory_space<vmem>> -> memref<1x1x112xi32, #tpu.memory_space<vmem>>
        %dma_start3A_361 = tpu.memref_squeeze %dma_start3A_360 : memref<1x1x112xi32, #tpu.memory_space<vmem>> -> memref<112xi32, #tpu.memory_space<vmem>>
        %dma_start3A_362 = arith.constant 0 : i32
        %dma_start3A_363 = arith.constant 0 : i32
        %dma_start3A_364 = tpu.memref_slice %arg11[%dma_start3A_362, %dma_start3A_363] : memref<10240x128xf32, #tpu.memory_space<vmem_shared>> -> memref<10240x128xf32, #tpu.memory_space<vmem_shared>>
        tpu.enqueue_indirect_dma source(%arg9 : memref<112x128xf32, #tpu.memory_space<vmem>>) target(%dma_start3A_364 : memref<10240x128xf32, #tpu.memory_space<vmem_shared>>) offsets(%dma_start3A_361 : memref<112xi32, #tpu.memory_space<vmem>>) semaphore(%run_scoped3A_358 : memref<!tpu.dma_semaphore, #tpu.memory_space<semaphore_mem>>) {add = true}
        %dma_wait3A_365 = arith.constant 0 : i32
        %dma_wait3A_366 = tpu.memref_slice %arg6[%run_scoped3A_228, %run_scoped3A_229, %dma_wait3A_365] : memref<3x2x112xi32, #tpu.memory_space<vmem>> -> memref<1x1x112xi32, #tpu.memory_space<vmem>>
        %dma_wait3A_367 = tpu.memref_squeeze %dma_wait3A_366 : memref<1x1x112xi32, #tpu.memory_space<vmem>> -> memref<112xi32, #tpu.memory_space<vmem>>
        %dma_wait3A_368 = arith.constant 0 : i32
        %dma_wait3A_369 = arith.constant 0 : i32
        %dma_wait3A_370 = tpu.memref_slice %arg11[%dma_wait3A_368, %dma_wait3A_369] : memref<10240x128xf32, #tpu.memory_space<vmem_shared>> -> memref<10240x128xf32, #tpu.memory_space<vmem_shared>>
        tpu.wait_indirect_dma semaphore(%run_scoped3A_358 : memref<!tpu.dma_semaphore, #tpu.memory_space<semaphore_mem>>) src(%arg9 : memref<112x128xf32, #tpu.memory_space<vmem>>) dst(%dma_wait3A_370 : memref<10240x128xf32, #tpu.memory_space<vmem_shared>>)
        tpu.yield
      }) : () -> ()
      %add3A_230 = arith.constant 2 : i32
      %add3A_231 = arith.addi %mul3A_169, %add3A_230 : i32
      %add3A_232 = arith.constant 2 : i32
      %add3A_233 = arith.addi %add3A_231, %add3A_232 : i32
      %lt3A_234 = arith.constant 180 : i32
      %lt3A_235 = arith.cmpi slt, %add3A_233, %lt3A_234 : i32
      %convert_element_type3A_236 = arith.extui %lt3A_235 : i1 to i32
      %cond3A_237 = arith.constant 0 : i32
      %cond3A_238 = arith.cmpi ne, %convert_element_type3A_236, %cond3A_237 : i32
      scf.if %cond3A_238 {
        %add3A_358 = arith.constant 2 : i32
        %add3A_359 = arith.addi %add3A_231, %add3A_358 : i32
        %dma_start3A_360 = arith.constant 1 : i32
        %dma_start3A_361 = arith.constant 0 : i32
        %dma_start3A_362 = arith.constant 0 : i32
        %dma_start3A_363 = tpu.memref_slice %arg6[%dma_start3A_360, %dma_start3A_361, %dma_start3A_362] : memref<3x2x112xi32, #tpu.memory_space<vmem>> -> memref<1x2x112xi32, #tpu.memory_space<vmem>>
        %dma_start3A_364 = tpu.memref_squeeze %dma_start3A_363 : memref<1x2x112xi32, #tpu.memory_space<vmem>> -> memref<2x112xi32, #tpu.memory_space<vmem>>
        %dma_start3A_365 = arith.constant 0 : i32
        %dma_start3A_366 = arith.constant 0 : i32
        %dma_start3A_367 = tpu.memref_slice %arg3[%arg1, %add3A_359, %dma_start3A_365, %dma_start3A_366] : memref<16x180x2x112xi32, #tpu.memory_space<hbm>> -> memref<1x1x2x112xi32, #tpu.memory_space<hbm>>
        %dma_start3A_368 = tpu.memref_squeeze %dma_start3A_367 : memref<1x1x2x112xi32, #tpu.memory_space<hbm>> -> memref<2x112xi32, #tpu.memory_space<hbm>>
        %dma_start3A_369 = arith.constant 0 : i32
        %dma_start3A_370 = arith.constant 0 : i32
        %dma_start3A_371 = tpu.memref_slice %arg6[%dma_start3A_360, %dma_start3A_369, %dma_start3A_370] : memref<3x2x112xi32, #tpu.memory_space<vmem>> -> memref<1x2x112xi32, #tpu.memory_space<vmem>>
        %dma_start3A_372 = tpu.memref_squeeze %dma_start3A_371 : memref<1x2x112xi32, #tpu.memory_space<vmem>> -> memref<2x112xi32, #tpu.memory_space<vmem>>
        %dma_start3A_373 = arith.constant 0 : i32
        %dma_start3A_374 = arith.constant 0 : i32
        %dma_start3A_375 = tpu.memref_slice %arg3[%arg1, %add3A_359, %dma_start3A_373, %dma_start3A_374] : memref<16x180x2x112xi32, #tpu.memory_space<hbm>> -> memref<1x1x2x112xi32, #tpu.memory_space<hbm>>
        %dma_start3A_376 = tpu.memref_squeeze %dma_start3A_375 : memref<1x1x2x112xi32, #tpu.memory_space<hbm>> -> memref<2x112xi32, #tpu.memory_space<hbm>>
        tpu.enqueue_dma source(%dma_start3A_376 : memref<2x112xi32, #tpu.memory_space<hbm>>) target(%dma_start3A_372 : memref<2x112xi32, #tpu.memory_space<vmem>>) target_semaphore(%arg13 : memref<!tpu.dma_semaphore, #tpu.memory_space<semaphore_mem>>)
        %dma_start3A_377 = arith.constant 1 : i32
        %dma_start3A_378 = arith.constant 0 : i32
        %dma_start3A_379 = tpu.memref_slice %arg7[%dma_start3A_377, %dma_start3A_378] : memref<3x112xi32, #tpu.memory_space<vmem>> -> memref<1x112xi32, #tpu.memory_space<vmem>>
        %dma_start3A_380 = tpu.memref_squeeze %dma_start3A_379 : memref<1x112xi32, #tpu.memory_space<vmem>> -> memref<112xi32, #tpu.memory_space<vmem>>
        %dma_start3A_381 = arith.constant 0 : i32
        %dma_start3A_382 = tpu.memref_slice %arg4[%arg1, %add3A_359, %dma_start3A_381] : memref<16x180x112xi32, #tpu.memory_space<hbm>> -> memref<1x1x112xi32, #tpu.memory_space<hbm>>
        %dma_start3A_383 = tpu.memref_squeeze %dma_start3A_382 : memref<1x1x112xi32, #tpu.memory_space<hbm>> -> memref<112xi32, #tpu.memory_space<hbm>>
        %dma_start3A_384 = arith.constant 0 : i32
        %dma_start3A_385 = tpu.memref_slice %arg7[%dma_start3A_377, %dma_start3A_384] : memref<3x112xi32, #tpu.memory_space<vmem>> -> memref<1x112xi32, #tpu.memory_space<vmem>>
        %dma_start3A_386 = tpu.memref_squeeze %dma_start3A_385 : memref<1x112xi32, #tpu.memory_space<vmem>> -> memref<112xi32, #tpu.memory_space<vmem>>
        %dma_start3A_387 = arith.constant 0 : i32
        %dma_start3A_388 = tpu.memref_slice %arg4[%arg1, %add3A_359, %dma_start3A_387] : memref<16x180x112xi32, #tpu.memory_space<hbm>> -> memref<1x1x112xi32, #tpu.memory_space<hbm>>
        %dma_start3A_389 = tpu.memref_squeeze %dma_start3A_388 : memref<1x1x112xi32, #tpu.memory_space<hbm>> -> memref<112xi32, #tpu.memory_space<hbm>>
        tpu.enqueue_dma source(%dma_start3A_389 : memref<112xi32, #tpu.memory_space<hbm>>) target(%dma_start3A_386 : memref<112xi32, #tpu.memory_space<vmem>>) target_semaphore(%arg13 : memref<!tpu.dma_semaphore, #tpu.memory_space<semaphore_mem>>)
      } else {
      }
      %dma_wait3A_239 = arith.constant 2 : i32
      %dma_wait3A_240 = arith.constant 0 : i32
      %dma_wait3A_241 = arith.constant 0 : i32
      %dma_wait3A_242 = tpu.memref_slice %arg6[%dma_wait3A_239, %dma_wait3A_240, %dma_wait3A_241] : memref<3x2x112xi32, #tpu.memory_space<vmem>> -> memref<1x1x112xi32, #tpu.memory_space<vmem>>
      %dma_wait3A_243 = tpu.memref_squeeze %dma_wait3A_242 : memref<1x1x112xi32, #tpu.memory_space<vmem>> -> memref<112xi32, #tpu.memory_space<vmem>>
      %dma_wait3A_244 = arith.constant 0 : i32
      %dma_wait3A_245 = arith.constant 0 : i32
      %dma_wait3A_246 = tpu.memref_slice %arg2[%dma_wait3A_244, %dma_wait3A_245] : memref<10000x128xf32, #tpu.memory_space<hbm>> -> memref<10000x128xf32, #tpu.memory_space<hbm>>
      tpu.wait_indirect_dma semaphore(%arg17 : memref<!tpu.dma_semaphore, #tpu.memory_space<semaphore_mem>>) src(%dma_wait3A_246 : memref<10000x128xf32, #tpu.memory_space<hbm>>) dst(%arg10 : memref<112x128xf32, #tpu.memory_space<vmem>>)
      %scan3A_247 = arith.constant 0 : i32
      %scan3A_248 = arith.constant 0 : i32
      %scan3A_249 = arith.constant 28 : i32
      %scan3A_250 = arith.addi %scan3A_248, %scan3A_249 : i32
      %scan3A_251 = arith.constant 1 : i32
      scf.for %scan3A_358 = %scan3A_248 to %scan3A_250 step %scan3A_251  : i32 {
        %mul3A_359 = arith.constant 4 : i32
        %mul3A_360 = arith.muli %scan3A_358, %mul3A_359 : i32
        %add3A_361 = arith.constant 0 : i32
        %add3A_362 = arith.addi %mul3A_360, %add3A_361 : i32
        %broadcast_in_dim3A_363 = arith.constant 2 : i32
        %broadcast_in_dim3A_364 = vector.broadcast %broadcast_in_dim3A_363 : i32 to vector<16xi32>
        %broadcast_in_dim3A_365 = vector.broadcast %add3A_362 : i32 to vector<16xi32>
        %gather3A = tpu.vector_load_idx %arg7[%broadcast_in_dim3A_364, %broadcast_in_dim3A_365] : memref<3x112xi32, #tpu.memory_space<vmem>>[vector<16xi32>, vector<16xi32>], vector<16xi32>,
        %bitcast3A = vector.bitcast %gather3A : vector<16xi32> to vector<16xf32>
        %get3A = arith.index_cast %add3A_362 : i32 to index
        %get3A_366 = arith.constant 0 : index
        %get3A_367 = tpu.vector_load %arg10[%get3A, %get3A_366] {strides = array<i32>} : memref<112x128xf32, #tpu.memory_space<vmem>>, vector<16xf32>,
        %mul3A_368 = arith.mulf %get3A_367, %bitcast3A : vector<16xf32>
        %swap3A = arith.index_cast %add3A_362 : i32 to index
        %swap3A_369 = arith.constant 0 : index
        %swap3A_370 = tpu.vector_load %arg10[%swap3A, %swap3A_369] {strides = array<i32>} : memref<112x128xf32, #tpu.memory_space<vmem>>, vector<16xf32>,
        tpu.vector_store %arg10[%swap3A, %swap3A_369], %mul3A_368 {strides = array<i32>} : memref<112x128xf32, #tpu.memory_space<vmem>>, vector<16xf32>,
        %get3A_371 = arith.index_cast %add3A_362 : i32 to index
        %get3A_372 = arith.constant 16 : index
        %get3A_373 = tpu.vector_load %arg10[%get3A_371, %get3A_372] {strides = array<i32>} : memref<112x128xf32, #tpu.memory_space<vmem>>, vector<16xf32>,
        %mul3A_374 = arith.mulf %get3A_373, %bitcast3A : vector<16xf32>
        %swap3A_375 = arith.index_cast %add3A_362 : i32 to index
        %swap3A_376 = arith.constant 16 : index
        %swap3A_377 = tpu.vector_load %arg10[%swap3A_375, %swap3A_376] {strides = array<i32>} : memref<112x128xf32, #tpu.memory_space<vmem>>, vector<16xf32>,
        tpu.vector_store %arg10[%swap3A_375, %swap3A_376], %mul3A_374 {strides = array<i32>} : memref<112x128xf32, #tpu.memory_space<vmem>>, vector<16xf32>,
        %get3A_378 = arith.index_cast %add3A_362 : i32 to index
        %get3A_379 = arith.constant 32 : index
        %get3A_380 = tpu.vector_load %arg10[%get3A_378, %get3A_379] {strides = array<i32>} : memref<112x128xf32, #tpu.memory_space<vmem>>, vector<16xf32>,
        %mul3A_381 = arith.mulf %get3A_380, %bitcast3A : vector<16xf32>
        %swap3A_382 = arith.index_cast %add3A_362 : i32 to index
        %swap3A_383 = arith.constant 32 : index
        %swap3A_384 = tpu.vector_load %arg10[%swap3A_382, %swap3A_383] {strides = array<i32>} : memref<112x128xf32, #tpu.memory_space<vmem>>, vector<16xf32>,
        tpu.vector_store %arg10[%swap3A_382, %swap3A_383], %mul3A_381 {strides = array<i32>} : memref<112x128xf32, #tpu.memory_space<vmem>>, vector<16xf32>,
        %get3A_385 = arith.index_cast %add3A_362 : i32 to index
        %get3A_386 = arith.constant 48 : index
        %get3A_387 = tpu.vector_load %arg10[%get3A_385, %get3A_386] {strides = array<i32>} : memref<112x128xf32, #tpu.memory_space<vmem>>, vector<16xf32>,
        %mul3A_388 = arith.mulf %get3A_387, %bitcast3A : vector<16xf32>
        %swap3A_389 = arith.index_cast %add3A_362 : i32 to index
        %swap3A_390 = arith.constant 48 : index
        %swap3A_391 = tpu.vector_load %arg10[%swap3A_389, %swap3A_390] {strides = array<i32>} : memref<112x128xf32, #tpu.memory_space<vmem>>, vector<16xf32>,
        tpu.vector_store %arg10[%swap3A_389, %swap3A_390], %mul3A_388 {strides = array<i32>} : memref<112x128xf32, #tpu.memory_space<vmem>>, vector<16xf32>,
        %get3A_392 = arith.index_cast %add3A_362 : i32 to index
        %get3A_393 = arith.constant 64 : index
        %get3A_394 = tpu.vector_load %arg10[%get3A_392, %get3A_393] {strides = array<i32>} : memref<112x128xf32, #tpu.memory_space<vmem>>, vector<16xf32>,
        %mul3A_395 = arith.mulf %get3A_394, %bitcast3A : vector<16xf32>
        %swap3A_396 = arith.index_cast %add3A_362 : i32 to index
        %swap3A_397 = arith.constant 64 : index
        %swap3A_398 = tpu.vector_load %arg10[%swap3A_396, %swap3A_397] {strides = array<i32>} : memref<112x128xf32, #tpu.memory_space<vmem>>, vector<16xf32>,
        tpu.vector_store %arg10[%swap3A_396, %swap3A_397], %mul3A_395 {strides = array<i32>} : memref<112x128xf32, #tpu.memory_space<vmem>>, vector<16xf32>,
        %get3A_399 = arith.index_cast %add3A_362 : i32 to index
        %get3A_400 = arith.constant 80 : index
        %get3A_401 = tpu.vector_load %arg10[%get3A_399, %get3A_400] {strides = array<i32>} : memref<112x128xf32, #tpu.memory_space<vmem>>, vector<16xf32>,
        %mul3A_402 = arith.mulf %get3A_401, %bitcast3A : vector<16xf32>
        %swap3A_403 = arith.index_cast %add3A_362 : i32 to index
        %swap3A_404 = arith.constant 80 : index
        %swap3A_405 = tpu.vector_load %arg10[%swap3A_403, %swap3A_404] {strides = array<i32>} : memref<112x128xf32, #tpu.memory_space<vmem>>, vector<16xf32>,
        tpu.vector_store %arg10[%swap3A_403, %swap3A_404], %mul3A_402 {strides = array<i32>} : memref<112x128xf32, #tpu.memory_space<vmem>>, vector<16xf32>,
        %get3A_406 = arith.index_cast %add3A_362 : i32 to index
        %get3A_407 = arith.constant 96 : index
        %get3A_408 = tpu.vector_load %arg10[%get3A_406, %get3A_407] {strides = array<i32>} : memref<112x128xf32, #tpu.memory_space<vmem>>, vector<16xf32>,
        %mul3A_409 = arith.mulf %get3A_408, %bitcast3A : vector<16xf32>
        %swap3A_410 = arith.index_cast %add3A_362 : i32 to index
        %swap3A_411 = arith.constant 96 : index
        %swap3A_412 = tpu.vector_load %arg10[%swap3A_410, %swap3A_411] {strides = array<i32>} : memref<112x128xf32, #tpu.memory_space<vmem>>, vector<16xf32>,
        tpu.vector_store %arg10[%swap3A_410, %swap3A_411], %mul3A_409 {strides = array<i32>} : memref<112x128xf32, #tpu.memory_space<vmem>>, vector<16xf32>,
        %get3A_413 = arith.index_cast %add3A_362 : i32 to index
        %get3A_414 = arith.constant 112 : index
        %get3A_415 = tpu.vector_load %arg10[%get3A_413, %get3A_414] {strides = array<i32>} : memref<112x128xf32, #tpu.memory_space<vmem>>, vector<16xf32>,
        %mul3A_416 = arith.mulf %get3A_415, %bitcast3A : vector<16xf32>
        %swap3A_417 = arith.index_cast %add3A_362 : i32 to index
        %swap3A_418 = arith.constant 112 : index
        %swap3A_419 = tpu.vector_load %arg10[%swap3A_417, %swap3A_418] {strides = array<i32>} : memref<112x128xf32, #tpu.memory_space<vmem>>, vector<16xf32>,
        tpu.vector_store %arg10[%swap3A_417, %swap3A_418], %mul3A_416 {strides = array<i32>} : memref<112x128xf32, #tpu.memory_space<vmem>>, vector<16xf32>,
        %mul3A_420 = arith.constant 4 : i32
        %mul3A_421 = arith.muli %scan3A_358, %mul3A_420 : i32
        %add3A_422 = arith.constant 1 : i32
        %add3A_423 = arith.addi %mul3A_421, %add3A_422 : i32
        %broadcast_in_dim3A_424 = arith.constant 2 : i32
        %broadcast_in_dim3A_425 = vector.broadcast %broadcast_in_dim3A_424 : i32 to vector<16xi32>
        %broadcast_in_dim3A_426 = vector.broadcast %add3A_423 : i32 to vector<16xi32>
        %gather3A_427 = tpu.vector_load_idx %arg7[%broadcast_in_dim3A_425, %broadcast_in_dim3A_426] : memref<3x112xi32, #tpu.memory_space<vmem>>[vector<16xi32>, vector<16xi32>], vector<16xi32>,
        %bitcast3A_428 = vector.bitcast %gather3A_427 : vector<16xi32> to vector<16xf32>
        %get3A_429 = arith.index_cast %add3A_423 : i32 to index
        %get3A_430 = arith.constant 0 : index
        %get3A_431 = tpu.vector_load %arg10[%get3A_429, %get3A_430] {strides = array<i32>} : memref<112x128xf32, #tpu.memory_space<vmem>>, vector<16xf32>,
        %mul3A_432 = arith.mulf %get3A_431, %bitcast3A_428 : vector<16xf32>
        %swap3A_433 = arith.index_cast %add3A_423 : i32 to index
        %swap3A_434 = arith.constant 0 : index
        %swap3A_435 = tpu.vector_load %arg10[%swap3A_433, %swap3A_434] {strides = array<i32>} : memref<112x128xf32, #tpu.memory_space<vmem>>, vector<16xf32>,
        tpu.vector_store %arg10[%swap3A_433, %swap3A_434], %mul3A_432 {strides = array<i32>} : memref<112x128xf32, #tpu.memory_space<vmem>>, vector<16xf32>,
        %get3A_436 = arith.index_cast %add3A_423 : i32 to index
        %get3A_437 = arith.constant 16 : index
        %get3A_438 = tpu.vector_load %arg10[%get3A_436, %get3A_437] {strides = array<i32>} : memref<112x128xf32, #tpu.memory_space<vmem>>, vector<16xf32>,
        %mul3A_439 = arith.mulf %get3A_438, %bitcast3A_428 : vector<16xf32>
        %swap3A_440 = arith.index_cast %add3A_423 : i32 to index
        %swap3A_441 = arith.constant 16 : index
        %swap3A_442 = tpu.vector_load %arg10[%swap3A_440, %swap3A_441] {strides = array<i32>} : memref<112x128xf32, #tpu.memory_space<vmem>>, vector<16xf32>,
        tpu.vector_store %arg10[%swap3A_440, %swap3A_441], %mul3A_439 {strides = array<i32>} : memref<112x128xf32, #tpu.memory_space<vmem>>, vector<16xf32>,
        %get3A_443 = arith.index_cast %add3A_423 : i32 to index
        %get3A_444 = arith.constant 32 : index
        %get3A_445 = tpu.vector_load %arg10[%get3A_443, %get3A_444] {strides = array<i32>} : memref<112x128xf32, #tpu.memory_space<vmem>>, vector<16xf32>,
        %mul3A_446 = arith.mulf %get3A_445, %bitcast3A_428 : vector<16xf32>
        %swap3A_447 = arith.index_cast %add3A_423 : i32 to index
        %swap3A_448 = arith.constant 32 : index
        %swap3A_449 = tpu.vector_load %arg10[%swap3A_447, %swap3A_448] {strides = array<i32>} : memref<112x128xf32, #tpu.memory_space<vmem>>, vector<16xf32>,
        tpu.vector_store %arg10[%swap3A_447, %swap3A_448], %mul3A_446 {strides = array<i32>} : memref<112x128xf32, #tpu.memory_space<vmem>>, vector<16xf32>,
        %get3A_450 = arith.index_cast %add3A_423 : i32 to index
        %get3A_451 = arith.constant 48 : index
        %get3A_452 = tpu.vector_load %arg10[%get3A_450, %get3A_451] {strides = array<i32>} : memref<112x128xf32, #tpu.memory_space<vmem>>, vector<16xf32>,
        %mul3A_453 = arith.mulf %get3A_452, %bitcast3A_428 : vector<16xf32>
        %swap3A_454 = arith.index_cast %add3A_423 : i32 to index
        %swap3A_455 = arith.constant 48 : index
        %swap3A_456 = tpu.vector_load %arg10[%swap3A_454, %swap3A_455] {strides = array<i32>} : memref<112x128xf32, #tpu.memory_space<vmem>>, vector<16xf32>,
        tpu.vector_store %arg10[%swap3A_454, %swap3A_455], %mul3A_453 {strides = array<i32>} : memref<112x128xf32, #tpu.memory_space<vmem>>, vector<16xf32>,
        %get3A_457 = arith.index_cast %add3A_423 : i32 to index
        %get3A_458 = arith.constant 64 : index
        %get3A_459 = tpu.vector_load %arg10[%get3A_457, %get3A_458] {strides = array<i32>} : memref<112x128xf32, #tpu.memory_space<vmem>>, vector<16xf32>,
        %mul3A_460 = arith.mulf %get3A_459, %bitcast3A_428 : vector<16xf32>
        %swap3A_461 = arith.index_cast %add3A_423 : i32 to index
        %swap3A_462 = arith.constant 64 : index
        %swap3A_463 = tpu.vector_load %arg10[%swap3A_461, %swap3A_462] {strides = array<i32>} : memref<112x128xf32, #tpu.memory_space<vmem>>, vector<16xf32>,
        tpu.vector_store %arg10[%swap3A_461, %swap3A_462], %mul3A_460 {strides = array<i32>} : memref<112x128xf32, #tpu.memory_space<vmem>>, vector<16xf32>,
        %get3A_464 = arith.index_cast %add3A_423 : i32 to index
        %get3A_465 = arith.constant 80 : index
        %get3A_466 = tpu.vector_load %arg10[%get3A_464, %get3A_465] {strides = array<i32>} : memref<112x128xf32, #tpu.memory_space<vmem>>, vector<16xf32>,
        %mul3A_467 = arith.mulf %get3A_466, %bitcast3A_428 : vector<16xf32>
        %swap3A_468 = arith.index_cast %add3A_423 : i32 to index
        %swap3A_469 = arith.constant 80 : index
        %swap3A_470 = tpu.vector_load %arg10[%swap3A_468, %swap3A_469] {strides = array<i32>} : memref<112x128xf32, #tpu.memory_space<vmem>>, vector<16xf32>,
        tpu.vector_store %arg10[%swap3A_468, %swap3A_469], %mul3A_467 {strides = array<i32>} : memref<112x128xf32, #tpu.memory_space<vmem>>, vector<16xf32>,
        %get3A_471 = arith.index_cast %add3A_423 : i32 to index
        %get3A_472 = arith.constant 96 : index
        %get3A_473 = tpu.vector_load %arg10[%get3A_471, %get3A_472] {strides = array<i32>} : memref<112x128xf32, #tpu.memory_space<vmem>>, vector<16xf32>,
        %mul3A_474 = arith.mulf %get3A_473, %bitcast3A_428 : vector<16xf32>
        %swap3A_475 = arith.index_cast %add3A_423 : i32 to index
        %swap3A_476 = arith.constant 96 : index
        %swap3A_477 = tpu.vector_load %arg10[%swap3A_475, %swap3A_476] {strides = array<i32>} : memref<112x128xf32, #tpu.memory_space<vmem>>, vector<16xf32>,
        tpu.vector_store %arg10[%swap3A_475, %swap3A_476], %mul3A_474 {strides = array<i32>} : memref<112x128xf32, #tpu.memory_space<vmem>>, vector<16xf32>,
        %get3A_478 = arith.index_cast %add3A_423 : i32 to index
        %get3A_479 = arith.constant 112 : index
        %get3A_480 = tpu.vector_load %arg10[%get3A_478, %get3A_479] {strides = array<i32>} : memref<112x128xf32, #tpu.memory_space<vmem>>, vector<16xf32>,
        %mul3A_481 = arith.mulf %get3A_480, %bitcast3A_428 : vector<16xf32>
        %swap3A_482 = arith.index_cast %add3A_423 : i32 to index
        %swap3A_483 = arith.constant 112 : index
        %swap3A_484 = tpu.vector_load %arg10[%swap3A_482, %swap3A_483] {strides = array<i32>} : memref<112x128xf32, #tpu.memory_space<vmem>>, vector<16xf32>,
        tpu.vector_store %arg10[%swap3A_482, %swap3A_483], %mul3A_481 {strides = array<i32>} : memref<112x128xf32, #tpu.memory_space<vmem>>, vector<16xf32>,
        %mul3A_485 = arith.constant 4 : i32
        %mul3A_486 = arith.muli %scan3A_358, %mul3A_485 : i32
        %add3A_487 = arith.constant 2 : i32
        %add3A_488 = arith.addi %mul3A_486, %add3A_487 : i32
        %broadcast_in_dim3A_489 = arith.constant 2 : i32
        %broadcast_in_dim3A_490 = vector.broadcast %broadcast_in_dim3A_489 : i32 to vector<16xi32>
        %broadcast_in_dim3A_491 = vector.broadcast %add3A_488 : i32 to vector<16xi32>
        %gather3A_492 = tpu.vector_load_idx %arg7[%broadcast_in_dim3A_490, %broadcast_in_dim3A_491] : memref<3x112xi32, #tpu.memory_space<vmem>>[vector<16xi32>, vector<16xi32>], vector<16xi32>,
        %bitcast3A_493 = vector.bitcast %gather3A_492 : vector<16xi32> to vector<16xf32>
        %get3A_494 = arith.index_cast %add3A_488 : i32 to index
        %get3A_495 = arith.constant 0 : index
        %get3A_496 = tpu.vector_load %arg10[%get3A_494, %get3A_495] {strides = array<i32>} : memref<112x128xf32, #tpu.memory_space<vmem>>, vector<16xf32>,
        %mul3A_497 = arith.mulf %get3A_496, %bitcast3A_493 : vector<16xf32>
        %swap3A_498 = arith.index_cast %add3A_488 : i32 to index
        %swap3A_499 = arith.constant 0 : index
        %swap3A_500 = tpu.vector_load %arg10[%swap3A_498, %swap3A_499] {strides = array<i32>} : memref<112x128xf32, #tpu.memory_space<vmem>>, vector<16xf32>,
        tpu.vector_store %arg10[%swap3A_498, %swap3A_499], %mul3A_497 {strides = array<i32>} : memref<112x128xf32, #tpu.memory_space<vmem>>, vector<16xf32>,
        %get3A_501 = arith.index_cast %add3A_488 : i32 to index
        %get3A_502 = arith.constant 16 : index
        %get3A_503 = tpu.vector_load %arg10[%get3A_501, %get3A_502] {strides = array<i32>} : memref<112x128xf32, #tpu.memory_space<vmem>>, vector<16xf32>,
        %mul3A_504 = arith.mulf %get3A_503, %bitcast3A_493 : vector<16xf32>
        %swap3A_505 = arith.index_cast %add3A_488 : i32 to index
        %swap3A_506 = arith.constant 16 : index
        %swap3A_507 = tpu.vector_load %arg10[%swap3A_505, %swap3A_506] {strides = array<i32>} : memref<112x128xf32, #tpu.memory_space<vmem>>, vector<16xf32>,
        tpu.vector_store %arg10[%swap3A_505, %swap3A_506], %mul3A_504 {strides = array<i32>} : memref<112x128xf32, #tpu.memory_space<vmem>>, vector<16xf32>,
        %get3A_508 = arith.index_cast %add3A_488 : i32 to index
        %get3A_509 = arith.constant 32 : index
        %get3A_510 = tpu.vector_load %arg10[%get3A_508, %get3A_509] {strides = array<i32>} : memref<112x128xf32, #tpu.memory_space<vmem>>, vector<16xf32>,
        %mul3A_511 = arith.mulf %get3A_510, %bitcast3A_493 : vector<16xf32>
        %swap3A_512 = arith.index_cast %add3A_488 : i32 to index
        %swap3A_513 = arith.constant 32 : index
        %swap3A_514 = tpu.vector_load %arg10[%swap3A_512, %swap3A_513] {strides = array<i32>} : memref<112x128xf32, #tpu.memory_space<vmem>>, vector<16xf32>,
        tpu.vector_store %arg10[%swap3A_512, %swap3A_513], %mul3A_511 {strides = array<i32>} : memref<112x128xf32, #tpu.memory_space<vmem>>, vector<16xf32>,
        %get3A_515 = arith.index_cast %add3A_488 : i32 to index
        %get3A_516 = arith.constant 48 : index
        %get3A_517 = tpu.vector_load %arg10[%get3A_515, %get3A_516] {strides = array<i32>} : memref<112x128xf32, #tpu.memory_space<vmem>>, vector<16xf32>,
        %mul3A_518 = arith.mulf %get3A_517, %bitcast3A_493 : vector<16xf32>
        %swap3A_519 = arith.index_cast %add3A_488 : i32 to index
        %swap3A_520 = arith.constant 48 : index
        %swap3A_521 = tpu.vector_load %arg10[%swap3A_519, %swap3A_520] {strides = array<i32>} : memref<112x128xf32, #tpu.memory_space<vmem>>, vector<16xf32>,
        tpu.vector_store %arg10[%swap3A_519, %swap3A_520], %mul3A_518 {strides = array<i32>} : memref<112x128xf32, #tpu.memory_space<vmem>>, vector<16xf32>,
        %get3A_522 = arith.index_cast %add3A_488 : i32 to index
        %get3A_523 = arith.constant 64 : index
        %get3A_524 = tpu.vector_load %arg10[%get3A_522, %get3A_523] {strides = array<i32>} : memref<112x128xf32, #tpu.memory_space<vmem>>, vector<16xf32>,
        %mul3A_525 = arith.mulf %get3A_524, %bitcast3A_493 : vector<16xf32>
        %swap3A_526 = arith.index_cast %add3A_488 : i32 to index
        %swap3A_527 = arith.constant 64 : index
        %swap3A_528 = tpu.vector_load %arg10[%swap3A_526, %swap3A_527] {strides = array<i32>} : memref<112x128xf32, #tpu.memory_space<vmem>>, vector<16xf32>,
        tpu.vector_store %arg10[%swap3A_526, %swap3A_527], %mul3A_525 {strides = array<i32>} : memref<112x128xf32, #tpu.memory_space<vmem>>, vector<16xf32>,
        %get3A_529 = arith.index_cast %add3A_488 : i32 to index
        %get3A_530 = arith.constant 80 : index
        %get3A_531 = tpu.vector_load %arg10[%get3A_529, %get3A_530] {strides = array<i32>} : memref<112x128xf32, #tpu.memory_space<vmem>>, vector<16xf32>,
        %mul3A_532 = arith.mulf %get3A_531, %bitcast3A_493 : vector<16xf32>
        %swap3A_533 = arith.index_cast %add3A_488 : i32 to index
        %swap3A_534 = arith.constant 80 : index
        %swap3A_535 = tpu.vector_load %arg10[%swap3A_533, %swap3A_534] {strides = array<i32>} : memref<112x128xf32, #tpu.memory_space<vmem>>, vector<16xf32>,
        tpu.vector_store %arg10[%swap3A_533, %swap3A_534], %mul3A_532 {strides = array<i32>} : memref<112x128xf32, #tpu.memory_space<vmem>>, vector<16xf32>,
        %get3A_536 = arith.index_cast %add3A_488 : i32 to index
        %get3A_537 = arith.constant 96 : index
        %get3A_538 = tpu.vector_load %arg10[%get3A_536, %get3A_537] {strides = array<i32>} : memref<112x128xf32, #tpu.memory_space<vmem>>, vector<16xf32>,
        %mul3A_539 = arith.mulf %get3A_538, %bitcast3A_493 : vector<16xf32>
        %swap3A_540 = arith.index_cast %add3A_488 : i32 to index
        %swap3A_541 = arith.constant 96 : index
        %swap3A_542 = tpu.vector_load %arg10[%swap3A_540, %swap3A_541] {strides = array<i32>} : memref<112x128xf32, #tpu.memory_space<vmem>>, vector<16xf32>,
        tpu.vector_store %arg10[%swap3A_540, %swap3A_541], %mul3A_539 {strides = array<i32>} : memref<112x128xf32, #tpu.memory_space<vmem>>, vector<16xf32>,
        %get3A_543 = arith.index_cast %add3A_488 : i32 to index
        %get3A_544 = arith.constant 112 : index
        %get3A_545 = tpu.vector_load %arg10[%get3A_543, %get3A_544] {strides = array<i32>} : memref<112x128xf32, #tpu.memory_space<vmem>>, vector<16xf32>,
        %mul3A_546 = arith.mulf %get3A_545, %bitcast3A_493 : vector<16xf32>
        %swap3A_547 = arith.index_cast %add3A_488 : i32 to index
        %swap3A_548 = arith.constant 112 : index
        %swap3A_549 = tpu.vector_load %arg10[%swap3A_547, %swap3A_548] {strides = array<i32>} : memref<112x128xf32, #tpu.memory_space<vmem>>, vector<16xf32>,
        tpu.vector_store %arg10[%swap3A_547, %swap3A_548], %mul3A_546 {strides = array<i32>} : memref<112x128xf32, #tpu.memory_space<vmem>>, vector<16xf32>,
        %mul3A_550 = arith.constant 4 : i32
        %mul3A_551 = arith.muli %scan3A_358, %mul3A_550 : i32
        %add3A_552 = arith.constant 3 : i32
        %add3A_553 = arith.addi %mul3A_551, %add3A_552 : i32
        %broadcast_in_dim3A_554 = arith.constant 2 : i32
        %broadcast_in_dim3A_555 = vector.broadcast %broadcast_in_dim3A_554 : i32 to vector<16xi32>
        %broadcast_in_dim3A_556 = vector.broadcast %add3A_553 : i32 to vector<16xi32>
        %gather3A_557 = tpu.vector_load_idx %arg7[%broadcast_in_dim3A_555, %broadcast_in_dim3A_556] : memref<3x112xi32, #tpu.memory_space<vmem>>[vector<16xi32>, vector<16xi32>], vector<16xi32>,
        %bitcast3A_558 = vector.bitcast %gather3A_557 : vector<16xi32> to vector<16xf32>
        %get3A_559 = arith.index_cast %add3A_553 : i32 to index
        %get3A_560 = arith.constant 0 : index
        %get3A_561 = tpu.vector_load %arg10[%get3A_559, %get3A_560] {strides = array<i32>} : memref<112x128xf32, #tpu.memory_space<vmem>>, vector<16xf32>,
        %mul3A_562 = arith.mulf %get3A_561, %bitcast3A_558 : vector<16xf32>
        %swap3A_563 = arith.index_cast %add3A_553 : i32 to index
        %swap3A_564 = arith.constant 0 : index
        %swap3A_565 = tpu.vector_load %arg10[%swap3A_563, %swap3A_564] {strides = array<i32>} : memref<112x128xf32, #tpu.memory_space<vmem>>, vector<16xf32>,
        tpu.vector_store %arg10[%swap3A_563, %swap3A_564], %mul3A_562 {strides = array<i32>} : memref<112x128xf32, #tpu.memory_space<vmem>>, vector<16xf32>,
        %get3A_566 = arith.index_cast %add3A_553 : i32 to index
        %get3A_567 = arith.constant 16 : index
        %get3A_568 = tpu.vector_load %arg10[%get3A_566, %get3A_567] {strides = array<i32>} : memref<112x128xf32, #tpu.memory_space<vmem>>, vector<16xf32>,
        %mul3A_569 = arith.mulf %get3A_568, %bitcast3A_558 : vector<16xf32>
        %swap3A_570 = arith.index_cast %add3A_553 : i32 to index
        %swap3A_571 = arith.constant 16 : index
        %swap3A_572 = tpu.vector_load %arg10[%swap3A_570, %swap3A_571] {strides = array<i32>} : memref<112x128xf32, #tpu.memory_space<vmem>>, vector<16xf32>,
        tpu.vector_store %arg10[%swap3A_570, %swap3A_571], %mul3A_569 {strides = array<i32>} : memref<112x128xf32, #tpu.memory_space<vmem>>, vector<16xf32>,
        %get3A_573 = arith.index_cast %add3A_553 : i32 to index
        %get3A_574 = arith.constant 32 : index
        %get3A_575 = tpu.vector_load %arg10[%get3A_573, %get3A_574] {strides = array<i32>} : memref<112x128xf32, #tpu.memory_space<vmem>>, vector<16xf32>,
        %mul3A_576 = arith.mulf %get3A_575, %bitcast3A_558 : vector<16xf32>
        %swap3A_577 = arith.index_cast %add3A_553 : i32 to index
        %swap3A_578 = arith.constant 32 : index
        %swap3A_579 = tpu.vector_load %arg10[%swap3A_577, %swap3A_578] {strides = array<i32>} : memref<112x128xf32, #tpu.memory_space<vmem>>, vector<16xf32>,
        tpu.vector_store %arg10[%swap3A_577, %swap3A_578], %mul3A_576 {strides = array<i32>} : memref<112x128xf32, #tpu.memory_space<vmem>>, vector<16xf32>,
        %get3A_580 = arith.index_cast %add3A_553 : i32 to index
        %get3A_581 = arith.constant 48 : index
        %get3A_582 = tpu.vector_load %arg10[%get3A_580, %get3A_581] {strides = array<i32>} : memref<112x128xf32, #tpu.memory_space<vmem>>, vector<16xf32>,
        %mul3A_583 = arith.mulf %get3A_582, %bitcast3A_558 : vector<16xf32>
        %swap3A_584 = arith.index_cast %add3A_553 : i32 to index
        %swap3A_585 = arith.constant 48 : index
        %swap3A_586 = tpu.vector_load %arg10[%swap3A_584, %swap3A_585] {strides = array<i32>} : memref<112x128xf32, #tpu.memory_space<vmem>>, vector<16xf32>,
        tpu.vector_store %arg10[%swap3A_584, %swap3A_585], %mul3A_583 {strides = array<i32>} : memref<112x128xf32, #tpu.memory_space<vmem>>, vector<16xf32>,
        %get3A_587 = arith.index_cast %add3A_553 : i32 to index
        %get3A_588 = arith.constant 64 : index
        %get3A_589 = tpu.vector_load %arg10[%get3A_587, %get3A_588] {strides = array<i32>} : memref<112x128xf32, #tpu.memory_space<vmem>>, vector<16xf32>,
        %mul3A_590 = arith.mulf %get3A_589, %bitcast3A_558 : vector<16xf32>
        %swap3A_591 = arith.index_cast %add3A_553 : i32 to index
        %swap3A_592 = arith.constant 64 : index
        %swap3A_593 = tpu.vector_load %arg10[%swap3A_591, %swap3A_592] {strides = array<i32>} : memref<112x128xf32, #tpu.memory_space<vmem>>, vector<16xf32>,
        tpu.vector_store %arg10[%swap3A_591, %swap3A_592], %mul3A_590 {strides = array<i32>} : memref<112x128xf32, #tpu.memory_space<vmem>>, vector<16xf32>,
        %get3A_594 = arith.index_cast %add3A_553 : i32 to index
        %get3A_595 = arith.constant 80 : index
        %get3A_596 = tpu.vector_load %arg10[%get3A_594, %get3A_595] {strides = array<i32>} : memref<112x128xf32, #tpu.memory_space<vmem>>, vector<16xf32>,
        %mul3A_597 = arith.mulf %get3A_596, %bitcast3A_558 : vector<16xf32>
        %swap3A_598 = arith.index_cast %add3A_553 : i32 to index
        %swap3A_599 = arith.constant 80 : index
        %swap3A_600 = tpu.vector_load %arg10[%swap3A_598, %swap3A_599] {strides = array<i32>} : memref<112x128xf32, #tpu.memory_space<vmem>>, vector<16xf32>,
        tpu.vector_store %arg10[%swap3A_598, %swap3A_599], %mul3A_597 {strides = array<i32>} : memref<112x128xf32, #tpu.memory_space<vmem>>, vector<16xf32>,
        %get3A_601 = arith.index_cast %add3A_553 : i32 to index
        %get3A_602 = arith.constant 96 : index
        %get3A_603 = tpu.vector_load %arg10[%get3A_601, %get3A_602] {strides = array<i32>} : memref<112x128xf32, #tpu.memory_space<vmem>>, vector<16xf32>,
        %mul3A_604 = arith.mulf %get3A_603, %bitcast3A_558 : vector<16xf32>
        %swap3A_605 = arith.index_cast %add3A_553 : i32 to index
        %swap3A_606 = arith.constant 96 : index
        %swap3A_607 = tpu.vector_load %arg10[%swap3A_605, %swap3A_606] {strides = array<i32>} : memref<112x128xf32, #tpu.memory_space<vmem>>, vector<16xf32>,
        tpu.vector_store %arg10[%swap3A_605, %swap3A_606], %mul3A_604 {strides = array<i32>} : memref<112x128xf32, #tpu.memory_space<vmem>>, vector<16xf32>,
        %get3A_608 = arith.index_cast %add3A_553 : i32 to index
        %get3A_609 = arith.constant 112 : index
        %get3A_610 = tpu.vector_load %arg10[%get3A_608, %get3A_609] {strides = array<i32>} : memref<112x128xf32, #tpu.memory_space<vmem>>, vector<16xf32>,
        %mul3A_611 = arith.mulf %get3A_610, %bitcast3A_558 : vector<16xf32>
        %swap3A_612 = arith.index_cast %add3A_553 : i32 to index
        %swap3A_613 = arith.constant 112 : index
        %swap3A_614 = tpu.vector_load %arg10[%swap3A_612, %swap3A_613] {strides = array<i32>} : memref<112x128xf32, #tpu.memory_space<vmem>>, vector<16xf32>,
        tpu.vector_store %arg10[%swap3A_612, %swap3A_613], %mul3A_611 {strides = array<i32>} : memref<112x128xf32, #tpu.memory_space<vmem>>, vector<16xf32>,
      }
      %scan3A_252 = arith.constant 28 : i32
      %add3A_253 = arith.constant 2 : i32
      %add3A_254 = arith.addi %add3A_231, %add3A_253 : i32
      %lt3A_255 = arith.constant 180 : i32
      %lt3A_256 = arith.cmpi slt, %add3A_254, %lt3A_255 : i32
      %convert_element_type3A_257 = arith.extui %lt3A_256 : i1 to i32
      %cond3A_258 = arith.constant 0 : i32
      %cond3A_259 = arith.cmpi ne, %convert_element_type3A_257, %cond3A_258 : i32
      scf.if %cond3A_259 {
        %add3A_358 = arith.constant 2 : i32
        %add3A_359 = arith.addi %add3A_231, %add3A_358 : i32
        %dma_wait3A_360 = arith.constant 1 : i32
        %dma_wait3A_361 = arith.constant 0 : i32
        %dma_wait3A_362 = arith.constant 0 : i32
        %dma_wait3A_363 = tpu.memref_slice %arg6[%dma_wait3A_360, %dma_wait3A_361, %dma_wait3A_362] : memref<3x2x112xi32, #tpu.memory_space<vmem>> -> memref<1x2x112xi32, #tpu.memory_space<vmem>>
        %dma_wait3A_364 = tpu.memref_squeeze %dma_wait3A_363 : memref<1x2x112xi32, #tpu.memory_space<vmem>> -> memref<2x112xi32, #tpu.memory_space<vmem>>
        %dma_wait3A_365 = arith.constant 0 : i32
        %dma_wait3A_366 = arith.constant 0 : i32
        %dma_wait3A_367 = tpu.memref_slice %arg3[%arg1, %add3A_359, %dma_wait3A_365, %dma_wait3A_366] : memref<16x180x2x112xi32, #tpu.memory_space<hbm>> -> memref<1x1x2x112xi32, #tpu.memory_space<hbm>>
        %dma_wait3A_368 = tpu.memref_squeeze %dma_wait3A_367 : memref<1x1x2x112xi32, #tpu.memory_space<hbm>> -> memref<2x112xi32, #tpu.memory_space<hbm>>
        %dma_wait3A_369 = arith.constant 0 : i32
        %dma_wait3A_370 = arith.constant 0 : i32
        %dma_wait3A_371 = tpu.memref_slice %arg6[%dma_wait3A_360, %dma_wait3A_369, %dma_wait3A_370] : memref<3x2x112xi32, #tpu.memory_space<vmem>> -> memref<1x2x112xi32, #tpu.memory_space<vmem>>
        %dma_wait3A_372 = tpu.memref_squeeze %dma_wait3A_371 : memref<1x2x112xi32, #tpu.memory_space<vmem>> -> memref<2x112xi32, #tpu.memory_space<vmem>>
        %dma_wait3A_373 = arith.constant 0 : i32
        %dma_wait3A_374 = arith.constant 0 : i32
        %dma_wait3A_375 = tpu.memref_slice %arg3[%arg1, %add3A_359, %dma_wait3A_373, %dma_wait3A_374] : memref<16x180x2x112xi32, #tpu.memory_space<hbm>> -> memref<1x1x2x112xi32, #tpu.memory_space<hbm>>
        %dma_wait3A_376 = tpu.memref_squeeze %dma_wait3A_375 : memref<1x1x2x112xi32, #tpu.memory_space<hbm>> -> memref<2x112xi32, #tpu.memory_space<hbm>>
        tpu.wait_dma2 semaphore(%arg13 : memref<!tpu.dma_semaphore, #tpu.memory_space<semaphore_mem>>) src(%dma_wait3A_376 : memref<2x112xi32, #tpu.memory_space<hbm>>) dst(%dma_wait3A_372 : memref<2x112xi32, #tpu.memory_space<vmem>>)
        %dma_wait3A_377 = arith.constant 1 : i32
        %dma_wait3A_378 = arith.constant 0 : i32
        %dma_wait3A_379 = tpu.memref_slice %arg7[%dma_wait3A_377, %dma_wait3A_378] : memref<3x112xi32, #tpu.memory_space<vmem>> -> memref<1x112xi32, #tpu.memory_space<vmem>>
        %dma_wait3A_380 = tpu.memref_squeeze %dma_wait3A_379 : memref<1x112xi32, #tpu.memory_space<vmem>> -> memref<112xi32, #tpu.memory_space<vmem>>
        %dma_wait3A_381 = arith.constant 0 : i32
        %dma_wait3A_382 = tpu.memref_slice %arg4[%arg1, %add3A_359, %dma_wait3A_381] : memref<16x180x112xi32, #tpu.memory_space<hbm>> -> memref<1x1x112xi32, #tpu.memory_space<hbm>>
        %dma_wait3A_383 = tpu.memref_squeeze %dma_wait3A_382 : memref<1x1x112xi32, #tpu.memory_space<hbm>> -> memref<112xi32, #tpu.memory_space<hbm>>
        %dma_wait3A_384 = arith.constant 0 : i32
        %dma_wait3A_385 = tpu.memref_slice %arg7[%dma_wait3A_377, %dma_wait3A_384] : memref<3x112xi32, #tpu.memory_space<vmem>> -> memref<1x112xi32, #tpu.memory_space<vmem>>
        %dma_wait3A_386 = tpu.memref_squeeze %dma_wait3A_385 : memref<1x112xi32, #tpu.memory_space<vmem>> -> memref<112xi32, #tpu.memory_space<vmem>>
        %dma_wait3A_387 = arith.constant 0 : i32
        %dma_wait3A_388 = tpu.memref_slice %arg4[%arg1, %add3A_359, %dma_wait3A_387] : memref<16x180x112xi32, #tpu.memory_space<hbm>> -> memref<1x1x112xi32, #tpu.memory_space<hbm>>
        %dma_wait3A_389 = tpu.memref_squeeze %dma_wait3A_388 : memref<1x1x112xi32, #tpu.memory_space<hbm>> -> memref<112xi32, #tpu.memory_space<hbm>>
        tpu.wait_dma2 semaphore(%arg13 : memref<!tpu.dma_semaphore, #tpu.memory_space<semaphore_mem>>) src(%dma_wait3A_389 : memref<112xi32, #tpu.memory_space<hbm>>) dst(%dma_wait3A_386 : memref<112xi32, #tpu.memory_space<vmem>>)
        %dma_start3A_390 = arith.constant 1 : i32
        %dma_start3A_391 = arith.constant 0 : i32
        %dma_start3A_392 = arith.constant 0 : i32
        %dma_start3A_393 = tpu.memref_slice %arg6[%dma_start3A_390, %dma_start3A_391, %dma_start3A_392] : memref<3x2x112xi32, #tpu.memory_space<vmem>> -> memref<1x1x112xi32, #tpu.memory_space<vmem>>
        %dma_start3A_394 = tpu.memref_squeeze %dma_start3A_393 : memref<1x1x112xi32, #tpu.memory_space<vmem>> -> memref<112xi32, #tpu.memory_space<vmem>>
        %dma_start3A_395 = arith.constant 0 : i32
        %dma_start3A_396 = arith.constant 0 : i32
        %dma_start3A_397 = tpu.memref_slice %arg2[%dma_start3A_395, %dma_start3A_396] : memref<10000x128xf32, #tpu.memory_space<hbm>> -> memref<10000x128xf32, #tpu.memory_space<hbm>>
        tpu.enqueue_indirect_dma source(%dma_start3A_397 : memref<10000x128xf32, #tpu.memory_space<hbm>>) target(%arg9 : memref<112x128xf32, #tpu.memory_space<vmem>>) offsets(%dma_start3A_394 : memref<112xi32, #tpu.memory_space<vmem>>) semaphore(%arg16 : memref<!tpu.dma_semaphore, #tpu.memory_space<semaphore_mem>>)
      } else {
      }
      %run_scoped3A_260 = arith.constant 2 : i32
      %run_scoped3A_261 = arith.constant 1 : i32
      "tpu.region"() ({
        %run_scoped3A_358 = tpu.sem_alloc : memref<!tpu.dma_semaphore, #tpu.memory_space<semaphore_mem>>
        %dma_start3A_359 = arith.constant 0 : i32
        %dma_start3A_360 = tpu.memref_slice %arg6[%run_scoped3A_260, %run_scoped3A_261, %dma_start3A_359] : memref<3x2x112xi32, #tpu.memory_space<vmem>> -> memref<1x1x112xi32, #tpu.memory_space<vmem>>
        %dma_start3A_361 = tpu.memref_squeeze %dma_start3A_360 : memref<1x1x112xi32, #tpu.memory_space<vmem>> -> memref<112xi32, #tpu.memory_space<vmem>>
        %dma_start3A_362 = arith.constant 0 : i32
        %dma_start3A_363 = arith.constant 0 : i32
        %dma_start3A_364 = tpu.memref_slice %arg11[%dma_start3A_362, %dma_start3A_363] : memref<10240x128xf32, #tpu.memory_space<vmem_shared>> -> memref<10240x128xf32, #tpu.memory_space<vmem_shared>>
        tpu.enqueue_indirect_dma source(%arg10 : memref<112x128xf32, #tpu.memory_space<vmem>>) target(%dma_start3A_364 : memref<10240x128xf32, #tpu.memory_space<vmem_shared>>) offsets(%dma_start3A_361 : memref<112xi32, #tpu.memory_space<vmem>>) semaphore(%run_scoped3A_358 : memref<!tpu.dma_semaphore, #tpu.memory_space<semaphore_mem>>) {add = true}
        %dma_wait3A_365 = arith.constant 0 : i32
        %dma_wait3A_366 = tpu.memref_slice %arg6[%run_scoped3A_260, %run_scoped3A_261, %dma_wait3A_365] : memref<3x2x112xi32, #tpu.memory_space<vmem>> -> memref<1x1x112xi32, #tpu.memory_space<vmem>>
        %dma_wait3A_367 = tpu.memref_squeeze %dma_wait3A_366 : memref<1x1x112xi32, #tpu.memory_space<vmem>> -> memref<112xi32, #tpu.memory_space<vmem>>
        %dma_wait3A_368 = arith.constant 0 : i32
        %dma_wait3A_369 = arith.constant 0 : i32
        %dma_wait3A_370 = tpu.memref_slice %arg11[%dma_wait3A_368, %dma_wait3A_369] : memref<10240x128xf32, #tpu.memory_space<vmem_shared>> -> memref<10240x128xf32, #tpu.memory_space<vmem_shared>>
        tpu.wait_indirect_dma semaphore(%run_scoped3A_358 : memref<!tpu.dma_semaphore, #tpu.memory_space<semaphore_mem>>) src(%arg10 : memref<112x128xf32, #tpu.memory_space<vmem>>) dst(%dma_wait3A_370 : memref<10240x128xf32, #tpu.memory_space<vmem_shared>>)
        tpu.yield
      }) : () -> ()
      %add3A_262 = arith.constant 3 : i32
      %add3A_263 = arith.addi %mul3A_169, %add3A_262 : i32
      %add3A_264 = arith.constant 2 : i32
      %add3A_265 = arith.addi %add3A_263, %add3A_264 : i32
      %lt3A_266 = arith.constant 180 : i32
      %lt3A_267 = arith.cmpi slt, %add3A_265, %lt3A_266 : i32
      %convert_element_type3A_268 = arith.extui %lt3A_267 : i1 to i32
      %cond3A_269 = arith.constant 0 : i32
      %cond3A_270 = arith.cmpi ne, %convert_element_type3A_268, %cond3A_269 : i32
      scf.if %cond3A_270 {
        %add3A_358 = arith.constant 2 : i32
        %add3A_359 = arith.addi %add3A_263, %add3A_358 : i32
        %dma_start3A_360 = arith.constant 2 : i32
        %dma_start3A_361 = arith.constant 0 : i32
        %dma_start3A_362 = arith.constant 0 : i32
        %dma_start3A_363 = tpu.memref_slice %arg6[%dma_start3A_360, %dma_start3A_361, %dma_start3A_362] : memref<3x2x112xi32, #tpu.memory_space<vmem>> -> memref<1x2x112xi32, #tpu.memory_space<vmem>>
        %dma_start3A_364 = tpu.memref_squeeze %dma_start3A_363 : memref<1x2x112xi32, #tpu.memory_space<vmem>> -> memref<2x112xi32, #tpu.memory_space<vmem>>
        %dma_start3A_365 = arith.constant 0 : i32
        %dma_start3A_366 = arith.constant 0 : i32
        %dma_start3A_367 = tpu.memref_slice %arg3[%arg1, %add3A_359, %dma_start3A_365, %dma_start3A_366] : memref<16x180x2x112xi32, #tpu.memory_space<hbm>> -> memref<1x1x2x112xi32, #tpu.memory_space<hbm>>
        %dma_start3A_368 = tpu.memref_squeeze %dma_start3A_367 : memref<1x1x2x112xi32, #tpu.memory_space<hbm>> -> memref<2x112xi32, #tpu.memory_space<hbm>>
        %dma_start3A_369 = arith.constant 0 : i32
        %dma_start3A_370 = arith.constant 0 : i32
        %dma_start3A_371 = tpu.memref_slice %arg6[%dma_start3A_360, %dma_start3A_369, %dma_start3A_370] : memref<3x2x112xi32, #tpu.memory_space<vmem>> -> memref<1x2x112xi32, #tpu.memory_space<vmem>>
        %dma_start3A_372 = tpu.memref_squeeze %dma_start3A_371 : memref<1x2x112xi32, #tpu.memory_space<vmem>> -> memref<2x112xi32, #tpu.memory_space<vmem>>
        %dma_start3A_373 = arith.constant 0 : i32
        %dma_start3A_374 = arith.constant 0 : i32
        %dma_start3A_375 = tpu.memref_slice %arg3[%arg1, %add3A_359, %dma_start3A_373, %dma_start3A_374] : memref<16x180x2x112xi32, #tpu.memory_space<hbm>> -> memref<1x1x2x112xi32, #tpu.memory_space<hbm>>
        %dma_start3A_376 = tpu.memref_squeeze %dma_start3A_375 : memref<1x1x2x112xi32, #tpu.memory_space<hbm>> -> memref<2x112xi32, #tpu.memory_space<hbm>>
        tpu.enqueue_dma source(%dma_start3A_376 : memref<2x112xi32, #tpu.memory_space<hbm>>) target(%dma_start3A_372 : memref<2x112xi32, #tpu.memory_space<vmem>>) target_semaphore(%arg14 : memref<!tpu.dma_semaphore, #tpu.memory_space<semaphore_mem>>)
        %dma_start3A_377 = arith.constant 2 : i32
        %dma_start3A_378 = arith.constant 0 : i32
        %dma_start3A_379 = tpu.memref_slice %arg7[%dma_start3A_377, %dma_start3A_378] : memref<3x112xi32, #tpu.memory_space<vmem>> -> memref<1x112xi32, #tpu.memory_space<vmem>>
        %dma_start3A_380 = tpu.memref_squeeze %dma_start3A_379 : memref<1x112xi32, #tpu.memory_space<vmem>> -> memref<112xi32, #tpu.memory_space<vmem>>
        %dma_start3A_381 = arith.constant 0 : i32
        %dma_start3A_382 = tpu.memref_slice %arg4[%arg1, %add3A_359, %dma_start3A_381] : memref<16x180x112xi32, #tpu.memory_space<hbm>> -> memref<1x1x112xi32, #tpu.memory_space<hbm>>
        %dma_start3A_383 = tpu.memref_squeeze %dma_start3A_382 : memref<1x1x112xi32, #tpu.memory_space<hbm>> -> memref<112xi32, #tpu.memory_space<hbm>>
        %dma_start3A_384 = arith.constant 0 : i32
        %dma_start3A_385 = tpu.memref_slice %arg7[%dma_start3A_377, %dma_start3A_384] : memref<3x112xi32, #tpu.memory_space<vmem>> -> memref<1x112xi32, #tpu.memory_space<vmem>>
        %dma_start3A_386 = tpu.memref_squeeze %dma_start3A_385 : memref<1x112xi32, #tpu.memory_space<vmem>> -> memref<112xi32, #tpu.memory_space<vmem>>
        %dma_start3A_387 = arith.constant 0 : i32
        %dma_start3A_388 = tpu.memref_slice %arg4[%arg1, %add3A_359, %dma_start3A_387] : memref<16x180x112xi32, #tpu.memory_space<hbm>> -> memref<1x1x112xi32, #tpu.memory_space<hbm>>
        %dma_start3A_389 = tpu.memref_squeeze %dma_start3A_388 : memref<1x1x112xi32, #tpu.memory_space<hbm>> -> memref<112xi32, #tpu.memory_space<hbm>>
        tpu.enqueue_dma source(%dma_start3A_389 : memref<112xi32, #tpu.memory_space<hbm>>) target(%dma_start3A_386 : memref<112xi32, #tpu.memory_space<vmem>>) target_semaphore(%arg14 : memref<!tpu.dma_semaphore, #tpu.memory_space<semaphore_mem>>)
      } else {
      }
      %dma_wait3A_271 = arith.constant 0 : i32
      %dma_wait3A_272 = arith.constant 0 : i32
      %dma_wait3A_273 = arith.constant 0 : i32
      %dma_wait3A_274 = tpu.memref_slice %arg6[%dma_wait3A_271, %dma_wait3A_272, %dma_wait3A_273] : memref<3x2x112xi32, #tpu.memory_space<vmem>> -> memref<1x1x112xi32, #tpu.memory_space<vmem>>
      %dma_wait3A_275 = tpu.memref_squeeze %dma_wait3A_274 : memref<1x1x112xi32, #tpu.memory_space<vmem>> -> memref<112xi32, #tpu.memory_space<vmem>>
      %dma_wait3A_276 = arith.constant 0 : i32
      %dma_wait3A_277 = arith.constant 0 : i32
      %dma_wait3A_278 = tpu.memref_slice %arg2[%dma_wait3A_276, %dma_wait3A_277] : memref<10000x128xf32, #tpu.memory_space<hbm>> -> memref<10000x128xf32, #tpu.memory_space<hbm>>
      tpu.wait_indirect_dma semaphore(%arg15 : memref<!tpu.dma_semaphore, #tpu.memory_space<semaphore_mem>>) src(%dma_wait3A_278 : memref<10000x128xf32, #tpu.memory_space<hbm>>) dst(%arg8 : memref<112x128xf32, #tpu.memory_space<vmem>>)
      %scan3A_279 = arith.constant 0 : i32
      %scan3A_280 = arith.constant 0 : i32
      %scan3A_281 = arith.constant 28 : i32
      %scan3A_282 = arith.addi %scan3A_280, %scan3A_281 : i32
      %scan3A_283 = arith.constant 1 : i32
      scf.for %scan3A_358 = %scan3A_280 to %scan3A_282 step %scan3A_283  : i32 {
        %mul3A_359 = arith.constant 4 : i32
        %mul3A_360 = arith.muli %scan3A_358, %mul3A_359 : i32
        %add3A_361 = arith.constant 0 : i32
        %add3A_362 = arith.addi %mul3A_360, %add3A_361 : i32
        %broadcast_in_dim3A_363 = arith.constant 0 : i32
        %broadcast_in_dim3A_364 = vector.broadcast %broadcast_in_dim3A_363 : i32 to vector<16xi32>
        %broadcast_in_dim3A_365 = vector.broadcast %add3A_362 : i32 to vector<16xi32>
        %gather3A = tpu.vector_load_idx %arg7[%broadcast_in_dim3A_364, %broadcast_in_dim3A_365] : memref<3x112xi32, #tpu.memory_space<vmem>>[vector<16xi32>, vector<16xi32>], vector<16xi32>,
        %bitcast3A = vector.bitcast %gather3A : vector<16xi32> to vector<16xf32>
        %get3A = arith.index_cast %add3A_362 : i32 to index
        %get3A_366 = arith.constant 0 : index
        %get3A_367 = tpu.vector_load %arg8[%get3A, %get3A_366] {strides = array<i32>} : memref<112x128xf32, #tpu.memory_space<vmem>>, vector<16xf32>,
        %mul3A_368 = arith.mulf %get3A_367, %bitcast3A : vector<16xf32>
        %swap3A = arith.index_cast %add3A_362 : i32 to index
        %swap3A_369 = arith.constant 0 : index
        %swap3A_370 = tpu.vector_load %arg8[%swap3A, %swap3A_369] {strides = array<i32>} : memref<112x128xf32, #tpu.memory_space<vmem>>, vector<16xf32>,
        tpu.vector_store %arg8[%swap3A, %swap3A_369], %mul3A_368 {strides = array<i32>} : memref<112x128xf32, #tpu.memory_space<vmem>>, vector<16xf32>,
        %get3A_371 = arith.index_cast %add3A_362 : i32 to index
        %get3A_372 = arith.constant 16 : index
        %get3A_373 = tpu.vector_load %arg8[%get3A_371, %get3A_372] {strides = array<i32>} : memref<112x128xf32, #tpu.memory_space<vmem>>, vector<16xf32>,
        %mul3A_374 = arith.mulf %get3A_373, %bitcast3A : vector<16xf32>
        %swap3A_375 = arith.index_cast %add3A_362 : i32 to index
        %swap3A_376 = arith.constant 16 : index
        %swap3A_377 = tpu.vector_load %arg8[%swap3A_375, %swap3A_376] {strides = array<i32>} : memref<112x128xf32, #tpu.memory_space<vmem>>, vector<16xf32>,
        tpu.vector_store %arg8[%swap3A_375, %swap3A_376], %mul3A_374 {strides = array<i32>} : memref<112x128xf32, #tpu.memory_space<vmem>>, vector<16xf32>,
        %get3A_378 = arith.index_cast %add3A_362 : i32 to index
        %get3A_379 = arith.constant 32 : index
        %get3A_380 = tpu.vector_load %arg8[%get3A_378, %get3A_379] {strides = array<i32>} : memref<112x128xf32, #tpu.memory_space<vmem>>, vector<16xf32>,
        %mul3A_381 = arith.mulf %get3A_380, %bitcast3A : vector<16xf32>
        %swap3A_382 = arith.index_cast %add3A_362 : i32 to index
        %swap3A_383 = arith.constant 32 : index
        %swap3A_384 = tpu.vector_load %arg8[%swap3A_382, %swap3A_383] {strides = array<i32>} : memref<112x128xf32, #tpu.memory_space<vmem>>, vector<16xf32>,
        tpu.vector_store %arg8[%swap3A_382, %swap3A_383], %mul3A_381 {strides = array<i32>} : memref<112x128xf32, #tpu.memory_space<vmem>>, vector<16xf32>,
        %get3A_385 = arith.index_cast %add3A_362 : i32 to index
        %get3A_386 = arith.constant 48 : index
        %get3A_387 = tpu.vector_load %arg8[%get3A_385, %get3A_386] {strides = array<i32>} : memref<112x128xf32, #tpu.memory_space<vmem>>, vector<16xf32>,
        %mul3A_388 = arith.mulf %get3A_387, %bitcast3A : vector<16xf32>
        %swap3A_389 = arith.index_cast %add3A_362 : i32 to index
        %swap3A_390 = arith.constant 48 : index
        %swap3A_391 = tpu.vector_load %arg8[%swap3A_389, %swap3A_390] {strides = array<i32>} : memref<112x128xf32, #tpu.memory_space<vmem>>, vector<16xf32>,
        tpu.vector_store %arg8[%swap3A_389, %swap3A_390], %mul3A_388 {strides = array<i32>} : memref<112x128xf32, #tpu.memory_space<vmem>>, vector<16xf32>,
        %get3A_392 = arith.index_cast %add3A_362 : i32 to index
        %get3A_393 = arith.constant 64 : index
        %get3A_394 = tpu.vector_load %arg8[%get3A_392, %get3A_393] {strides = array<i32>} : memref<112x128xf32, #tpu.memory_space<vmem>>, vector<16xf32>,
        %mul3A_395 = arith.mulf %get3A_394, %bitcast3A : vector<16xf32>
        %swap3A_396 = arith.index_cast %add3A_362 : i32 to index
        %swap3A_397 = arith.constant 64 : index
        %swap3A_398 = tpu.vector_load %arg8[%swap3A_396, %swap3A_397] {strides = array<i32>} : memref<112x128xf32, #tpu.memory_space<vmem>>, vector<16xf32>,
        tpu.vector_store %arg8[%swap3A_396, %swap3A_397], %mul3A_395 {strides = array<i32>} : memref<112x128xf32, #tpu.memory_space<vmem>>, vector<16xf32>,
        %get3A_399 = arith.index_cast %add3A_362 : i32 to index
        %get3A_400 = arith.constant 80 : index
        %get3A_401 = tpu.vector_load %arg8[%get3A_399, %get3A_400] {strides = array<i32>} : memref<112x128xf32, #tpu.memory_space<vmem>>, vector<16xf32>,
        %mul3A_402 = arith.mulf %get3A_401, %bitcast3A : vector<16xf32>
        %swap3A_403 = arith.index_cast %add3A_362 : i32 to index
        %swap3A_404 = arith.constant 80 : index
        %swap3A_405 = tpu.vector_load %arg8[%swap3A_403, %swap3A_404] {strides = array<i32>} : memref<112x128xf32, #tpu.memory_space<vmem>>, vector<16xf32>,
        tpu.vector_store %arg8[%swap3A_403, %swap3A_404], %mul3A_402 {strides = array<i32>} : memref<112x128xf32, #tpu.memory_space<vmem>>, vector<16xf32>,
        %get3A_406 = arith.index_cast %add3A_362 : i32 to index
        %get3A_407 = arith.constant 96 : index
        %get3A_408 = tpu.vector_load %arg8[%get3A_406, %get3A_407] {strides = array<i32>} : memref<112x128xf32, #tpu.memory_space<vmem>>, vector<16xf32>,
        %mul3A_409 = arith.mulf %get3A_408, %bitcast3A : vector<16xf32>
        %swap3A_410 = arith.index_cast %add3A_362 : i32 to index
        %swap3A_411 = arith.constant 96 : index
        %swap3A_412 = tpu.vector_load %arg8[%swap3A_410, %swap3A_411] {strides = array<i32>} : memref<112x128xf32, #tpu.memory_space<vmem>>, vector<16xf32>,
        tpu.vector_store %arg8[%swap3A_410, %swap3A_411], %mul3A_409 {strides = array<i32>} : memref<112x128xf32, #tpu.memory_space<vmem>>, vector<16xf32>,
        %get3A_413 = arith.index_cast %add3A_362 : i32 to index
        %get3A_414 = arith.constant 112 : index
        %get3A_415 = tpu.vector_load %arg8[%get3A_413, %get3A_414] {strides = array<i32>} : memref<112x128xf32, #tpu.memory_space<vmem>>, vector<16xf32>,
        %mul3A_416 = arith.mulf %get3A_415, %bitcast3A : vector<16xf32>
        %swap3A_417 = arith.index_cast %add3A_362 : i32 to index
        %swap3A_418 = arith.constant 112 : index
        %swap3A_419 = tpu.vector_load %arg8[%swap3A_417, %swap3A_418] {strides = array<i32>} : memref<112x128xf32, #tpu.memory_space<vmem>>, vector<16xf32>,
        tpu.vector_store %arg8[%swap3A_417, %swap3A_418], %mul3A_416 {strides = array<i32>} : memref<112x128xf32, #tpu.memory_space<vmem>>, vector<16xf32>,
        %mul3A_420 = arith.constant 4 : i32
        %mul3A_421 = arith.muli %scan3A_358, %mul3A_420 : i32
        %add3A_422 = arith.constant 1 : i32
        %add3A_423 = arith.addi %mul3A_421, %add3A_422 : i32
        %broadcast_in_dim3A_424 = arith.constant 0 : i32
        %broadcast_in_dim3A_425 = vector.broadcast %broadcast_in_dim3A_424 : i32 to vector<16xi32>
        %broadcast_in_dim3A_426 = vector.broadcast %add3A_423 : i32 to vector<16xi32>
        %gather3A_427 = tpu.vector_load_idx %arg7[%broadcast_in_dim3A_425, %broadcast_in_dim3A_426] : memref<3x112xi32, #tpu.memory_space<vmem>>[vector<16xi32>, vector<16xi32>], vector<16xi32>,
        %bitcast3A_428 = vector.bitcast %gather3A_427 : vector<16xi32> to vector<16xf32>
        %get3A_429 = arith.index_cast %add3A_423 : i32 to index
        %get3A_430 = arith.constant 0 : index
        %get3A_431 = tpu.vector_load %arg8[%get3A_429, %get3A_430] {strides = array<i32>} : memref<112x128xf32, #tpu.memory_space<vmem>>, vector<16xf32>,
        %mul3A_432 = arith.mulf %get3A_431, %bitcast3A_428 : vector<16xf32>
        %swap3A_433 = arith.index_cast %add3A_423 : i32 to index
        %swap3A_434 = arith.constant 0 : index
        %swap3A_435 = tpu.vector_load %arg8[%swap3A_433, %swap3A_434] {strides = array<i32>} : memref<112x128xf32, #tpu.memory_space<vmem>>, vector<16xf32>,
        tpu.vector_store %arg8[%swap3A_433, %swap3A_434], %mul3A_432 {strides = array<i32>} : memref<112x128xf32, #tpu.memory_space<vmem>>, vector<16xf32>,
        %get3A_436 = arith.index_cast %add3A_423 : i32 to index
        %get3A_437 = arith.constant 16 : index
        %get3A_438 = tpu.vector_load %arg8[%get3A_436, %get3A_437] {strides = array<i32>} : memref<112x128xf32, #tpu.memory_space<vmem>>, vector<16xf32>,
        %mul3A_439 = arith.mulf %get3A_438, %bitcast3A_428 : vector<16xf32>
        %swap3A_440 = arith.index_cast %add3A_423 : i32 to index
        %swap3A_441 = arith.constant 16 : index
        %swap3A_442 = tpu.vector_load %arg8[%swap3A_440, %swap3A_441] {strides = array<i32>} : memref<112x128xf32, #tpu.memory_space<vmem>>, vector<16xf32>,
        tpu.vector_store %arg8[%swap3A_440, %swap3A_441], %mul3A_439 {strides = array<i32>} : memref<112x128xf32, #tpu.memory_space<vmem>>, vector<16xf32>,
        %get3A_443 = arith.index_cast %add3A_423 : i32 to index
        %get3A_444 = arith.constant 32 : index
        %get3A_445 = tpu.vector_load %arg8[%get3A_443, %get3A_444] {strides = array<i32>} : memref<112x128xf32, #tpu.memory_space<vmem>>, vector<16xf32>,
        %mul3A_446 = arith.mulf %get3A_445, %bitcast3A_428 : vector<16xf32>
        %swap3A_447 = arith.index_cast %add3A_423 : i32 to index
        %swap3A_448 = arith.constant 32 : index
        %swap3A_449 = tpu.vector_load %arg8[%swap3A_447, %swap3A_448] {strides = array<i32>} : memref<112x128xf32, #tpu.memory_space<vmem>>, vector<16xf32>,
        tpu.vector_store %arg8[%swap3A_447, %swap3A_448], %mul3A_446 {strides = array<i32>} : memref<112x128xf32, #tpu.memory_space<vmem>>, vector<16xf32>,
        %get3A_450 = arith.index_cast %add3A_423 : i32 to index
        %get3A_451 = arith.constant 48 : index
        %get3A_452 = tpu.vector_load %arg8[%get3A_450, %get3A_451] {strides = array<i32>} : memref<112x128xf32, #tpu.memory_space<vmem>>, vector<16xf32>,
        %mul3A_453 = arith.mulf %get3A_452, %bitcast3A_428 : vector<16xf32>
        %swap3A_454 = arith.index_cast %add3A_423 : i32 to index
        %swap3A_455 = arith.constant 48 : index
        %swap3A_456 = tpu.vector_load %arg8[%swap3A_454, %swap3A_455] {strides = array<i32>} : memref<112x128xf32, #tpu.memory_space<vmem>>, vector<16xf32>,
        tpu.vector_store %arg8[%swap3A_454, %swap3A_455], %mul3A_453 {strides = array<i32>} : memref<112x128xf32, #tpu.memory_space<vmem>>, vector<16xf32>,
        %get3A_457 = arith.index_cast %add3A_423 : i32 to index
        %get3A_458 = arith.constant 64 : index
        %get3A_459 = tpu.vector_load %arg8[%get3A_457, %get3A_458] {strides = array<i32>} : memref<112x128xf32, #tpu.memory_space<vmem>>, vector<16xf32>,
        %mul3A_460 = arith.mulf %get3A_459, %bitcast3A_428 : vector<16xf32>
        %swap3A_461 = arith.index_cast %add3A_423 : i32 to index
        %swap3A_462 = arith.constant 64 : index
        %swap3A_463 = tpu.vector_load %arg8[%swap3A_461, %swap3A_462] {strides = array<i32>} : memref<112x128xf32, #tpu.memory_space<vmem>>, vector<16xf32>,
        tpu.vector_store %arg8[%swap3A_461, %swap3A_462], %mul3A_460 {strides = array<i32>} : memref<112x128xf32, #tpu.memory_space<vmem>>, vector<16xf32>,
        %get3A_464 = arith.index_cast %add3A_423 : i32 to index
        %get3A_465 = arith.constant 80 : index
        %get3A_466 = tpu.vector_load %arg8[%get3A_464, %get3A_465] {strides = array<i32>} : memref<112x128xf32, #tpu.memory_space<vmem>>, vector<16xf32>,
        %mul3A_467 = arith.mulf %get3A_466, %bitcast3A_428 : vector<16xf32>
        %swap3A_468 = arith.index_cast %add3A_423 : i32 to index
        %swap3A_469 = arith.constant 80 : index
        %swap3A_470 = tpu.vector_load %arg8[%swap3A_468, %swap3A_469] {strides = array<i32>} : memref<112x128xf32, #tpu.memory_space<vmem>>, vector<16xf32>,
        tpu.vector_store %arg8[%swap3A_468, %swap3A_469], %mul3A_467 {strides = array<i32>} : memref<112x128xf32, #tpu.memory_space<vmem>>, vector<16xf32>,
        %get3A_471 = arith.index_cast %add3A_423 : i32 to index
        %get3A_472 = arith.constant 96 : index
        %get3A_473 = tpu.vector_load %arg8[%get3A_471, %get3A_472] {strides = array<i32>} : memref<112x128xf32, #tpu.memory_space<vmem>>, vector<16xf32>,
        %mul3A_474 = arith.mulf %get3A_473, %bitcast3A_428 : vector<16xf32>
        %swap3A_475 = arith.index_cast %add3A_423 : i32 to index
        %swap3A_476 = arith.constant 96 : index
        %swap3A_477 = tpu.vector_load %arg8[%swap3A_475, %swap3A_476] {strides = array<i32>} : memref<112x128xf32, #tpu.memory_space<vmem>>, vector<16xf32>,
        tpu.vector_store %arg8[%swap3A_475, %swap3A_476], %mul3A_474 {strides = array<i32>} : memref<112x128xf32, #tpu.memory_space<vmem>>, vector<16xf32>,
        %get3A_478 = arith.index_cast %add3A_423 : i32 to index
        %get3A_479 = arith.constant 112 : index
        %get3A_480 = tpu.vector_load %arg8[%get3A_478, %get3A_479] {strides = array<i32>} : memref<112x128xf32, #tpu.memory_space<vmem>>, vector<16xf32>,
        %mul3A_481 = arith.mulf %get3A_480, %bitcast3A_428 : vector<16xf32>
        %swap3A_482 = arith.index_cast %add3A_423 : i32 to index
        %swap3A_483 = arith.constant 112 : index
        %swap3A_484 = tpu.vector_load %arg8[%swap3A_482, %swap3A_483] {strides = array<i32>} : memref<112x128xf32, #tpu.memory_space<vmem>>, vector<16xf32>,
        tpu.vector_store %arg8[%swap3A_482, %swap3A_483], %mul3A_481 {strides = array<i32>} : memref<112x128xf32, #tpu.memory_space<vmem>>, vector<16xf32>,
        %mul3A_485 = arith.constant 4 : i32
        %mul3A_486 = arith.muli %scan3A_358, %mul3A_485 : i32
        %add3A_487 = arith.constant 2 : i32
        %add3A_488 = arith.addi %mul3A_486, %add3A_487 : i32
        %broadcast_in_dim3A_489 = arith.constant 0 : i32
        %broadcast_in_dim3A_490 = vector.broadcast %broadcast_in_dim3A_489 : i32 to vector<16xi32>
        %broadcast_in_dim3A_491 = vector.broadcast %add3A_488 : i32 to vector<16xi32>
        %gather3A_492 = tpu.vector_load_idx %arg7[%broadcast_in_dim3A_490, %broadcast_in_dim3A_491] : memref<3x112xi32, #tpu.memory_space<vmem>>[vector<16xi32>, vector<16xi32>], vector<16xi32>,
        %bitcast3A_493 = vector.bitcast %gather3A_492 : vector<16xi32> to vector<16xf32>
        %get3A_494 = arith.index_cast %add3A_488 : i32 to index
        %get3A_495 = arith.constant 0 : index
        %get3A_496 = tpu.vector_load %arg8[%get3A_494, %get3A_495] {strides = array<i32>} : memref<112x128xf32, #tpu.memory_space<vmem>>, vector<16xf32>,
        %mul3A_497 = arith.mulf %get3A_496, %bitcast3A_493 : vector<16xf32>
        %swap3A_498 = arith.index_cast %add3A_488 : i32 to index
        %swap3A_499 = arith.constant 0 : index
        %swap3A_500 = tpu.vector_load %arg8[%swap3A_498, %swap3A_499] {strides = array<i32>} : memref<112x128xf32, #tpu.memory_space<vmem>>, vector<16xf32>,
        tpu.vector_store %arg8[%swap3A_498, %swap3A_499], %mul3A_497 {strides = array<i32>} : memref<112x128xf32, #tpu.memory_space<vmem>>, vector<16xf32>,
        %get3A_501 = arith.index_cast %add3A_488 : i32 to index
        %get3A_502 = arith.constant 16 : index
        %get3A_503 = tpu.vector_load %arg8[%get3A_501, %get3A_502] {strides = array<i32>} : memref<112x128xf32, #tpu.memory_space<vmem>>, vector<16xf32>,
        %mul3A_504 = arith.mulf %get3A_503, %bitcast3A_493 : vector<16xf32>
        %swap3A_505 = arith.index_cast %add3A_488 : i32 to index
        %swap3A_506 = arith.constant 16 : index
        %swap3A_507 = tpu.vector_load %arg8[%swap3A_505, %swap3A_506] {strides = array<i32>} : memref<112x128xf32, #tpu.memory_space<vmem>>, vector<16xf32>,
        tpu.vector_store %arg8[%swap3A_505, %swap3A_506], %mul3A_504 {strides = array<i32>} : memref<112x128xf32, #tpu.memory_space<vmem>>, vector<16xf32>,
        %get3A_508 = arith.index_cast %add3A_488 : i32 to index
        %get3A_509 = arith.constant 32 : index
        %get3A_510 = tpu.vector_load %arg8[%get3A_508, %get3A_509] {strides = array<i32>} : memref<112x128xf32, #tpu.memory_space<vmem>>, vector<16xf32>,
        %mul3A_511 = arith.mulf %get3A_510, %bitcast3A_493 : vector<16xf32>
        %swap3A_512 = arith.index_cast %add3A_488 : i32 to index
        %swap3A_513 = arith.constant 32 : index
        %swap3A_514 = tpu.vector_load %arg8[%swap3A_512, %swap3A_513] {strides = array<i32>} : memref<112x128xf32, #tpu.memory_space<vmem>>, vector<16xf32>,
        tpu.vector_store %arg8[%swap3A_512, %swap3A_513], %mul3A_511 {strides = array<i32>} : memref<112x128xf32, #tpu.memory_space<vmem>>, vector<16xf32>,
        %get3A_515 = arith.index_cast %add3A_488 : i32 to index
        %get3A_516 = arith.constant 48 : index
        %get3A_517 = tpu.vector_load %arg8[%get3A_515, %get3A_516] {strides = array<i32>} : memref<112x128xf32, #tpu.memory_space<vmem>>, vector<16xf32>,
        %mul3A_518 = arith.mulf %get3A_517, %bitcast3A_493 : vector<16xf32>
        %swap3A_519 = arith.index_cast %add3A_488 : i32 to index
        %swap3A_520 = arith.constant 48 : index
        %swap3A_521 = tpu.vector_load %arg8[%swap3A_519, %swap3A_520] {strides = array<i32>} : memref<112x128xf32, #tpu.memory_space<vmem>>, vector<16xf32>,
        tpu.vector_store %arg8[%swap3A_519, %swap3A_520], %mul3A_518 {strides = array<i32>} : memref<112x128xf32, #tpu.memory_space<vmem>>, vector<16xf32>,
        %get3A_522 = arith.index_cast %add3A_488 : i32 to index
        %get3A_523 = arith.constant 64 : index
        %get3A_524 = tpu.vector_load %arg8[%get3A_522, %get3A_523] {strides = array<i32>} : memref<112x128xf32, #tpu.memory_space<vmem>>, vector<16xf32>,
        %mul3A_525 = arith.mulf %get3A_524, %bitcast3A_493 : vector<16xf32>
        %swap3A_526 = arith.index_cast %add3A_488 : i32 to index
        %swap3A_527 = arith.constant 64 : index
        %swap3A_528 = tpu.vector_load %arg8[%swap3A_526, %swap3A_527] {strides = array<i32>} : memref<112x128xf32, #tpu.memory_space<vmem>>, vector<16xf32>,
        tpu.vector_store %arg8[%swap3A_526, %swap3A_527], %mul3A_525 {strides = array<i32>} : memref<112x128xf32, #tpu.memory_space<vmem>>, vector<16xf32>,
        %get3A_529 = arith.index_cast %add3A_488 : i32 to index
        %get3A_530 = arith.constant 80 : index
        %get3A_531 = tpu.vector_load %arg8[%get3A_529, %get3A_530] {strides = array<i32>} : memref<112x128xf32, #tpu.memory_space<vmem>>, vector<16xf32>,
        %mul3A_532 = arith.mulf %get3A_531, %bitcast3A_493 : vector<16xf32>
        %swap3A_533 = arith.index_cast %add3A_488 : i32 to index
        %swap3A_534 = arith.constant 80 : index
        %swap3A_535 = tpu.vector_load %arg8[%swap3A_533, %swap3A_534] {strides = array<i32>} : memref<112x128xf32, #tpu.memory_space<vmem>>, vector<16xf32>,
        tpu.vector_store %arg8[%swap3A_533, %swap3A_534], %mul3A_532 {strides = array<i32>} : memref<112x128xf32, #tpu.memory_space<vmem>>, vector<16xf32>,
        %get3A_536 = arith.index_cast %add3A_488 : i32 to index
        %get3A_537 = arith.constant 96 : index
        %get3A_538 = tpu.vector_load %arg8[%get3A_536, %get3A_537] {strides = array<i32>} : memref<112x128xf32, #tpu.memory_space<vmem>>, vector<16xf32>,
        %mul3A_539 = arith.mulf %get3A_538, %bitcast3A_493 : vector<16xf32>
        %swap3A_540 = arith.index_cast %add3A_488 : i32 to index
        %swap3A_541 = arith.constant 96 : index
        %swap3A_542 = tpu.vector_load %arg8[%swap3A_540, %swap3A_541] {strides = array<i32>} : memref<112x128xf32, #tpu.memory_space<vmem>>, vector<16xf32>,
        tpu.vector_store %arg8[%swap3A_540, %swap3A_541], %mul3A_539 {strides = array<i32>} : memref<112x128xf32, #tpu.memory_space<vmem>>, vector<16xf32>,
        %get3A_543 = arith.index_cast %add3A_488 : i32 to index
        %get3A_544 = arith.constant 112 : index
        %get3A_545 = tpu.vector_load %arg8[%get3A_543, %get3A_544] {strides = array<i32>} : memref<112x128xf32, #tpu.memory_space<vmem>>, vector<16xf32>,
        %mul3A_546 = arith.mulf %get3A_545, %bitcast3A_493 : vector<16xf32>
        %swap3A_547 = arith.index_cast %add3A_488 : i32 to index
        %swap3A_548 = arith.constant 112 : index
        %swap3A_549 = tpu.vector_load %arg8[%swap3A_547, %swap3A_548] {strides = array<i32>} : memref<112x128xf32, #tpu.memory_space<vmem>>, vector<16xf32>,
        tpu.vector_store %arg8[%swap3A_547, %swap3A_548], %mul3A_546 {strides = array<i32>} : memref<112x128xf32, #tpu.memory_space<vmem>>, vector<16xf32>,
        %mul3A_550 = arith.constant 4 : i32
        %mul3A_551 = arith.muli %scan3A_358, %mul3A_550 : i32
        %add3A_552 = arith.constant 3 : i32
        %add3A_553 = arith.addi %mul3A_551, %add3A_552 : i32
        %broadcast_in_dim3A_554 = arith.constant 0 : i32
        %broadcast_in_dim3A_555 = vector.broadcast %broadcast_in_dim3A_554 : i32 to vector<16xi32>
        %broadcast_in_dim3A_556 = vector.broadcast %add3A_553 : i32 to vector<16xi32>
        %gather3A_557 = tpu.vector_load_idx %arg7[%broadcast_in_dim3A_555, %broadcast_in_dim3A_556] : memref<3x112xi32, #tpu.memory_space<vmem>>[vector<16xi32>, vector<16xi32>], vector<16xi32>,
        %bitcast3A_558 = vector.bitcast %gather3A_557 : vector<16xi32> to vector<16xf32>
        %get3A_559 = arith.index_cast %add3A_553 : i32 to index
        %get3A_560 = arith.constant 0 : index
        %get3A_561 = tpu.vector_load %arg8[%get3A_559, %get3A_560] {strides = array<i32>} : memref<112x128xf32, #tpu.memory_space<vmem>>, vector<16xf32>,
        %mul3A_562 = arith.mulf %get3A_561, %bitcast3A_558 : vector<16xf32>
        %swap3A_563 = arith.index_cast %add3A_553 : i32 to index
        %swap3A_564 = arith.constant 0 : index
        %swap3A_565 = tpu.vector_load %arg8[%swap3A_563, %swap3A_564] {strides = array<i32>} : memref<112x128xf32, #tpu.memory_space<vmem>>, vector<16xf32>,
        tpu.vector_store %arg8[%swap3A_563, %swap3A_564], %mul3A_562 {strides = array<i32>} : memref<112x128xf32, #tpu.memory_space<vmem>>, vector<16xf32>,
        %get3A_566 = arith.index_cast %add3A_553 : i32 to index
        %get3A_567 = arith.constant 16 : index
        %get3A_568 = tpu.vector_load %arg8[%get3A_566, %get3A_567] {strides = array<i32>} : memref<112x128xf32, #tpu.memory_space<vmem>>, vector<16xf32>,
        %mul3A_569 = arith.mulf %get3A_568, %bitcast3A_558 : vector<16xf32>
        %swap3A_570 = arith.index_cast %add3A_553 : i32 to index
        %swap3A_571 = arith.constant 16 : index
        %swap3A_572 = tpu.vector_load %arg8[%swap3A_570, %swap3A_571] {strides = array<i32>} : memref<112x128xf32, #tpu.memory_space<vmem>>, vector<16xf32>,
        tpu.vector_store %arg8[%swap3A_570, %swap3A_571], %mul3A_569 {strides = array<i32>} : memref<112x128xf32, #tpu.memory_space<vmem>>, vector<16xf32>,
        %get3A_573 = arith.index_cast %add3A_553 : i32 to index
        %get3A_574 = arith.constant 32 : index
        %get3A_575 = tpu.vector_load %arg8[%get3A_573, %get3A_574] {strides = array<i32>} : memref<112x128xf32, #tpu.memory_space<vmem>>, vector<16xf32>,
        %mul3A_576 = arith.mulf %get3A_575, %bitcast3A_558 : vector<16xf32>
        %swap3A_577 = arith.index_cast %add3A_553 : i32 to index
        %swap3A_578 = arith.constant 32 : index
        %swap3A_579 = tpu.vector_load %arg8[%swap3A_577, %swap3A_578] {strides = array<i32>} : memref<112x128xf32, #tpu.memory_space<vmem>>, vector<16xf32>,
        tpu.vector_store %arg8[%swap3A_577, %swap3A_578], %mul3A_576 {strides = array<i32>} : memref<112x128xf32, #tpu.memory_space<vmem>>, vector<16xf32>,
        %get3A_580 = arith.index_cast %add3A_553 : i32 to index
        %get3A_581 = arith.constant 48 : index
        %get3A_582 = tpu.vector_load %arg8[%get3A_580, %get3A_581] {strides = array<i32>} : memref<112x128xf32, #tpu.memory_space<vmem>>, vector<16xf32>,
        %mul3A_583 = arith.mulf %get3A_582, %bitcast3A_558 : vector<16xf32>
        %swap3A_584 = arith.index_cast %add3A_553 : i32 to index
        %swap3A_585 = arith.constant 48 : index
        %swap3A_586 = tpu.vector_load %arg8[%swap3A_584, %swap3A_585] {strides = array<i32>} : memref<112x128xf32, #tpu.memory_space<vmem>>, vector<16xf32>,
        tpu.vector_store %arg8[%swap3A_584, %swap3A_585], %mul3A_583 {strides = array<i32>} : memref<112x128xf32, #tpu.memory_space<vmem>>, vector<16xf32>,
        %get3A_587 = arith.index_cast %add3A_553 : i32 to index
        %get3A_588 = arith.constant 64 : index
        %get3A_589 = tpu.vector_load %arg8[%get3A_587, %get3A_588] {strides = array<i32>} : memref<112x128xf32, #tpu.memory_space<vmem>>, vector<16xf32>,
        %mul3A_590 = arith.mulf %get3A_589, %bitcast3A_558 : vector<16xf32>
        %swap3A_591 = arith.index_cast %add3A_553 : i32 to index
        %swap3A_592 = arith.constant 64 : index
        %swap3A_593 = tpu.vector_load %arg8[%swap3A_591, %swap3A_592] {strides = array<i32>} : memref<112x128xf32, #tpu.memory_space<vmem>>, vector<16xf32>,
        tpu.vector_store %arg8[%swap3A_591, %swap3A_592], %mul3A_590 {strides = array<i32>} : memref<112x128xf32, #tpu.memory_space<vmem>>, vector<16xf32>,
        %get3A_594 = arith.index_cast %add3A_553 : i32 to index
        %get3A_595 = arith.constant 80 : index
        %get3A_596 = tpu.vector_load %arg8[%get3A_594, %get3A_595] {strides = array<i32>} : memref<112x128xf32, #tpu.memory_space<vmem>>, vector<16xf32>,
        %mul3A_597 = arith.mulf %get3A_596, %bitcast3A_558 : vector<16xf32>
        %swap3A_598 = arith.index_cast %add3A_553 : i32 to index
        %swap3A_599 = arith.constant 80 : index
        %swap3A_600 = tpu.vector_load %arg8[%swap3A_598, %swap3A_599] {strides = array<i32>} : memref<112x128xf32, #tpu.memory_space<vmem>>, vector<16xf32>,
        tpu.vector_store %arg8[%swap3A_598, %swap3A_599], %mul3A_597 {strides = array<i32>} : memref<112x128xf32, #tpu.memory_space<vmem>>, vector<16xf32>,
        %get3A_601 = arith.index_cast %add3A_553 : i32 to index
        %get3A_602 = arith.constant 96 : index
        %get3A_603 = tpu.vector_load %arg8[%get3A_601, %get3A_602] {strides = array<i32>} : memref<112x128xf32, #tpu.memory_space<vmem>>, vector<16xf32>,
        %mul3A_604 = arith.mulf %get3A_603, %bitcast3A_558 : vector<16xf32>
        %swap3A_605 = arith.index_cast %add3A_553 : i32 to index
        %swap3A_606 = arith.constant 96 : index
        %swap3A_607 = tpu.vector_load %arg8[%swap3A_605, %swap3A_606] {strides = array<i32>} : memref<112x128xf32, #tpu.memory_space<vmem>>, vector<16xf32>,
        tpu.vector_store %arg8[%swap3A_605, %swap3A_606], %mul3A_604 {strides = array<i32>} : memref<112x128xf32, #tpu.memory_space<vmem>>, vector<16xf32>,
        %get3A_608 = arith.index_cast %add3A_553 : i32 to index
        %get3A_609 = arith.constant 112 : index
        %get3A_610 = tpu.vector_load %arg8[%get3A_608, %get3A_609] {strides = array<i32>} : memref<112x128xf32, #tpu.memory_space<vmem>>, vector<16xf32>,
        %mul3A_611 = arith.mulf %get3A_610, %bitcast3A_558 : vector<16xf32>
        %swap3A_612 = arith.index_cast %add3A_553 : i32 to index
        %swap3A_613 = arith.constant 112 : index
        %swap3A_614 = tpu.vector_load %arg8[%swap3A_612, %swap3A_613] {strides = array<i32>} : memref<112x128xf32, #tpu.memory_space<vmem>>, vector<16xf32>,
        tpu.vector_store %arg8[%swap3A_612, %swap3A_613], %mul3A_611 {strides = array<i32>} : memref<112x128xf32, #tpu.memory_space<vmem>>, vector<16xf32>,
      }
      %scan3A_284 = arith.constant 28 : i32
      %add3A_285 = arith.constant 2 : i32
      %add3A_286 = arith.addi %add3A_263, %add3A_285 : i32
      %lt3A_287 = arith.constant 180 : i32
      %lt3A_288 = arith.cmpi slt, %add3A_286, %lt3A_287 : i32
      %convert_element_type3A_289 = arith.extui %lt3A_288 : i1 to i32
      %cond3A_290 = arith.constant 0 : i32
      %cond3A_291 = arith.cmpi ne, %convert_element_type3A_289, %cond3A_290 : i32
      scf.if %cond3A_291 {
        %add3A_358 = arith.constant 2 : i32
        %add3A_359 = arith.addi %add3A_263, %add3A_358 : i32
        %dma_wait3A_360 = arith.constant 2 : i32
        %dma_wait3A_361 = arith.constant 0 : i32
        %dma_wait3A_362 = arith.constant 0 : i32
        %dma_wait3A_363 = tpu.memref_slice %arg6[%dma_wait3A_360, %dma_wait3A_361, %dma_wait3A_362] : memref<3x2x112xi32, #tpu.memory_space<vmem>> -> memref<1x2x112xi32, #tpu.memory_space<vmem>>
        %dma_wait3A_364 = tpu.memref_squeeze %dma_wait3A_363 : memref<1x2x112xi32, #tpu.memory_space<vmem>> -> memref<2x112xi32, #tpu.memory_space<vmem>>
        %dma_wait3A_365 = arith.constant 0 : i32
        %dma_wait3A_366 = arith.constant 0 : i32
        %dma_wait3A_367 = tpu.memref_slice %arg3[%arg1, %add3A_359, %dma_wait3A_365, %dma_wait3A_366] : memref<16x180x2x112xi32, #tpu.memory_space<hbm>> -> memref<1x1x2x112xi32, #tpu.memory_space<hbm>>
        %dma_wait3A_368 = tpu.memref_squeeze %dma_wait3A_367 : memref<1x1x2x112xi32, #tpu.memory_space<hbm>> -> memref<2x112xi32, #tpu.memory_space<hbm>>
        %dma_wait3A_369 = arith.constant 0 : i32
        %dma_wait3A_370 = arith.constant 0 : i32
        %dma_wait3A_371 = tpu.memref_slice %arg6[%dma_wait3A_360, %dma_wait3A_369, %dma_wait3A_370] : memref<3x2x112xi32, #tpu.memory_space<vmem>> -> memref<1x2x112xi32, #tpu.memory_space<vmem>>
        %dma_wait3A_372 = tpu.memref_squeeze %dma_wait3A_371 : memref<1x2x112xi32, #tpu.memory_space<vmem>> -> memref<2x112xi32, #tpu.memory_space<vmem>>
        %dma_wait3A_373 = arith.constant 0 : i32
        %dma_wait3A_374 = arith.constant 0 : i32
        %dma_wait3A_375 = tpu.memref_slice %arg3[%arg1, %add3A_359, %dma_wait3A_373, %dma_wait3A_374] : memref<16x180x2x112xi32, #tpu.memory_space<hbm>> -> memref<1x1x2x112xi32, #tpu.memory_space<hbm>>
        %dma_wait3A_376 = tpu.memref_squeeze %dma_wait3A_375 : memref<1x1x2x112xi32, #tpu.memory_space<hbm>> -> memref<2x112xi32, #tpu.memory_space<hbm>>
        tpu.wait_dma2 semaphore(%arg14 : memref<!tpu.dma_semaphore, #tpu.memory_space<semaphore_mem>>) src(%dma_wait3A_376 : memref<2x112xi32, #tpu.memory_space<hbm>>) dst(%dma_wait3A_372 : memref<2x112xi32, #tpu.memory_space<vmem>>)
        %dma_wait3A_377 = arith.constant 2 : i32
        %dma_wait3A_378 = arith.constant 0 : i32
        %dma_wait3A_379 = tpu.memref_slice %arg7[%dma_wait3A_377, %dma_wait3A_378] : memref<3x112xi32, #tpu.memory_space<vmem>> -> memref<1x112xi32, #tpu.memory_space<vmem>>
        %dma_wait3A_380 = tpu.memref_squeeze %dma_wait3A_379 : memref<1x112xi32, #tpu.memory_space<vmem>> -> memref<112xi32, #tpu.memory_space<vmem>>
        %dma_wait3A_381 = arith.constant 0 : i32
        %dma_wait3A_382 = tpu.memref_slice %arg4[%arg1, %add3A_359, %dma_wait3A_381] : memref<16x180x112xi32, #tpu.memory_space<hbm>> -> memref<1x1x112xi32, #tpu.memory_space<hbm>>
        %dma_wait3A_383 = tpu.memref_squeeze %dma_wait3A_382 : memref<1x1x112xi32, #tpu.memory_space<hbm>> -> memref<112xi32, #tpu.memory_space<hbm>>
        %dma_wait3A_384 = arith.constant 0 : i32
        %dma_wait3A_385 = tpu.memref_slice %arg7[%dma_wait3A_377, %dma_wait3A_384] : memref<3x112xi32, #tpu.memory_space<vmem>> -> memref<1x112xi32, #tpu.memory_space<vmem>>
        %dma_wait3A_386 = tpu.memref_squeeze %dma_wait3A_385 : memref<1x112xi32, #tpu.memory_space<vmem>> -> memref<112xi32, #tpu.memory_space<vmem>>
        %dma_wait3A_387 = arith.constant 0 : i32
        %dma_wait3A_388 = tpu.memref_slice %arg4[%arg1, %add3A_359, %dma_wait3A_387] : memref<16x180x112xi32, #tpu.memory_space<hbm>> -> memref<1x1x112xi32, #tpu.memory_space<hbm>>
        %dma_wait3A_389 = tpu.memref_squeeze %dma_wait3A_388 : memref<1x1x112xi32, #tpu.memory_space<hbm>> -> memref<112xi32, #tpu.memory_space<hbm>>
        tpu.wait_dma2 semaphore(%arg14 : memref<!tpu.dma_semaphore, #tpu.memory_space<semaphore_mem>>) src(%dma_wait3A_389 : memref<112xi32, #tpu.memory_space<hbm>>) dst(%dma_wait3A_386 : memref<112xi32, #tpu.memory_space<vmem>>)
        %dma_start3A_390 = arith.constant 2 : i32
        %dma_start3A_391 = arith.constant 0 : i32
        %dma_start3A_392 = arith.constant 0 : i32
        %dma_start3A_393 = tpu.memref_slice %arg6[%dma_start3A_390, %dma_start3A_391, %dma_start3A_392] : memref<3x2x112xi32, #tpu.memory_space<vmem>> -> memref<1x1x112xi32, #tpu.memory_space<vmem>>
        %dma_start3A_394 = tpu.memref_squeeze %dma_start3A_393 : memref<1x1x112xi32, #tpu.memory_space<vmem>> -> memref<112xi32, #tpu.memory_space<vmem>>
        %dma_start3A_395 = arith.constant 0 : i32
        %dma_start3A_396 = arith.constant 0 : i32
        %dma_start3A_397 = tpu.memref_slice %arg2[%dma_start3A_395, %dma_start3A_396] : memref<10000x128xf32, #tpu.memory_space<hbm>> -> memref<10000x128xf32, #tpu.memory_space<hbm>>
        tpu.enqueue_indirect_dma source(%dma_start3A_397 : memref<10000x128xf32, #tpu.memory_space<hbm>>) target(%arg10 : memref<112x128xf32, #tpu.memory_space<vmem>>) offsets(%dma_start3A_394 : memref<112xi32, #tpu.memory_space<vmem>>) semaphore(%arg17 : memref<!tpu.dma_semaphore, #tpu.memory_space<semaphore_mem>>)
      } else {
      }
      %run_scoped3A_292 = arith.constant 0 : i32
      %run_scoped3A_293 = arith.constant 1 : i32
      "tpu.region"() ({
        %run_scoped3A_358 = tpu.sem_alloc : memref<!tpu.dma_semaphore, #tpu.memory_space<semaphore_mem>>
        %dma_start3A_359 = arith.constant 0 : i32
        %dma_start3A_360 = tpu.memref_slice %arg6[%run_scoped3A_292, %run_scoped3A_293, %dma_start3A_359] : memref<3x2x112xi32, #tpu.memory_space<vmem>> -> memref<1x1x112xi32, #tpu.memory_space<vmem>>
        %dma_start3A_361 = tpu.memref_squeeze %dma_start3A_360 : memref<1x1x112xi32, #tpu.memory_space<vmem>> -> memref<112xi32, #tpu.memory_space<vmem>>
        %dma_start3A_362 = arith.constant 0 : i32
        %dma_start3A_363 = arith.constant 0 : i32
        %dma_start3A_364 = tpu.memref_slice %arg11[%dma_start3A_362, %dma_start3A_363] : memref<10240x128xf32, #tpu.memory_space<vmem_shared>> -> memref<10240x128xf32, #tpu.memory_space<vmem_shared>>
        tpu.enqueue_indirect_dma source(%arg8 : memref<112x128xf32, #tpu.memory_space<vmem>>) target(%dma_start3A_364 : memref<10240x128xf32, #tpu.memory_space<vmem_shared>>) offsets(%dma_start3A_361 : memref<112xi32, #tpu.memory_space<vmem>>) semaphore(%run_scoped3A_358 : memref<!tpu.dma_semaphore, #tpu.memory_space<semaphore_mem>>) {add = true}
        %dma_wait3A_365 = arith.constant 0 : i32
        %dma_wait3A_366 = tpu.memref_slice %arg6[%run_scoped3A_292, %run_scoped3A_293, %dma_wait3A_365] : memref<3x2x112xi32, #tpu.memory_space<vmem>> -> memref<1x1x112xi32, #tpu.memory_space<vmem>>
        %dma_wait3A_367 = tpu.memref_squeeze %dma_wait3A_366 : memref<1x1x112xi32, #tpu.memory_space<vmem>> -> memref<112xi32, #tpu.memory_space<vmem>>
        %dma_wait3A_368 = arith.constant 0 : i32
        %dma_wait3A_369 = arith.constant 0 : i32
        %dma_wait3A_370 = tpu.memref_slice %arg11[%dma_wait3A_368, %dma_wait3A_369] : memref<10240x128xf32, #tpu.memory_space<vmem_shared>> -> memref<10240x128xf32, #tpu.memory_space<vmem_shared>>
        tpu.wait_indirect_dma semaphore(%run_scoped3A_358 : memref<!tpu.dma_semaphore, #tpu.memory_space<semaphore_mem>>) src(%arg8 : memref<112x128xf32, #tpu.memory_space<vmem>>) dst(%dma_wait3A_370 : memref<10240x128xf32, #tpu.memory_space<vmem_shared>>)
        tpu.yield
      }) : () -> ()
      %add3A_294 = arith.constant 4 : i32
      %add3A_295 = arith.addi %mul3A_169, %add3A_294 : i32
      %add3A_296 = arith.constant 2 : i32
      %add3A_297 = arith.addi %add3A_295, %add3A_296 : i32
      %lt3A_298 = arith.constant 180 : i32
      %lt3A_299 = arith.cmpi slt, %add3A_297, %lt3A_298 : i32
      %convert_element_type3A_300 = arith.extui %lt3A_299 : i1 to i32
      %cond3A_301 = arith.constant 0 : i32
      %cond3A_302 = arith.cmpi ne, %convert_element_type3A_300, %cond3A_301 : i32
      scf.if %cond3A_302 {
        %add3A_358 = arith.constant 2 : i32
        %add3A_359 = arith.addi %add3A_295, %add3A_358 : i32
        %dma_start3A_360 = arith.constant 0 : i32
        %dma_start3A_361 = arith.constant 0 : i32
        %dma_start3A_362 = arith.constant 0 : i32
        %dma_start3A_363 = tpu.memref_slice %arg6[%dma_start3A_360, %dma_start3A_361, %dma_start3A_362] : memref<3x2x112xi32, #tpu.memory_space<vmem>> -> memref<1x2x112xi32, #tpu.memory_space<vmem>>
        %dma_start3A_364 = tpu.memref_squeeze %dma_start3A_363 : memref<1x2x112xi32, #tpu.memory_space<vmem>> -> memref<2x112xi32, #tpu.memory_space<vmem>>
        %dma_start3A_365 = arith.constant 0 : i32
        %dma_start3A_366 = arith.constant 0 : i32
        %dma_start3A_367 = tpu.memref_slice %arg3[%arg1, %add3A_359, %dma_start3A_365, %dma_start3A_366] : memref<16x180x2x112xi32, #tpu.memory_space<hbm>> -> memref<1x1x2x112xi32, #tpu.memory_space<hbm>>
        %dma_start3A_368 = tpu.memref_squeeze %dma_start3A_367 : memref<1x1x2x112xi32, #tpu.memory_space<hbm>> -> memref<2x112xi32, #tpu.memory_space<hbm>>
        %dma_start3A_369 = arith.constant 0 : i32
        %dma_start3A_370 = arith.constant 0 : i32
        %dma_start3A_371 = tpu.memref_slice %arg6[%dma_start3A_360, %dma_start3A_369, %dma_start3A_370] : memref<3x2x112xi32, #tpu.memory_space<vmem>> -> memref<1x2x112xi32, #tpu.memory_space<vmem>>
        %dma_start3A_372 = tpu.memref_squeeze %dma_start3A_371 : memref<1x2x112xi32, #tpu.memory_space<vmem>> -> memref<2x112xi32, #tpu.memory_space<vmem>>
        %dma_start3A_373 = arith.constant 0 : i32
        %dma_start3A_374 = arith.constant 0 : i32
        %dma_start3A_375 = tpu.memref_slice %arg3[%arg1, %add3A_359, %dma_start3A_373, %dma_start3A_374] : memref<16x180x2x112xi32, #tpu.memory_space<hbm>> -> memref<1x1x2x112xi32, #tpu.memory_space<hbm>>
        %dma_start3A_376 = tpu.memref_squeeze %dma_start3A_375 : memref<1x1x2x112xi32, #tpu.memory_space<hbm>> -> memref<2x112xi32, #tpu.memory_space<hbm>>
        tpu.enqueue_dma source(%dma_start3A_376 : memref<2x112xi32, #tpu.memory_space<hbm>>) target(%dma_start3A_372 : memref<2x112xi32, #tpu.memory_space<vmem>>) target_semaphore(%arg12 : memref<!tpu.dma_semaphore, #tpu.memory_space<semaphore_mem>>)
        %dma_start3A_377 = arith.constant 0 : i32
        %dma_start3A_378 = arith.constant 0 : i32
        %dma_start3A_379 = tpu.memref_slice %arg7[%dma_start3A_377, %dma_start3A_378] : memref<3x112xi32, #tpu.memory_space<vmem>> -> memref<1x112xi32, #tpu.memory_space<vmem>>
        %dma_start3A_380 = tpu.memref_squeeze %dma_start3A_379 : memref<1x112xi32, #tpu.memory_space<vmem>> -> memref<112xi32, #tpu.memory_space<vmem>>
        %dma_start3A_381 = arith.constant 0 : i32
        %dma_start3A_382 = tpu.memref_slice %arg4[%arg1, %add3A_359, %dma_start3A_381] : memref<16x180x112xi32, #tpu.memory_space<hbm>> -> memref<1x1x112xi32, #tpu.memory_space<hbm>>
        %dma_start3A_383 = tpu.memref_squeeze %dma_start3A_382 : memref<1x1x112xi32, #tpu.memory_space<hbm>> -> memref<112xi32, #tpu.memory_space<hbm>>
        %dma_start3A_384 = arith.constant 0 : i32
        %dma_start3A_385 = tpu.memref_slice %arg7[%dma_start3A_377, %dma_start3A_384] : memref<3x112xi32, #tpu.memory_space<vmem>> -> memref<1x112xi32, #tpu.memory_space<vmem>>
        %dma_start3A_386 = tpu.memref_squeeze %dma_start3A_385 : memref<1x112xi32, #tpu.memory_space<vmem>> -> memref<112xi32, #tpu.memory_space<vmem>>
        %dma_start3A_387 = arith.constant 0 : i32
        %dma_start3A_388 = tpu.memref_slice %arg4[%arg1, %add3A_359, %dma_start3A_387] : memref<16x180x112xi32, #tpu.memory_space<hbm>> -> memref<1x1x112xi32, #tpu.memory_space<hbm>>
        %dma_start3A_389 = tpu.memref_squeeze %dma_start3A_388 : memref<1x1x112xi32, #tpu.memory_space<hbm>> -> memref<112xi32, #tpu.memory_space<hbm>>
        tpu.enqueue_dma source(%dma_start3A_389 : memref<112xi32, #tpu.memory_space<hbm>>) target(%dma_start3A_386 : memref<112xi32, #tpu.memory_space<vmem>>) target_semaphore(%arg12 : memref<!tpu.dma_semaphore, #tpu.memory_space<semaphore_mem>>)
      } else {
      }
      %dma_wait3A_303 = arith.constant 1 : i32
      %dma_wait3A_304 = arith.constant 0 : i32
      %dma_wait3A_305 = arith.constant 0 : i32
      %dma_wait3A_306 = tpu.memref_slice %arg6[%dma_wait3A_303, %dma_wait3A_304, %dma_wait3A_305] : memref<3x2x112xi32, #tpu.memory_space<vmem>> -> memref<1x1x112xi32, #tpu.memory_space<vmem>>
      %dma_wait3A_307 = tpu.memref_squeeze %dma_wait3A_306 : memref<1x1x112xi32, #tpu.memory_space<vmem>> -> memref<112xi32, #tpu.memory_space<vmem>>
      %dma_wait3A_308 = arith.constant 0 : i32
      %dma_wait3A_309 = arith.constant 0 : i32
      %dma_wait3A_310 = tpu.memref_slice %arg2[%dma_wait3A_308, %dma_wait3A_309] : memref<10000x128xf32, #tpu.memory_space<hbm>> -> memref<10000x128xf32, #tpu.memory_space<hbm>>
      tpu.wait_indirect_dma semaphore(%arg16 : memref<!tpu.dma_semaphore, #tpu.memory_space<semaphore_mem>>) src(%dma_wait3A_310 : memref<10000x128xf32, #tpu.memory_space<hbm>>) dst(%arg9 : memref<112x128xf32, #tpu.memory_space<vmem>>)
      %scan3A_311 = arith.constant 0 : i32
      %scan3A_312 = arith.constant 0 : i32
      %scan3A_313 = arith.constant 28 : i32
      %scan3A_314 = arith.addi %scan3A_312, %scan3A_313 : i32
      %scan3A_315 = arith.constant 1 : i32
      scf.for %scan3A_358 = %scan3A_312 to %scan3A_314 step %scan3A_315  : i32 {
        %mul3A_359 = arith.constant 4 : i32
        %mul3A_360 = arith.muli %scan3A_358, %mul3A_359 : i32
        %add3A_361 = arith.constant 0 : i32
        %add3A_362 = arith.addi %mul3A_360, %add3A_361 : i32
        %broadcast_in_dim3A_363 = arith.constant 1 : i32
        %broadcast_in_dim3A_364 = vector.broadcast %broadcast_in_dim3A_363 : i32 to vector<16xi32>
        %broadcast_in_dim3A_365 = vector.broadcast %add3A_362 : i32 to vector<16xi32>
        %gather3A = tpu.vector_load_idx %arg7[%broadcast_in_dim3A_364, %broadcast_in_dim3A_365] : memref<3x112xi32, #tpu.memory_space<vmem>>[vector<16xi32>, vector<16xi32>], vector<16xi32>,
        %bitcast3A = vector.bitcast %gather3A : vector<16xi32> to vector<16xf32>
        %get3A = arith.index_cast %add3A_362 : i32 to index
        %get3A_366 = arith.constant 0 : index
        %get3A_367 = tpu.vector_load %arg9[%get3A, %get3A_366] {strides = array<i32>} : memref<112x128xf32, #tpu.memory_space<vmem>>, vector<16xf32>,
        %mul3A_368 = arith.mulf %get3A_367, %bitcast3A : vector<16xf32>
        %swap3A = arith.index_cast %add3A_362 : i32 to index
        %swap3A_369 = arith.constant 0 : index
        %swap3A_370 = tpu.vector_load %arg9[%swap3A, %swap3A_369] {strides = array<i32>} : memref<112x128xf32, #tpu.memory_space<vmem>>, vector<16xf32>,
        tpu.vector_store %arg9[%swap3A, %swap3A_369], %mul3A_368 {strides = array<i32>} : memref<112x128xf32, #tpu.memory_space<vmem>>, vector<16xf32>,
        %get3A_371 = arith.index_cast %add3A_362 : i32 to index
        %get3A_372 = arith.constant 16 : index
        %get3A_373 = tpu.vector_load %arg9[%get3A_371, %get3A_372] {strides = array<i32>} : memref<112x128xf32, #tpu.memory_space<vmem>>, vector<16xf32>,
        %mul3A_374 = arith.mulf %get3A_373, %bitcast3A : vector<16xf32>
        %swap3A_375 = arith.index_cast %add3A_362 : i32 to index
        %swap3A_376 = arith.constant 16 : index
        %swap3A_377 = tpu.vector_load %arg9[%swap3A_375, %swap3A_376] {strides = array<i32>} : memref<112x128xf32, #tpu.memory_space<vmem>>, vector<16xf32>,
        tpu.vector_store %arg9[%swap3A_375, %swap3A_376], %mul3A_374 {strides = array<i32>} : memref<112x128xf32, #tpu.memory_space<vmem>>, vector<16xf32>,
        %get3A_378 = arith.index_cast %add3A_362 : i32 to index
        %get3A_379 = arith.constant 32 : index
        %get3A_380 = tpu.vector_load %arg9[%get3A_378, %get3A_379] {strides = array<i32>} : memref<112x128xf32, #tpu.memory_space<vmem>>, vector<16xf32>,
        %mul3A_381 = arith.mulf %get3A_380, %bitcast3A : vector<16xf32>
        %swap3A_382 = arith.index_cast %add3A_362 : i32 to index
        %swap3A_383 = arith.constant 32 : index
        %swap3A_384 = tpu.vector_load %arg9[%swap3A_382, %swap3A_383] {strides = array<i32>} : memref<112x128xf32, #tpu.memory_space<vmem>>, vector<16xf32>,
        tpu.vector_store %arg9[%swap3A_382, %swap3A_383], %mul3A_381 {strides = array<i32>} : memref<112x128xf32, #tpu.memory_space<vmem>>, vector<16xf32>,
        %get3A_385 = arith.index_cast %add3A_362 : i32 to index
        %get3A_386 = arith.constant 48 : index
        %get3A_387 = tpu.vector_load %arg9[%get3A_385, %get3A_386] {strides = array<i32>} : memref<112x128xf32, #tpu.memory_space<vmem>>, vector<16xf32>,
        %mul3A_388 = arith.mulf %get3A_387, %bitcast3A : vector<16xf32>
        %swap3A_389 = arith.index_cast %add3A_362 : i32 to index
        %swap3A_390 = arith.constant 48 : index
        %swap3A_391 = tpu.vector_load %arg9[%swap3A_389, %swap3A_390] {strides = array<i32>} : memref<112x128xf32, #tpu.memory_space<vmem>>, vector<16xf32>,
        tpu.vector_store %arg9[%swap3A_389, %swap3A_390], %mul3A_388 {strides = array<i32>} : memref<112x128xf32, #tpu.memory_space<vmem>>, vector<16xf32>,
        %get3A_392 = arith.index_cast %add3A_362 : i32 to index
        %get3A_393 = arith.constant 64 : index
        %get3A_394 = tpu.vector_load %arg9[%get3A_392, %get3A_393] {strides = array<i32>} : memref<112x128xf32, #tpu.memory_space<vmem>>, vector<16xf32>,
        %mul3A_395 = arith.mulf %get3A_394, %bitcast3A : vector<16xf32>
        %swap3A_396 = arith.index_cast %add3A_362 : i32 to index
        %swap3A_397 = arith.constant 64 : index
        %swap3A_398 = tpu.vector_load %arg9[%swap3A_396, %swap3A_397] {strides = array<i32>} : memref<112x128xf32, #tpu.memory_space<vmem>>, vector<16xf32>,
        tpu.vector_store %arg9[%swap3A_396, %swap3A_397], %mul3A_395 {strides = array<i32>} : memref<112x128xf32, #tpu.memory_space<vmem>>, vector<16xf32>,
        %get3A_399 = arith.index_cast %add3A_362 : i32 to index
        %get3A_400 = arith.constant 80 : index
        %get3A_401 = tpu.vector_load %arg9[%get3A_399, %get3A_400] {strides = array<i32>} : memref<112x128xf32, #tpu.memory_space<vmem>>, vector<16xf32>,
        %mul3A_402 = arith.mulf %get3A_401, %bitcast3A : vector<16xf32>
        %swap3A_403 = arith.index_cast %add3A_362 : i32 to index
        %swap3A_404 = arith.constant 80 : index
        %swap3A_405 = tpu.vector_load %arg9[%swap3A_403, %swap3A_404] {strides = array<i32>} : memref<112x128xf32, #tpu.memory_space<vmem>>, vector<16xf32>,
        tpu.vector_store %arg9[%swap3A_403, %swap3A_404], %mul3A_402 {strides = array<i32>} : memref<112x128xf32, #tpu.memory_space<vmem>>, vector<16xf32>,
        %get3A_406 = arith.index_cast %add3A_362 : i32 to index
        %get3A_407 = arith.constant 96 : index
        %get3A_408 = tpu.vector_load %arg9[%get3A_406, %get3A_407] {strides = array<i32>} : memref<112x128xf32, #tpu.memory_space<vmem>>, vector<16xf32>,
        %mul3A_409 = arith.mulf %get3A_408, %bitcast3A : vector<16xf32>
        %swap3A_410 = arith.index_cast %add3A_362 : i32 to index
        %swap3A_411 = arith.constant 96 : index
        %swap3A_412 = tpu.vector_load %arg9[%swap3A_410, %swap3A_411] {strides = array<i32>} : memref<112x128xf32, #tpu.memory_space<vmem>>, vector<16xf32>,
        tpu.vector_store %arg9[%swap3A_410, %swap3A_411], %mul3A_409 {strides = array<i32>} : memref<112x128xf32, #tpu.memory_space<vmem>>, vector<16xf32>,
        %get3A_413 = arith.index_cast %add3A_362 : i32 to index
        %get3A_414 = arith.constant 112 : index
        %get3A_415 = tpu.vector_load %arg9[%get3A_413, %get3A_414] {strides = array<i32>} : memref<112x128xf32, #tpu.memory_space<vmem>>, vector<16xf32>,
        %mul3A_416 = arith.mulf %get3A_415, %bitcast3A : vector<16xf32>
        %swap3A_417 = arith.index_cast %add3A_362 : i32 to index
        %swap3A_418 = arith.constant 112 : index
        %swap3A_419 = tpu.vector_load %arg9[%swap3A_417, %swap3A_418] {strides = array<i32>} : memref<112x128xf32, #tpu.memory_space<vmem>>, vector<16xf32>,
        tpu.vector_store %arg9[%swap3A_417, %swap3A_418], %mul3A_416 {strides = array<i32>} : memref<112x128xf32, #tpu.memory_space<vmem>>, vector<16xf32>,
        %mul3A_420 = arith.constant 4 : i32
        %mul3A_421 = arith.muli %scan3A_358, %mul3A_420 : i32
        %add3A_422 = arith.constant 1 : i32
        %add3A_423 = arith.addi %mul3A_421, %add3A_422 : i32
        %broadcast_in_dim3A_424 = arith.constant 1 : i32
        %broadcast_in_dim3A_425 = vector.broadcast %broadcast_in_dim3A_424 : i32 to vector<16xi32>
        %broadcast_in_dim3A_426 = vector.broadcast %add3A_423 : i32 to vector<16xi32>
        %gather3A_427 = tpu.vector_load_idx %arg7[%broadcast_in_dim3A_425, %broadcast_in_dim3A_426] : memref<3x112xi32, #tpu.memory_space<vmem>>[vector<16xi32>, vector<16xi32>], vector<16xi32>,
        %bitcast3A_428 = vector.bitcast %gather3A_427 : vector<16xi32> to vector<16xf32>
        %get3A_429 = arith.index_cast %add3A_423 : i32 to index
        %get3A_430 = arith.constant 0 : index
        %get3A_431 = tpu.vector_load %arg9[%get3A_429, %get3A_430] {strides = array<i32>} : memref<112x128xf32, #tpu.memory_space<vmem>>, vector<16xf32>,
        %mul3A_432 = arith.mulf %get3A_431, %bitcast3A_428 : vector<16xf32>
        %swap3A_433 = arith.index_cast %add3A_423 : i32 to index
        %swap3A_434 = arith.constant 0 : index
        %swap3A_435 = tpu.vector_load %arg9[%swap3A_433, %swap3A_434] {strides = array<i32>} : memref<112x128xf32, #tpu.memory_space<vmem>>, vector<16xf32>,
        tpu.vector_store %arg9[%swap3A_433, %swap3A_434], %mul3A_432 {strides = array<i32>} : memref<112x128xf32, #tpu.memory_space<vmem>>, vector<16xf32>,
        %get3A_436 = arith.index_cast %add3A_423 : i32 to index
        %get3A_437 = arith.constant 16 : index
        %get3A_438 = tpu.vector_load %arg9[%get3A_436, %get3A_437] {strides = array<i32>} : memref<112x128xf32, #tpu.memory_space<vmem>>, vector<16xf32>,
        %mul3A_439 = arith.mulf %get3A_438, %bitcast3A_428 : vector<16xf32>
        %swap3A_440 = arith.index_cast %add3A_423 : i32 to index
        %swap3A_441 = arith.constant 16 : index
        %swap3A_442 = tpu.vector_load %arg9[%swap3A_440, %swap3A_441] {strides = array<i32>} : memref<112x128xf32, #tpu.memory_space<vmem>>, vector<16xf32>,
        tpu.vector_store %arg9[%swap3A_440, %swap3A_441], %mul3A_439 {strides = array<i32>} : memref<112x128xf32, #tpu.memory_space<vmem>>, vector<16xf32>,
        %get3A_443 = arith.index_cast %add3A_423 : i32 to index
        %get3A_444 = arith.constant 32 : index
        %get3A_445 = tpu.vector_load %arg9[%get3A_443, %get3A_444] {strides = array<i32>} : memref<112x128xf32, #tpu.memory_space<vmem>>, vector<16xf32>,
        %mul3A_446 = arith.mulf %get3A_445, %bitcast3A_428 : vector<16xf32>
        %swap3A_447 = arith.index_cast %add3A_423 : i32 to index
        %swap3A_448 = arith.constant 32 : index
        %swap3A_449 = tpu.vector_load %arg9[%swap3A_447, %swap3A_448] {strides = array<i32>} : memref<112x128xf32, #tpu.memory_space<vmem>>, vector<16xf32>,
        tpu.vector_store %arg9[%swap3A_447, %swap3A_448], %mul3A_446 {strides = array<i32>} : memref<112x128xf32, #tpu.memory_space<vmem>>, vector<16xf32>,
        %get3A_450 = arith.index_cast %add3A_423 : i32 to index
        %get3A_451 = arith.constant 48 : index
        %get3A_452 = tpu.vector_load %arg9[%get3A_450, %get3A_451] {strides = array<i32>} : memref<112x128xf32, #tpu.memory_space<vmem>>, vector<16xf32>,
        %mul3A_453 = arith.mulf %get3A_452, %bitcast3A_428 : vector<16xf32>
        %swap3A_454 = arith.index_cast %add3A_423 : i32 to index
        %swap3A_455 = arith.constant 48 : index
        %swap3A_456 = tpu.vector_load %arg9[%swap3A_454, %swap3A_455] {strides = array<i32>} : memref<112x128xf32, #tpu.memory_space<vmem>>, vector<16xf32>,
        tpu.vector_store %arg9[%swap3A_454, %swap3A_455], %mul3A_453 {strides = array<i32>} : memref<112x128xf32, #tpu.memory_space<vmem>>, vector<16xf32>,
        %get3A_457 = arith.index_cast %add3A_423 : i32 to index
        %get3A_458 = arith.constant 64 : index
        %get3A_459 = tpu.vector_load %arg9[%get3A_457, %get3A_458] {strides = array<i32>} : memref<112x128xf32, #tpu.memory_space<vmem>>, vector<16xf32>,
        %mul3A_460 = arith.mulf %get3A_459, %bitcast3A_428 : vector<16xf32>
        %swap3A_461 = arith.index_cast %add3A_423 : i32 to index
        %swap3A_462 = arith.constant 64 : index
        %swap3A_463 = tpu.vector_load %arg9[%swap3A_461, %swap3A_462] {strides = array<i32>} : memref<112x128xf32, #tpu.memory_space<vmem>>, vector<16xf32>,
        tpu.vector_store %arg9[%swap3A_461, %swap3A_462], %mul3A_460 {strides = array<i32>} : memref<112x128xf32, #tpu.memory_space<vmem>>, vector<16xf32>,
        %get3A_464 = arith.index_cast %add3A_423 : i32 to index
        %get3A_465 = arith.constant 80 : index
        %get3A_466 = tpu.vector_load %arg9[%get3A_464, %get3A_465] {strides = array<i32>} : memref<112x128xf32, #tpu.memory_space<vmem>>, vector<16xf32>,
        %mul3A_467 = arith.mulf %get3A_466, %bitcast3A_428 : vector<16xf32>
        %swap3A_468 = arith.index_cast %add3A_423 : i32 to index
        %swap3A_469 = arith.constant 80 : index
        %swap3A_470 = tpu.vector_load %arg9[%swap3A_468, %swap3A_469] {strides = array<i32>} : memref<112x128xf32, #tpu.memory_space<vmem>>, vector<16xf32>,
        tpu.vector_store %arg9[%swap3A_468, %swap3A_469], %mul3A_467 {strides = array<i32>} : memref<112x128xf32, #tpu.memory_space<vmem>>, vector<16xf32>,
        %get3A_471 = arith.index_cast %add3A_423 : i32 to index
        %get3A_472 = arith.constant 96 : index
        %get3A_473 = tpu.vector_load %arg9[%get3A_471, %get3A_472] {strides = array<i32>} : memref<112x128xf32, #tpu.memory_space<vmem>>, vector<16xf32>,
        %mul3A_474 = arith.mulf %get3A_473, %bitcast3A_428 : vector<16xf32>
        %swap3A_475 = arith.index_cast %add3A_423 : i32 to index
        %swap3A_476 = arith.constant 96 : index
        %swap3A_477 = tpu.vector_load %arg9[%swap3A_475, %swap3A_476] {strides = array<i32>} : memref<112x128xf32, #tpu.memory_space<vmem>>, vector<16xf32>,
        tpu.vector_store %arg9[%swap3A_475, %swap3A_476], %mul3A_474 {strides = array<i32>} : memref<112x128xf32, #tpu.memory_space<vmem>>, vector<16xf32>,
        %get3A_478 = arith.index_cast %add3A_423 : i32 to index
        %get3A_479 = arith.constant 112 : index
        %get3A_480 = tpu.vector_load %arg9[%get3A_478, %get3A_479] {strides = array<i32>} : memref<112x128xf32, #tpu.memory_space<vmem>>, vector<16xf32>,
        %mul3A_481 = arith.mulf %get3A_480, %bitcast3A_428 : vector<16xf32>
        %swap3A_482 = arith.index_cast %add3A_423 : i32 to index
        %swap3A_483 = arith.constant 112 : index
        %swap3A_484 = tpu.vector_load %arg9[%swap3A_482, %swap3A_483] {strides = array<i32>} : memref<112x128xf32, #tpu.memory_space<vmem>>, vector<16xf32>,
        tpu.vector_store %arg9[%swap3A_482, %swap3A_483], %mul3A_481 {strides = array<i32>} : memref<112x128xf32, #tpu.memory_space<vmem>>, vector<16xf32>,
        %mul3A_485 = arith.constant 4 : i32
        %mul3A_486 = arith.muli %scan3A_358, %mul3A_485 : i32
        %add3A_487 = arith.constant 2 : i32
        %add3A_488 = arith.addi %mul3A_486, %add3A_487 : i32
        %broadcast_in_dim3A_489 = arith.constant 1 : i32
        %broadcast_in_dim3A_490 = vector.broadcast %broadcast_in_dim3A_489 : i32 to vector<16xi32>
        %broadcast_in_dim3A_491 = vector.broadcast %add3A_488 : i32 to vector<16xi32>
        %gather3A_492 = tpu.vector_load_idx %arg7[%broadcast_in_dim3A_490, %broadcast_in_dim3A_491] : memref<3x112xi32, #tpu.memory_space<vmem>>[vector<16xi32>, vector<16xi32>], vector<16xi32>,
        %bitcast3A_493 = vector.bitcast %gather3A_492 : vector<16xi32> to vector<16xf32>
        %get3A_494 = arith.index_cast %add3A_488 : i32 to index
        %get3A_495 = arith.constant 0 : index
        %get3A_496 = tpu.vector_load %arg9[%get3A_494, %get3A_495] {strides = array<i32>} : memref<112x128xf32, #tpu.memory_space<vmem>>, vector<16xf32>,
        %mul3A_497 = arith.mulf %get3A_496, %bitcast3A_493 : vector<16xf32>
        %swap3A_498 = arith.index_cast %add3A_488 : i32 to index
        %swap3A_499 = arith.constant 0 : index
        %swap3A_500 = tpu.vector_load %arg9[%swap3A_498, %swap3A_499] {strides = array<i32>} : memref<112x128xf32, #tpu.memory_space<vmem>>, vector<16xf32>,
        tpu.vector_store %arg9[%swap3A_498, %swap3A_499], %mul3A_497 {strides = array<i32>} : memref<112x128xf32, #tpu.memory_space<vmem>>, vector<16xf32>,
        %get3A_501 = arith.index_cast %add3A_488 : i32 to index
        %get3A_502 = arith.constant 16 : index
        %get3A_503 = tpu.vector_load %arg9[%get3A_501, %get3A_502] {strides = array<i32>} : memref<112x128xf32, #tpu.memory_space<vmem>>, vector<16xf32>,
        %mul3A_504 = arith.mulf %get3A_503, %bitcast3A_493 : vector<16xf32>
        %swap3A_505 = arith.index_cast %add3A_488 : i32 to index
        %swap3A_506 = arith.constant 16 : index
        %swap3A_507 = tpu.vector_load %arg9[%swap3A_505, %swap3A_506] {strides = array<i32>} : memref<112x128xf32, #tpu.memory_space<vmem>>, vector<16xf32>,
        tpu.vector_store %arg9[%swap3A_505, %swap3A_506], %mul3A_504 {strides = array<i32>} : memref<112x128xf32, #tpu.memory_space<vmem>>, vector<16xf32>,
        %get3A_508 = arith.index_cast %add3A_488 : i32 to index
        %get3A_509 = arith.constant 32 : index
        %get3A_510 = tpu.vector_load %arg9[%get3A_508, %get3A_509] {strides = array<i32>} : memref<112x128xf32, #tpu.memory_space<vmem>>, vector<16xf32>,
        %mul3A_511 = arith.mulf %get3A_510, %bitcast3A_493 : vector<16xf32>
        %swap3A_512 = arith.index_cast %add3A_488 : i32 to index
        %swap3A_513 = arith.constant 32 : index
        %swap3A_514 = tpu.vector_load %arg9[%swap3A_512, %swap3A_513] {strides = array<i32>} : memref<112x128xf32, #tpu.memory_space<vmem>>, vector<16xf32>,
        tpu.vector_store %arg9[%swap3A_512, %swap3A_513], %mul3A_511 {strides = array<i32>} : memref<112x128xf32, #tpu.memory_space<vmem>>, vector<16xf32>,
        %get3A_515 = arith.index_cast %add3A_488 : i32 to index
        %get3A_516 = arith.constant 48 : index
        %get3A_517 = tpu.vector_load %arg9[%get3A_515, %get3A_516] {strides = array<i32>} : memref<112x128xf32, #tpu.memory_space<vmem>>, vector<16xf32>,
        %mul3A_518 = arith.mulf %get3A_517, %bitcast3A_493 : vector<16xf32>
        %swap3A_519 = arith.index_cast %add3A_488 : i32 to index
        %swap3A_520 = arith.constant 48 : index
        %swap3A_521 = tpu.vector_load %arg9[%swap3A_519, %swap3A_520] {strides = array<i32>} : memref<112x128xf32, #tpu.memory_space<vmem>>, vector<16xf32>,
        tpu.vector_store %arg9[%swap3A_519, %swap3A_520], %mul3A_518 {strides = array<i32>} : memref<112x128xf32, #tpu.memory_space<vmem>>, vector<16xf32>,
        %get3A_522 = arith.index_cast %add3A_488 : i32 to index
        %get3A_523 = arith.constant 64 : index
        %get3A_524 = tpu.vector_load %arg9[%get3A_522, %get3A_523] {strides = array<i32>} : memref<112x128xf32, #tpu.memory_space<vmem>>, vector<16xf32>,
        %mul3A_525 = arith.mulf %get3A_524, %bitcast3A_493 : vector<16xf32>
        %swap3A_526 = arith.index_cast %add3A_488 : i32 to index
        %swap3A_527 = arith.constant 64 : index
        %swap3A_528 = tpu.vector_load %arg9[%swap3A_526, %swap3A_527] {strides = array<i32>} : memref<112x128xf32, #tpu.memory_space<vmem>>, vector<16xf32>,
        tpu.vector_store %arg9[%swap3A_526, %swap3A_527], %mul3A_525 {strides = array<i32>} : memref<112x128xf32, #tpu.memory_space<vmem>>, vector<16xf32>,
        %get3A_529 = arith.index_cast %add3A_488 : i32 to index
        %get3A_530 = arith.constant 80 : index
        %get3A_531 = tpu.vector_load %arg9[%get3A_529, %get3A_530] {strides = array<i32>} : memref<112x128xf32, #tpu.memory_space<vmem>>, vector<16xf32>,
        %mul3A_532 = arith.mulf %get3A_531, %bitcast3A_493 : vector<16xf32>
        %swap3A_533 = arith.index_cast %add3A_488 : i32 to index
        %swap3A_534 = arith.constant 80 : index
        %swap3A_535 = tpu.vector_load %arg9[%swap3A_533, %swap3A_534] {strides = array<i32>} : memref<112x128xf32, #tpu.memory_space<vmem>>, vector<16xf32>,
        tpu.vector_store %arg9[%swap3A_533, %swap3A_534], %mul3A_532 {strides = array<i32>} : memref<112x128xf32, #tpu.memory_space<vmem>>, vector<16xf32>,
        %get3A_536 = arith.index_cast %add3A_488 : i32 to index
        %get3A_537 = arith.constant 96 : index
        %get3A_538 = tpu.vector_load %arg9[%get3A_536, %get3A_537] {strides = array<i32>} : memref<112x128xf32, #tpu.memory_space<vmem>>, vector<16xf32>,
        %mul3A_539 = arith.mulf %get3A_538, %bitcast3A_493 : vector<16xf32>
        %swap3A_540 = arith.index_cast %add3A_488 : i32 to index
        %swap3A_541 = arith.constant 96 : index
        %swap3A_542 = tpu.vector_load %arg9[%swap3A_540, %swap3A_541] {strides = array<i32>} : memref<112x128xf32, #tpu.memory_space<vmem>>, vector<16xf32>,
        tpu.vector_store %arg9[%swap3A_540, %swap3A_541], %mul3A_539 {strides = array<i32>} : memref<112x128xf32, #tpu.memory_space<vmem>>, vector<16xf32>,
        %get3A_543 = arith.index_cast %add3A_488 : i32 to index
        %get3A_544 = arith.constant 112 : index
        %get3A_545 = tpu.vector_load %arg9[%get3A_543, %get3A_544] {strides = array<i32>} : memref<112x128xf32, #tpu.memory_space<vmem>>, vector<16xf32>,
        %mul3A_546 = arith.mulf %get3A_545, %bitcast3A_493 : vector<16xf32>
        %swap3A_547 = arith.index_cast %add3A_488 : i32 to index
        %swap3A_548 = arith.constant 112 : index
        %swap3A_549 = tpu.vector_load %arg9[%swap3A_547, %swap3A_548] {strides = array<i32>} : memref<112x128xf32, #tpu.memory_space<vmem>>, vector<16xf32>,
        tpu.vector_store %arg9[%swap3A_547, %swap3A_548], %mul3A_546 {strides = array<i32>} : memref<112x128xf32, #tpu.memory_space<vmem>>, vector<16xf32>,
        %mul3A_550 = arith.constant 4 : i32
        %mul3A_551 = arith.muli %scan3A_358, %mul3A_550 : i32
        %add3A_552 = arith.constant 3 : i32
        %add3A_553 = arith.addi %mul3A_551, %add3A_552 : i32
        %broadcast_in_dim3A_554 = arith.constant 1 : i32
        %broadcast_in_dim3A_555 = vector.broadcast %broadcast_in_dim3A_554 : i32 to vector<16xi32>
        %broadcast_in_dim3A_556 = vector.broadcast %add3A_553 : i32 to vector<16xi32>
        %gather3A_557 = tpu.vector_load_idx %arg7[%broadcast_in_dim3A_555, %broadcast_in_dim3A_556] : memref<3x112xi32, #tpu.memory_space<vmem>>[vector<16xi32>, vector<16xi32>], vector<16xi32>,
        %bitcast3A_558 = vector.bitcast %gather3A_557 : vector<16xi32> to vector<16xf32>
        %get3A_559 = arith.index_cast %add3A_553 : i32 to index
        %get3A_560 = arith.constant 0 : index
        %get3A_561 = tpu.vector_load %arg9[%get3A_559, %get3A_560] {strides = array<i32>} : memref<112x128xf32, #tpu.memory_space<vmem>>, vector<16xf32>,
        %mul3A_562 = arith.mulf %get3A_561, %bitcast3A_558 : vector<16xf32>
        %swap3A_563 = arith.index_cast %add3A_553 : i32 to index
        %swap3A_564 = arith.constant 0 : index
        %swap3A_565 = tpu.vector_load %arg9[%swap3A_563, %swap3A_564] {strides = array<i32>} : memref<112x128xf32, #tpu.memory_space<vmem>>, vector<16xf32>,
        tpu.vector_store %arg9[%swap3A_563, %swap3A_564], %mul3A_562 {strides = array<i32>} : memref<112x128xf32, #tpu.memory_space<vmem>>, vector<16xf32>,
        %get3A_566 = arith.index_cast %add3A_553 : i32 to index
        %get3A_567 = arith.constant 16 : index
        %get3A_568 = tpu.vector_load %arg9[%get3A_566, %get3A_567] {strides = array<i32>} : memref<112x128xf32, #tpu.memory_space<vmem>>, vector<16xf32>,
        %mul3A_569 = arith.mulf %get3A_568, %bitcast3A_558 : vector<16xf32>
        %swap3A_570 = arith.index_cast %add3A_553 : i32 to index
        %swap3A_571 = arith.constant 16 : index
        %swap3A_572 = tpu.vector_load %arg9[%swap3A_570, %swap3A_571] {strides = array<i32>} : memref<112x128xf32, #tpu.memory_space<vmem>>, vector<16xf32>,
        tpu.vector_store %arg9[%swap3A_570, %swap3A_571], %mul3A_569 {strides = array<i32>} : memref<112x128xf32, #tpu.memory_space<vmem>>, vector<16xf32>,
        %get3A_573 = arith.index_cast %add3A_553 : i32 to index
        %get3A_574 = arith.constant 32 : index
        %get3A_575 = tpu.vector_load %arg9[%get3A_573, %get3A_574] {strides = array<i32>} : memref<112x128xf32, #tpu.memory_space<vmem>>, vector<16xf32>,
        %mul3A_576 = arith.mulf %get3A_575, %bitcast3A_558 : vector<16xf32>
        %swap3A_577 = arith.index_cast %add3A_553 : i32 to index
        %swap3A_578 = arith.constant 32 : index
        %swap3A_579 = tpu.vector_load %arg9[%swap3A_577, %swap3A_578] {strides = array<i32>} : memref<112x128xf32, #tpu.memory_space<vmem>>, vector<16xf32>,
        tpu.vector_store %arg9[%swap3A_577, %swap3A_578], %mul3A_576 {strides = array<i32>} : memref<112x128xf32, #tpu.memory_space<vmem>>, vector<16xf32>,
        %get3A_580 = arith.index_cast %add3A_553 : i32 to index
        %get3A_581 = arith.constant 48 : index
        %get3A_582 = tpu.vector_load %arg9[%get3A_580, %get3A_581] {strides = array<i32>} : memref<112x128xf32, #tpu.memory_space<vmem>>, vector<16xf32>,
        %mul3A_583 = arith.mulf %get3A_582, %bitcast3A_558 : vector<16xf32>
        %swap3A_584 = arith.index_cast %add3A_553 : i32 to index
        %swap3A_585 = arith.constant 48 : index
        %swap3A_586 = tpu.vector_load %arg9[%swap3A_584, %swap3A_585] {strides = array<i32>} : memref<112x128xf32, #tpu.memory_space<vmem>>, vector<16xf32>,
        tpu.vector_store %arg9[%swap3A_584, %swap3A_585], %mul3A_583 {strides = array<i32>} : memref<112x128xf32, #tpu.memory_space<vmem>>, vector<16xf32>,
        %get3A_587 = arith.index_cast %add3A_553 : i32 to index
        %get3A_588 = arith.constant 64 : index
        %get3A_589 = tpu.vector_load %arg9[%get3A_587, %get3A_588] {strides = array<i32>} : memref<112x128xf32, #tpu.memory_space<vmem>>, vector<16xf32>,
        %mul3A_590 = arith.mulf %get3A_589, %bitcast3A_558 : vector<16xf32>
        %swap3A_591 = arith.index_cast %add3A_553 : i32 to index
        %swap3A_592 = arith.constant 64 : index
        %swap3A_593 = tpu.vector_load %arg9[%swap3A_591, %swap3A_592] {strides = array<i32>} : memref<112x128xf32, #tpu.memory_space<vmem>>, vector<16xf32>,
        tpu.vector_store %arg9[%swap3A_591, %swap3A_592], %mul3A_590 {strides = array<i32>} : memref<112x128xf32, #tpu.memory_space<vmem>>, vector<16xf32>,
        %get3A_594 = arith.index_cast %add3A_553 : i32 to index
        %get3A_595 = arith.constant 80 : index
        %get3A_596 = tpu.vector_load %arg9[%get3A_594, %get3A_595] {strides = array<i32>} : memref<112x128xf32, #tpu.memory_space<vmem>>, vector<16xf32>,
        %mul3A_597 = arith.mulf %get3A_596, %bitcast3A_558 : vector<16xf32>
        %swap3A_598 = arith.index_cast %add3A_553 : i32 to index
        %swap3A_599 = arith.constant 80 : index
        %swap3A_600 = tpu.vector_load %arg9[%swap3A_598, %swap3A_599] {strides = array<i32>} : memref<112x128xf32, #tpu.memory_space<vmem>>, vector<16xf32>,
        tpu.vector_store %arg9[%swap3A_598, %swap3A_599], %mul3A_597 {strides = array<i32>} : memref<112x128xf32, #tpu.memory_space<vmem>>, vector<16xf32>,
        %get3A_601 = arith.index_cast %add3A_553 : i32 to index
        %get3A_602 = arith.constant 96 : index
        %get3A_603 = tpu.vector_load %arg9[%get3A_601, %get3A_602] {strides = array<i32>} : memref<112x128xf32, #tpu.memory_space<vmem>>, vector<16xf32>,
        %mul3A_604 = arith.mulf %get3A_603, %bitcast3A_558 : vector<16xf32>
        %swap3A_605 = arith.index_cast %add3A_553 : i32 to index
        %swap3A_606 = arith.constant 96 : index
        %swap3A_607 = tpu.vector_load %arg9[%swap3A_605, %swap3A_606] {strides = array<i32>} : memref<112x128xf32, #tpu.memory_space<vmem>>, vector<16xf32>,
        tpu.vector_store %arg9[%swap3A_605, %swap3A_606], %mul3A_604 {strides = array<i32>} : memref<112x128xf32, #tpu.memory_space<vmem>>, vector<16xf32>,
        %get3A_608 = arith.index_cast %add3A_553 : i32 to index
        %get3A_609 = arith.constant 112 : index
        %get3A_610 = tpu.vector_load %arg9[%get3A_608, %get3A_609] {strides = array<i32>} : memref<112x128xf32, #tpu.memory_space<vmem>>, vector<16xf32>,
        %mul3A_611 = arith.mulf %get3A_610, %bitcast3A_558 : vector<16xf32>
        %swap3A_612 = arith.index_cast %add3A_553 : i32 to index
        %swap3A_613 = arith.constant 112 : index
        %swap3A_614 = tpu.vector_load %arg9[%swap3A_612, %swap3A_613] {strides = array<i32>} : memref<112x128xf32, #tpu.memory_space<vmem>>, vector<16xf32>,
        tpu.vector_store %arg9[%swap3A_612, %swap3A_613], %mul3A_611 {strides = array<i32>} : memref<112x128xf32, #tpu.memory_space<vmem>>, vector<16xf32>,
      }
      %scan3A_316 = arith.constant 28 : i32
      %add3A_317 = arith.constant 2 : i32
      %add3A_318 = arith.addi %add3A_295, %add3A_317 : i32
      %lt3A_319 = arith.constant 180 : i32
      %lt3A_320 = arith.cmpi slt, %add3A_318, %lt3A_319 : i32
      %convert_element_type3A_321 = arith.extui %lt3A_320 : i1 to i32
      %cond3A_322 = arith.constant 0 : i32
      %cond3A_323 = arith.cmpi ne, %convert_element_type3A_321, %cond3A_322 : i32
      scf.if %cond3A_323 {
        %add3A_358 = arith.constant 2 : i32
        %add3A_359 = arith.addi %add3A_295, %add3A_358 : i32
        %dma_wait3A_360 = arith.constant 0 : i32
        %dma_wait3A_361 = arith.constant 0 : i32
        %dma_wait3A_362 = arith.constant 0 : i32
        %dma_wait3A_363 = tpu.memref_slice %arg6[%dma_wait3A_360, %dma_wait3A_361, %dma_wait3A_362] : memref<3x2x112xi32, #tpu.memory_space<vmem>> -> memref<1x2x112xi32, #tpu.memory_space<vmem>>
        %dma_wait3A_364 = tpu.memref_squeeze %dma_wait3A_363 : memref<1x2x112xi32, #tpu.memory_space<vmem>> -> memref<2x112xi32, #tpu.memory_space<vmem>>
        %dma_wait3A_365 = arith.constant 0 : i32
        %dma_wait3A_366 = arith.constant 0 : i32
        %dma_wait3A_367 = tpu.memref_slice %arg3[%arg1, %add3A_359, %dma_wait3A_365, %dma_wait3A_366] : memref<16x180x2x112xi32, #tpu.memory_space<hbm>> -> memref<1x1x2x112xi32, #tpu.memory_space<hbm>>
        %dma_wait3A_368 = tpu.memref_squeeze %dma_wait3A_367 : memref<1x1x2x112xi32, #tpu.memory_space<hbm>> -> memref<2x112xi32, #tpu.memory_space<hbm>>
        %dma_wait3A_369 = arith.constant 0 : i32
        %dma_wait3A_370 = arith.constant 0 : i32
        %dma_wait3A_371 = tpu.memref_slice %arg6[%dma_wait3A_360, %dma_wait3A_369, %dma_wait3A_370] : memref<3x2x112xi32, #tpu.memory_space<vmem>> -> memref<1x2x112xi32, #tpu.memory_space<vmem>>
        %dma_wait3A_372 = tpu.memref_squeeze %dma_wait3A_371 : memref<1x2x112xi32, #tpu.memory_space<vmem>> -> memref<2x112xi32, #tpu.memory_space<vmem>>
        %dma_wait3A_373 = arith.constant 0 : i32
        %dma_wait3A_374 = arith.constant 0 : i32
        %dma_wait3A_375 = tpu.memref_slice %arg3[%arg1, %add3A_359, %dma_wait3A_373, %dma_wait3A_374] : memref<16x180x2x112xi32, #tpu.memory_space<hbm>> -> memref<1x1x2x112xi32, #tpu.memory_space<hbm>>
        %dma_wait3A_376 = tpu.memref_squeeze %dma_wait3A_375 : memref<1x1x2x112xi32, #tpu.memory_space<hbm>> -> memref<2x112xi32, #tpu.memory_space<hbm>>
        tpu.wait_dma2 semaphore(%arg12 : memref<!tpu.dma_semaphore, #tpu.memory_space<semaphore_mem>>) src(%dma_wait3A_376 : memref<2x112xi32, #tpu.memory_space<hbm>>) dst(%dma_wait3A_372 : memref<2x112xi32, #tpu.memory_space<vmem>>)
        %dma_wait3A_377 = arith.constant 0 : i32
        %dma_wait3A_378 = arith.constant 0 : i32
        %dma_wait3A_379 = tpu.memref_slice %arg7[%dma_wait3A_377, %dma_wait3A_378] : memref<3x112xi32, #tpu.memory_space<vmem>> -> memref<1x112xi32, #tpu.memory_space<vmem>>
        %dma_wait3A_380 = tpu.memref_squeeze %dma_wait3A_379 : memref<1x112xi32, #tpu.memory_space<vmem>> -> memref<112xi32, #tpu.memory_space<vmem>>
        %dma_wait3A_381 = arith.constant 0 : i32
        %dma_wait3A_382 = tpu.memref_slice %arg4[%arg1, %add3A_359, %dma_wait3A_381] : memref<16x180x112xi32, #tpu.memory_space<hbm>> -> memref<1x1x112xi32, #tpu.memory_space<hbm>>
        %dma_wait3A_383 = tpu.memref_squeeze %dma_wait3A_382 : memref<1x1x112xi32, #tpu.memory_space<hbm>> -> memref<112xi32, #tpu.memory_space<hbm>>
        %dma_wait3A_384 = arith.constant 0 : i32
        %dma_wait3A_385 = tpu.memref_slice %arg7[%dma_wait3A_377, %dma_wait3A_384] : memref<3x112xi32, #tpu.memory_space<vmem>> -> memref<1x112xi32, #tpu.memory_space<vmem>>
        %dma_wait3A_386 = tpu.memref_squeeze %dma_wait3A_385 : memref<1x112xi32, #tpu.memory_space<vmem>> -> memref<112xi32, #tpu.memory_space<vmem>>
        %dma_wait3A_387 = arith.constant 0 : i32
        %dma_wait3A_388 = tpu.memref_slice %arg4[%arg1, %add3A_359, %dma_wait3A_387] : memref<16x180x112xi32, #tpu.memory_space<hbm>> -> memref<1x1x112xi32, #tpu.memory_space<hbm>>
        %dma_wait3A_389 = tpu.memref_squeeze %dma_wait3A_388 : memref<1x1x112xi32, #tpu.memory_space<hbm>> -> memref<112xi32, #tpu.memory_space<hbm>>
        tpu.wait_dma2 semaphore(%arg12 : memref<!tpu.dma_semaphore, #tpu.memory_space<semaphore_mem>>) src(%dma_wait3A_389 : memref<112xi32, #tpu.memory_space<hbm>>) dst(%dma_wait3A_386 : memref<112xi32, #tpu.memory_space<vmem>>)
        %dma_start3A_390 = arith.constant 0 : i32
        %dma_start3A_391 = arith.constant 0 : i32
        %dma_start3A_392 = arith.constant 0 : i32
        %dma_start3A_393 = tpu.memref_slice %arg6[%dma_start3A_390, %dma_start3A_391, %dma_start3A_392] : memref<3x2x112xi32, #tpu.memory_space<vmem>> -> memref<1x1x112xi32, #tpu.memory_space<vmem>>
        %dma_start3A_394 = tpu.memref_squeeze %dma_start3A_393 : memref<1x1x112xi32, #tpu.memory_space<vmem>> -> memref<112xi32, #tpu.memory_space<vmem>>
        %dma_start3A_395 = arith.constant 0 : i32
        %dma_start3A_396 = arith.constant 0 : i32
        %dma_start3A_397 = tpu.memref_slice %arg2[%dma_start3A_395, %dma_start3A_396] : memref<10000x128xf32, #tpu.memory_space<hbm>> -> memref<10000x128xf32, #tpu.memory_space<hbm>>
        tpu.enqueue_indirect_dma source(%dma_start3A_397 : memref<10000x128xf32, #tpu.memory_space<hbm>>) target(%arg8 : memref<112x128xf32, #tpu.memory_space<vmem>>) offsets(%dma_start3A_394 : memref<112xi32, #tpu.memory_space<vmem>>) semaphore(%arg15 : memref<!tpu.dma_semaphore, #tpu.memory_space<semaphore_mem>>)
      } else {
      }
      %run_scoped3A_324 = arith.constant 1 : i32
      %run_scoped3A_325 = arith.constant 1 : i32
      "tpu.region"() ({
        %run_scoped3A_358 = tpu.sem_alloc : memref<!tpu.dma_semaphore, #tpu.memory_space<semaphore_mem>>
        %dma_start3A_359 = arith.constant 0 : i32
        %dma_start3A_360 = tpu.memref_slice %arg6[%run_scoped3A_324, %run_scoped3A_325, %dma_start3A_359] : memref<3x2x112xi32, #tpu.memory_space<vmem>> -> memref<1x1x112xi32, #tpu.memory_space<vmem>>
        %dma_start3A_361 = tpu.memref_squeeze %dma_start3A_360 : memref<1x1x112xi32, #tpu.memory_space<vmem>> -> memref<112xi32, #tpu.memory_space<vmem>>
        %dma_start3A_362 = arith.constant 0 : i32
        %dma_start3A_363 = arith.constant 0 : i32
        %dma_start3A_364 = tpu.memref_slice %arg11[%dma_start3A_362, %dma_start3A_363] : memref<10240x128xf32, #tpu.memory_space<vmem_shared>> -> memref<10240x128xf32, #tpu.memory_space<vmem_shared>>
        tpu.enqueue_indirect_dma source(%arg9 : memref<112x128xf32, #tpu.memory_space<vmem>>) target(%dma_start3A_364 : memref<10240x128xf32, #tpu.memory_space<vmem_shared>>) offsets(%dma_start3A_361 : memref<112xi32, #tpu.memory_space<vmem>>) semaphore(%run_scoped3A_358 : memref<!tpu.dma_semaphore, #tpu.memory_space<semaphore_mem>>) {add = true}
        %dma_wait3A_365 = arith.constant 0 : i32
        %dma_wait3A_366 = tpu.memref_slice %arg6[%run_scoped3A_324, %run_scoped3A_325, %dma_wait3A_365] : memref<3x2x112xi32, #tpu.memory_space<vmem>> -> memref<1x1x112xi32, #tpu.memory_space<vmem>>
        %dma_wait3A_367 = tpu.memref_squeeze %dma_wait3A_366 : memref<1x1x112xi32, #tpu.memory_space<vmem>> -> memref<112xi32, #tpu.memory_space<vmem>>
        %dma_wait3A_368 = arith.constant 0 : i32
        %dma_wait3A_369 = arith.constant 0 : i32
        %dma_wait3A_370 = tpu.memref_slice %arg11[%dma_wait3A_368, %dma_wait3A_369] : memref<10240x128xf32, #tpu.memory_space<vmem_shared>> -> memref<10240x128xf32, #tpu.memory_space<vmem_shared>>
        tpu.wait_indirect_dma semaphore(%run_scoped3A_358 : memref<!tpu.dma_semaphore, #tpu.memory_space<semaphore_mem>>) src(%arg9 : memref<112x128xf32, #tpu.memory_space<vmem>>) dst(%dma_wait3A_370 : memref<10240x128xf32, #tpu.memory_space<vmem_shared>>)
        tpu.yield
      }) : () -> ()
      %add3A_326 = arith.constant 5 : i32
      %add3A_327 = arith.addi %mul3A_169, %add3A_326 : i32
      %add3A_328 = arith.constant 2 : i32
      %add3A_329 = arith.addi %add3A_327, %add3A_328 : i32
      %lt3A_330 = arith.constant 180 : i32
      %lt3A_331 = arith.cmpi slt, %add3A_329, %lt3A_330 : i32
      %convert_element_type3A_332 = arith.extui %lt3A_331 : i1 to i32
      %cond3A_333 = arith.constant 0 : i32
      %cond3A_334 = arith.cmpi ne, %convert_element_type3A_332, %cond3A_333 : i32
      scf.if %cond3A_334 {
        %add3A_358 = arith.constant 2 : i32
        %add3A_359 = arith.addi %add3A_327, %add3A_358 : i32
        %dma_start3A_360 = arith.constant 1 : i32
        %dma_start3A_361 = arith.constant 0 : i32
        %dma_start3A_362 = arith.constant 0 : i32
        %dma_start3A_363 = tpu.memref_slice %arg6[%dma_start3A_360, %dma_start3A_361, %dma_start3A_362] : memref<3x2x112xi32, #tpu.memory_space<vmem>> -> memref<1x2x112xi32, #tpu.memory_space<vmem>>
        %dma_start3A_364 = tpu.memref_squeeze %dma_start3A_363 : memref<1x2x112xi32, #tpu.memory_space<vmem>> -> memref<2x112xi32, #tpu.memory_space<vmem>>
        %dma_start3A_365 = arith.constant 0 : i32
        %dma_start3A_366 = arith.constant 0 : i32
        %dma_start3A_367 = tpu.memref_slice %arg3[%arg1, %add3A_359, %dma_start3A_365, %dma_start3A_366] : memref<16x180x2x112xi32, #tpu.memory_space<hbm>> -> memref<1x1x2x112xi32, #tpu.memory_space<hbm>>
        %dma_start3A_368 = tpu.memref_squeeze %dma_start3A_367 : memref<1x1x2x112xi32, #tpu.memory_space<hbm>> -> memref<2x112xi32, #tpu.memory_space<hbm>>
        %dma_start3A_369 = arith.constant 0 : i32
        %dma_start3A_370 = arith.constant 0 : i32
        %dma_start3A_371 = tpu.memref_slice %arg6[%dma_start3A_360, %dma_start3A_369, %dma_start3A_370] : memref<3x2x112xi32, #tpu.memory_space<vmem>> -> memref<1x2x112xi32, #tpu.memory_space<vmem>>
        %dma_start3A_372 = tpu.memref_squeeze %dma_start3A_371 : memref<1x2x112xi32, #tpu.memory_space<vmem>> -> memref<2x112xi32, #tpu.memory_space<vmem>>
        %dma_start3A_373 = arith.constant 0 : i32
        %dma_start3A_374 = arith.constant 0 : i32
        %dma_start3A_375 = tpu.memref_slice %arg3[%arg1, %add3A_359, %dma_start3A_373, %dma_start3A_374] : memref<16x180x2x112xi32, #tpu.memory_space<hbm>> -> memref<1x1x2x112xi32, #tpu.memory_space<hbm>>
        %dma_start3A_376 = tpu.memref_squeeze %dma_start3A_375 : memref<1x1x2x112xi32, #tpu.memory_space<hbm>> -> memref<2x112xi32, #tpu.memory_space<hbm>>
        tpu.enqueue_dma source(%dma_start3A_376 : memref<2x112xi32, #tpu.memory_space<hbm>>) target(%dma_start3A_372 : memref<2x112xi32, #tpu.memory_space<vmem>>) target_semaphore(%arg13 : memref<!tpu.dma_semaphore, #tpu.memory_space<semaphore_mem>>)
        %dma_start3A_377 = arith.constant 1 : i32
        %dma_start3A_378 = arith.constant 0 : i32
        %dma_start3A_379 = tpu.memref_slice %arg7[%dma_start3A_377, %dma_start3A_378] : memref<3x112xi32, #tpu.memory_space<vmem>> -> memref<1x112xi32, #tpu.memory_space<vmem>>
        %dma_start3A_380 = tpu.memref_squeeze %dma_start3A_379 : memref<1x112xi32, #tpu.memory_space<vmem>> -> memref<112xi32, #tpu.memory_space<vmem>>
        %dma_start3A_381 = arith.constant 0 : i32
        %dma_start3A_382 = tpu.memref_slice %arg4[%arg1, %add3A_359, %dma_start3A_381] : memref<16x180x112xi32, #tpu.memory_space<hbm>> -> memref<1x1x112xi32, #tpu.memory_space<hbm>>
        %dma_start3A_383 = tpu.memref_squeeze %dma_start3A_382 : memref<1x1x112xi32, #tpu.memory_space<hbm>> -> memref<112xi32, #tpu.memory_space<hbm>>
        %dma_start3A_384 = arith.constant 0 : i32
        %dma_start3A_385 = tpu.memref_slice %arg7[%dma_start3A_377, %dma_start3A_384] : memref<3x112xi32, #tpu.memory_space<vmem>> -> memref<1x112xi32, #tpu.memory_space<vmem>>
        %dma_start3A_386 = tpu.memref_squeeze %dma_start3A_385 : memref<1x112xi32, #tpu.memory_space<vmem>> -> memref<112xi32, #tpu.memory_space<vmem>>
        %dma_start3A_387 = arith.constant 0 : i32
        %dma_start3A_388 = tpu.memref_slice %arg4[%arg1, %add3A_359, %dma_start3A_387] : memref<16x180x112xi32, #tpu.memory_space<hbm>> -> memref<1x1x112xi32, #tpu.memory_space<hbm>>
        %dma_start3A_389 = tpu.memref_squeeze %dma_start3A_388 : memref<1x1x112xi32, #tpu.memory_space<hbm>> -> memref<112xi32, #tpu.memory_space<hbm>>
        tpu.enqueue_dma source(%dma_start3A_389 : memref<112xi32, #tpu.memory_space<hbm>>) target(%dma_start3A_386 : memref<112xi32, #tpu.memory_space<vmem>>) target_semaphore(%arg13 : memref<!tpu.dma_semaphore, #tpu.memory_space<semaphore_mem>>)
      } else {
      }
      %dma_wait3A_335 = arith.constant 2 : i32
      %dma_wait3A_336 = arith.constant 0 : i32
      %dma_wait3A_337 = arith.constant 0 : i32
      %dma_wait3A_338 = tpu.memref_slice %arg6[%dma_wait3A_335, %dma_wait3A_336, %dma_wait3A_337] : memref<3x2x112xi32, #tpu.memory_space<vmem>> -> memref<1x1x112xi32, #tpu.memory_space<vmem>>
      %dma_wait3A_339 = tpu.memref_squeeze %dma_wait3A_338 : memref<1x1x112xi32, #tpu.memory_space<vmem>> -> memref<112xi32, #tpu.memory_space<vmem>>
      %dma_wait3A_340 = arith.constant 0 : i32
      %dma_wait3A_341 = arith.constant 0 : i32
      %dma_wait3A_342 = tpu.memref_slice %arg2[%dma_wait3A_340, %dma_wait3A_341] : memref<10000x128xf32, #tpu.memory_space<hbm>> -> memref<10000x128xf32, #tpu.memory_space<hbm>>
      tpu.wait_indirect_dma semaphore(%arg17 : memref<!tpu.dma_semaphore, #tpu.memory_space<semaphore_mem>>) src(%dma_wait3A_342 : memref<10000x128xf32, #tpu.memory_space<hbm>>) dst(%arg10 : memref<112x128xf32, #tpu.memory_space<vmem>>)
      %scan3A_343 = arith.constant 0 : i32
      %scan3A_344 = arith.constant 0 : i32
      %scan3A_345 = arith.constant 28 : i32
      %scan3A_346 = arith.addi %scan3A_344, %scan3A_345 : i32
      %scan3A_347 = arith.constant 1 : i32
      scf.for %scan3A_358 = %scan3A_344 to %scan3A_346 step %scan3A_347  : i32 {
        %mul3A_359 = arith.constant 4 : i32
        %mul3A_360 = arith.muli %scan3A_358, %mul3A_359 : i32
        %add3A_361 = arith.constant 0 : i32
        %add3A_362 = arith.addi %mul3A_360, %add3A_361 : i32
        %broadcast_in_dim3A_363 = arith.constant 2 : i32
        %broadcast_in_dim3A_364 = vector.broadcast %broadcast_in_dim3A_363 : i32 to vector<16xi32>
        %broadcast_in_dim3A_365 = vector.broadcast %add3A_362 : i32 to vector<16xi32>
        %gather3A = tpu.vector_load_idx %arg7[%broadcast_in_dim3A_364, %broadcast_in_dim3A_365] : memref<3x112xi32, #tpu.memory_space<vmem>>[vector<16xi32>, vector<16xi32>], vector<16xi32>,
        %bitcast3A = vector.bitcast %gather3A : vector<16xi32> to vector<16xf32>
        %get3A = arith.index_cast %add3A_362 : i32 to index
        %get3A_366 = arith.constant 0 : index
        %get3A_367 = tpu.vector_load %arg10[%get3A, %get3A_366] {strides = array<i32>} : memref<112x128xf32, #tpu.memory_space<vmem>>, vector<16xf32>,
        %mul3A_368 = arith.mulf %get3A_367, %bitcast3A : vector<16xf32>
        %swap3A = arith.index_cast %add3A_362 : i32 to index
        %swap3A_369 = arith.constant 0 : index
        %swap3A_370 = tpu.vector_load %arg10[%swap3A, %swap3A_369] {strides = array<i32>} : memref<112x128xf32, #tpu.memory_space<vmem>>, vector<16xf32>,
        tpu.vector_store %arg10[%swap3A, %swap3A_369], %mul3A_368 {strides = array<i32>} : memref<112x128xf32, #tpu.memory_space<vmem>>, vector<16xf32>,
        %get3A_371 = arith.index_cast %add3A_362 : i32 to index
        %get3A_372 = arith.constant 16 : index
        %get3A_373 = tpu.vector_load %arg10[%get3A_371, %get3A_372] {strides = array<i32>} : memref<112x128xf32, #tpu.memory_space<vmem>>, vector<16xf32>,
        %mul3A_374 = arith.mulf %get3A_373, %bitcast3A : vector<16xf32>
        %swap3A_375 = arith.index_cast %add3A_362 : i32 to index
        %swap3A_376 = arith.constant 16 : index
        %swap3A_377 = tpu.vector_load %arg10[%swap3A_375, %swap3A_376] {strides = array<i32>} : memref<112x128xf32, #tpu.memory_space<vmem>>, vector<16xf32>,
        tpu.vector_store %arg10[%swap3A_375, %swap3A_376], %mul3A_374 {strides = array<i32>} : memref<112x128xf32, #tpu.memory_space<vmem>>, vector<16xf32>,
        %get3A_378 = arith.index_cast %add3A_362 : i32 to index
        %get3A_379 = arith.constant 32 : index
        %get3A_380 = tpu.vector_load %arg10[%get3A_378, %get3A_379] {strides = array<i32>} : memref<112x128xf32, #tpu.memory_space<vmem>>, vector<16xf32>,
        %mul3A_381 = arith.mulf %get3A_380, %bitcast3A : vector<16xf32>
        %swap3A_382 = arith.index_cast %add3A_362 : i32 to index
        %swap3A_383 = arith.constant 32 : index
        %swap3A_384 = tpu.vector_load %arg10[%swap3A_382, %swap3A_383] {strides = array<i32>} : memref<112x128xf32, #tpu.memory_space<vmem>>, vector<16xf32>,
        tpu.vector_store %arg10[%swap3A_382, %swap3A_383], %mul3A_381 {strides = array<i32>} : memref<112x128xf32, #tpu.memory_space<vmem>>, vector<16xf32>,
        %get3A_385 = arith.index_cast %add3A_362 : i32 to index
        %get3A_386 = arith.constant 48 : index
        %get3A_387 = tpu.vector_load %arg10[%get3A_385, %get3A_386] {strides = array<i32>} : memref<112x128xf32, #tpu.memory_space<vmem>>, vector<16xf32>,
        %mul3A_388 = arith.mulf %get3A_387, %bitcast3A : vector<16xf32>
        %swap3A_389 = arith.index_cast %add3A_362 : i32 to index
        %swap3A_390 = arith.constant 48 : index
        %swap3A_391 = tpu.vector_load %arg10[%swap3A_389, %swap3A_390] {strides = array<i32>} : memref<112x128xf32, #tpu.memory_space<vmem>>, vector<16xf32>,
        tpu.vector_store %arg10[%swap3A_389, %swap3A_390], %mul3A_388 {strides = array<i32>} : memref<112x128xf32, #tpu.memory_space<vmem>>, vector<16xf32>,
        %get3A_392 = arith.index_cast %add3A_362 : i32 to index
        %get3A_393 = arith.constant 64 : index
        %get3A_394 = tpu.vector_load %arg10[%get3A_392, %get3A_393] {strides = array<i32>} : memref<112x128xf32, #tpu.memory_space<vmem>>, vector<16xf32>,
        %mul3A_395 = arith.mulf %get3A_394, %bitcast3A : vector<16xf32>
        %swap3A_396 = arith.index_cast %add3A_362 : i32 to index
        %swap3A_397 = arith.constant 64 : index
        %swap3A_398 = tpu.vector_load %arg10[%swap3A_396, %swap3A_397] {strides = array<i32>} : memref<112x128xf32, #tpu.memory_space<vmem>>, vector<16xf32>,
        tpu.vector_store %arg10[%swap3A_396, %swap3A_397], %mul3A_395 {strides = array<i32>} : memref<112x128xf32, #tpu.memory_space<vmem>>, vector<16xf32>,
        %get3A_399 = arith.index_cast %add3A_362 : i32 to index
        %get3A_400 = arith.constant 80 : index
        %get3A_401 = tpu.vector_load %arg10[%get3A_399, %get3A_400] {strides = array<i32>} : memref<112x128xf32, #tpu.memory_space<vmem>>, vector<16xf32>,
        %mul3A_402 = arith.mulf %get3A_401, %bitcast3A : vector<16xf32>
        %swap3A_403 = arith.index_cast %add3A_362 : i32 to index
        %swap3A_404 = arith.constant 80 : index
        %swap3A_405 = tpu.vector_load %arg10[%swap3A_403, %swap3A_404] {strides = array<i32>} : memref<112x128xf32, #tpu.memory_space<vmem>>, vector<16xf32>,
        tpu.vector_store %arg10[%swap3A_403, %swap3A_404], %mul3A_402 {strides = array<i32>} : memref<112x128xf32, #tpu.memory_space<vmem>>, vector<16xf32>,
        %get3A_406 = arith.index_cast %add3A_362 : i32 to index
        %get3A_407 = arith.constant 96 : index
        %get3A_408 = tpu.vector_load %arg10[%get3A_406, %get3A_407] {strides = array<i32>} : memref<112x128xf32, #tpu.memory_space<vmem>>, vector<16xf32>,
        %mul3A_409 = arith.mulf %get3A_408, %bitcast3A : vector<16xf32>
        %swap3A_410 = arith.index_cast %add3A_362 : i32 to index
        %swap3A_411 = arith.constant 96 : index
        %swap3A_412 = tpu.vector_load %arg10[%swap3A_410, %swap3A_411] {strides = array<i32>} : memref<112x128xf32, #tpu.memory_space<vmem>>, vector<16xf32>,
        tpu.vector_store %arg10[%swap3A_410, %swap3A_411], %mul3A_409 {strides = array<i32>} : memref<112x128xf32, #tpu.memory_space<vmem>>, vector<16xf32>,
        %get3A_413 = arith.index_cast %add3A_362 : i32 to index
        %get3A_414 = arith.constant 112 : index
        %get3A_415 = tpu.vector_load %arg10[%get3A_413, %get3A_414] {strides = array<i32>} : memref<112x128xf32, #tpu.memory_space<vmem>>, vector<16xf32>,
        %mul3A_416 = arith.mulf %get3A_415, %bitcast3A : vector<16xf32>
        %swap3A_417 = arith.index_cast %add3A_362 : i32 to index
        %swap3A_418 = arith.constant 112 : index
        %swap3A_419 = tpu.vector_load %arg10[%swap3A_417, %swap3A_418] {strides = array<i32>} : memref<112x128xf32, #tpu.memory_space<vmem>>, vector<16xf32>,
        tpu.vector_store %arg10[%swap3A_417, %swap3A_418], %mul3A_416 {strides = array<i32>} : memref<112x128xf32, #tpu.memory_space<vmem>>, vector<16xf32>,
        %mul3A_420 = arith.constant 4 : i32
        %mul3A_421 = arith.muli %scan3A_358, %mul3A_420 : i32
        %add3A_422 = arith.constant 1 : i32
        %add3A_423 = arith.addi %mul3A_421, %add3A_422 : i32
        %broadcast_in_dim3A_424 = arith.constant 2 : i32
        %broadcast_in_dim3A_425 = vector.broadcast %broadcast_in_dim3A_424 : i32 to vector<16xi32>
        %broadcast_in_dim3A_426 = vector.broadcast %add3A_423 : i32 to vector<16xi32>
        %gather3A_427 = tpu.vector_load_idx %arg7[%broadcast_in_dim3A_425, %broadcast_in_dim3A_426] : memref<3x112xi32, #tpu.memory_space<vmem>>[vector<16xi32>, vector<16xi32>], vector<16xi32>,
        %bitcast3A_428 = vector.bitcast %gather3A_427 : vector<16xi32> to vector<16xf32>
        %get3A_429 = arith.index_cast %add3A_423 : i32 to index
        %get3A_430 = arith.constant 0 : index
        %get3A_431 = tpu.vector_load %arg10[%get3A_429, %get3A_430] {strides = array<i32>} : memref<112x128xf32, #tpu.memory_space<vmem>>, vector<16xf32>,
        %mul3A_432 = arith.mulf %get3A_431, %bitcast3A_428 : vector<16xf32>
        %swap3A_433 = arith.index_cast %add3A_423 : i32 to index
        %swap3A_434 = arith.constant 0 : index
        %swap3A_435 = tpu.vector_load %arg10[%swap3A_433, %swap3A_434] {strides = array<i32>} : memref<112x128xf32, #tpu.memory_space<vmem>>, vector<16xf32>,
        tpu.vector_store %arg10[%swap3A_433, %swap3A_434], %mul3A_432 {strides = array<i32>} : memref<112x128xf32, #tpu.memory_space<vmem>>, vector<16xf32>,
        %get3A_436 = arith.index_cast %add3A_423 : i32 to index
        %get3A_437 = arith.constant 16 : index
        %get3A_438 = tpu.vector_load %arg10[%get3A_436, %get3A_437] {strides = array<i32>} : memref<112x128xf32, #tpu.memory_space<vmem>>, vector<16xf32>,
        %mul3A_439 = arith.mulf %get3A_438, %bitcast3A_428 : vector<16xf32>
        %swap3A_440 = arith.index_cast %add3A_423 : i32 to index
        %swap3A_441 = arith.constant 16 : index
        %swap3A_442 = tpu.vector_load %arg10[%swap3A_440, %swap3A_441] {strides = array<i32>} : memref<112x128xf32, #tpu.memory_space<vmem>>, vector<16xf32>,
        tpu.vector_store %arg10[%swap3A_440, %swap3A_441], %mul3A_439 {strides = array<i32>} : memref<112x128xf32, #tpu.memory_space<vmem>>, vector<16xf32>,
        %get3A_443 = arith.index_cast %add3A_423 : i32 to index
        %get3A_444 = arith.constant 32 : index
        %get3A_445 = tpu.vector_load %arg10[%get3A_443, %get3A_444] {strides = array<i32>} : memref<112x128xf32, #tpu.memory_space<vmem>>, vector<16xf32>,
        %mul3A_446 = arith.mulf %get3A_445, %bitcast3A_428 : vector<16xf32>
        %swap3A_447 = arith.index_cast %add3A_423 : i32 to index
        %swap3A_448 = arith.constant 32 : index
        %swap3A_449 = tpu.vector_load %arg10[%swap3A_447, %swap3A_448] {strides = array<i32>} : memref<112x128xf32, #tpu.memory_space<vmem>>, vector<16xf32>,
        tpu.vector_store %arg10[%swap3A_447, %swap3A_448], %mul3A_446 {strides = array<i32>} : memref<112x128xf32, #tpu.memory_space<vmem>>, vector<16xf32>,
        %get3A_450 = arith.index_cast %add3A_423 : i32 to index
        %get3A_451 = arith.constant 48 : index
        %get3A_452 = tpu.vector_load %arg10[%get3A_450, %get3A_451] {strides = array<i32>} : memref<112x128xf32, #tpu.memory_space<vmem>>, vector<16xf32>,
        %mul3A_453 = arith.mulf %get3A_452, %bitcast3A_428 : vector<16xf32>
        %swap3A_454 = arith.index_cast %add3A_423 : i32 to index
        %swap3A_455 = arith.constant 48 : index
        %swap3A_456 = tpu.vector_load %arg10[%swap3A_454, %swap3A_455] {strides = array<i32>} : memref<112x128xf32, #tpu.memory_space<vmem>>, vector<16xf32>,
        tpu.vector_store %arg10[%swap3A_454, %swap3A_455], %mul3A_453 {strides = array<i32>} : memref<112x128xf32, #tpu.memory_space<vmem>>, vector<16xf32>,
        %get3A_457 = arith.index_cast %add3A_423 : i32 to index
        %get3A_458 = arith.constant 64 : index
        %get3A_459 = tpu.vector_load %arg10[%get3A_457, %get3A_458] {strides = array<i32>} : memref<112x128xf32, #tpu.memory_space<vmem>>, vector<16xf32>,
        %mul3A_460 = arith.mulf %get3A_459, %bitcast3A_428 : vector<16xf32>
        %swap3A_461 = arith.index_cast %add3A_423 : i32 to index
        %swap3A_462 = arith.constant 64 : index
        %swap3A_463 = tpu.vector_load %arg10[%swap3A_461, %swap3A_462] {strides = array<i32>} : memref<112x128xf32, #tpu.memory_space<vmem>>, vector<16xf32>,
        tpu.vector_store %arg10[%swap3A_461, %swap3A_462], %mul3A_460 {strides = array<i32>} : memref<112x128xf32, #tpu.memory_space<vmem>>, vector<16xf32>,
        %get3A_464 = arith.index_cast %add3A_423 : i32 to index
        %get3A_465 = arith.constant 80 : index
        %get3A_466 = tpu.vector_load %arg10[%get3A_464, %get3A_465] {strides = array<i32>} : memref<112x128xf32, #tpu.memory_space<vmem>>, vector<16xf32>,
        %mul3A_467 = arith.mulf %get3A_466, %bitcast3A_428 : vector<16xf32>
        %swap3A_468 = arith.index_cast %add3A_423 : i32 to index
        %swap3A_469 = arith.constant 80 : index
        %swap3A_470 = tpu.vector_load %arg10[%swap3A_468, %swap3A_469] {strides = array<i32>} : memref<112x128xf32, #tpu.memory_space<vmem>>, vector<16xf32>,
        tpu.vector_store %arg10[%swap3A_468, %swap3A_469], %mul3A_467 {strides = array<i32>} : memref<112x128xf32, #tpu.memory_space<vmem>>, vector<16xf32>,
        %get3A_471 = arith.index_cast %add3A_423 : i32 to index
        %get3A_472 = arith.constant 96 : index
        %get3A_473 = tpu.vector_load %arg10[%get3A_471, %get3A_472] {strides = array<i32>} : memref<112x128xf32, #tpu.memory_space<vmem>>, vector<16xf32>,
        %mul3A_474 = arith.mulf %get3A_473, %bitcast3A_428 : vector<16xf32>
        %swap3A_475 = arith.index_cast %add3A_423 : i32 to index
        %swap3A_476 = arith.constant 96 : index
        %swap3A_477 = tpu.vector_load %arg10[%swap3A_475, %swap3A_476] {strides = array<i32>} : memref<112x128xf32, #tpu.memory_space<vmem>>, vector<16xf32>,
        tpu.vector_store %arg10[%swap3A_475, %swap3A_476], %mul3A_474 {strides = array<i32>} : memref<112x128xf32, #tpu.memory_space<vmem>>, vector<16xf32>,
        %get3A_478 = arith.index_cast %add3A_423 : i32 to index
        %get3A_479 = arith.constant 112 : index
        %get3A_480 = tpu.vector_load %arg10[%get3A_478, %get3A_479] {strides = array<i32>} : memref<112x128xf32, #tpu.memory_space<vmem>>, vector<16xf32>,
        %mul3A_481 = arith.mulf %get3A_480, %bitcast3A_428 : vector<16xf32>
        %swap3A_482 = arith.index_cast %add3A_423 : i32 to index
        %swap3A_483 = arith.constant 112 : index
        %swap3A_484 = tpu.vector_load %arg10[%swap3A_482, %swap3A_483] {strides = array<i32>} : memref<112x128xf32, #tpu.memory_space<vmem>>, vector<16xf32>,
        tpu.vector_store %arg10[%swap3A_482, %swap3A_483], %mul3A_481 {strides = array<i32>} : memref<112x128xf32, #tpu.memory_space<vmem>>, vector<16xf32>,
        %mul3A_485 = arith.constant 4 : i32
        %mul3A_486 = arith.muli %scan3A_358, %mul3A_485 : i32
        %add3A_487 = arith.constant 2 : i32
        %add3A_488 = arith.addi %mul3A_486, %add3A_487 : i32
        %broadcast_in_dim3A_489 = arith.constant 2 : i32
        %broadcast_in_dim3A_490 = vector.broadcast %broadcast_in_dim3A_489 : i32 to vector<16xi32>
        %broadcast_in_dim3A_491 = vector.broadcast %add3A_488 : i32 to vector<16xi32>
        %gather3A_492 = tpu.vector_load_idx %arg7[%broadcast_in_dim3A_490, %broadcast_in_dim3A_491] : memref<3x112xi32, #tpu.memory_space<vmem>>[vector<16xi32>, vector<16xi32>], vector<16xi32>,
        %bitcast3A_493 = vector.bitcast %gather3A_492 : vector<16xi32> to vector<16xf32>
        %get3A_494 = arith.index_cast %add3A_488 : i32 to index
        %get3A_495 = arith.constant 0 : index
        %get3A_496 = tpu.vector_load %arg10[%get3A_494, %get3A_495] {strides = array<i32>} : memref<112x128xf32, #tpu.memory_space<vmem>>, vector<16xf32>,
        %mul3A_497 = arith.mulf %get3A_496, %bitcast3A_493 : vector<16xf32>
        %swap3A_498 = arith.index_cast %add3A_488 : i32 to index
        %swap3A_499 = arith.constant 0 : index
        %swap3A_500 = tpu.vector_load %arg10[%swap3A_498, %swap3A_499] {strides = array<i32>} : memref<112x128xf32, #tpu.memory_space<vmem>>, vector<16xf32>,
        tpu.vector_store %arg10[%swap3A_498, %swap3A_499], %mul3A_497 {strides = array<i32>} : memref<112x128xf32, #tpu.memory_space<vmem>>, vector<16xf32>,
        %get3A_501 = arith.index_cast %add3A_488 : i32 to index
        %get3A_502 = arith.constant 16 : index
        %get3A_503 = tpu.vector_load %arg10[%get3A_501, %get3A_502] {strides = array<i32>} : memref<112x128xf32, #tpu.memory_space<vmem>>, vector<16xf32>,
        %mul3A_504 = arith.mulf %get3A_503, %bitcast3A_493 : vector<16xf32>
        %swap3A_505 = arith.index_cast %add3A_488 : i32 to index
        %swap3A_506 = arith.constant 16 : index
        %swap3A_507 = tpu.vector_load %arg10[%swap3A_505, %swap3A_506] {strides = array<i32>} : memref<112x128xf32, #tpu.memory_space<vmem>>, vector<16xf32>,
        tpu.vector_store %arg10[%swap3A_505, %swap3A_506], %mul3A_504 {strides = array<i32>} : memref<112x128xf32, #tpu.memory_space<vmem>>, vector<16xf32>,
        %get3A_508 = arith.index_cast %add3A_488 : i32 to index
        %get3A_509 = arith.constant 32 : index
        %get3A_510 = tpu.vector_load %arg10[%get3A_508, %get3A_509] {strides = array<i32>} : memref<112x128xf32, #tpu.memory_space<vmem>>, vector<16xf32>,
        %mul3A_511 = arith.mulf %get3A_510, %bitcast3A_493 : vector<16xf32>
        %swap3A_512 = arith.index_cast %add3A_488 : i32 to index
        %swap3A_513 = arith.constant 32 : index
        %swap3A_514 = tpu.vector_load %arg10[%swap3A_512, %swap3A_513] {strides = array<i32>} : memref<112x128xf32, #tpu.memory_space<vmem>>, vector<16xf32>,
        tpu.vector_store %arg10[%swap3A_512, %swap3A_513], %mul3A_511 {strides = array<i32>} : memref<112x128xf32, #tpu.memory_space<vmem>>, vector<16xf32>,
        %get3A_515 = arith.index_cast %add3A_488 : i32 to index
        %get3A_516 = arith.constant 48 : index
        %get3A_517 = tpu.vector_load %arg10[%get3A_515, %get3A_516] {strides = array<i32>} : memref<112x128xf32, #tpu.memory_space<vmem>>, vector<16xf32>,
        %mul3A_518 = arith.mulf %get3A_517, %bitcast3A_493 : vector<16xf32>
        %swap3A_519 = arith.index_cast %add3A_488 : i32 to index
        %swap3A_520 = arith.constant 48 : index
        %swap3A_521 = tpu.vector_load %arg10[%swap3A_519, %swap3A_520] {strides = array<i32>} : memref<112x128xf32, #tpu.memory_space<vmem>>, vector<16xf32>,
        tpu.vector_store %arg10[%swap3A_519, %swap3A_520], %mul3A_518 {strides = array<i32>} : memref<112x128xf32, #tpu.memory_space<vmem>>, vector<16xf32>,
        %get3A_522 = arith.index_cast %add3A_488 : i32 to index
        %get3A_523 = arith.constant 64 : index
        %get3A_524 = tpu.vector_load %arg10[%get3A_522, %get3A_523] {strides = array<i32>} : memref<112x128xf32, #tpu.memory_space<vmem>>, vector<16xf32>,
        %mul3A_525 = arith.mulf %get3A_524, %bitcast3A_493 : vector<16xf32>
        %swap3A_526 = arith.index_cast %add3A_488 : i32 to index
        %swap3A_527 = arith.constant 64 : index
        %swap3A_528 = tpu.vector_load %arg10[%swap3A_526, %swap3A_527] {strides = array<i32>} : memref<112x128xf32, #tpu.memory_space<vmem>>, vector<16xf32>,
        tpu.vector_store %arg10[%swap3A_526, %swap3A_527], %mul3A_525 {strides = array<i32>} : memref<112x128xf32, #tpu.memory_space<vmem>>, vector<16xf32>,
        %get3A_529 = arith.index_cast %add3A_488 : i32 to index
        %get3A_530 = arith.constant 80 : index
        %get3A_531 = tpu.vector_load %arg10[%get3A_529, %get3A_530] {strides = array<i32>} : memref<112x128xf32, #tpu.memory_space<vmem>>, vector<16xf32>,
        %mul3A_532 = arith.mulf %get3A_531, %bitcast3A_493 : vector<16xf32>
        %swap3A_533 = arith.index_cast %add3A_488 : i32 to index
        %swap3A_534 = arith.constant 80 : index
        %swap3A_535 = tpu.vector_load %arg10[%swap3A_533, %swap3A_534] {strides = array<i32>} : memref<112x128xf32, #tpu.memory_space<vmem>>, vector<16xf32>,
        tpu.vector_store %arg10[%swap3A_533, %swap3A_534], %mul3A_532 {strides = array<i32>} : memref<112x128xf32, #tpu.memory_space<vmem>>, vector<16xf32>,
        %get3A_536 = arith.index_cast %add3A_488 : i32 to index
        %get3A_537 = arith.constant 96 : index
        %get3A_538 = tpu.vector_load %arg10[%get3A_536, %get3A_537] {strides = array<i32>} : memref<112x128xf32, #tpu.memory_space<vmem>>, vector<16xf32>,
        %mul3A_539 = arith.mulf %get3A_538, %bitcast3A_493 : vector<16xf32>
        %swap3A_540 = arith.index_cast %add3A_488 : i32 to index
        %swap3A_541 = arith.constant 96 : index
        %swap3A_542 = tpu.vector_load %arg10[%swap3A_540, %swap3A_541] {strides = array<i32>} : memref<112x128xf32, #tpu.memory_space<vmem>>, vector<16xf32>,
        tpu.vector_store %arg10[%swap3A_540, %swap3A_541], %mul3A_539 {strides = array<i32>} : memref<112x128xf32, #tpu.memory_space<vmem>>, vector<16xf32>,
        %get3A_543 = arith.index_cast %add3A_488 : i32 to index
        %get3A_544 = arith.constant 112 : index
        %get3A_545 = tpu.vector_load %arg10[%get3A_543, %get3A_544] {strides = array<i32>} : memref<112x128xf32, #tpu.memory_space<vmem>>, vector<16xf32>,
        %mul3A_546 = arith.mulf %get3A_545, %bitcast3A_493 : vector<16xf32>
        %swap3A_547 = arith.index_cast %add3A_488 : i32 to index
        %swap3A_548 = arith.constant 112 : index
        %swap3A_549 = tpu.vector_load %arg10[%swap3A_547, %swap3A_548] {strides = array<i32>} : memref<112x128xf32, #tpu.memory_space<vmem>>, vector<16xf32>,
        tpu.vector_store %arg10[%swap3A_547, %swap3A_548], %mul3A_546 {strides = array<i32>} : memref<112x128xf32, #tpu.memory_space<vmem>>, vector<16xf32>,
        %mul3A_550 = arith.constant 4 : i32
        %mul3A_551 = arith.muli %scan3A_358, %mul3A_550 : i32
        %add3A_552 = arith.constant 3 : i32
        %add3A_553 = arith.addi %mul3A_551, %add3A_552 : i32
        %broadcast_in_dim3A_554 = arith.constant 2 : i32
        %broadcast_in_dim3A_555 = vector.broadcast %broadcast_in_dim3A_554 : i32 to vector<16xi32>
        %broadcast_in_dim3A_556 = vector.broadcast %add3A_553 : i32 to vector<16xi32>
        %gather3A_557 = tpu.vector_load_idx %arg7[%broadcast_in_dim3A_555, %broadcast_in_dim3A_556] : memref<3x112xi32, #tpu.memory_space<vmem>>[vector<16xi32>, vector<16xi32>], vector<16xi32>,
        %bitcast3A_558 = vector.bitcast %gather3A_557 : vector<16xi32> to vector<16xf32>
        %get3A_559 = arith.index_cast %add3A_553 : i32 to index
        %get3A_560 = arith.constant 0 : index
        %get3A_561 = tpu.vector_load %arg10[%get3A_559, %get3A_560] {strides = array<i32>} : memref<112x128xf32, #tpu.memory_space<vmem>>, vector<16xf32>,
        %mul3A_562 = arith.mulf %get3A_561, %bitcast3A_558 : vector<16xf32>
        %swap3A_563 = arith.index_cast %add3A_553 : i32 to index
        %swap3A_564 = arith.constant 0 : index
        %swap3A_565 = tpu.vector_load %arg10[%swap3A_563, %swap3A_564] {strides = array<i32>} : memref<112x128xf32, #tpu.memory_space<vmem>>, vector<16xf32>,
        tpu.vector_store %arg10[%swap3A_563, %swap3A_564], %mul3A_562 {strides = array<i32>} : memref<112x128xf32, #tpu.memory_space<vmem>>, vector<16xf32>,
        %get3A_566 = arith.index_cast %add3A_553 : i32 to index
        %get3A_567 = arith.constant 16 : index
        %get3A_568 = tpu.vector_load %arg10[%get3A_566, %get3A_567] {strides = array<i32>} : memref<112x128xf32, #tpu.memory_space<vmem>>, vector<16xf32>,
        %mul3A_569 = arith.mulf %get3A_568, %bitcast3A_558 : vector<16xf32>
        %swap3A_570 = arith.index_cast %add3A_553 : i32 to index
        %swap3A_571 = arith.constant 16 : index
        %swap3A_572 = tpu.vector_load %arg10[%swap3A_570, %swap3A_571] {strides = array<i32>} : memref<112x128xf32, #tpu.memory_space<vmem>>, vector<16xf32>,
        tpu.vector_store %arg10[%swap3A_570, %swap3A_571], %mul3A_569 {strides = array<i32>} : memref<112x128xf32, #tpu.memory_space<vmem>>, vector<16xf32>,
        %get3A_573 = arith.index_cast %add3A_553 : i32 to index
        %get3A_574 = arith.constant 32 : index
        %get3A_575 = tpu.vector_load %arg10[%get3A_573, %get3A_574] {strides = array<i32>} : memref<112x128xf32, #tpu.memory_space<vmem>>, vector<16xf32>,
        %mul3A_576 = arith.mulf %get3A_575, %bitcast3A_558 : vector<16xf32>
        %swap3A_577 = arith.index_cast %add3A_553 : i32 to index
        %swap3A_578 = arith.constant 32 : index
        %swap3A_579 = tpu.vector_load %arg10[%swap3A_577, %swap3A_578] {strides = array<i32>} : memref<112x128xf32, #tpu.memory_space<vmem>>, vector<16xf32>,
        tpu.vector_store %arg10[%swap3A_577, %swap3A_578], %mul3A_576 {strides = array<i32>} : memref<112x128xf32, #tpu.memory_space<vmem>>, vector<16xf32>,
        %get3A_580 = arith.index_cast %add3A_553 : i32 to index
        %get3A_581 = arith.constant 48 : index
        %get3A_582 = tpu.vector_load %arg10[%get3A_580, %get3A_581] {strides = array<i32>} : memref<112x128xf32, #tpu.memory_space<vmem>>, vector<16xf32>,
        %mul3A_583 = arith.mulf %get3A_582, %bitcast3A_558 : vector<16xf32>
        %swap3A_584 = arith.index_cast %add3A_553 : i32 to index
        %swap3A_585 = arith.constant 48 : index
        %swap3A_586 = tpu.vector_load %arg10[%swap3A_584, %swap3A_585] {strides = array<i32>} : memref<112x128xf32, #tpu.memory_space<vmem>>, vector<16xf32>,
        tpu.vector_store %arg10[%swap3A_584, %swap3A_585], %mul3A_583 {strides = array<i32>} : memref<112x128xf32, #tpu.memory_space<vmem>>, vector<16xf32>,
        %get3A_587 = arith.index_cast %add3A_553 : i32 to index
        %get3A_588 = arith.constant 64 : index
        %get3A_589 = tpu.vector_load %arg10[%get3A_587, %get3A_588] {strides = array<i32>} : memref<112x128xf32, #tpu.memory_space<vmem>>, vector<16xf32>,
        %mul3A_590 = arith.mulf %get3A_589, %bitcast3A_558 : vector<16xf32>
        %swap3A_591 = arith.index_cast %add3A_553 : i32 to index
        %swap3A_592 = arith.constant 64 : index
        %swap3A_593 = tpu.vector_load %arg10[%swap3A_591, %swap3A_592] {strides = array<i32>} : memref<112x128xf32, #tpu.memory_space<vmem>>, vector<16xf32>,
        tpu.vector_store %arg10[%swap3A_591, %swap3A_592], %mul3A_590 {strides = array<i32>} : memref<112x128xf32, #tpu.memory_space<vmem>>, vector<16xf32>,
        %get3A_594 = arith.index_cast %add3A_553 : i32 to index
        %get3A_595 = arith.constant 80 : index
        %get3A_596 = tpu.vector_load %arg10[%get3A_594, %get3A_595] {strides = array<i32>} : memref<112x128xf32, #tpu.memory_space<vmem>>, vector<16xf32>,
        %mul3A_597 = arith.mulf %get3A_596, %bitcast3A_558 : vector<16xf32>
        %swap3A_598 = arith.index_cast %add3A_553 : i32 to index
        %swap3A_599 = arith.constant 80 : index
        %swap3A_600 = tpu.vector_load %arg10[%swap3A_598, %swap3A_599] {strides = array<i32>} : memref<112x128xf32, #tpu.memory_space<vmem>>, vector<16xf32>,
        tpu.vector_store %arg10[%swap3A_598, %swap3A_599], %mul3A_597 {strides = array<i32>} : memref<112x128xf32, #tpu.memory_space<vmem>>, vector<16xf32>,
        %get3A_601 = arith.index_cast %add3A_553 : i32 to index
        %get3A_602 = arith.constant 96 : index
        %get3A_603 = tpu.vector_load %arg10[%get3A_601, %get3A_602] {strides = array<i32>} : memref<112x128xf32, #tpu.memory_space<vmem>>, vector<16xf32>,
        %mul3A_604 = arith.mulf %get3A_603, %bitcast3A_558 : vector<16xf32>
        %swap3A_605 = arith.index_cast %add3A_553 : i32 to index
        %swap3A_606 = arith.constant 96 : index
        %swap3A_607 = tpu.vector_load %arg10[%swap3A_605, %swap3A_606] {strides = array<i32>} : memref<112x128xf32, #tpu.memory_space<vmem>>, vector<16xf32>,
        tpu.vector_store %arg10[%swap3A_605, %swap3A_606], %mul3A_604 {strides = array<i32>} : memref<112x128xf32, #tpu.memory_space<vmem>>, vector<16xf32>,
        %get3A_608 = arith.index_cast %add3A_553 : i32 to index
        %get3A_609 = arith.constant 112 : index
        %get3A_610 = tpu.vector_load %arg10[%get3A_608, %get3A_609] {strides = array<i32>} : memref<112x128xf32, #tpu.memory_space<vmem>>, vector<16xf32>,
        %mul3A_611 = arith.mulf %get3A_610, %bitcast3A_558 : vector<16xf32>
        %swap3A_612 = arith.index_cast %add3A_553 : i32 to index
        %swap3A_613 = arith.constant 112 : index
        %swap3A_614 = tpu.vector_load %arg10[%swap3A_612, %swap3A_613] {strides = array<i32>} : memref<112x128xf32, #tpu.memory_space<vmem>>, vector<16xf32>,
        tpu.vector_store %arg10[%swap3A_612, %swap3A_613], %mul3A_611 {strides = array<i32>} : memref<112x128xf32, #tpu.memory_space<vmem>>, vector<16xf32>,
      }
      %scan3A_348 = arith.constant 28 : i32
      %add3A_349 = arith.constant 2 : i32
      %add3A_350 = arith.addi %add3A_327, %add3A_349 : i32
      %lt3A_351 = arith.constant 180 : i32
      %lt3A_352 = arith.cmpi slt, %add3A_350, %lt3A_351 : i32
      %convert_element_type3A_353 = arith.extui %lt3A_352 : i1 to i32
      %cond3A_354 = arith.constant 0 : i32
      %cond3A_355 = arith.cmpi ne, %convert_element_type3A_353, %cond3A_354 : i32
      scf.if %cond3A_355 {
        %add3A_358 = arith.constant 2 : i32
        %add3A_359 = arith.addi %add3A_327, %add3A_358 : i32
        %dma_wait3A_360 = arith.constant 1 : i32
        %dma_wait3A_361 = arith.constant 0 : i32
        %dma_wait3A_362 = arith.constant 0 : i32
        %dma_wait3A_363 = tpu.memref_slice %arg6[%dma_wait3A_360, %dma_wait3A_361, %dma_wait3A_362] : memref<3x2x112xi32, #tpu.memory_space<vmem>> -> memref<1x2x112xi32, #tpu.memory_space<vmem>>
        %dma_wait3A_364 = tpu.memref_squeeze %dma_wait3A_363 : memref<1x2x112xi32, #tpu.memory_space<vmem>> -> memref<2x112xi32, #tpu.memory_space<vmem>>
        %dma_wait3A_365 = arith.constant 0 : i32
        %dma_wait3A_366 = arith.constant 0 : i32
        %dma_wait3A_367 = tpu.memref_slice %arg3[%arg1, %add3A_359, %dma_wait3A_365, %dma_wait3A_366] : memref<16x180x2x112xi32, #tpu.memory_space<hbm>> -> memref<1x1x2x112xi32, #tpu.memory_space<hbm>>
        %dma_wait3A_368 = tpu.memref_squeeze %dma_wait3A_367 : memref<1x1x2x112xi32, #tpu.memory_space<hbm>> -> memref<2x112xi32, #tpu.memory_space<hbm>>
        %dma_wait3A_369 = arith.constant 0 : i32
        %dma_wait3A_370 = arith.constant 0 : i32
        %dma_wait3A_371 = tpu.memref_slice %arg6[%dma_wait3A_360, %dma_wait3A_369, %dma_wait3A_370] : memref<3x2x112xi32, #tpu.memory_space<vmem>> -> memref<1x2x112xi32, #tpu.memory_space<vmem>>
        %dma_wait3A_372 = tpu.memref_squeeze %dma_wait3A_371 : memref<1x2x112xi32, #tpu.memory_space<vmem>> -> memref<2x112xi32, #tpu.memory_space<vmem>>
        %dma_wait3A_373 = arith.constant 0 : i32
        %dma_wait3A_374 = arith.constant 0 : i32
        %dma_wait3A_375 = tpu.memref_slice %arg3[%arg1, %add3A_359, %dma_wait3A_373, %dma_wait3A_374] : memref<16x180x2x112xi32, #tpu.memory_space<hbm>> -> memref<1x1x2x112xi32, #tpu.memory_space<hbm>>
        %dma_wait3A_376 = tpu.memref_squeeze %dma_wait3A_375 : memref<1x1x2x112xi32, #tpu.memory_space<hbm>> -> memref<2x112xi32, #tpu.memory_space<hbm>>
        tpu.wait_dma2 semaphore(%arg13 : memref<!tpu.dma_semaphore, #tpu.memory_space<semaphore_mem>>) src(%dma_wait3A_376 : memref<2x112xi32, #tpu.memory_space<hbm>>) dst(%dma_wait3A_372 : memref<2x112xi32, #tpu.memory_space<vmem>>)
        %dma_wait3A_377 = arith.constant 1 : i32
        %dma_wait3A_378 = arith.constant 0 : i32
        %dma_wait3A_379 = tpu.memref_slice %arg7[%dma_wait3A_377, %dma_wait3A_378] : memref<3x112xi32, #tpu.memory_space<vmem>> -> memref<1x112xi32, #tpu.memory_space<vmem>>
        %dma_wait3A_380 = tpu.memref_squeeze %dma_wait3A_379 : memref<1x112xi32, #tpu.memory_space<vmem>> -> memref<112xi32, #tpu.memory_space<vmem>>
        %dma_wait3A_381 = arith.constant 0 : i32
        %dma_wait3A_382 = tpu.memref_slice %arg4[%arg1, %add3A_359, %dma_wait3A_381] : memref<16x180x112xi32, #tpu.memory_space<hbm>> -> memref<1x1x112xi32, #tpu.memory_space<hbm>>
        %dma_wait3A_383 = tpu.memref_squeeze %dma_wait3A_382 : memref<1x1x112xi32, #tpu.memory_space<hbm>> -> memref<112xi32, #tpu.memory_space<hbm>>
        %dma_wait3A_384 = arith.constant 0 : i32
        %dma_wait3A_385 = tpu.memref_slice %arg7[%dma_wait3A_377, %dma_wait3A_384] : memref<3x112xi32, #tpu.memory_space<vmem>> -> memref<1x112xi32, #tpu.memory_space<vmem>>
        %dma_wait3A_386 = tpu.memref_squeeze %dma_wait3A_385 : memref<1x112xi32, #tpu.memory_space<vmem>> -> memref<112xi32, #tpu.memory_space<vmem>>
        %dma_wait3A_387 = arith.constant 0 : i32
        %dma_wait3A_388 = tpu.memref_slice %arg4[%arg1, %add3A_359, %dma_wait3A_387] : memref<16x180x112xi32, #tpu.memory_space<hbm>> -> memref<1x1x112xi32, #tpu.memory_space<hbm>>
        %dma_wait3A_389 = tpu.memref_squeeze %dma_wait3A_388 : memref<1x1x112xi32, #tpu.memory_space<hbm>> -> memref<112xi32, #tpu.memory_space<hbm>>
        tpu.wait_dma2 semaphore(%arg13 : memref<!tpu.dma_semaphore, #tpu.memory_space<semaphore_mem>>) src(%dma_wait3A_389 : memref<112xi32, #tpu.memory_space<hbm>>) dst(%dma_wait3A_386 : memref<112xi32, #tpu.memory_space<vmem>>)
        %dma_start3A_390 = arith.constant 1 : i32
        %dma_start3A_391 = arith.constant 0 : i32
        %dma_start3A_392 = arith.constant 0 : i32
        %dma_start3A_393 = tpu.memref_slice %arg6[%dma_start3A_390, %dma_start3A_391, %dma_start3A_392] : memref<3x2x112xi32, #tpu.memory_space<vmem>> -> memref<1x1x112xi32, #tpu.memory_space<vmem>>
        %dma_start3A_394 = tpu.memref_squeeze %dma_start3A_393 : memref<1x1x112xi32, #tpu.memory_space<vmem>> -> memref<112xi32, #tpu.memory_space<vmem>>
        %dma_start3A_395 = arith.constant 0 : i32
        %dma_start3A_396 = arith.constant 0 : i32
        %dma_start3A_397 = tpu.memref_slice %arg2[%dma_start3A_395, %dma_start3A_396] : memref<10000x128xf32, #tpu.memory_space<hbm>> -> memref<10000x128xf32, #tpu.memory_space<hbm>>
        tpu.enqueue_indirect_dma source(%dma_start3A_397 : memref<10000x128xf32, #tpu.memory_space<hbm>>) target(%arg9 : memref<112x128xf32, #tpu.memory_space<vmem>>) offsets(%dma_start3A_394 : memref<112xi32, #tpu.memory_space<vmem>>) semaphore(%arg16 : memref<!tpu.dma_semaphore, #tpu.memory_space<semaphore_mem>>)
      } else {
      }
      %run_scoped3A_356 = arith.constant 2 : i32
      %run_scoped3A_357 = arith.constant 1 : i32
      "tpu.region"() ({
        %run_scoped3A_358 = tpu.sem_alloc : memref<!tpu.dma_semaphore, #tpu.memory_space<semaphore_mem>>
        %dma_start3A_359 = arith.constant 0 : i32
        %dma_start3A_360 = tpu.memref_slice %arg6[%run_scoped3A_356, %run_scoped3A_357, %dma_start3A_359] : memref<3x2x112xi32, #tpu.memory_space<vmem>> -> memref<1x1x112xi32, #tpu.memory_space<vmem>>
        %dma_start3A_361 = tpu.memref_squeeze %dma_start3A_360 : memref<1x1x112xi32, #tpu.memory_space<vmem>> -> memref<112xi32, #tpu.memory_space<vmem>>
        %dma_start3A_362 = arith.constant 0 : i32
        %dma_start3A_363 = arith.constant 0 : i32
        %dma_start3A_364 = tpu.memref_slice %arg11[%dma_start3A_362, %dma_start3A_363] : memref<10240x128xf32, #tpu.memory_space<vmem_shared>> -> memref<10240x128xf32, #tpu.memory_space<vmem_shared>>
        tpu.enqueue_indirect_dma source(%arg10 : memref<112x128xf32, #tpu.memory_space<vmem>>) target(%dma_start3A_364 : memref<10240x128xf32, #tpu.memory_space<vmem_shared>>) offsets(%dma_start3A_361 : memref<112xi32, #tpu.memory_space<vmem>>) semaphore(%run_scoped3A_358 : memref<!tpu.dma_semaphore, #tpu.memory_space<semaphore_mem>>) {add = true}
        %dma_wait3A_365 = arith.constant 0 : i32
        %dma_wait3A_366 = tpu.memref_slice %arg6[%run_scoped3A_356, %run_scoped3A_357, %dma_wait3A_365] : memref<3x2x112xi32, #tpu.memory_space<vmem>> -> memref<1x1x112xi32, #tpu.memory_space<vmem>>
        %dma_wait3A_367 = tpu.memref_squeeze %dma_wait3A_366 : memref<1x1x112xi32, #tpu.memory_space<vmem>> -> memref<112xi32, #tpu.memory_space<vmem>>
        %dma_wait3A_368 = arith.constant 0 : i32
        %dma_wait3A_369 = arith.constant 0 : i32
        %dma_wait3A_370 = tpu.memref_slice %arg11[%dma_wait3A_368, %dma_wait3A_369] : memref<10240x128xf32, #tpu.memory_space<vmem_shared>> -> memref<10240x128xf32, #tpu.memory_space<vmem_shared>>
        tpu.wait_indirect_dma semaphore(%run_scoped3A_358 : memref<!tpu.dma_semaphore, #tpu.memory_space<semaphore_mem>>) src(%arg10 : memref<112x128xf32, #tpu.memory_space<vmem>>) dst(%dma_wait3A_370 : memref<10240x128xf32, #tpu.memory_space<vmem_shared>>)
        tpu.yield
      }) : () -> ()
    }
    %scan3A_165 = arith.constant 30 : i32
    %barrier3A_166 = arith.constant 0 : index
    tpu.barrier barrier_id(%barrier3A_166)
    "tpu.region"() ({
      %run_scoped3A = tpu.sem_alloc : memref<!tpu.dma_semaphore, #tpu.memory_space<semaphore_mem>>
      %dma_start3A_167 = arith.constant 0 : i32
      %dma_start3A_168 = tpu.memref_slice %arg5[%mul3A_6, %dma_start3A_167] : memref<10240x128xf32, #tpu.memory_space<hbm>> -> memref<640x128xf32, #tpu.memory_space<hbm>>
      %dma_start3A_169 = arith.constant 0 : i32
      %dma_start3A_170 = tpu.memref_slice %arg11[%mul3A_6, %dma_start3A_169] : memref<10240x128xf32, #tpu.memory_space<vmem_shared>> -> memref<640x128xf32, #tpu.memory_space<vmem_shared>>
      tpu.enqueue_dma source(%dma_start3A_170 : memref<640x128xf32, #tpu.memory_space<vmem_shared>>) target(%dma_start3A_168 : memref<640x128xf32, #tpu.memory_space<hbm>>) target_semaphore(%run_scoped3A : memref<!tpu.dma_semaphore, #tpu.memory_space<semaphore_mem>>)
      %dma_wait3A_171 = arith.constant 0 : i32
      %dma_wait3A_172 = tpu.memref_slice %arg5[%mul3A_6, %dma_wait3A_171] : memref<10240x128xf32, #tpu.memory_space<hbm>> -> memref<640x128xf32, #tpu.memory_space<hbm>>
      %dma_wait3A_173 = arith.constant 0 : i32
      %dma_wait3A_174 = tpu.memref_slice %arg11[%mul3A_6, %dma_wait3A_173] : memref<10240x128xf32, #tpu.memory_space<vmem_shared>> -> memref<640x128xf32, #tpu.memory_space<vmem_shared>>
      tpu.wait_dma2 semaphore(%run_scoped3A : memref<!tpu.dma_semaphore, #tpu.memory_space<semaphore_mem>>) src(%dma_wait3A_174 : memref<640x128xf32, #tpu.memory_space<vmem_shared>>) dst(%dma_wait3A_172 : memref<640x128xf32, #tpu.memory_space<hbm>>)
      tpu.yield
    }) : () -> ()
    return
  }
}

module attributes {stable_mosaic.version = 14 : i64} {
  func.func @_prep0_body(%arg0: i32, %arg1: memref<1000x128xf32, #tpu.memory_space<vmem>>, %arg2: memref<1000x1xi32, #tpu.memory_space<vmem>>, %arg3: memref<128x128xf32, #tpu.memory_space<vmem>>, %arg4: memref<128x128xf32, #tpu.memory_space<vmem>>, %arg5: memref<128x1xf32, #tpu.memory_space<vmem>>, %arg6: memref<128x1xf32, #tpu.memory_space<vmem>>, %arg7: memref<1000x128xf32, #tpu.memory_space<vmem>>, %arg8: memref<1000x1xf32, #tpu.memory_space<vmem>>, %arg9: memref<1000x1xf32, #tpu.memory_space<vmem>>) attributes {dimension_semantics = [#tpu.dimension_semantics<arbitrary>], iteration_bounds = array<i64: 10>, scalar_prefetch = 0 : i64, scratch_operands = 0 : i64, tpu.core_type = #tpu.core_type<tc>, window_params = [{transform_indices = @transform_0, window_bounds = array<i64: 1000, 128>}, {transform_indices = @transform_1, window_bounds = array<i64: 1000, 1>}, {pipeline_mode = #tpu.pipeline_mode<synchronous>, transform_indices = @transform_2, window_bounds = array<i64: 128, 128>}, {pipeline_mode = #tpu.pipeline_mode<synchronous>, transform_indices = @transform_3, window_bounds = array<i64: 128, 128>}, {pipeline_mode = #tpu.pipeline_mode<synchronous>, transform_indices = @transform_4, window_bounds = array<i64: 128, 1>}, {pipeline_mode = #tpu.pipeline_mode<synchronous>, transform_indices = @transform_5, window_bounds = array<i64: 128, 1>}, {transform_indices = @transform_6, window_bounds = array<i64: 1000, 128>}, {transform_indices = @transform_7, window_bounds = array<i64: 1000, 1>}, {transform_indices = @transform_8, window_bounds = array<i64: 1000, 1>}]} {
    %get3A = arith.constant 0 : index
    %get3A_0 = arith.constant 0 : index
    %get3A_1 = vector.load %arg1[%get3A, %get3A_0] : memref<1000x128xf32, #tpu.memory_space<vmem>>, vector<1000x128xf32>
    %get3A_2 = arith.constant 0 : index
    %get3A_3 = arith.constant 0 : index
    %get3A_4 = vector.load %arg3[%get3A_2, %get3A_3] : memref<128x128xf32, #tpu.memory_space<vmem>>, vector<128x128xf32>
    %dot_general3A = arith.constant dense<0.000000e+00> : vector<1000x128xf32>
    %dot_general3A_5 = tpu.matmul %get3A_1, %get3A_4, %dot_general3A {dimension_numbers = #tpu.dot_dimension_numbers<[1], [0], [0], [1], [0, 0, 1, 1], [], []>, transpose_lhs_hint = false} : vector<1000x128xf32>, vector<128x128xf32>, vector<1000x128xf32> -> vector<1000x128xf32>
    %get3A_6 = arith.constant 0 : index
    %get3A_7 = arith.constant 0 : index
    %get3A_8 = vector.load %arg4[%get3A_6, %get3A_7] : memref<128x128xf32, #tpu.memory_space<vmem>>, vector<128x128xf32>
    %dot_general3A_9 = arith.constant dense<0.000000e+00> : vector<1000x128xf32>
    %dot_general3A_10 = tpu.matmul %get3A_1, %get3A_8, %dot_general3A_9 {dimension_numbers = #tpu.dot_dimension_numbers<[1], [0], [0], [1], [0, 0, 1, 1], [], []>, transpose_lhs_hint = false} : vector<1000x128xf32>, vector<128x128xf32>, vector<1000x128xf32> -> vector<1000x128xf32>
    %get3A_11 = arith.constant 0 : index
    %get3A_12 = arith.constant 0 : index
    %get3A_13 = vector.load %arg2[%get3A_11, %get3A_12] : memref<1000x1xi32, #tpu.memory_space<vmem>>, vector<1000x1xi32>
    %gt3A = arith.constant 0 : i32
    %gt3A_14 = vector.broadcast %gt3A : i32 to vector<1000x1xi32>
    %gt3A_15 = arith.cmpi sgt, %get3A_13, %gt3A_14 : vector<1000x1xi32>
    %broadcast_in_dim3A = vector.shape_cast %gt3A_15 : vector<1000x1xi1> to vector<1000x1xi1>
    %broadcast_in_dim3A_16 = vector.broadcast %broadcast_in_dim3A : vector<1000x1xi1> to vector<1000x128xi1>
    %select_n3A = arith.select %broadcast_in_dim3A_16, %dot_general3A_10, %dot_general3A_5 : vector<1000x128xi1>, vector<1000x128xf32>
    %swap3A = arith.constant 0 : index
    %swap3A_17 = arith.constant 0 : index
    %swap3A_18 = vector.load %arg7[%swap3A, %swap3A_17] : memref<1000x128xf32, #tpu.memory_space<vmem>>, vector<1000x128xf32>
    tpu.vector_store %arg7[%swap3A, %swap3A_17], %select_n3A {strides = array<i32>} : memref<1000x128xf32, #tpu.memory_space<vmem>>, vector<1000x128xf32>,
    %get3A_19 = arith.constant 0 : index
    %get3A_20 = arith.constant 0 : index
    %get3A_21 = vector.load %arg5[%get3A_19, %get3A_20] : memref<128x1xf32, #tpu.memory_space<vmem>>, vector<128x1xf32>
    %dot_general3A_22 = arith.constant dense<0.000000e+00> : vector<1000x1xf32>
    %dot_general3A_23 = tpu.matmul %select_n3A, %get3A_21, %dot_general3A_22 {dimension_numbers = #tpu.dot_dimension_numbers<[1], [0], [0], [1], [0, 0, 1, 1], [], []>, transpose_lhs_hint = false} : vector<1000x128xf32>, vector<128x1xf32>, vector<1000x1xf32> -> vector<1000x1xf32>
    %swap3A_24 = arith.constant 0 : index
    %swap3A_25 = arith.constant 0 : index
    %swap3A_26 = vector.load %arg8[%swap3A_24, %swap3A_25] : memref<1000x1xf32, #tpu.memory_space<vmem>>, vector<1000x1xf32>
    tpu.vector_store %arg8[%swap3A_24, %swap3A_25], %dot_general3A_23 {strides = array<i32>} : memref<1000x1xf32, #tpu.memory_space<vmem>>, vector<1000x1xf32>,
    %get3A_27 = arith.constant 0 : index
    %get3A_28 = arith.constant 0 : index
    %get3A_29 = vector.load %arg6[%get3A_27, %get3A_28] : memref<128x1xf32, #tpu.memory_space<vmem>>, vector<128x1xf32>
    %dot_general3A_30 = arith.constant dense<0.000000e+00> : vector<1000x1xf32>
    %dot_general3A_31 = tpu.matmul %select_n3A, %get3A_29, %dot_general3A_30 {dimension_numbers = #tpu.dot_dimension_numbers<[1], [0], [0], [1], [0, 0, 1, 1], [], []>, transpose_lhs_hint = false} : vector<1000x128xf32>, vector<128x1xf32>, vector<1000x1xf32> -> vector<1000x1xf32>
    %swap3A_32 = arith.constant 0 : index
    %swap3A_33 = arith.constant 0 : index
    %swap3A_34 = vector.load %arg9[%swap3A_32, %swap3A_33] : memref<1000x1xf32, #tpu.memory_space<vmem>>, vector<1000x1xf32>
    tpu.vector_store %arg9[%swap3A_32, %swap3A_33], %dot_general3A_31 {strides = array<i32>} : memref<1000x1xf32, #tpu.memory_space<vmem>>, vector<1000x1xf32>,
    return
  }
  func.func @transform_0(%arg0: i32) -> (i32, i32) {
    %c0_i32 = arith.constant 0 : i32
    %c0_i32_0 = arith.constant 0 : i32
    return %arg0, %c0_i32 : i32, i32
  }
  func.func @transform_1(%arg0: i32) -> (i32, i32) {
    %c0_i32 = arith.constant 0 : i32
    %c0_i32_0 = arith.constant 0 : i32
    return %arg0, %c0_i32 : i32, i32
  }
  func.func @transform_2(%arg0: i32) -> (i32, i32) {
    %c0_i32 = arith.constant 0 : i32
    %c0_i32_0 = arith.constant 0 : i32
    %c0_i32_1 = arith.constant 0 : i32
    return %c0_i32, %c0_i32_0 : i32, i32
  }
  func.func @transform_3(%arg0: i32) -> (i32, i32) {
    %c0_i32 = arith.constant 0 : i32
    %c0_i32_0 = arith.constant 0 : i32
    %c0_i32_1 = arith.constant 0 : i32
    return %c0_i32, %c0_i32_0 : i32, i32
  }
  func.func @transform_4(%arg0: i32) -> (i32, i32) {
    %c0_i32 = arith.constant 0 : i32
    %c0_i32_0 = arith.constant 0 : i32
    %c0_i32_1 = arith.constant 0 : i32
    return %c0_i32, %c0_i32_0 : i32, i32
  }
  func.func @transform_5(%arg0: i32) -> (i32, i32) {
    %c0_i32 = arith.constant 0 : i32
    %c0_i32_0 = arith.constant 0 : i32
    %c0_i32_1 = arith.constant 0 : i32
    return %c0_i32, %c0_i32_0 : i32, i32
  }
  func.func @transform_6(%arg0: i32) -> (i32, i32) {
    %c0_i32 = arith.constant 0 : i32
    %c0_i32_0 = arith.constant 0 : i32
    return %arg0, %c0_i32 : i32, i32
  }
  func.func @transform_7(%arg0: i32) -> (i32, i32) {
    %c0_i32 = arith.constant 0 : i32
    %c0_i32_0 = arith.constant 0 : i32
    return %arg0, %c0_i32 : i32, i32
  }
  func.func @transform_8(%arg0: i32) -> (i32, i32) {
    %c0_i32 = arith.constant 0 : i32
    %c0_i32_0 = arith.constant 0 : i32
    return %arg0, %c0_i32 : i32, i32
  }
}

module attributes {stable_mosaic.version = 14 : i64} {
  func.func @_prepn_body(%arg0: i32, %arg1: memref<1000x128xf32, #tpu.memory_space<vmem>>, %arg2: memref<1000x16xf32, #tpu.memory_space<vmem>>, %arg3: memref<1000x1xi32, #tpu.memory_space<vmem>>, %arg4: memref<128x128xf32, #tpu.memory_space<vmem>>, %arg5: memref<128x128xf32, #tpu.memory_space<vmem>>, %arg6: memref<128x1xf32, #tpu.memory_space<vmem>>, %arg7: memref<128x1xf32, #tpu.memory_space<vmem>>, %arg8: memref<1000x128xf32, #tpu.memory_space<vmem>>, %arg9: memref<1000x1xf32, #tpu.memory_space<vmem>>, %arg10: memref<1000x1xf32, #tpu.memory_space<vmem>>) attributes {dimension_semantics = [#tpu.dimension_semantics<arbitrary>], iteration_bounds = array<i64: 10>, scalar_prefetch = 0 : i64, scratch_operands = 0 : i64, tpu.core_type = #tpu.core_type<tc>, window_params = [{transform_indices = @transform_0, window_bounds = array<i64: 1000, 128>}, {transform_indices = @transform_1, window_bounds = array<i64: 1000, 16>}, {transform_indices = @transform_2, window_bounds = array<i64: 1000, 1>}, {pipeline_mode = #tpu.pipeline_mode<synchronous>, transform_indices = @transform_3, window_bounds = array<i64: 128, 128>}, {pipeline_mode = #tpu.pipeline_mode<synchronous>, transform_indices = @transform_4, window_bounds = array<i64: 128, 128>}, {pipeline_mode = #tpu.pipeline_mode<synchronous>, transform_indices = @transform_5, window_bounds = array<i64: 128, 1>}, {pipeline_mode = #tpu.pipeline_mode<synchronous>, transform_indices = @transform_6, window_bounds = array<i64: 128, 1>}, {transform_indices = @transform_7, window_bounds = array<i64: 1000, 128>}, {transform_indices = @transform_8, window_bounds = array<i64: 1000, 1>}, {transform_indices = @transform_9, window_bounds = array<i64: 1000, 1>}]} {
    %get3A = arith.constant 0 : index
    %get3A_0 = arith.constant 0 : index
    %get3A_1 = vector.load %arg2[%get3A, %get3A_0] : memref<1000x16xf32, #tpu.memory_space<vmem>>, vector<1000x16xf32>
    %reduce_sum3A = arith.constant dense<0.000000e+00> : vector<1000xf32>
    %reduce_sum3A_2 = vector.multi_reduction <add>, %get3A_1, %reduce_sum3A [1] : vector<1000x16xf32> to vector<1000xf32>
    %broadcast_in_dim3A = vector.shape_cast %reduce_sum3A_2 : vector<1000xf32> to vector<1000x1xf32>
    %add3A = arith.constant 9.99999971E-10 : f32
    %add3A_3 = vector.broadcast %add3A : f32 to vector<1000x1xf32>
    %add3A_4 = arith.addf %broadcast_in_dim3A, %add3A_3 : vector<1000x1xf32>
    %get3A_5 = arith.constant 0 : index
    %get3A_6 = arith.constant 0 : index
    %get3A_7 = vector.load %arg1[%get3A_5, %get3A_6] : memref<1000x128xf32, #tpu.memory_space<vmem>>, vector<1000x128xf32>
    %div3A = vector.broadcast %add3A_4 : vector<1000x1xf32> to vector<1000x128xf32>
    %div3A_8 = arith.divf %get3A_7, %div3A : vector<1000x128xf32>
    %max3A = arith.constant 0.000000e+00 : f32
    %max3A_9 = vector.broadcast %max3A : f32 to vector<1000x128xf32>
    %max3A_10 = arith.maximumf %div3A_8, %max3A_9 : vector<1000x128xf32>
    %get3A_11 = arith.constant 0 : index
    %get3A_12 = arith.constant 0 : index
    %get3A_13 = vector.load %arg4[%get3A_11, %get3A_12] : memref<128x128xf32, #tpu.memory_space<vmem>>, vector<128x128xf32>
    %dot_general3A = arith.constant dense<0.000000e+00> : vector<1000x128xf32>
    %dot_general3A_14 = tpu.matmul %max3A_10, %get3A_13, %dot_general3A {dimension_numbers = #tpu.dot_dimension_numbers<[1], [0], [0], [1], [0, 0, 1, 1], [], []>, transpose_lhs_hint = false} : vector<1000x128xf32>, vector<128x128xf32>, vector<1000x128xf32> -> vector<1000x128xf32>
    %get3A_15 = arith.constant 0 : index
    %get3A_16 = arith.constant 0 : index
    %get3A_17 = vector.load %arg5[%get3A_15, %get3A_16] : memref<128x128xf32, #tpu.memory_space<vmem>>, vector<128x128xf32>
    %dot_general3A_18 = arith.constant dense<0.000000e+00> : vector<1000x128xf32>
    %dot_general3A_19 = tpu.matmul %max3A_10, %get3A_17, %dot_general3A_18 {dimension_numbers = #tpu.dot_dimension_numbers<[1], [0], [0], [1], [0, 0, 1, 1], [], []>, transpose_lhs_hint = false} : vector<1000x128xf32>, vector<128x128xf32>, vector<1000x128xf32> -> vector<1000x128xf32>
    %get3A_20 = arith.constant 0 : index
    %get3A_21 = arith.constant 0 : index
    %get3A_22 = vector.load %arg3[%get3A_20, %get3A_21] : memref<1000x1xi32, #tpu.memory_space<vmem>>, vector<1000x1xi32>
    %gt3A = arith.constant 0 : i32
    %gt3A_23 = vector.broadcast %gt3A : i32 to vector<1000x1xi32>
    %gt3A_24 = arith.cmpi sgt, %get3A_22, %gt3A_23 : vector<1000x1xi32>
    %broadcast_in_dim3A_25 = vector.shape_cast %gt3A_24 : vector<1000x1xi1> to vector<1000x1xi1>
    %broadcast_in_dim3A_26 = vector.broadcast %broadcast_in_dim3A_25 : vector<1000x1xi1> to vector<1000x128xi1>
    %select_n3A = arith.select %broadcast_in_dim3A_26, %dot_general3A_19, %dot_general3A_14 : vector<1000x128xi1>, vector<1000x128xf32>
    %swap3A = arith.constant 0 : index
    %swap3A_27 = arith.constant 0 : index
    %swap3A_28 = vector.load %arg8[%swap3A, %swap3A_27] : memref<1000x128xf32, #tpu.memory_space<vmem>>, vector<1000x128xf32>
    tpu.vector_store %arg8[%swap3A, %swap3A_27], %select_n3A {strides = array<i32>} : memref<1000x128xf32, #tpu.memory_space<vmem>>, vector<1000x128xf32>,
    %get3A_29 = arith.constant 0 : index
    %get3A_30 = arith.constant 0 : index
    %get3A_31 = vector.load %arg6[%get3A_29, %get3A_30] : memref<128x1xf32, #tpu.memory_space<vmem>>, vector<128x1xf32>
    %dot_general3A_32 = arith.constant dense<0.000000e+00> : vector<1000x1xf32>
    %dot_general3A_33 = tpu.matmul %select_n3A, %get3A_31, %dot_general3A_32 {dimension_numbers = #tpu.dot_dimension_numbers<[1], [0], [0], [1], [0, 0, 1, 1], [], []>, transpose_lhs_hint = false} : vector<1000x128xf32>, vector<128x1xf32>, vector<1000x1xf32> -> vector<1000x1xf32>
    %swap3A_34 = arith.constant 0 : index
    %swap3A_35 = arith.constant 0 : index
    %swap3A_36 = vector.load %arg9[%swap3A_34, %swap3A_35] : memref<1000x1xf32, #tpu.memory_space<vmem>>, vector<1000x1xf32>
    tpu.vector_store %arg9[%swap3A_34, %swap3A_35], %dot_general3A_33 {strides = array<i32>} : memref<1000x1xf32, #tpu.memory_space<vmem>>, vector<1000x1xf32>,
    %get3A_37 = arith.constant 0 : index
    %get3A_38 = arith.constant 0 : index
    %get3A_39 = vector.load %arg7[%get3A_37, %get3A_38] : memref<128x1xf32, #tpu.memory_space<vmem>>, vector<128x1xf32>
    %dot_general3A_40 = arith.constant dense<0.000000e+00> : vector<1000x1xf32>
    %dot_general3A_41 = tpu.matmul %select_n3A, %get3A_39, %dot_general3A_40 {dimension_numbers = #tpu.dot_dimension_numbers<[1], [0], [0], [1], [0, 0, 1, 1], [], []>, transpose_lhs_hint = false} : vector<1000x128xf32>, vector<128x1xf32>, vector<1000x1xf32> -> vector<1000x1xf32>
    %swap3A_42 = arith.constant 0 : index
    %swap3A_43 = arith.constant 0 : index
    %swap3A_44 = vector.load %arg10[%swap3A_42, %swap3A_43] : memref<1000x1xf32, #tpu.memory_space<vmem>>, vector<1000x1xf32>
    tpu.vector_store %arg10[%swap3A_42, %swap3A_43], %dot_general3A_41 {strides = array<i32>} : memref<1000x1xf32, #tpu.memory_space<vmem>>, vector<1000x1xf32>,
    return
  }
  func.func @transform_0(%arg0: i32) -> (i32, i32) {
    %c0_i32 = arith.constant 0 : i32
    %c0_i32_0 = arith.constant 0 : i32
    return %arg0, %c0_i32 : i32, i32
  }
  func.func @transform_1(%arg0: i32) -> (i32, i32) {
    %c0_i32 = arith.constant 0 : i32
    %c0_i32_0 = arith.constant 0 : i32
    return %arg0, %c0_i32 : i32, i32
  }
  func.func @transform_2(%arg0: i32) -> (i32, i32) {
    %c0_i32 = arith.constant 0 : i32
    %c0_i32_0 = arith.constant 0 : i32
    return %arg0, %c0_i32 : i32, i32
  }
  func.func @transform_3(%arg0: i32) -> (i32, i32) {
    %c0_i32 = arith.constant 0 : i32
    %c0_i32_0 = arith.constant 0 : i32
    %c0_i32_1 = arith.constant 0 : i32
    return %c0_i32, %c0_i32_0 : i32, i32
  }
  func.func @transform_4(%arg0: i32) -> (i32, i32) {
    %c0_i32 = arith.constant 0 : i32
    %c0_i32_0 = arith.constant 0 : i32
    %c0_i32_1 = arith.constant 0 : i32
    return %c0_i32, %c0_i32_0 : i32, i32
  }
  func.func @transform_5(%arg0: i32) -> (i32, i32) {
    %c0_i32 = arith.constant 0 : i32
    %c0_i32_0 = arith.constant 0 : i32
    %c0_i32_1 = arith.constant 0 : i32
    return %c0_i32, %c0_i32_0 : i32, i32
  }
  func.func @transform_6(%arg0: i32) -> (i32, i32) {
    %c0_i32 = arith.constant 0 : i32
    %c0_i32_0 = arith.constant 0 : i32
    %c0_i32_1 = arith.constant 0 : i32
    return %c0_i32, %c0_i32_0 : i32, i32
  }
  func.func @transform_7(%arg0: i32) -> (i32, i32) {
    %c0_i32 = arith.constant 0 : i32
    %c0_i32_0 = arith.constant 0 : i32
    return %arg0, %c0_i32 : i32, i32
  }
  func.func @transform_8(%arg0: i32) -> (i32, i32) {
    %c0_i32 = arith.constant 0 : i32
    %c0_i32_0 = arith.constant 0 : i32
    return %arg0, %c0_i32 : i32, i32
  }
  func.func @transform_9(%arg0: i32) -> (i32, i32) {
    %c0_i32 = arith.constant 0 : i32
    %c0_i32_0 = arith.constant 0 : i32
    return %arg0, %c0_i32 : i32, i32
  }
}

module attributes {stable_mosaic.version = 14 : i64} {
  func.func @_head_body(%arg0: i32, %arg1: memref<1000x128xf32, #tpu.memory_space<vmem>>, %arg2: memref<1000x16xf32, #tpu.memory_space<vmem>>, %arg3: memref<128x256xf32, #tpu.memory_space<vmem>>, %arg4: memref<1x256xf32, #tpu.memory_space<vmem>>, %arg5: memref<256x128xf32, #tpu.memory_space<vmem>>, %arg6: memref<1x128xf32, #tpu.memory_space<vmem>>, %arg7: memref<1000x128xf32, #tpu.memory_space<vmem>>) attributes {dimension_semantics = [#tpu.dimension_semantics<arbitrary>], iteration_bounds = array<i64: 10>, scalar_prefetch = 0 : i64, scratch_operands = 0 : i64, tpu.core_type = #tpu.core_type<tc>, window_params = [{transform_indices = @transform_0, window_bounds = array<i64: 1000, 128>}, {transform_indices = @transform_1, window_bounds = array<i64: 1000, 16>}, {pipeline_mode = #tpu.pipeline_mode<synchronous>, transform_indices = @transform_2, window_bounds = array<i64: 128, 256>}, {pipeline_mode = #tpu.pipeline_mode<synchronous>, transform_indices = @transform_3, window_bounds = array<i64: 1, 256>}, {pipeline_mode = #tpu.pipeline_mode<synchronous>, transform_indices = @transform_4, window_bounds = array<i64: 256, 128>}, {pipeline_mode = #tpu.pipeline_mode<synchronous>, transform_indices = @transform_5, window_bounds = array<i64: 1, 128>}, {transform_indices = @transform_6, window_bounds = array<i64: 1000, 128>}]} {
    %get3A = arith.constant 0 : index
    %get3A_0 = arith.constant 0 : index
    %get3A_1 = vector.load %arg2[%get3A, %get3A_0] : memref<1000x16xf32, #tpu.memory_space<vmem>>, vector<1000x16xf32>
    %reduce_sum3A = arith.constant dense<0.000000e+00> : vector<1000xf32>
    %reduce_sum3A_2 = vector.multi_reduction <add>, %get3A_1, %reduce_sum3A [1] : vector<1000x16xf32> to vector<1000xf32>
    %broadcast_in_dim3A = vector.shape_cast %reduce_sum3A_2 : vector<1000xf32> to vector<1000x1xf32>
    %add3A = arith.constant 9.99999971E-10 : f32
    %add3A_3 = vector.broadcast %add3A : f32 to vector<1000x1xf32>
    %add3A_4 = arith.addf %broadcast_in_dim3A, %add3A_3 : vector<1000x1xf32>
    %get3A_5 = arith.constant 0 : index
    %get3A_6 = arith.constant 0 : index
    %get3A_7 = vector.load %arg1[%get3A_5, %get3A_6] : memref<1000x128xf32, #tpu.memory_space<vmem>>, vector<1000x128xf32>
    %div3A = vector.broadcast %add3A_4 : vector<1000x1xf32> to vector<1000x128xf32>
    %div3A_8 = arith.divf %get3A_7, %div3A : vector<1000x128xf32>
    %max3A = arith.constant 0.000000e+00 : f32
    %max3A_9 = vector.broadcast %max3A : f32 to vector<1000x128xf32>
    %max3A_10 = arith.maximumf %div3A_8, %max3A_9 : vector<1000x128xf32>
    %get3A_11 = arith.constant 0 : index
    %get3A_12 = arith.constant 0 : index
    %get3A_13 = vector.load %arg3[%get3A_11, %get3A_12] : memref<128x256xf32, #tpu.memory_space<vmem>>, vector<128x256xf32>
    %dot_general3A = arith.constant dense<0.000000e+00> : vector<1000x256xf32>
    %dot_general3A_14 = tpu.matmul %max3A_10, %get3A_13, %dot_general3A {dimension_numbers = #tpu.dot_dimension_numbers<[1], [0], [0], [1], [0, 0, 1, 1], [], []>, transpose_lhs_hint = false} : vector<1000x128xf32>, vector<128x256xf32>, vector<1000x256xf32> -> vector<1000x256xf32>
    %get3A_15 = arith.constant 0 : index
    %get3A_16 = arith.constant 0 : index
    %get3A_17 = vector.load %arg4[%get3A_15, %get3A_16] : memref<1x256xf32, #tpu.memory_space<vmem>>, vector<1x256xf32>
    %add3A_18 = vector.broadcast %get3A_17 : vector<1x256xf32> to vector<1000x256xf32>
    %add3A_19 = arith.addf %dot_general3A_14, %add3A_18 : vector<1000x256xf32>
    %max3A_20 = arith.constant 0.000000e+00 : f32
    %max3A_21 = vector.broadcast %max3A_20 : f32 to vector<1000x256xf32>
    %max3A_22 = arith.maximumf %add3A_19, %max3A_21 : vector<1000x256xf32>
    %get3A_23 = arith.constant 0 : index
    %get3A_24 = arith.constant 0 : index
    %get3A_25 = vector.load %arg5[%get3A_23, %get3A_24] : memref<256x128xf32, #tpu.memory_space<vmem>>, vector<256x128xf32>
    %dot_general3A_26 = arith.constant dense<0.000000e+00> : vector<1000x128xf32>
    %dot_general3A_27 = tpu.matmul %max3A_22, %get3A_25, %dot_general3A_26 {dimension_numbers = #tpu.dot_dimension_numbers<[1], [0], [0], [1], [0, 0, 1, 1], [], []>, transpose_lhs_hint = false} : vector<1000x256xf32>, vector<256x128xf32>, vector<1000x128xf32> -> vector<1000x128xf32>
    %get3A_28 = arith.constant 0 : index
    %get3A_29 = arith.constant 0 : index
    %get3A_30 = vector.load %arg6[%get3A_28, %get3A_29] : memref<1x128xf32, #tpu.memory_space<vmem>>, vector<1x128xf32>
    %add3A_31 = vector.broadcast %get3A_30 : vector<1x128xf32> to vector<1000x128xf32>
    %add3A_32 = arith.addf %dot_general3A_27, %add3A_31 : vector<1000x128xf32>
    %swap3A = arith.constant 0 : index
    %swap3A_33 = arith.constant 0 : index
    %swap3A_34 = vector.load %arg7[%swap3A, %swap3A_33] : memref<1000x128xf32, #tpu.memory_space<vmem>>, vector<1000x128xf32>
    tpu.vector_store %arg7[%swap3A, %swap3A_33], %add3A_32 {strides = array<i32>} : memref<1000x128xf32, #tpu.memory_space<vmem>>, vector<1000x128xf32>,
    return
  }
  func.func @transform_0(%arg0: i32) -> (i32, i32) {
    %c0_i32 = arith.constant 0 : i32
    %c0_i32_0 = arith.constant 0 : i32
    return %arg0, %c0_i32 : i32, i32
  }
  func.func @transform_1(%arg0: i32) -> (i32, i32) {
    %c0_i32 = arith.constant 0 : i32
    %c0_i32_0 = arith.constant 0 : i32
    return %arg0, %c0_i32 : i32, i32
  }
  func.func @transform_2(%arg0: i32) -> (i32, i32) {
    %c0_i32 = arith.constant 0 : i32
    %c0_i32_0 = arith.constant 0 : i32
    %c0_i32_1 = arith.constant 0 : i32
    return %c0_i32, %c0_i32_0 : i32, i32
  }
  func.func @transform_3(%arg0: i32) -> (i32, i32) {
    %c0_i32 = arith.constant 0 : i32
    %c0_i32_0 = arith.constant 0 : i32
    %c0_i32_1 = arith.constant 0 : i32
    return %c0_i32, %c0_i32_0 : i32, i32
  }
  func.func @transform_4(%arg0: i32) -> (i32, i32) {
    %c0_i32 = arith.constant 0 : i32
    %c0_i32_0 = arith.constant 0 : i32
    %c0_i32_1 = arith.constant 0 : i32
    return %c0_i32, %c0_i32_0 : i32, i32
  }
  func.func @transform_5(%arg0: i32) -> (i32, i32) {
    %c0_i32 = arith.constant 0 : i32
    %c0_i32_0 = arith.constant 0 : i32
    %c0_i32_1 = arith.constant 0 : i32
    return %c0_i32, %c0_i32_0 : i32, i32
  }
  func.func @transform_6(%arg0: i32) -> (i32, i32) {
    %c0_i32 = arith.constant 0 : i32
    %c0_i32_0 = arith.constant 0 : i32
    return %arg0, %c0_i32 : i32, i32
  }
}

</mosaic_0001>

<sc_bundles>
// kernel: closed_call.21.cloned.1.call-start
scs
__scs_entry_jumppad:
0x0: {  	(pc) =	sbr.rel $0x88, $3  }
0x1: {  	(tag) =	ssettag $0x0;
	lr =	simm.s32 $0x1  }
0x2: {  	[smem:$0x3F8E] =	sst lr;
	_ =	strace $0xD0000000  }
0x3: {  	_ = 	snop  }
0x4: {  	_ = 	snop  }
0x5: {  	_ = 	snop  }
0x6: {  	_ = 	snop  }
0x7: {  	_ = 	snop  }
__scs_overlays_trampoline_lowered:
0x8: {  	[smem:$0x3F9D] =	sst s0  }
0x9: {  	[smem:$0x3F9E] =	sst s1  }
0xa: {  	[smem:$0x3F9F] =	sst s2  }
0xb: {  	[smem:$0x3FA0] =	sst s3  }
0xc: {  	[smem:$0x3FA1] =	sst s4  }
0xd: {  	[smem:$0x3FA2] =	sst s5  }
0xe: {  	[smem:$0x3FA3] =	sst s6  }
0xf: {  	[smem:$0x3FA4] =	sst s7  }
0x10: {  	[smem:$0x3FA5] =	sst s8  }
0x11: {  	[smem:$0x3FA6] =	sst s9;
	s0 =	simm.s32 @!p0 $0x0  }
0x12: {  	s1 =	sld [smem:$0x3F8C];
	s0 =	simm.s32 @p0 $0x1  }
0x13: {  	[smem:$0x3FA7] =	sst s0;
	s0 =	simm.s32 @!p1 $0x0  }
0x14: {  	s2 =	sld [smem:$0x3F8B];
	s0 =	simm.s32 @p1 $0x1  }
0x15: {  	[smem:$0x3FA8] =	sst s0;
	s0 =	simm.s32 @!p2 $0x0  }
0x16: {  	s3 =	sld [smem:$0x3FDB];
	s0 =	simm.s32 @p2 $0x1  }
0x17: {  	s4 =	simm.s32 $0x1BF5;
	[smem:$0x3FAA] =	sst s0  }
0x18: {  	s0 =	sld [smem:$0x3F8D];
	_ =	swait.ge [sflag:s4], $0x0  }
0x19: {  	s7 =	sld [smem:$0x3F8E]  }
0x1a: {  	s8 =	sadd.s32 $0xFFFFE003, lr  }
0x1b: {  	s9 =	sadd.s32 $0xFFFFFEF7, lr;
	s5 =	simm.s32 $0xFFFFFFFF;
	p2 =	slt.u32 s8, $0xFFFFF086  }
0x1c: {  	p1 =	slt.u32 s9, $0xF7A;
	s5 =	simm.s32 @!p2 $0x0  }
0x1d: {  	s5 =	simm.s32 @p1 $0x1;
	p0 =	seq.s32 s7, s2  }
0x1e: {  	s7 =	smul.u32 @!p0 $0xF7A, s2;
	p2 =	seq.s32 @!p0 s5, $0x0  }
0x1f: {  	s9 =	smul.u32 $0xF7A, s1;
	s8 =	simm.s32 @!p0 $0x1BF5;
	p2 =	por !p2, p0  }
0x20: {  	[sflag:s8] =	ssyncset.s32 @!p0 $0xFFFFF086;
	s6 =	sadd.s32 @!p0 s3, s7;
	s7 =	simm.s32 @!p0 $0x108  }
0x21: {  	s3 =	sadd.s32 s3, s9;
	s6 =	sadd.s32 @!p0 $0x88, s6;
	s7 =	simm.s32 @p2 $0x1082  }
0x22: {  	[simem:s7], [sflag:s8] =	dma.local @!p0 [hbm:s6], $0xF7A  }
0x23: {  	s9 =	sor.u32 $0xD0000000, s2;
	s6 =	simm.s32 $0x108;
	_ =	swait.ge @!p0 [sflag:s8], $0x0  }
0x24: {  	s3 =	sadd.s32 $0x88, s3;
	s6 =	simm.s32 @!p1 $0x1082;
	[sflag:s4] =	ssyncset.s32 $0xFFFFF086  }
0x25: {  	[simem:s6], [sflag:s4] =	dma.local [hbm:s3], $0xF7A  }
0x26: {  	[smem:$0x3F8E] =	sst s1;
	(tag) =	ssettag s2;
	_ =	strace s9  }
0x27: {  	s1 =	sld [smem:$0x3F9E]  }
0x28: {  	s2 =	sld [smem:$0x3F9F]  }
0x29: {  	s4 =	sld [smem:$0x3FA1]  }
0x2a: {  	p0 =	seq.s32 s5, $0x0;
	s5 =	sld [smem:$0x3FA2]  }
0x2b: {  	s6 =	sld [smem:$0x3FA3]  }
0x2c: {  	s7 =	sld [smem:$0x3FA4]  }
0x2d: {  	s3 =	simm.s32 $0x108;
	s8 =	sld [smem:$0x3FA5]  }
0x2e: {  	s3 =	simm.s32 @!p0 $0x1082;
	s9 =	sld [smem:$0x3FA6]  }
0x2f: {  	lr =	sadd.s32 s0, s3;
	s0 =	sld [smem:$0x3F9D]  }
0x30: {  	s3 =	sld [smem:$0x3FA0]  }
0x31: {  	[smem:$0x3FA9] =	sst s10  }
0x32: {  	s10 =	sld [smem:$0x3FA7];
	_ =	sdelay $0x3  }
0x33: {  	p0 =	seq.s32 s10, $0x1;
	s10 =	sld [smem:$0x3FA9];
	_ =	sdelay $0x3  }
0x34: {  	[smem:$0x3FA9] =	sst s10  }
0x35: {  	s10 =	sld [smem:$0x3FA8];
	_ =	sdelay $0x3  }
0x36: {  	p1 =	seq.s32 s10, $0x1;
	s10 =	sld [smem:$0x3FA9];
	_ =	sdelay $0x3  }
0x37: {  	[smem:$0x3FA9] =	sst s10  }
0x38: {  	s10 =	sld [smem:$0x3FAA]  }
0x39: {  	_ = 	snop;
	(pc) =	sbr.ind lr, $3  }
0x3a: {  	_ = 	snop  }
0x3b: {  	_ = 	snop  }
0x3c: {  	p2 =	seq.s32 s10, $0x1;
	s10 =	sld [smem:$0x3FA9]  }
0x3d: {  	_ =	shalt  }
0x3e: {  	_ =	shalt  }
0x3f: {  	_ =	shalt  }
0x40: {  	_ =	shalt  }
0x41: {  	_ =	shalt  }
0x42: {  	_ =	shalt  }
0x43: {  	_ =	shalt  }
0x44: {  	_ =	shalt  }
0x45: {  	_ =	shalt  }
0x46: {  	_ =	shalt  }
0x47: {  	_ =	shalt  }
0x48: {  	_ =	shalt  }
0x49: {  	_ =	shalt  }
0x4a: {  	_ =	shalt  }
0x4b: {  	_ =	shalt  }
0x4c: {  	_ =	shalt  }
0x4d: {  	_ =	shalt  }
0x4e: {  	_ =	shalt  }
0x4f: {  	_ =	shalt  }
0x50: {  	_ =	shalt  }
0x51: {  	_ =	shalt  }
0x52: {  	_ =	shalt  }
0x53: {  	_ =	shalt  }
0x54: {  	_ =	shalt  }
0x55: {  	_ =	shalt  }
0x56: {  	_ =	shalt  }
0x57: {  	_ =	shalt  }
0x58: {  	_ =	shalt  }
0x59: {  	_ =	shalt  }
0x5a: {  	_ =	shalt  }
0x5b: {  	_ =	shalt  }
0x5c: {  	_ =	shalt  }
0x5d: {  	_ =	shalt  }
0x5e: {  	_ =	shalt  }
0x5f: {  	_ =	shalt  }
0x60: {  	_ =	shalt  }
0x61: {  	_ =	shalt  }
0x62: {  	_ =	shalt  }
0x63: {  	_ =	shalt  }
0x64: {  	_ =	shalt  }
0x65: {  	_ =	shalt  }
0x66: {  	_ =	shalt  }
0x67: {  	_ =	shalt  }
0x68: {  	_ =	shalt  }
0x69: {  	_ =	shalt  }
0x6a: {  	_ =	shalt  }
0x6b: {  	_ =	shalt  }
0x6c: {  	_ =	shalt  }
0x6d: {  	_ =	shalt  }
0x6e: {  	_ =	shalt  }
0x6f: {  	_ =	shalt  }
0x70: {  	_ =	shalt  }
0x71: {  	_ =	shalt  }
0x72: {  	_ =	shalt  }
0x73: {  	_ =	shalt  }
0x74: {  	_ =	shalt  }
0x75: {  	_ =	shalt  }
0x76: {  	_ =	shalt  }
0x77: {  	_ =	shalt  }
0x78: {  	_ =	shalt  }
0x79: {  	_ =	shalt  }
0x7a: {  	_ =	shalt  }
0x7b: {  	_ =	shalt  }
0x7c: {  	_ =	shalt  }
0x7d: {  	_ =	shalt  }
0x7e: {  	_ =	shalt  }
0x7f: {  	_ =	shalt  }
0x80: {  	_ =	shalt  }
0x81: {  	_ =	shalt  }
0x82: {  	_ =	shalt  }
0x83: {  	_ =	shalt  }
0x84: {  	_ =	shalt  }
0x85: {  	_ =	shalt  }
0x86: {  	_ =	shalt  }
0x87: {  	_ =	shalt  }
.Lfunc_end0:
.L_simem_size_0:
called_computation_lowered:
.L_overlay_start_0:
0x88: {  	s0 =	sld [smem:$0x3FD9]  }
0x89: {  	s1 =	sld [smem:$0x3FFE];
	_ =	sdelay $0x3  }
0x8a: {  	s0 =	sadd.s32 s1, s0  }
0x8b: {  	[smem:$0x3FB5] =	sst s0  }
0x8c: {  	_ = 	snop  }
0x8d: {  	s0 =	sld [smem:$0x3FD0];
	(tm) =	ssettm $0x1  }
0x8e: {  	s16 =	sld [smem:$0x3FFB];
	_ =	sdelay $0x3  }
0x8f: {  	_ =	strace s16  }
0x90: {  	s1 =	sld [smem:$0x3FFC];
	_ =	sdelay $0x3  }
0x91: {  	_ =	strace s1  }
0x92: {  	s1 =	sld [smem:$0x3FFD];
	_ =	sdelay $0x3  }
0x93: {  	_ =	strace s1  }
0x94: {  	_ =	strace $0x8FFFFFFF  }
0x95: {  	s17 =	sld [smem:$0x3FDB];
	_ =	sdelay $0x1  }
0x96: {  	s2 =	simm.s32 $_scs_section_size  }
0x97: {  	s3 =	simm.s32 $_size__tile_overlayer_lowered;
	s4 =	simm.s32 $_tile_overlayer_lowered  }
0x98: {  	s20 =	simm.s32 $0x1BFF;
	s19 =	sshll.u32 s4, $0x1;
	s1 =	sadd.s32 s2, s17  }
0x99: {  	s5 =	simm.s32 $0x0;
	s18 =	sshll.u32 s3, $0x1;
	s3 =	sadd.s32 s19, s1  }
0x9a: {  	[timem:s5], [sflag:s20] =	dma.local [hbm:s3], s18  }
0x9b: {  	_ =	swait.ge [sflag:s20], s18  }
0x9c: {  	s2 =	ssub.s32 $0x0, s18;
	[sflag:s20] =	ssyncset.done $0x0  }
0x9d: {  	[sflag:s20] =	ssyncadd.s32 s2;
	_ =	sdelay $0x1  }
0x9e: {  	s21 =	simm.s32 $0x1B8B  }
0x9f: {  	_ =	swait.ge [sflag:s21], $0x1  }
0xa0: {  	[sflag:s21] =	ssyncset.done $0x0  }
0xa1: {  	s23 =	simm.s32 $0x1B8E;
	s22 =	sld [smem:$0x3FFE];
	[sflag:s21] =	ssyncadd.s32 $0xFFFFFFFF  }
0xa2: {  	s24 =	simm.s32 $execute0_lowered;
	[smem:$0x3FD2] =	sst s23  }
0xa3: {  	s3 =	sshll.u32 s24, $0x1;
	_ =	strace $0x80000046;
	[dreg:$0x1] =	wrdreg $0xFFFFFFFF  }
0xa4: {  	s25 =	simm.s32 $_size_execute0_lowered;
	s1 =	sadd.s32 s1, s3;
	[dreg:$0x0] =	wrdreg $0x0  }
0xa5: {  	s3 =	sshll.u32 s25, $0x1;
	[dreg:$0x2] =	wrdreg s1  }
0xa6: {  	[dreg:$0x3] =	wrdreg s3  }
0xa7: {  	[dreg:$0x4] =	wrdreg $0xC0  }
0xa8: {  	_ =	task [dreg:s5], $0x5FFFF  }
0xa9: {  	[dreg:$0x1] =	wrdreg $0xFFFFFFFF  }
0xaa: {  	[dreg:$0x0] =	wrdreg $0x60  }
0xab: {  	[dreg:$0x2] =	wrdreg s0  }
0xac: {  	[dreg:$0x3] =	wrdreg s22  }
0xad: {  	[dreg:$0x4] =	wrdreg $0x9  }
0xae: {  	_ =	task.clear_ibuf [dreg:s5], $0x5FFFF;
	_ =	strace $0x90000046  }
0xaf: {  	s26 =	simm.s32 $0x9;
	_ =	strace $0x80000048  }
0xb0: {  	_ =	swait.ge [sflag:s26], $0x1  }
0xb1: {  	[sflag:s26] =	ssyncadd.s32 $0xFFFFFFFF  }
0xb2: {  	_ =	strace $0x90000048  }
0xb3: {  	_ =	sfence  }
0xb4: {  	s28 =	sld [smem:$0x0];
	_ =	sdelay $0x1  }
0xb5: {  	s29 =	srdreg.scid  }
0xb6: {  	s30 =	sshll.u32 s29, $0xD;
	s31 =	sshrl.u32 s29, $0x2  }
0xb7: {  	s2 =	sand.u32 $0x4000, s30;
	s1 =	sand.u32 $0x1, s29;
	s0 =	sadd.s32 s31, s28  }
0xb8: {  	s1 =	sor.u32 s2, s1;
	s0 =	sshll.u32 s0, $0x11  }
0xb9: {  	s0 =	sor.u32 s0, s1  }
0xba: {  	s0 =	sadd.s32 $0x8F2B, s0  }
0xbb: {  	[sflag:s0] =	ssyncadd.remote.s32 $0x1  }
0xbc: {  	_ =	sfence.sel $0xFFFF  }
0xbd: {  	[dreg:$0x0] =	wrdreg $0xFFFFFFFF;
	(pc) =	sbr.abs _section_cstart, $3  }
0xbe: {  	[dreg:$0x1] =	wrdreg $0xFFFFFFFF  }
0xbf: {  	_ =	task.clear_ibuf [dreg:s5], $0x2FFFF;
	_ =	strace $0x9FFFFFFF  }
0xc0: {  	(tm) =	ssettm $0x7FFFFFFF  }
0xc1: {  	_ =	shalt  }
tec
execute0_lowered:
.L_overlay_start_1:
0x0: {  	(tag) =	ssettag $0x1  }
0x1: {  	s3 =	rddreg [dreg:$0x0];
	s0 =	stileid.u32  }
0x2: {  	s5 =	rddreg [dreg:$0x1];
	s2 =	smul.u32 $0xB80, s0  }
0x3: {  	s1 =	rddreg [dreg:$0x2];
	s4 =	simm.s32 $0x0  }
0x4: {  	[smem:$0x7FF] =	sst s4;
	s6 =	sadd.s32 s2, s5  }
0x5: {  	s28 =	simm.s32 $0x1;
	_ =	strace $0x80000047;
	s7 =	sadd.s32 $0x6EC00, s6  }
0x6: {  	[tilespmem:s4], [sflag:$0x1] =	stream.linear.gather [hbm4b:s7+s4], $0x5A00, $0x38;
	[tilespmem:$0x12E80] =	vst v63  }
0x7: {  	_ =	swait.ge [sflag:s28], $0x5A00  }
0x8: {  	[sflag:s28] =	ssyncset.done $0x0  }
0x9: {  	s8 =	simm.s32 $0x5C00;
	s6 =	sadd.s32 $0x7A400, s6;
	[sflag:s28] =	ssyncadd.s32 $0xFFFFA600  }
0xa: {  	[tilespmem:s8], [sflag:$0x1] =	stream.linear.gather [hbm4b:s6+s4], $0x5A00, $0x38;
	[tilespmem:$0x12E80] =	vst v63  }
0xb: {  	_ =	swait.ge [sflag:s28], $0x5A00  }
0xc: {  	[sflag:s28] =	ssyncset.done $0x0  }
0xd: {  	s29 =	simm.s32 $0xB800;
	[sflag:s28] =	ssyncadd.s32 $0xFFFFA600  }
0xe: {  	[tilespmem:s29], [sflag:$0x1] =	stream.linear.gather [hbm4b:s3+s4], $0x2780, $0x38;
	[tilespmem:$0x12E80] =	vst v63  }
0xf: {  	_ =	swait.ge [sflag:s28], $0x2780  }
0x10: {  	[sflag:s28] =	ssyncset.done $0x0  }
0x11: {  	s31 =	simm.s32 $0xDF80;
	s30 =	sadd.s32 $0x85C00, s5;
	[sflag:s28] =	ssyncadd.s32 $0xFFFFD880  }
0x12: {  	[tilespmem:s31], [sflag:$0x1] =	stream.linear.gather [hbm4b:s30+s4], $0x2780, $0x38;
	[tilespmem:$0x12E80] =	vst v63  }
0x13: {  	_ =	swait.ge [sflag:s28], $0x2780  }
0x14: {  	s9 =	simm.s32 $0x0;
	s3 =	sadd.s32 $0x53400, s5;
	[sflag:s28] =	ssyncset.done $0x0  }
0x15: {  	v0 =	vimm.f32 $0.0e+00;
	s4 =	sadd.s32 $0x86200, s5;
	s5 =	simm.s32 $0x40;
	[sflag:s28] =	ssyncadd.s32 $0xFFFFD880  }
.LBB2_1:
0x16: {  	p0 =	sne.s32 s5, $0x9C00;
	[tilespmem:s9+$0x10700] =	vst v0;
	s6 =	smov.u32 s5;
	s5 =	sadd.s32 $0x40, s5  }
.Ltmp0:
0x17: {  	(pc) =	sbr.rel @p0 .LBB2_1-.Ltmp0, $2  }
0x18: {  	_ =	sdelay $0x2  }
0x19: {  	s9 =	sshra.s32 s6, $0x2  }
0x1a: {  	s5 =	smul.u32 $0x4EC0, s0  }
0x1b: {  	s6 =	simm.s32 $0x0;
	s7 =	simm.s32 $0x30;
	s8 =	simm.s32 $0x5C30  }
0x1c: {  	[tilespmem:s9+$0x10700] =	vst v0;
	s9 =	simm.s32 $0xB800;
	s10 =	simm.s32 $0xDF80;
	s11 =	simm.s32 $0x10700  }
.LBB2_3:
0x1d: {  	v0 =	vld [tilespmem:s7+$0xFFFFFFD0]  }
0x1e: {  	v1 =	vld [tilespmem:s8+$0xFFFFFFD0];
	_ =	sdelay $0x6  }
0x1f: {  	v0 =	vld.idx.msk [tilespmem:v0+s9+$0x0], $0xffff  }
0x20: {  	v2 =	vld.idx.msk [tilespmem:v1+s10+$0x0], $0xffff;
	_ =	sdelay $0x4  }
0x21: {  	v0 =	vadd.f32 v2, v0;
	_ =	sdelay $0x1  }
0x22: {  	v2 =	vmul.f32 $2.000000030e-01, v0  }
0x23: {  	vm0 =	vge.f32 v0, $0.0e+00  }
0x24: {  	v0 =	vsel vm0, v0, v2  }
0x25: {  	v0 =	vmul.f32 $1.442695020e+00, v0;
	_ =	sdelay $0x1  }
0x26: {  	(erf) = vpow2.f32 v0;
	_ =	sdelay $0x7  }
0x27: {  	s12 =	sadd.s32 s6, s5  }
0x28: {  	p0 =	slt.u32 s12, $0x4E200;
	v0 =	vpop (erf)  }
0x29: {  	v0 =	vpsel !p0, $0x0, v0  }
0x2a: {  	[tilespmem:v1+s11+$0x0] =	vst.idx.add.f32.msk $0xffff, v0  }
0x2b: {  	[tilespmem:s7+$0xFFFFFFD0] =	vst v0;
	v52 =	vld [tilespmem:s7+$0xFFFFFFE0]  }
0x2c: {  	v1 =	vld [tilespmem:s8+$0xFFFFFFE0];
	_ =	sdelay $0x6  }
0x2d: {  	v0 =	vld.idx.msk [tilespmem:v52+s9+$0x0], $0xffff  }
0x2e: {  	v53 =	vld.idx.msk [tilespmem:v1+s10+$0x0], $0xffff;
	_ =	sdelay $0x4  }
0x2f: {  	v0 =	vadd.f32 v53, v0;
	_ =	sdelay $0x1  }
0x30: {  	v2 =	vmul.f32 $2.000000030e-01, v0  }
0x31: {  	vm10 =	vge.f32 v0, $0.0e+00  }
0x32: {  	v0 =	vsel vm10, v0, v2  }
0x33: {  	v0 =	vmul.f32 $1.442695020e+00, v0;
	_ =	sdelay $0x1  }
0x34: {  	(erf) = vpow2.f32 v0;
	_ =	sdelay $0x7  }
0x35: {  	s13 =	sadd.s32 $0x10, s12  }
0x36: {  	p1 =	slt.u32 s13, $0x4E200;
	v0 =	vpop (erf)  }
0x37: {  	v0 =	vpsel !p1, $0x0, v0  }
0x38: {  	[tilespmem:v1+s11+$0x0] =	vst.idx.add.f32.msk $0xffff, v0  }
0x39: {  	[tilespmem:s7+$0xFFFFFFE0] =	vst v0;
	v54 =	vld [tilespmem:s7+$0xFFFFFFF0]  }
0x3a: {  	v1 =	vld [tilespmem:s8+$0xFFFFFFF0];
	_ =	sdelay $0x6  }
0x3b: {  	v0 =	vld.idx.msk [tilespmem:v54+s9+$0x0], $0xffff  }
0x3c: {  	v55 =	vld.idx.msk [tilespmem:v1+s10+$0x0], $0xffff;
	_ =	sdelay $0x4  }
0x3d: {  	v0 =	vadd.f32 v55, v0;
	_ =	sdelay $0x1  }
0x3e: {  	v2 =	vmul.f32 $2.000000030e-01, v0  }
0x3f: {  	vm11 =	vge.f32 v0, $0.0e+00  }
0x40: {  	v0 =	vsel vm11, v0, v2  }
0x41: {  	v0 =	vmul.f32 $1.442695020e+00, v0;
	_ =	sdelay $0x1  }
0x42: {  	(erf) = vpow2.f32 v0;
	_ =	sdelay $0x7  }
0x43: {  	s28 =	sadd.s32 $0x20, s12  }
0x44: {  	p2 =	slt.u32 s28, $0x4E200;
	v0 =	vpop (erf)  }
0x45: {  	v0 =	vpsel !p2, $0x0, v0  }
0x46: {  	[tilespmem:v1+s11+$0x0] =	vst.idx.add.f32.msk $0xffff, v0  }
0x47: {  	[tilespmem:s7+$0xFFFFFFF0] =	vst v0;
	v56 =	vld [tilespmem:s7+$0x0]  }
0x48: {  	v1 =	vld [tilespmem:s8+$0x0];
	_ =	sdelay $0x6  }
0x49: {  	v0 =	vld.idx.msk [tilespmem:v56+s9+$0x0], $0xffff  }
0x4a: {  	v57 =	vld.idx.msk [tilespmem:v1+s10+$0x0], $0xffff;
	_ =	sdelay $0x4  }
0x4b: {  	v0 =	vadd.f32 v57, v0;
	_ =	sdelay $0x1  }
0x4c: {  	v2 =	vmul.f32 $2.000000030e-01, v0  }
0x4d: {  	vm12 =	vge.f32 v0, $0.0e+00  }
0x4e: {  	v0 =	vsel vm12, v0, v2  }
0x4f: {  	v0 =	vmul.f32 $1.442695020e+00, v0;
	_ =	sdelay $0x1  }
0x50: {  	(erf) = vpow2.f32 v0;
	_ =	sdelay $0x7  }
0x51: {  	s29 =	sadd.s32 $0x30, s12  }
0x52: {  	p3 =	slt.u32 s29, $0x4E200;
	v0 =	vpop (erf)  }
0x53: {  	v0 =	vpsel !p3, $0x0, v0  }
0x54: {  	[tilespmem:v1+s11+$0x0] =	vst.idx.add.f32.msk $0xffff, v0  }
0x55: {  	[tilespmem:s7+$0x0] =	vst v0;
	v58 =	vld [tilespmem:s7+$0x10]  }
0x56: {  	v1 =	vld [tilespmem:s8+$0x10];
	_ =	sdelay $0x6  }
0x57: {  	v0 =	vld.idx.msk [tilespmem:v58+s9+$0x0], $0xffff  }
0x58: {  	v59 =	vld.idx.msk [tilespmem:v1+s10+$0x0], $0xffff;
	_ =	sdelay $0x4  }
0x59: {  	v0 =	vadd.f32 v59, v0;
	_ =	sdelay $0x1  }
0x5a: {  	v2 =	vmul.f32 $2.000000030e-01, v0  }
0x5b: {  	vm13 =	vge.f32 v0, $0.0e+00  }
0x5c: {  	v0 =	vsel vm13, v0, v2  }
0x5d: {  	v0 =	vmul.f32 $1.442695020e+00, v0;
	_ =	sdelay $0x1  }
0x5e: {  	(erf) = vpow2.f32 v0;
	_ =	sdelay $0x7  }
0x5f: {  	s30 =	sadd.s32 $0x40, s12  }
0x60: {  	p4 =	slt.u32 s30, $0x4E200;
	v0 =	vpop (erf)  }
0x61: {  	v0 =	vpsel !p4, $0x0, v0  }
0x62: {  	[tilespmem:v1+s11+$0x0] =	vst.idx.add.f32.msk $0xffff, v0  }
0x63: {  	[tilespmem:s7+$0x10] =	vst v0;
	v60 =	vld [tilespmem:s7+$0x20]  }
0x64: {  	v1 =	vld [tilespmem:s8+$0x20];
	_ =	sdelay $0x6  }
0x65: {  	v0 =	vld.idx.msk [tilespmem:v60+s9+$0x0], $0xffff  }
0x66: {  	v61 =	vld.idx.msk [tilespmem:v1+s10+$0x0], $0xffff;
	_ =	sdelay $0x4  }
0x67: {  	v0 =	vadd.f32 v61, v0;
	_ =	sdelay $0x1  }
0x68: {  	v2 =	vmul.f32 $2.000000030e-01, v0  }
0x69: {  	vm14 =	vge.f32 v0, $0.0e+00  }
0x6a: {  	v0 =	vsel vm14, v0, v2  }
0x6b: {  	v0 =	vmul.f32 $1.442695020e+00, v0;
	_ =	sdelay $0x1  }
0x6c: {  	(erf) = vpow2.f32 v0;
	_ =	sdelay $0x7  }
0x6d: {  	s31 =	sadd.s32 $0x50, s12  }
0x6e: {  	p5 =	slt.u32 s31, $0x4E200;
	v0 =	vpop (erf)  }
0x6f: {  	v0 =	vpsel !p5, $0x0, v0  }
0x70: {  	[tilespmem:v1+s11+$0x0] =	vst.idx.add.f32.msk $0xffff, v0  }
0x71: {  	[tilespmem:s7+$0x20] =	vst v0;
	v62 =	vld [tilespmem:s7+$0x30]  }
0x72: {  	v1 =	vld [tilespmem:s8+$0x30];
	_ =	sdelay $0x6  }
0x73: {  	v0 =	vld.idx.msk [tilespmem:v62+s9+$0x0], $0xffff  }
0x74: {  	v63 =	vld.idx.msk [tilespmem:v1+s10+$0x0], $0xffff;
	_ =	sdelay $0x4  }
0x75: {  	v0 =	vadd.f32 v63, v0;
	_ =	sdelay $0x1  }
0x76: {  	v2 =	vmul.f32 $2.000000030e-01, v0  }
0x77: {  	vm15 =	vge.f32 v0, $0.0e+00  }
0x78: {  	v0 =	vsel vm15, v0, v2  }
0x79: {  	v0 =	vmul.f32 $1.442695020e+00, v0;
	_ =	sdelay $0x1  }
0x7a: {  	(erf) = vpow2.f32 v0;
	_ =	sdelay $0x6  }
0x7b: {  	p0 =	sne.s32 s6, $0x4E50  }
.Ltmp1:
0x7c: {  	s12 =	sadd.s32 $0x60, s12;
	(pc) =	sbr.rel @p0 .LBB2_3-.Ltmp1, $4  }
0x7d: {  	p6 =	slt.u32 s12, $0x4E200;
	v0 =	vpop (erf)  }
0x7e: {  	v0 =	vpsel !p6, $0x0, v0  }
0x7f: {  	[tilespmem:v1+s11+$0x0] =	vst.idx.add.f32.msk $0xffff, v0  }
0x80: {  	s6 =	sadd.s32 $0x70, s6;
	s8 =	sadd.s32 $0x80, s8;
	[tilespmem:s7+$0x30] =	vst v0;
	s7 =	sadd.s32 $0x80, s7  }
0x81: {  	s2 =	sadd.s32 s4, s2;
	s25 =	sshrl.u32 s0, $0x3  }
0x82: {  	s5 =	sshll.u32 s0, $0x7;
	s6 =	simm.s32 $0x0;
	s4 =	smul.u32 $0x13C00, s25  }
0x83: {  	[hbm4b:s2+s6] =	stream.linear.scatter [tilespmem:s6], [sflag:$0x1], $0x5A00, $0x38;
	[tilespmem:$0x12E80] =	vst v63  }
0x84: {  	s28 =	simm.s32 $0x1;
	s26 =	sand.u32 $0x380, s5  }
0x85: {  	s29 =	simm.s32 $0x80;
	_ =	swait.ge [sflag:s28], $0x5A00;
	s2 =	sor.u32 s26, s4  }
0x86: {  	s30 =	simm.s32 $0x400;
	[sflag:s28] =	ssyncset.done $0x0;
	s2 =	sshrl.u32 s2, $0x3  }
0x87: {  	s31 =	simm.s32 $0x10700;
	[sflag:s28] =	ssyncadd.s32 $0xFFFFA600;
	s2 =	sadd.s32 s3, s2  }
0x88: {  	[hbm4b:s2+s29] =	stream.strided.scatter [tilespmem:s31], [sflag:$0x1], $0x2780, s30, s29, $0x38;
	[tilespmem:$0x12E80] =	vst v63  }
0x89: {  	_ =	swait.ge [sflag:s28], $0x2780  }
0x8a: {  	[sflag:s28] =	ssyncset.done $0x0  }
0x8b: {  	[sflag:s28] =	ssyncadd.s32 $0xFFFFD880  }
0x8c: {  	_ =	sfence.sel $0x180000  }
0x8d: {  	[bflag:$0x0] =	sbarrier.arrive $0xFFFF  }
0x8e: {  	p0 =	sne.s32 s0, $0x0;
	_ =	strace $0x90000047  }
0x8f: {  	s0 =	sadd.s32 @!p0 $0x100000, s1;
	[bflag:$0x2] =	sbarrier.arrive $0xFFFF  }
0x90: {  	[sflag:s0] =	ssyncadd.tile.s32 @!p0 $0x1;
	_ =	shalt  }
.Lfunc_end2:
_tile_overlayer_lowered:
.L_overlay_start_2:
0x91: {  	(tag) =	ssettag $0x2  }
0x92: {  	s0 =	rddreg [dreg:$0x0];
	s2 =	stileid.u32  }
0x93: {  	s1 =	rddreg [dreg:$0x1];
	p0 =	sne.s32 s2, $0x0  }
0x94: {  	s3 =	rddreg [dreg:$0x2];
	[bflag:$0x3] =	sbarrier.arrive $0xFFFF;
	s2 =	simm.s32 @!p0 $0x1C01  }
0x95: {  	[timem:s3], [sflag:s2] =	dma.local @!p0 [hbm:s0], s1  }
0x96: {  	s0 =	simm.s32 @!p0 $0x1  }
0x97: {  	_ =	swait.ge @!p0 [sflag:s0], s1  }
0x98: {  	s1 =	ssub.s32 @!p0 $0x0, s1;
	[sflag:s0] =	ssyncset.done @!p0 $0x0  }
0x99: {  	[sflag:s0] =	ssyncadd.s32 @!p0 s1  }
0x9a: {  	[bflag:$0x3] =	sbarrier.arrive $0xFFFF  }
0x9b: {  	_ =	shalt  }

// kernel: closed_call.24.cloned.1.call-start
scs
__scs_entry_jumppad:
0x0: {  	(pc) =	sbr.rel $0x88, $3  }
0x1: {  	(tag) =	ssettag $0x0;
	lr =	simm.s32 $0x1  }
0x2: {  	[smem:$0x3F8E] =	sst lr;
	_ =	strace $0xD0000000  }
0x3: {  	_ = 	snop  }
0x4: {  	_ = 	snop  }
0x5: {  	_ = 	snop  }
0x6: {  	_ = 	snop  }
0x7: {  	_ = 	snop  }
__scs_overlays_trampoline_lowered:
0x8: {  	[smem:$0x3F9D] =	sst s0  }
0x9: {  	[smem:$0x3F9E] =	sst s1  }
0xa: {  	[smem:$0x3F9F] =	sst s2  }
0xb: {  	[smem:$0x3FA0] =	sst s3  }
0xc: {  	[smem:$0x3FA1] =	sst s4  }
0xd: {  	[smem:$0x3FA2] =	sst s5  }
0xe: {  	[smem:$0x3FA3] =	sst s6  }
0xf: {  	[smem:$0x3FA4] =	sst s7  }
0x10: {  	[smem:$0x3FA5] =	sst s8  }
0x11: {  	[smem:$0x3FA6] =	sst s9;
	s0 =	simm.s32 @!p0 $0x0  }
0x12: {  	s1 =	sld [smem:$0x3F8C];
	s0 =	simm.s32 @p0 $0x1  }
0x13: {  	[smem:$0x3FA7] =	sst s0;
	s0 =	simm.s32 @!p1 $0x0  }
0x14: {  	s2 =	sld [smem:$0x3F8B];
	s0 =	simm.s32 @p1 $0x1  }
0x15: {  	[smem:$0x3FA8] =	sst s0;
	s0 =	simm.s32 @!p2 $0x0  }
0x16: {  	s3 =	sld [smem:$0x3FDB];
	s0 =	simm.s32 @p2 $0x1  }
0x17: {  	s4 =	simm.s32 $0x1BF5;
	[smem:$0x3FAA] =	sst s0  }
0x18: {  	s0 =	sld [smem:$0x3F8D];
	_ =	swait.ge [sflag:s4], $0x0  }
0x19: {  	s7 =	sld [smem:$0x3F8E]  }
0x1a: {  	s8 =	sadd.s32 $0xFFFFE003, lr  }
0x1b: {  	s9 =	sadd.s32 $0xFFFFFEF7, lr;
	s5 =	simm.s32 $0xFFFFFFFF;
	p2 =	slt.u32 s8, $0xFFFFF086  }
0x1c: {  	p1 =	slt.u32 s9, $0xF7A;
	s5 =	simm.s32 @!p2 $0x0  }
0x1d: {  	s5 =	simm.s32 @p1 $0x1;
	p0 =	seq.s32 s7, s2  }
0x1e: {  	s7 =	smul.u32 @!p0 $0xF7A, s2;
	p2 =	seq.s32 @!p0 s5, $0x0  }
0x1f: {  	s9 =	smul.u32 $0xF7A, s1;
	s8 =	simm.s32 @!p0 $0x1BF5;
	p2 =	por !p2, p0  }
0x20: {  	[sflag:s8] =	ssyncset.s32 @!p0 $0xFFFFF086;
	s6 =	sadd.s32 @!p0 s3, s7;
	s7 =	simm.s32 @!p0 $0x108  }
0x21: {  	s3 =	sadd.s32 s3, s9;
	s6 =	sadd.s32 @!p0 $0x88, s6;
	s7 =	simm.s32 @p2 $0x1082  }
0x22: {  	[simem:s7], [sflag:s8] =	dma.local @!p0 [hbm:s6], $0xF7A  }
0x23: {  	s9 =	sor.u32 $0xD0000000, s2;
	s6 =	simm.s32 $0x108;
	_ =	swait.ge @!p0 [sflag:s8], $0x0  }
0x24: {  	s3 =	sadd.s32 $0x88, s3;
	s6 =	simm.s32 @!p1 $0x1082;
	[sflag:s4] =	ssyncset.s32 $0xFFFFF086  }
0x25: {  	[simem:s6], [sflag:s4] =	dma.local [hbm:s3], $0xF7A  }
0x26: {  	[smem:$0x3F8E] =	sst s1;
	(tag) =	ssettag s2;
	_ =	strace s9  }
0x27: {  	s1 =	sld [smem:$0x3F9E]  }
0x28: {  	s2 =	sld [smem:$0x3F9F]  }
0x29: {  	s4 =	sld [smem:$0x3FA1]  }
0x2a: {  	p0 =	seq.s32 s5, $0x0;
	s5 =	sld [smem:$0x3FA2]  }
0x2b: {  	s6 =	sld [smem:$0x3FA3]  }
0x2c: {  	s7 =	sld [smem:$0x3FA4]  }
0x2d: {  	s3 =	simm.s32 $0x108;
	s8 =	sld [smem:$0x3FA5]  }
0x2e: {  	s3 =	simm.s32 @!p0 $0x1082;
	s9 =	sld [smem:$0x3FA6]  }
0x2f: {  	lr =	sadd.s32 s0, s3;
	s0 =	sld [smem:$0x3F9D]  }
0x30: {  	s3 =	sld [smem:$0x3FA0]  }
0x31: {  	[smem:$0x3FA9] =	sst s10  }
0x32: {  	s10 =	sld [smem:$0x3FA7];
	_ =	sdelay $0x3  }
0x33: {  	p0 =	seq.s32 s10, $0x1;
	s10 =	sld [smem:$0x3FA9];
	_ =	sdelay $0x3  }
0x34: {  	[smem:$0x3FA9] =	sst s10  }
0x35: {  	s10 =	sld [smem:$0x3FA8];
	_ =	sdelay $0x3  }
0x36: {  	p1 =	seq.s32 s10, $0x1;
	s10 =	sld [smem:$0x3FA9];
	_ =	sdelay $0x3  }
0x37: {  	[smem:$0x3FA9] =	sst s10  }
0x38: {  	s10 =	sld [smem:$0x3FAA]  }
0x39: {  	_ = 	snop;
	(pc) =	sbr.ind lr, $3  }
0x3a: {  	_ = 	snop  }
0x3b: {  	_ = 	snop  }
0x3c: {  	p2 =	seq.s32 s10, $0x1;
	s10 =	sld [smem:$0x3FA9]  }
0x3d: {  	_ =	shalt  }
0x3e: {  	_ =	shalt  }
0x3f: {  	_ =	shalt  }
0x40: {  	_ =	shalt  }
0x41: {  	_ =	shalt  }
0x42: {  	_ =	shalt  }
0x43: {  	_ =	shalt  }
0x44: {  	_ =	shalt  }
0x45: {  	_ =	shalt  }
0x46: {  	_ =	shalt  }
0x47: {  	_ =	shalt  }
0x48: {  	_ =	shalt  }
0x49: {  	_ =	shalt  }
0x4a: {  	_ =	shalt  }
0x4b: {  	_ =	shalt  }
0x4c: {  	_ =	shalt  }
0x4d: {  	_ =	shalt  }
0x4e: {  	_ =	shalt  }
0x4f: {  	_ =	shalt  }
0x50: {  	_ =	shalt  }
0x51: {  	_ =	shalt  }
0x52: {  	_ =	shalt  }
0x53: {  	_ =	shalt  }
0x54: {  	_ =	shalt  }
0x55: {  	_ =	shalt  }
0x56: {  	_ =	shalt  }
0x57: {  	_ =	shalt  }
0x58: {  	_ =	shalt  }
0x59: {  	_ =	shalt  }
0x5a: {  	_ =	shalt  }
0x5b: {  	_ =	shalt  }
0x5c: {  	_ =	shalt  }
0x5d: {  	_ =	shalt  }
0x5e: {  	_ =	shalt  }
0x5f: {  	_ =	shalt  }
0x60: {  	_ =	shalt  }
0x61: {  	_ =	shalt  }
0x62: {  	_ =	shalt  }
0x63: {  	_ =	shalt  }
0x64: {  	_ =	shalt  }
0x65: {  	_ =	shalt  }
0x66: {  	_ =	shalt  }
0x67: {  	_ =	shalt  }
0x68: {  	_ =	shalt  }
0x69: {  	_ =	shalt  }
0x6a: {  	_ =	shalt  }
0x6b: {  	_ =	shalt  }
0x6c: {  	_ =	shalt  }
0x6d: {  	_ =	shalt  }
0x6e: {  	_ =	shalt  }
0x6f: {  	_ =	shalt  }
0x70: {  	_ =	shalt  }
0x71: {  	_ =	shalt  }
0x72: {  	_ =	shalt  }
0x73: {  	_ =	shalt  }
0x74: {  	_ =	shalt  }
0x75: {  	_ =	shalt  }
0x76: {  	_ =	shalt  }
0x77: {  	_ =	shalt  }
0x78: {  	_ =	shalt  }
0x79: {  	_ =	shalt  }
0x7a: {  	_ =	shalt  }
0x7b: {  	_ =	shalt  }
0x7c: {  	_ =	shalt  }
0x7d: {  	_ =	shalt  }
0x7e: {  	_ =	shalt  }
0x7f: {  	_ =	shalt  }
0x80: {  	_ =	shalt  }
0x81: {  	_ =	shalt  }
0x82: {  	_ =	shalt  }
0x83: {  	_ =	shalt  }
0x84: {  	_ =	shalt  }
0x85: {  	_ =	shalt  }
0x86: {  	_ =	shalt  }
0x87: {  	_ =	shalt  }
.Lfunc_end0:
.L_simem_size_0:
called_computation.1_lowered:
.L_overlay_start_0:
0x88: {  	s0 =	sld [smem:$0x3FD9]  }
0x89: {  	s1 =	sld [smem:$0x3FFE];
	_ =	sdelay $0x3  }
0x8a: {  	s0 =	sadd.s32 s1, s0  }
0x8b: {  	[smem:$0x3FB5] =	sst s0  }
0x8c: {  	_ = 	snop  }
0x8d: {  	(tm) =	ssettm $0x1  }
0x8e: {  	s15 =	sld [smem:$0x3FFB];
	_ =	sdelay $0x3  }
0x8f: {  	_ =	strace s15  }
0x90: {  	s0 =	sld [smem:$0x3FFC];
	_ =	sdelay $0x3  }
0x91: {  	_ =	strace s0  }
0x92: {  	s0 =	sld [smem:$0x3FFD];
	_ =	sdelay $0x3  }
0x93: {  	_ =	strace s0  }
0x94: {  	_ =	strace $0x8FFFFFFF  }
0x95: {  	s16 =	sld [smem:$0x3FDB];
	_ =	sdelay $0x1  }
0x96: {  	s17 =	simm.s32 $_scs_section_size  }
0x97: {  	s2 =	simm.s32 $_size__tile_overlayer_lowered;
	s3 =	simm.s32 $_tile_overlayer_lowered  }
0x98: {  	s20 =	simm.s32 $0x1BFF;
	s19 =	sshll.u32 s3, $0x1;
	s0 =	sadd.s32 s17, s16  }
0x99: {  	s4 =	simm.s32 $0x0;
	s18 =	sshll.u32 s2, $0x1;
	s2 =	sadd.s32 s19, s0  }
0x9a: {  	[timem:s4], [sflag:s20] =	dma.local [hbm:s2], s18  }
0x9b: {  	_ =	swait.ge [sflag:s20], s18  }
0x9c: {  	s1 =	ssub.s32 $0x0, s18;
	[sflag:s20] =	ssyncset.done $0x0  }
0x9d: {  	[sflag:s20] =	ssyncadd.s32 s1;
	_ =	sdelay $0x1  }
0x9e: {  	s21 =	simm.s32 $0x1B8B  }
0x9f: {  	_ =	swait.ge [sflag:s21], $0x1  }
0xa0: {  	[sflag:s21] =	ssyncset.done $0x0  }
0xa1: {  	s23 =	simm.s32 $0x1B8E;
	s22 =	sld [smem:$0x3FFE];
	[sflag:s21] =	ssyncadd.s32 $0xFFFFFFFF  }
0xa2: {  	s24 =	simm.s32 $execute0_lowered;
	[smem:$0x3FD2] =	sst s23  }
0xa3: {  	s2 =	sshll.u32 s24, $0x1;
	_ =	strace $0x80000049;
	[dreg:$0x1] =	wrdreg $0xFFFFFFFF  }
0xa4: {  	s25 =	simm.s32 $_size_execute0_lowered;
	s0 =	sadd.s32 s0, s2;
	[dreg:$0x0] =	wrdreg $0x0  }
0xa5: {  	s2 =	sshll.u32 s25, $0x1;
	[dreg:$0x2] =	wrdreg s0  }
0xa6: {  	[dreg:$0x3] =	wrdreg s2  }
0xa7: {  	[dreg:$0x4] =	wrdreg $0xC0  }
0xa8: {  	_ =	task [dreg:s4], $0x5FFFF  }
0xa9: {  	[dreg:$0x1] =	wrdreg $0xFFFFFFFF  }
0xaa: {  	[dreg:$0x0] =	wrdreg $0x60  }
0xab: {  	[dreg:$0x2] =	wrdreg s22  }
0xac: {  	[dreg:$0x3] =	wrdreg $0xAD000  }
0xad: {  	[dreg:$0x4] =	wrdreg $0x9  }
0xae: {  	_ =	task.clear_ibuf [dreg:s4], $0x5FFFF;
	_ =	strace $0x90000049  }
0xaf: {  	s26 =	simm.s32 $0x9;
	_ =	strace $0x8000004B  }
0xb0: {  	_ =	swait.ge [sflag:s26], $0x1  }
0xb1: {  	[sflag:s26] =	ssyncadd.s32 $0xFFFFFFFF  }
0xb2: {  	_ =	strace $0x9000004B  }
0xb3: {  	_ =	sfence  }
0xb4: {  	s28 =	sld [smem:$0x0];
	_ =	sdelay $0x1  }
0xb5: {  	s29 =	srdreg.scid  }
0xb6: {  	s30 =	sshll.u32 s29, $0xD;
	s31 =	sshrl.u32 s29, $0x2  }
0xb7: {  	s1 =	sand.u32 $0x1, s29;
	s2 =	sand.u32 $0x4000, s30;
	s0 =	sadd.s32 s31, s28  }
0xb8: {  	s1 =	sor.u32 s2, s1;
	s0 =	sshll.u32 s0, $0x11  }
0xb9: {  	s0 =	sor.u32 s0, s1  }
0xba: {  	s0 =	sadd.s32 $0x8F2B, s0  }
0xbb: {  	[sflag:s0] =	ssyncadd.remote.s32 $0x1  }
0xbc: {  	_ =	sfence.sel $0xFFFF  }
0xbd: {  	[dreg:$0x0] =	wrdreg $0xFFFFFFFF;
	(pc) =	sbr.abs _section_cstart, $3  }
0xbe: {  	[dreg:$0x1] =	wrdreg $0xFFFFFFFF  }
0xbf: {  	_ =	task.clear_ibuf [dreg:s4], $0x2FFFF;
	_ =	strace $0x9FFFFFFF  }
0xc0: {  	(tm) =	ssettm $0x7FFFFFFF  }
0xc1: {  	_ =	shalt  }
tec
execute0_lowered:
.L_overlay_start_1:
0x0: {  	(tag) =	ssettag $0x1  }
0x1: {  	s0 =	rddreg [dreg:$0x0]  }
0x2: {  	s2 =	rddreg [dreg:$0x1];
	s1 =	simm.s32 $0x0;
	s4 =	stileid.u32  }
0x3: {  	[smem:$0x7FF] =	sst s1;
	s3 =	sadd.s32 $0x4200, s0;
	s5 =	sadd.s32 $0x58400, s0  }
0x4: {  	s6 =	sadd.s32 $0x86200, s0;
	s0 =	sadd.s32 $0x2B400, s0;
	s1 =	simm.s32 $0x200  }
0x5: {  	v0 =	vimm.f32 $0.0e+00;
	_ =	strace $0x8000004A;
	[dreg:$0x3] =	wrdreg s0;
	s0 =	simm.s32 $0x0  }
.LBB2_1:
0x6: {  	p0 =	sne.s32 s1, $0xDE00;
	[tilespmem:s0+$0x570] =	vst v0  }
0x7: {  	[tilespmem:s0+$0x500] =	vst v0  }
0x8: {  	[tilespmem:s0+$0x510] =	vst v0  }
.Ltmp0:
0x9: {  	[tilespmem:s0+$0x520] =	vst v0;
	(pc) =	sbr.rel @p0 .LBB2_1-.Ltmp0, $4  }
0xa: {  	[tilespmem:s0+$0x530] =	vst v0  }
0xb: {  	[tilespmem:s0+$0x540] =	vst v0  }
0xc: {  	[tilespmem:s0+$0x550] =	vst v0  }
0xd: {  	[tilespmem:s0+$0x560] =	vst v0;
	s0 =	sshra.s32 s1, $0x2;
	s1 =	sadd.s32 $0x200, s1  }
0xe: {  	[tilespmem:s0+$0x570] =	vst v0  }
0xf: {  	[tilespmem:s0+$0x500] =	vst v0  }
0x10: {  	[tilespmem:s0+$0x510] =	vst v0  }
0x11: {  	[tilespmem:s0+$0x520] =	vst v0  }
0x12: {  	[tilespmem:s0+$0x530] =	vst v0;
	s1 =	smul.u32 $0x50000, s4  }
0x13: {  	[tilespmem:s0+$0x540] =	vst v0  }
0x14: {  	[tilespmem:s0+$0x550] =	vst v0;
	s1 =	sshrl.u32 s1, $0x2  }
0x15: {  	[tilespmem:s0+$0x560] =	vst v0;
	s8 =	simm.s32 $0x500;
	s9 =	simm.s32 $0x7;
	s1 =	sadd.s32 s1, s2  }
0x16: {  	[spmem:s1] =	stream.linear.scatter [tilespmem:s8], [sflag:$0x7], $0x3800, $0x38;
	[tilespmem:$0x1ED00] =	vst v63  }
0x17: {  	_ =	swait.ge [sflag:s9], $0x3800  }
0x18: {  	[sflag:s9] =	ssyncset.done $0x0  }
0x19: {  	s18 =	sadd.s32 $0x3800, s1;
	[sflag:s9] =	ssyncadd.s32 $0xFFFFC800  }
0x1a: {  	[spmem:s18] =	stream.linear.scatter [tilespmem:s8], [sflag:$0x7], $0x3800, $0x38;
	[tilespmem:$0x1ED00] =	vst v63  }
0x1b: {  	_ =	swait.ge [sflag:s9], $0x3800  }
0x1c: {  	[sflag:s9] =	ssyncset.done $0x0  }
0x1d: {  	s19 =	sadd.s32 $0x7000, s1;
	[sflag:s9] =	ssyncadd.s32 $0xFFFFC800  }
0x1e: {  	[spmem:s19] =	stream.linear.scatter [tilespmem:s8], [sflag:$0x7], $0x3800, $0x38;
	[tilespmem:$0x1ED00] =	vst v63  }
0x1f: {  	_ =	swait.ge [sflag:s9], $0x3800  }
0x20: {  	[sflag:s9] =	ssyncset.done $0x0  }
0x21: {  	s20 =	sadd.s32 $0xA800, s1;
	[sflag:s9] =	ssyncadd.s32 $0xFFFFC800  }
0x22: {  	[spmem:s20] =	stream.linear.scatter [tilespmem:s8], [sflag:$0x7], $0x3800, $0x38;
	[tilespmem:$0x1ED00] =	vst v63  }
0x23: {  	_ =	swait.ge [sflag:s9], $0x3800  }
0x24: {  	[sflag:s9] =	ssyncset.done $0x0  }
0x25: {  	s21 =	sadd.s32 $0xE000, s1;
	[sflag:s9] =	ssyncadd.s32 $0xFFFFC800  }
0x26: {  	[spmem:s21] =	stream.linear.scatter [tilespmem:s8], [sflag:$0x7], $0x3800, $0x38;
	[tilespmem:$0x1ED00] =	vst v63  }
0x27: {  	_ =	swait.ge [sflag:s9], $0x3800  }
0x28: {  	[sflag:s9] =	ssyncset.done $0x0  }
0x29: {  	s22 =	sadd.s32 $0x11800, s1;
	[dreg:$0x4] =	wrdreg s1;
	[sflag:s9] =	ssyncadd.s32 $0xFFFFC800  }
0x2a: {  	[spmem:s22] =	stream.linear.scatter [tilespmem:s8], [sflag:$0x7], $0x2800, $0x38;
	[tilespmem:$0x1ED00] =	vst v63  }
0x2b: {  	s10 =	smul.u32 $0xB400, s4;
	_ =	swait.ge [sflag:s9], $0x2800  }
0x2c: {  	s11 =	smul.u32 $0x5C00, s4;
	[sflag:s9] =	ssyncset.done $0x0  }
0x2d: {  	s12 =	simm.s32 $0x0;
	s23 =	sshrl.u32 s10, $0x3;
	[sflag:s9] =	ssyncadd.s32 $0xFFFFD800  }
0x2e: {  	s24 =	sshrl.u32 s11, $0x3;
	s0 =	sadd.s32 s5, s23;
	[bflag:$0x0] =	sbarrier.arrive $0xFFFF  }
0x2f: {  	[tilespmem:s12], [sflag:$0x1] =	stream.linear.gather [hbm4b:s0+s12], $0x100, $0x38;
	[tilespmem:$0x1ED00] =	vst v63  }
0x30: {  	s13 =	simm.s32 $0x300;
	s1 =	sadd.s32 s6, s24  }
0x31: {  	[tilespmem:s13], [sflag:$0x1] =	stream.linear.gather [hbm4b:s1+s12], $0x80, $0x38;
	[tilespmem:$0x1ED00] =	vst v63  }
0x32: {  	s14 =	simm.s32 $0x100;
	s0 =	sadd.s32 $0x20, s0  }
0x33: {  	[tilespmem:s14], [sflag:$0x2] =	stream.linear.gather [hbm4b:s0+s12], $0x100, $0x38;
	[tilespmem:$0x1ED00] =	vst v63  }
0x34: {  	s26 =	simm.s32 $0x380;
	s16 =	simm.s32 $0x1;
	s25 =	sadd.s32 $0x10, s1  }
0x35: {  	[tilespmem:s26], [sflag:$0x2] =	stream.linear.gather [hbm4b:s25+s12], $0x80, $0x38;
	[tilespmem:$0x1ED00] =	vst v63  }
0x36: {  	_ =	swait.ge [sflag:s16], $0x100  }
0x37: {  	[sflag:s16] =	ssyncset.done $0x0  }
0x38: {  	[sflag:s16] =	ssyncadd.s32 $0xFFFFFF00  }
0x39: {  	_ =	swait.ge [sflag:s16], $0x80  }
0x3a: {  	[sflag:s16] =	ssyncset.done $0x0  }
0x3b: {  	s17 =	simm.s32 $0x70;
	s18 =	simm.s32 $0x2;
	[sflag:s16] =	ssyncadd.s32 $0xFFFFFF80  }
0x3c: {  	[tilespmem:s8], [sflag:$0x4] =	stream.indirect.gather [hbm4b:s3+s17], $0x80, s12, s17, $0xb8;
	[tilespmem:$0x1ED00] =	vst v63  }
0x3d: {  	s28 =	simm.s32 $0x6;
	_ =	swait.ge [sflag:s18], $0x100  }
0x3e: {  	s29 =	simm.s32 $0x280;
	s30 =	simm.s32 $0x3;
	[sflag:s18] =	ssyncset.done $0x0  }
0x3f: {  	s31 =	simm.s32 $0x0;
	s23 =	simm.s32 $0x7500;
	[sflag:s18] =	ssyncadd.s32 $0xFFFFFF00  }
0x40: {  	s19 =	simm.s32 $0x3D00;
	s20 =	simm.s32 $0x200;
	_ =	swait.ge [sflag:s18], $0x80  }
0x41: {  	s21 =	simm.s32 $0x400;
	s24 =	simm.s32 $0x80;
	[sflag:s18] =	ssyncset.done $0x0  }
0x42: {  	s22 =	simm.s32 $0x4;
	s25 =	simm.s32 $0x5;
	[sflag:s18] =	ssyncadd.s32 $0xFFFFFF80  }
0x43: {  	[tilespmem:s19], [sflag:$0x5] =	stream.indirect.gather [hbm4b:s3+s17], $0x80, s14, s17, $0xb8;
	[tilespmem:$0x1ED00] =	vst v63  }
.LBB2_3:
0x44: {  	s0 =	smul.u32 $0x6, s31;
	_ =	sdelay $0x1  }
0x45: {  	s1 =	sadd.s32 $0x2, s0  }
0x46: {  	s4 =	sshll.u32 s1, $0x8  }
0x47: {  	s4 =	sadd.s32 s10, s4  }
0x48: {  	s1 =	sshll.u32 s1, $0x7;
	s4 =	sshrl.u32 s4, $0x3  }
0x49: {  	s26 =	sand.u32 $0xFC00, s1;
	s4 =	sadd.s32 s5, s4  }
0x4a: {  	[tilespmem:s20], [sflag:$0x3] =	stream.linear.gather [hbm4b:s4+s12], $0x100, $0x38;
	[tilespmem:$0x1ED00] =	vst v63  }
0x4b: {  	s7 =	simm.s32 $0x0;
	s1 =	sand.u32 $0x300, s1;
	s4 =	sadd.s32 s11, s26  }
0x4c: {  	v0 =	vmov s7;
	s1 =	sor.u32 s1, s4  }
0x4d: {  	v0 =	vand.u32 $0xFFFFFFFC, v0;
	s1 =	sshrl.u32 s1, $0x3  }
0x4e: {  	v0 =	vbroadcast v0, $0x0;
	s1 =	sadd.s32 s6, s1  }
0x4f: {  	[tilespmem:s21], [sflag:$0x3] =	stream.linear.gather [hbm4b:s1+s12], $0x80, $0x38;
	[tilespmem:$0x1ED00] =	vst v63  }
0x50: {  	_ =	swait.ge [sflag:s22], $0x3800  }
0x51: {  	[sflag:s22] =	ssyncset.done $0x0  }
0x52: {  	s1 =	simm.s32 $0x600;
	[sflag:s22] =	ssyncadd.s32 $0xFFFFC800  }
0x53: {  	v2 =	vld [tilespmem:s1+$0xFFFFFF70]  }
0x54: {  	v0 =	vld.idx.msk [tilespmem:v0+s13+$0x0], $0xffff  }
0x55: {  	v3 =	vld [tilespmem:s1+$0xFFFFFF00]  }
0x56: {  	v4 =	vld [tilespmem:s1+$0xFFFFFF20]  }
0x57: {  	v5 =	vld [tilespmem:s1+$0xFFFFFF30]  }
0x58: {  	v1 =	vld [tilespmem:s1+$0xFFFFFF50]  }
0x59: {  	v7 =	vld [tilespmem:s1+$0xFFFFFF10];
	v2 =	vmul.f32 v0, v2  }
0x5a: {  	s15 =	simm.s32 $0x1;
	v6 =	vld [tilespmem:s1+$0xFFFFFF60];
	v3 =	vmul.f32 v0, v3  }
0x5b: {  	v8 =	vld [tilespmem:s1+$0xFFFFFF40];
	v4 =	vmul.f32 v0, v4;
	[tilespmem:s1+$0xFFFFFF70] =	vst v2;
	v2 =	vmov s15  }
0x5c: {  	v5 =	vmul.f32 v0, v5;
	[tilespmem:s1+$0xFFFFFF00] =	vst v3;
	v2 =	vand.u32 $0xFFFFFFFD, v2  }
0x5d: {  	v1 =	vmul.f32 v0, v1;
	[tilespmem:s1+$0xFFFFFF20] =	vst v4;
	v2 =	vbroadcast v2, $0x0  }
0x5e: {  	v3 =	vmul.f32 v0, v7;
	[tilespmem:s1+$0xFFFFFF30] =	vst v5  }
0x5f: {  	v4 =	vmul.f32 v0, v6;
	[tilespmem:s1+$0xFFFFFF50] =	vst v1  }
0x60: {  	v0 =	vmul.f32 v0, v8;
	[tilespmem:s1+$0xFFFFFF10] =	vst v3  }
0x61: {  	[tilespmem:s1+$0xFFFFFF60] =	vst v4  }
0x62: {  	[tilespmem:s1+$0xFFFFFF40] =	vst v0;
	v0 =	vld [tilespmem:s1+$0xFFFFFF80]  }
0x63: {  	v2 =	vld.idx.msk [tilespmem:v2+s13+$0x0], $0xffff  }
0x64: {  	v1 =	vld [tilespmem:s1+$0xFFFFFFA0]  }
0x65: {  	v3 =	vld [tilespmem:s1+$0xFFFFFF90]  }
0x66: {  	v4 =	vld [tilespmem:s1+$0xFFFFFFD0]  }
0x67: {  	v5 =	vld [tilespmem:s1+$0xFFFFFFE0]  }
0x68: {  	v6 =	vld [tilespmem:s1+$0xFFFFFFF0];
	v0 =	vmul.f32 v2, v0  }
0x69: {  	s26 =	simm.s32 $0x2;
	v7 =	vld [tilespmem:s1+$0xFFFFFFB0];
	v1 =	vmul.f32 v2, v1  }
0x6a: {  	v8 =	vld [tilespmem:s1+$0xFFFFFFC0];
	v3 =	vmul.f32 v2, v3;
	[tilespmem:s1+$0xFFFFFF80] =	vst v0;
	v0 =	vmov s26  }
0x6b: {  	v4 =	vmul.f32 v2, v4;
	[tilespmem:s1+$0xFFFFFFA0] =	vst v1;
	v0 =	vand.u32 $0xFFFFFFFE, v0  }
0x6c: {  	v1 =	vmul.f32 v2, v5;
	[tilespmem:s1+$0xFFFFFF90] =	vst v3;
	v3 =	vbroadcast v0, $0x0  }
0x6d: {  	v5 =	vmul.f32 v2, v6;
	[tilespmem:s1+$0xFFFFFFD0] =	vst v4;
	v6 =	vld [tilespmem:s1+$0x30]  }
0x6e: {  	v4 =	vmul.f32 v2, v7;
	v0 =	vld [tilespmem:s1+$0x40];
	[tilespmem:s1+$0xFFFFFFE0] =	vst v1  }
0x6f: {  	v2 =	vmul.f32 v2, v8;
	v1 =	vld [tilespmem:s1+$0x70];
	[tilespmem:s1+$0xFFFFFFF0] =	vst v5  }
0x70: {  	[tilespmem:s1+$0xFFFFFFB0] =	vst v4;
	v4 =	vld [tilespmem:s1+$0x20]  }
0x71: {  	[tilespmem:s1+$0xFFFFFFC0] =	vst v2;
	v5 =	vld [tilespmem:s1+$0x0]  }
0x72: {  	v2 =	vld.idx.msk [tilespmem:v3+s13+$0x0], $0xffff  }
0x73: {  	s7 =	simm.s32 $0x7;
	s4 =	simm.s32 $0x3;
	s26 =	simm.s32 $0x600;
	v3 =	vld [tilespmem:s1+$0x10]  }
.LBB2_4:
0x74: {  	p0 =	sne.s32 s7, $0x6F  }
0x75: {  	v7 =	vld [tilespmem:s1+$0x50];
	s26 =	sadd.s32 $0x200, s26;
	s15 =	smov.u32 s7;
	s7 =	sadd.s32 $0x4, s7  }
0x76: {  	v8 =	vld [tilespmem:s1+$0x60];
	_ =	sdelay $0x1  }
0x77: {  	v5 =	vmul.f32 v2, v5;
	v3 =	vmul.f32 v2, v3  }
0x78: {  	v4 =	vmul.f32 v2, v4;
	v6 =	vmul.f32 v2, v6  }
0x79: {  	v0 =	vmul.f32 v2, v0;
	v1 =	vmul.f32 v2, v1;
	[tilespmem:s1+$0x0] =	vst v5  }
0x7a: {  	[tilespmem:s1+$0x20] =	vst v4;
	v4 =	vmul.f32 v2, v7;
	v2 =	vmul.f32 v2, v8  }
0x7b: {  	[tilespmem:s1+$0x30] =	vst v6;
	v5 =	vld [tilespmem:s1+$0x80]  }
0x7c: {  	[tilespmem:s1+$0x60] =	vst v2;
	v2 =	vmov s4;
	v6 =	vld [tilespmem:s1+$0xD0];
	s4 =	smov.u32 s15  }
0x7d: {  	[tilespmem:s1+$0x50] =	vst v4;
	v4 =	vld [tilespmem:s1+$0xE0]  }
0x7e: {  	[tilespmem:s1+$0x40] =	vst v0;
	v7 =	vld [tilespmem:s1+$0xB0]  }
0x7f: {  	v0 =	vld [tilespmem:s26+$0x40];
	[tilespmem:s1+$0x70] =	vst v1  }
0x80: {  	v1 =	vld [tilespmem:s26+$0x70];
	[tilespmem:s1+$0x10] =	vst v3  }
0x81: {  	v2 =	vld.idx.msk [tilespmem:v2+s13+$0x0], $0xffff  }
0x82: {  	v3 =	vld [tilespmem:s1+$0x90]  }
0x83: {  	v8 =	vld [tilespmem:s1+$0xA0]  }
0x84: {  	v9 =	vld [tilespmem:s1+$0xC0]  }
0x85: {  	v10 =	vld [tilespmem:s1+$0xF0];
	_ =	sdelay $0x1  }
0x86: {  	v5 =	vmul.f32 v2, v5;
	v3 =	vmul.f32 v2, v3  }
0x87: {  	s15 =	sadd.s32 $0xFFFFFFFD, s4;
	v7 =	vmul.f32 v2, v7;
	v8 =	vmul.f32 v2, v8  }
0x88: {  	v11 =	vmov s15;
	v6 =	vmul.f32 v2, v6;
	[tilespmem:s1+$0x80] =	vst v5;
	v5 =	vmul.f32 v2, v9  }
0x89: {  	v9 =	vand.u32 $0xFFFFFFFC, v11;
	[tilespmem:s1+$0x90] =	vst v3;
	v3 =	vmul.f32 v2, v4;
	v2 =	vmul.f32 v2, v10  }
0x8a: {  	v4 =	vbroadcast v9, $0x0;
	[tilespmem:s1+$0xA0] =	vst v8  }
0x8b: {  	[tilespmem:s1+$0xD0] =	vst v6  }
0x8c: {  	v6 =	vld [tilespmem:s26+$0xFFFFFF50];
	[tilespmem:s1+$0xB0] =	vst v7  }
0x8d: {  	v7 =	vld [tilespmem:s26+$0xFFFFFF30];
	[tilespmem:s1+$0xC0] =	vst v5  }
0x8e: {  	v5 =	vld [tilespmem:s26+$0xFFFFFF60];
	[tilespmem:s1+$0xE0] =	vst v3  }
0x8f: {  	v3 =	vld [tilespmem:s26+$0xFFFFFF70];
	[tilespmem:s1+$0xF0] =	vst v2;
	s1 =	smov.u32 s26  }
0x90: {  	v2 =	vld.idx.msk [tilespmem:v4+s13+$0x0], $0xffff  }
0x91: {  	v4 =	vld [tilespmem:s26+$0xFFFFFF00]  }
0x92: {  	v8 =	vld [tilespmem:s26+$0xFFFFFF20]  }
0x93: {  	v9 =	vld [tilespmem:s26+$0xFFFFFF10]  }
0x94: {  	v10 =	vld [tilespmem:s26+$0xFFFFFF40];
	_ =	sdelay $0x1  }
0x95: {  	v3 =	vmul.f32 v2, v3;
	v4 =	vmul.f32 v2, v4  }
0x96: {  	s15 =	sadd.s32 $0xFFFFFFFE, s4;
	v5 =	vmul.f32 v2, v5;
	v8 =	vmul.f32 v2, v8  }
0x97: {  	v7 =	vmul.f32 v2, v7;
	v9 =	vmul.f32 v2, v9;
	[tilespmem:s26+$0xFFFFFF70] =	vst v3;
	v3 =	vmov s15  }
0x98: {  	[tilespmem:s26+$0xFFFFFF00] =	vst v4;
	v4 =	vmul.f32 v2, v10;
	v2 =	vmul.f32 v2, v6;
	v3 =	vand.u32 $0xFFFFFFFD, v3  }
0x99: {  	[tilespmem:s26+$0xFFFFFF20] =	vst v8;
	v3 =	vbroadcast v3, $0x0  }
0x9a: {  	[tilespmem:s26+$0xFFFFFF30] =	vst v7  }
0x9b: {  	[tilespmem:s26+$0xFFFFFF50] =	vst v2;
	v2 =	vld [tilespmem:s26+$0xFFFFFFF0]  }
0x9c: {  	[tilespmem:s26+$0xFFFFFF10] =	vst v9;
	v6 =	vld [tilespmem:s26+$0xFFFFFFD0]  }
0x9d: {  	[tilespmem:s26+$0xFFFFFF60] =	vst v5;
	v5 =	vld [tilespmem:s26+$0xFFFFFFB0]  }
0x9e: {  	[tilespmem:s26+$0xFFFFFF40] =	vst v4;
	v4 =	vld [tilespmem:s26+$0xFFFFFF90]  }
0x9f: {  	v3 =	vld.idx.msk [tilespmem:v3+s13+$0x0], $0xffff  }
0xa0: {  	v7 =	vld [tilespmem:s26+$0xFFFFFF80]  }
0xa1: {  	v8 =	vld [tilespmem:s26+$0xFFFFFFA0]  }
0xa2: {  	v9 =	vld [tilespmem:s26+$0xFFFFFFC0]  }
0xa3: {  	v10 =	vld [tilespmem:s26+$0xFFFFFFE0];
	_ =	sdelay $0x1  }
0xa4: {  	v4 =	vmul.f32 v3, v4;
	v7 =	vmul.f32 v3, v7  }
0xa5: {  	s15 =	sadd.s32 $0xFFFFFFFF, s4;
	v5 =	vmul.f32 v3, v5;
	v8 =	vmul.f32 v3, v8  }
0xa6: {  	v6 =	vmul.f32 v3, v6;
	[tilespmem:s26+$0xFFFFFF80] =	vst v7;
	v7 =	vmul.f32 v3, v9;
	v9 =	vmov s15  }
0xa7: {  	v2 =	vmul.f32 v3, v2;
	[tilespmem:s26+$0xFFFFFFA0] =	vst v8;
	v8 =	vmul.f32 v3, v10;
	v3 =	vand.u32 $0xFFFFFFFE, v9  }
0xa8: {  	[tilespmem:s26+$0xFFFFFF90] =	vst v4;
	v3 =	vbroadcast v3, $0x0  }
0xa9: {  	[tilespmem:s26+$0xFFFFFFD0] =	vst v6  }
0xaa: {  	[tilespmem:s26+$0xFFFFFFE0] =	vst v8  }
0xab: {  	[tilespmem:s26+$0xFFFFFFB0] =	vst v5  }
.Ltmp1:
0xac: {  	[tilespmem:s26+$0xFFFFFFF0] =	vst v2;
	v4 =	vld [tilespmem:s26+$0x20];
	(pc) =	sbr.rel @p0 .LBB2_4-.Ltmp1, $4  }
0xad: {  	[tilespmem:s26+$0xFFFFFFC0] =	vst v7;
	v5 =	vld [tilespmem:s26+$0x0]  }
0xae: {  	v2 =	vld.idx.msk [tilespmem:v3+s13+$0x0], $0xffff  }
0xaf: {  	v3 =	vld [tilespmem:s26+$0x10]  }
0xb0: {  	v6 =	vld [tilespmem:s26+$0x30]  }
0xb1: {  	v7 =	vld [tilespmem:s1+$0x60];
	_ =	sdelay $0x1  }
0xb2: {  	v5 =	vmul.f32 v2, v5  }
0xb3: {  	v8 =	vld [tilespmem:s1+$0x50];
	v4 =	vmul.f32 v2, v4  }
0xb4: {  	v0 =	vmul.f32 v2, v0;
	[tilespmem:s1+$0x0] =	vst v5  }
0xb5: {  	[tilespmem:s1+$0x20] =	vst v4;
	v4 =	vmul.f32 v2, v7  }
0xb6: {  	v1 =	vmul.f32 v2, v1;
	[tilespmem:s1+$0x40] =	vst v0  }
0xb7: {  	v6 =	vmul.f32 v2, v6;
	[tilespmem:s1+$0x60] =	vst v4;
	v4 =	vmov s4  }
0xb8: {  	[tilespmem:s1+$0x70] =	vst v1;
	v5 =	vmul.f32 v2, v8  }
0xb9: {  	v2 =	vmul.f32 v2, v3;
	[tilespmem:s1+$0x30] =	vst v6  }
0xba: {  	[tilespmem:s1+$0x50] =	vst v5  }
0xbb: {  	v6 =	vld [tilespmem:s1+$0x80];
	[tilespmem:s1+$0x10] =	vst v2  }
0xbc: {  	v0 =	vld.idx.msk [tilespmem:v4+s13+$0x0], $0xffff  }
0xbd: {  	v1 =	vld [tilespmem:s1+$0x90]  }
0xbe: {  	v2 =	vld [tilespmem:s1+$0xA0]  }
0xbf: {  	v3 =	vld [tilespmem:s1+$0xD0]  }
0xc0: {  	v4 =	vld [tilespmem:s1+$0xB0]  }
0xc1: {  	v5 =	vld [tilespmem:s1+$0xC0];
	v6 =	vmul.f32 v0, v6  }
0xc2: {  	v7 =	vld [tilespmem:s1+$0xE0];
	v1 =	vmul.f32 v0, v1  }
0xc3: {  	v8 =	vld [tilespmem:s1+$0xF0];
	v2 =	vmul.f32 v0, v2;
	[tilespmem:s1+$0x80] =	vst v6  }
0xc4: {  	v3 =	vmul.f32 v0, v3;
	[tilespmem:s1+$0x90] =	vst v1  }
0xc5: {  	v1 =	vmul.f32 v0, v4;
	[tilespmem:s1+$0xA0] =	vst v2  }
0xc6: {  	v2 =	vmul.f32 v0, v5;
	[tilespmem:s1+$0xD0] =	vst v3  }
0xc7: {  	v3 =	vmul.f32 v0, v7;
	[tilespmem:s1+$0xB0] =	vst v1  }
0xc8: {  	v0 =	vmul.f32 v0, v8;
	[tilespmem:s1+$0xC0] =	vst v2  }
0xc9: {  	[tilespmem:s1+$0xE0] =	vst v3  }
0xca: {  	[tilespmem:s1+$0xF0] =	vst v0;
	s1 =	simm.s32 $0x3  }
0xcb: {  	_ =	swait.ge [sflag:s1], $0x100  }
0xcc: {  	[sflag:s1] =	ssyncset.done $0x0  }
0xcd: {  	[sflag:s1] =	ssyncadd.s32 $0xFFFFFF00  }
0xce: {  	_ =	swait.ge [sflag:s1], $0x80  }
0xcf: {  	s15 =	sadd.s32 $0x3, s0;
	[sflag:s1] =	ssyncset.done $0x0  }
0xd0: {  	s7 =	sshll.u32 s15, $0x8;
	[sflag:s1] =	ssyncadd.s32 $0xFFFFFF80  }
0xd1: {  	[tilespmem:s23], [sflag:$0x6] =	stream.indirect.gather [hbm4b:s3+s17], $0x80, s20, s17, $0xb8;
	[tilespmem:$0x1ED00] =	vst v63  }
0xd2: {  	s7 =	sadd.s32 s10, s7  }
0xd3: {  	[spmem:s2] =	stream.indirect.scatter.add.f32 [tilespmem:s8], [sflag:$0x7], $0x80, s24, s17, $0xb8;
	[tilespmem:$0x1ED00] =	vst v63  }
0xd4: {  	s7 =	sshrl.u32 s7, $0x3;
	_ =	swait.ge [sflag:s9], $0x3800  }
0xd5: {  	s7 =	sadd.s32 s5, s7;
	s4 =	sshll.u32 s15, $0x7;
	[sflag:s9] =	ssyncset.done $0x0  }
0xd6: {  	s15 =	simm.s32 $0x0;
	s26 =	sand.u32 $0xFC00, s4;
	[sflag:s9] =	ssyncadd.s32 $0xFFFFC800  }
0xd7: {  	[tilespmem:s12], [sflag:$0x1] =	stream.linear.gather [hbm4b:s7+s12], $0x100, $0x38;
	[tilespmem:$0x1ED00] =	vst v63  }
0xd8: {  	s4 =	sand.u32 $0x380, s4;
	v0 =	vmov s15;
	s7 =	sadd.s32 s11, s26  }
0xd9: {  	v0 =	vand.u32 $0x7C, v0;
	s4 =	sor.u32 s4, s7  }
0xda: {  	v0 =	vor.u32 $0x80, v0;
	s4 =	sshrl.u32 s4, $0x3  }
0xdb: {  	v0 =	vbroadcast v0, $0x0;
	s4 =	sadd.s32 s6, s4  }
0xdc: {  	[tilespmem:s13], [sflag:$0x1] =	stream.linear.gather [hbm4b:s4+s12], $0x80, $0x38;
	[tilespmem:$0x1ED00] =	vst v63  }
0xdd: {  	_ =	swait.ge [sflag:s25], $0x3800  }
0xde: {  	[sflag:s25] =	ssyncset.done $0x0  }
0xdf: {  	s4 =	simm.s32 $0x3E00;
	[sflag:s25] =	ssyncadd.s32 $0xFFFFC800  }
0xe0: {  	v2 =	vld [tilespmem:s4+$0xFFFFFF70]  }
0xe1: {  	v0 =	vld.idx.msk [tilespmem:v0+s13+$0x0], $0xffff  }
0xe2: {  	v3 =	vld [tilespmem:s4+$0xFFFFFF00]  }
0xe3: {  	v4 =	vld [tilespmem:s4+$0xFFFFFF20]  }
0xe4: {  	v5 =	vld [tilespmem:s4+$0xFFFFFF30]  }
0xe5: {  	v1 =	vld [tilespmem:s4+$0xFFFFFF50]  }
0xe6: {  	s15 =	simm.s32 $0x1;
	v7 =	vld [tilespmem:s4+$0xFFFFFF10];
	v2 =	vmul.f32 v0, v2  }
0xe7: {  	v9 =	vmov s15;
	v6 =	vld [tilespmem:s4+$0xFFFFFF60];
	v3 =	vmul.f32 v0, v3  }
0xe8: {  	v8 =	vld [tilespmem:s4+$0xFFFFFF40];
	v4 =	vmul.f32 v0, v4;
	[tilespmem:s4+$0xFFFFFF70] =	vst v2;
	v2 =	vand.u32 $0x7D, v9  }
0xe9: {  	v5 =	vmul.f32 v0, v5;
	[tilespmem:s4+$0xFFFFFF00] =	vst v3;
	v2 =	vor.u32 $0x80, v2  }
0xea: {  	v1 =	vmul.f32 v0, v1;
	[tilespmem:s4+$0xFFFFFF20] =	vst v4;
	v2 =	vbroadcast v2, $0x0  }
0xeb: {  	v3 =	vmul.f32 v0, v7;
	[tilespmem:s4+$0xFFFFFF30] =	vst v5  }
0xec: {  	v4 =	vmul.f32 v0, v6;
	[tilespmem:s4+$0xFFFFFF50] =	vst v1  }
0xed: {  	v0 =	vmul.f32 v0, v8;
	[tilespmem:s4+$0xFFFFFF10] =	vst v3  }
0xee: {  	v5 =	vld [tilespmem:s4+$0xFFFFFFB0];
	[tilespmem:s4+$0xFFFFFF60] =	vst v4  }
0xef: {  	[tilespmem:s4+$0xFFFFFF40] =	vst v0;
	v0 =	vld [tilespmem:s4+$0xFFFFFFD0]  }
0xf0: {  	v2 =	vld.idx.msk [tilespmem:v2+s13+$0x0], $0xffff  }
0xf1: {  	v3 =	vld [tilespmem:s4+$0xFFFFFF80]  }
0xf2: {  	v4 =	vld [tilespmem:s4+$0xFFFFFF90]  }
0xf3: {  	v6 =	vld [tilespmem:s4+$0xFFFFFFE0]  }
0xf4: {  	v7 =	vld [tilespmem:s4+$0xFFFFFFA0]  }
0xf5: {  	s26 =	simm.s32 $0x2;
	v0 =	vmul.f32 v2, v0  }
0xf6: {  	v63 =	vmov s26;
	v8 =	vld [tilespmem:s4+$0xFFFFFFC0];
	v3 =	vmul.f32 v2, v3  }
0xf7: {  	v1 =	vld [tilespmem:s4+$0xFFFFFFF0];
	v4 =	vmul.f32 v2, v4;
	[tilespmem:s4+$0xFFFFFFD0] =	vst v0;
	v0 =	vmul.f32 v2, v5;
	v5 =	vand.u32 $0x7E, v63  }
0xf8: {  	[tilespmem:s4+$0xFFFFFF80] =	vst v3;
	v3 =	vmul.f32 v2, v6;
	v5 =	vor.u32 $0x80, v5  }
0xf9: {  	[tilespmem:s4+$0xFFFFFF90] =	vst v4;
	v4 =	vmul.f32 v2, v7;
	v6 =	vbroadcast v5, $0x0  }
0xfa: {  	[tilespmem:s4+$0xFFFFFFB0] =	vst v0;
	v0 =	vld [tilespmem:s4+$0x40]  }
0xfb: {  	v5 =	vmul.f32 v2, v8;
	[tilespmem:s4+$0xFFFFFFA0] =	vst v4;
	v4 =	vld [tilespmem:s4+$0x20]  }
0xfc: {  	[tilespmem:s4+$0xFFFFFFE0] =	vst v3;
	v2 =	vmul.f32 v2, v1;
	v1 =	vld [tilespmem:s4+$0x50]  }
0xfd: {  	v3 =	vld [tilespmem:s4+$0x0];
	[tilespmem:s4+$0xFFFFFFC0] =	vst v5  }
0xfe: {  	[tilespmem:s4+$0xFFFFFFF0] =	vst v2;
	v5 =	vld [tilespmem:s4+$0x10]  }
0xff: {  	v2 =	vld.idx.msk [tilespmem:v6+s13+$0x0], $0xffff  }
0x100: {  	s7 =	simm.s32 $0x7;
	s26 =	simm.s32 $0x3E00;
	v6 =	vld [tilespmem:s4+$0x30]  }
.LBB2_6:
0x101: {  	p0 =	sne.s32 s7, $0x6F  }
0x102: {  	v7 =	vld [tilespmem:s4+$0x70];
	s26 =	sadd.s32 $0x200, s26;
	s15 =	smov.u32 s7;
	s7 =	sadd.s32 $0x4, s7  }
0x103: {  	v8 =	vld [tilespmem:s4+$0x60];
	_ =	sdelay $0x1  }
0x104: {  	v5 =	vmul.f32 v2, v5;
	v3 =	vmul.f32 v2, v3  }
0x105: {  	v9 =	vmov s1;
	s1 =	smov.u32 s15;
	v4 =	vmul.f32 v2, v4;
	v6 =	vmul.f32 v2, v6  }
0x106: {  	v0 =	vmul.f32 v2, v0;
	v1 =	vmul.f32 v2, v1;
	[tilespmem:s4+$0x10] =	vst v5;
	v5 =	vand.u32 $0x7F, v9  }
0x107: {  	[tilespmem:s4+$0x20] =	vst v4;
	v4 =	vmul.f32 v2, v8;
	v2 =	vmul.f32 v2, v7;
	v5 =	vor.u32 $0x80, v5  }
0x108: {  	[tilespmem:s4+$0x30] =	vst v6;
	v5 =	vbroadcast v5, $0x0;
	v6 =	vld [tilespmem:s4+$0x80]  }
0x109: {  	[tilespmem:s4+$0x40] =	vst v0;
	v7 =	vld [tilespmem:s4+$0xF0]  }
0x10a: {  	v0 =	vld [tilespmem:s26+$0x40];
	[tilespmem:s4+$0x50] =	vst v1  }
0x10b: {  	v1 =	vld [tilespmem:s26+$0x50];
	[tilespmem:s4+$0x70] =	vst v2  }
0x10c: {  	[tilespmem:s4+$0x60] =	vst v4;
	v2 =	vld [tilespmem:s4+$0xB0]  }
0x10d: {  	[tilespmem:s4+$0x0] =	vst v3;
	v3 =	vld [tilespmem:s4+$0xD0]  }
0x10e: {  	v4 =	vld.idx.msk [tilespmem:v5+s13+$0x0], $0xffff  }
0x10f: {  	v5 =	vld [tilespmem:s4+$0x90]  }
0x110: {  	v8 =	vld [tilespmem:s4+$0xA0]  }
0x111: {  	v9 =	vld [tilespmem:s4+$0xC0]  }
0x112: {  	v10 =	vld [tilespmem:s4+$0xE0];
	_ =	sdelay $0x1  }
0x113: {  	s15 =	sadd.s32 $0xFFFFFFFD, s1;
	v6 =	vmul.f32 v4, v6;
	v5 =	vmul.f32 v4, v5  }
0x114: {  	v11 =	vmov s15;
	v2 =	vmul.f32 v4, v2;
	v8 =	vmul.f32 v4, v8  }
0x115: {  	v11 =	vand.u32 $0x7C, v11;
	v3 =	vmul.f32 v4, v3;
	[tilespmem:s4+$0x80] =	vst v6;
	v6 =	vmul.f32 v4, v9  }
0x116: {  	v9 =	vor.u32 $0x80, v11;
	[tilespmem:s4+$0xA0] =	vst v8;
	v8 =	vmul.f32 v4, v10;
	v4 =	vmul.f32 v4, v7  }
0x117: {  	v7 =	vbroadcast v9, $0x0;
	[tilespmem:s4+$0xB0] =	vst v2  }
0x118: {  	[tilespmem:s4+$0xF0] =	vst v4  }
0x119: {  	v2 =	vld [tilespmem:s26+$0xFFFFFF50];
	[tilespmem:s4+$0xD0] =	vst v3  }
0x11a: {  	v3 =	vld [tilespmem:s26+$0xFFFFFF30];
	[tilespmem:s4+$0xC0] =	vst v6  }
0x11b: {  	v4 =	vld [tilespmem:s26+$0xFFFFFF60];
	[tilespmem:s4+$0x90] =	vst v5  }
0x11c: {  	v5 =	vld [tilespmem:s26+$0xFFFFFF70];
	[tilespmem:s4+$0xE0] =	vst v8;
	s4 =	smov.u32 s26  }
0x11d: {  	v6 =	vld.idx.msk [tilespmem:v7+s13+$0x0], $0xffff  }
0x11e: {  	v7 =	vld [tilespmem:s26+$0xFFFFFF00]  }
0x11f: {  	v8 =	vld [tilespmem:s26+$0xFFFFFF20]  }
0x120: {  	v9 =	vld [tilespmem:s26+$0xFFFFFF10]  }
0x121: {  	v10 =	vld [tilespmem:s26+$0xFFFFFF40];
	_ =	sdelay $0x1  }
0x122: {  	s15 =	sadd.s32 $0xFFFFFFFE, s1;
	v5 =	vmul.f32 v6, v5;
	v7 =	vmul.f32 v6, v7  }
0x123: {  	v11 =	vmov s15;
	v4 =	vmul.f32 v6, v4;
	v8 =	vmul.f32 v6, v8  }
0x124: {  	v3 =	vmul.f32 v6, v3;
	v9 =	vmul.f32 v6, v9;
	[tilespmem:s26+$0xFFFFFF70] =	vst v5;
	v5 =	vand.u32 $0x7D, v11  }
0x125: {  	v2 =	vmul.f32 v6, v2;
	[tilespmem:s26+$0xFFFFFF00] =	vst v7;
	v7 =	vmul.f32 v6, v10;
	v5 =	vor.u32 $0x80, v5  }
0x126: {  	[tilespmem:s26+$0xFFFFFF20] =	vst v8;
	v5 =	vbroadcast v5, $0x0  }
0x127: {  	[tilespmem:s26+$0xFFFFFF30] =	vst v3  }
0x128: {  	[tilespmem:s26+$0xFFFFFF50] =	vst v2;
	v2 =	vld [tilespmem:s26+$0xFFFFFFF0]  }
0x129: {  	[tilespmem:s26+$0xFFFFFF10] =	vst v9;
	v3 =	vld [tilespmem:s26+$0xFFFFFFC0]  }
0x12a: {  	[tilespmem:s26+$0xFFFFFF60] =	vst v4;
	v4 =	vld [tilespmem:s26+$0xFFFFFFB0]  }
0x12b: {  	[tilespmem:s26+$0xFFFFFF40] =	vst v7;
	v6 =	vld [tilespmem:s26+$0xFFFFFFD0]  }
0x12c: {  	v5 =	vld.idx.msk [tilespmem:v5+s13+$0x0], $0xffff  }
0x12d: {  	v7 =	vld [tilespmem:s26+$0xFFFFFF80]  }
0x12e: {  	v8 =	vld [tilespmem:s26+$0xFFFFFF90]  }
0x12f: {  	v9 =	vld [tilespmem:s26+$0xFFFFFFA0]  }
0x130: {  	v10 =	vld [tilespmem:s26+$0xFFFFFFE0];
	_ =	sdelay $0x1  }
0x131: {  	s15 =	sadd.s32 $0xFFFFFFFF, s1;
	v6 =	vmul.f32 v5, v6;
	v7 =	vmul.f32 v5, v7  }
0x132: {  	v11 =	vmov s15;
	v4 =	vmul.f32 v5, v4;
	v8 =	vmul.f32 v5, v8  }
0x133: {  	v3 =	vmul.f32 v5, v3;
	v9 =	vmul.f32 v5, v9;
	[tilespmem:s26+$0xFFFFFFD0] =	vst v6;
	v6 =	vand.u32 $0x7E, v11  }
0x134: {  	v2 =	vmul.f32 v5, v2;
	[tilespmem:s26+$0xFFFFFF80] =	vst v7;
	v7 =	vmul.f32 v5, v10;
	v5 =	vor.u32 $0x80, v6  }
0x135: {  	[tilespmem:s26+$0xFFFFFF90] =	vst v8;
	v6 =	vbroadcast v5, $0x0  }
0x136: {  	[tilespmem:s26+$0xFFFFFFB0] =	vst v4  }
0x137: {  	[tilespmem:s26+$0xFFFFFFE0] =	vst v7  }
0x138: {  	[tilespmem:s26+$0xFFFFFFA0] =	vst v9  }
.Ltmp2:
0x139: {  	[tilespmem:s26+$0xFFFFFFC0] =	vst v3;
	v4 =	vld [tilespmem:s26+$0x20];
	(pc) =	sbr.rel @p0 .LBB2_6-.Ltmp2, $4  }
0x13a: {  	[tilespmem:s26+$0xFFFFFFF0] =	vst v2;
	v5 =	vld [tilespmem:s26+$0x10]  }
0x13b: {  	v2 =	vld.idx.msk [tilespmem:v6+s13+$0x0], $0xffff  }
0x13c: {  	v3 =	vld [tilespmem:s26+$0x0]  }
0x13d: {  	v6 =	vld [tilespmem:s26+$0x30]  }
0x13e: {  	_ =	sdelay $0x1  }
0x13f: {  	v5 =	vmul.f32 v2, v5  }
0x140: {  	v7 =	vld [tilespmem:s4+$0x70];
	v9 =	vmov s1;
	v4 =	vmul.f32 v2, v4  }
0x141: {  	v8 =	vld [tilespmem:s4+$0x60];
	v0 =	vmul.f32 v2, v0;
	[tilespmem:s4+$0x10] =	vst v5;
	v5 =	vand.u32 $0x7F, v9  }
0x142: {  	v1 =	vmul.f32 v2, v1;
	[tilespmem:s4+$0x20] =	vst v4;
	v4 =	vor.u32 $0x80, v5  }
0x143: {  	v6 =	vmul.f32 v2, v6;
	[tilespmem:s4+$0x40] =	vst v0;
	v4 =	vbroadcast v4, $0x0  }
0x144: {  	[tilespmem:s4+$0x50] =	vst v1;
	v1 =	vmul.f32 v2, v3  }
0x145: {  	v5 =	vmul.f32 v2, v7;
	[tilespmem:s4+$0x30] =	vst v6  }
0x146: {  	v0 =	vmul.f32 v2, v8;
	[tilespmem:s4+$0x0] =	vst v1  }
0x147: {  	[tilespmem:s4+$0x70] =	vst v5  }
0x148: {  	v6 =	vld [tilespmem:s4+$0x80];
	[tilespmem:s4+$0x60] =	vst v0  }
0x149: {  	v0 =	vld.idx.msk [tilespmem:v4+s13+$0x0], $0xffff  }
0x14a: {  	v1 =	vld [tilespmem:s4+$0xA0]  }
0x14b: {  	v2 =	vld [tilespmem:s4+$0xB0]  }
0x14c: {  	v3 =	vld [tilespmem:s4+$0xF0]  }
0x14d: {  	v4 =	vld [tilespmem:s4+$0xD0]  }
0x14e: {  	v5 =	vld [tilespmem:s4+$0xC0];
	v6 =	vmul.f32 v0, v6  }
0x14f: {  	v7 =	vld [tilespmem:s4+$0x90];
	v1 =	vmul.f32 v0, v1  }
0x150: {  	v8 =	vld [tilespmem:s4+$0xE0];
	v2 =	vmul.f32 v0, v2;
	[tilespmem:s4+$0x80] =	vst v6  }
0x151: {  	[tilespmem:s4+$0xA0] =	vst v1;
	v1 =	vmul.f32 v0, v3  }
0x152: {  	v3 =	vmul.f32 v0, v4;
	[tilespmem:s4+$0xB0] =	vst v2  }
0x153: {  	v2 =	vmul.f32 v0, v5;
	[tilespmem:s4+$0xF0] =	vst v1  }
0x154: {  	v1 =	vmul.f32 v0, v7;
	[tilespmem:s4+$0xD0] =	vst v3  }
0x155: {  	v0 =	vmul.f32 v0, v8;
	[tilespmem:s4+$0xC0] =	vst v2  }
0x156: {  	[tilespmem:s4+$0x90] =	vst v1  }
0x157: {  	[tilespmem:s4+$0xE0] =	vst v0  }
0x158: {  	_ =	swait.ge [sflag:s16], $0x100  }
0x159: {  	[sflag:s16] =	ssyncset.done $0x0  }
0x15a: {  	[sflag:s16] =	ssyncadd.s32 $0xFFFFFF00  }
0x15b: {  	_ =	swait.ge [sflag:s16], $0x80  }
0x15c: {  	[sflag:s16] =	ssyncset.done $0x0  }
0x15d: {  	s7 =	sadd.s32 $0x4, s0;
	[sflag:s16] =	ssyncadd.s32 $0xFFFFFF80  }
0x15e: {  	[tilespmem:s8], [sflag:$0x4] =	stream.indirect.gather [hbm4b:s3+s17], $0x80, s12, s17, $0xb8;
	[tilespmem:$0x1ED00] =	vst v63  }
0x15f: {  	s15 =	sshll.u32 s7, $0x8;
	s4 =	simm.s32 $0x180  }
0x160: {  	[spmem:s2] =	stream.indirect.scatter.add.f32 [tilespmem:s19], [sflag:$0x7], $0x80, s4, s17, $0xb8;
	[tilespmem:$0x1ED00] =	vst v63  }
0x161: {  	s1 =	sshll.u32 s7, $0x7;
	s4 =	sadd.s32 s10, s15;
	_ =	swait.ge [sflag:s9], $0x3800  }
0x162: {  	s7 =	simm.s32 $0x0;
	s4 =	sshrl.u32 s4, $0x3;
	[sflag:s9] =	ssyncset.done $0x0  }
0x163: {  	s26 =	sand.u32 $0xFC00, s1;
	s4 =	sadd.s32 s5, s4;
	[sflag:s9] =	ssyncadd.s32 $0xFFFFC800  }
0x164: {  	[tilespmem:s14], [sflag:$0x2] =	stream.linear.gather [hbm4b:s4+s12], $0x100, $0x38;
	[tilespmem:$0x1ED00] =	vst v63  }
0x165: {  	s1 =	sand.u32 $0x300, s1;
	v0 =	vmov s7;
	s4 =	sadd.s32 s11, s26  }
0x166: {  	v0 =	vand.u32 $0x7C, v0;
	s1 =	sor.u32 s1, s4  }
0x167: {  	v0 =	vor.u32 $0x100, v0;
	s1 =	sshrl.u32 s1, $0x3  }
0x168: {  	s7 =	simm.s32 $0x380;
	v0 =	vbroadcast v0, $0x0;
	s1 =	sadd.s32 s6, s1  }
0x169: {  	[tilespmem:s7], [sflag:$0x2] =	stream.linear.gather [hbm4b:s1+s12], $0x80, $0x38;
	[tilespmem:$0x1ED00] =	vst v63  }
0x16a: {  	_ =	swait.ge [sflag:s28], $0x3800  }
0x16b: {  	[sflag:s28] =	ssyncset.done $0x0  }
0x16c: {  	s4 =	simm.s32 $0x7600;
	[sflag:s28] =	ssyncadd.s32 $0xFFFFC800  }
0x16d: {  	v2 =	vld [tilespmem:s4+$0xFFFFFF70]  }
0x16e: {  	v0 =	vld.idx.msk [tilespmem:v0+s13+$0x0], $0xffff  }
0x16f: {  	v3 =	vld [tilespmem:s4+$0xFFFFFF00]  }
0x170: {  	v4 =	vld [tilespmem:s4+$0xFFFFFF20]  }
0x171: {  	v5 =	vld [tilespmem:s4+$0xFFFFFF30]  }
0x172: {  	v1 =	vld [tilespmem:s4+$0xFFFFFF50]  }
0x173: {  	s15 =	simm.s32 $0x1;
	v7 =	vld [tilespmem:s4+$0xFFFFFF10];
	v2 =	vmul.f32 v0, v2  }
0x174: {  	v62 =	vmov s15;
	v6 =	vld [tilespmem:s4+$0xFFFFFF60];
	v3 =	vmul.f32 v0, v3  }
0x175: {  	v8 =	vld [tilespmem:s4+$0xFFFFFF40];
	v4 =	vmul.f32 v0, v4;
	[tilespmem:s4+$0xFFFFFF70] =	vst v2;
	v2 =	vand.u32 $0x7D, v62  }
0x176: {  	v5 =	vmul.f32 v0, v5;
	[tilespmem:s4+$0xFFFFFF00] =	vst v3;
	v2 =	vor.u32 $0x100, v2  }
0x177: {  	v1 =	vmul.f32 v0, v1;
	[tilespmem:s4+$0xFFFFFF20] =	vst v4;
	v2 =	vbroadcast v2, $0x0  }
0x178: {  	v3 =	vmul.f32 v0, v7;
	[tilespmem:s4+$0xFFFFFF30] =	vst v5  }
0x179: {  	v4 =	vmul.f32 v0, v6;
	[tilespmem:s4+$0xFFFFFF50] =	vst v1  }
0x17a: {  	v0 =	vmul.f32 v0, v8;
	[tilespmem:s4+$0xFFFFFF10] =	vst v3  }
0x17b: {  	v5 =	vld [tilespmem:s4+$0xFFFFFFB0];
	[tilespmem:s4+$0xFFFFFF60] =	vst v4  }
0x17c: {  	[tilespmem:s4+$0xFFFFFF40] =	vst v0;
	v0 =	vld [tilespmem:s4+$0xFFFFFFD0]  }
0x17d: {  	v2 =	vld.idx.msk [tilespmem:v2+s13+$0x0], $0xffff  }
0x17e: {  	v3 =	vld [tilespmem:s4+$0xFFFFFF80]  }
0x17f: {  	v4 =	vld [tilespmem:s4+$0xFFFFFF90]  }
0x180: {  	v6 =	vld [tilespmem:s4+$0xFFFFFFE0]  }
0x181: {  	v7 =	vld [tilespmem:s4+$0xFFFFFFA0]  }
0x182: {  	s26 =	simm.s32 $0x2;
	v0 =	vmul.f32 v2, v0  }
0x183: {  	v63 =	vmov s26;
	v8 =	vld [tilespmem:s4+$0xFFFFFFC0];
	v3 =	vmul.f32 v2, v3  }
0x184: {  	v1 =	vld [tilespmem:s4+$0xFFFFFFF0];
	v4 =	vmul.f32 v2, v4;
	[tilespmem:s4+$0xFFFFFFD0] =	vst v0;
	v0 =	vmul.f32 v2, v5;
	v5 =	vand.u32 $0x7E, v63  }
0x185: {  	[tilespmem:s4+$0xFFFFFF80] =	vst v3;
	v3 =	vmul.f32 v2, v6;
	v5 =	vor.u32 $0x100, v5  }
0x186: {  	[tilespmem:s4+$0xFFFFFF90] =	vst v4;
	v4 =	vmul.f32 v2, v7;
	v6 =	vbroadcast v5, $0x0  }
0x187: {  	[tilespmem:s4+$0xFFFFFFB0] =	vst v0;
	v0 =	vld [tilespmem:s4+$0x40]  }
0x188: {  	v5 =	vmul.f32 v2, v8;
	[tilespmem:s4+$0xFFFFFFA0] =	vst v4;
	v4 =	vld [tilespmem:s4+$0x20]  }
0x189: {  	[tilespmem:s4+$0xFFFFFFE0] =	vst v3;
	v2 =	vmul.f32 v2, v1;
	v1 =	vld [tilespmem:s4+$0x50]  }
0x18a: {  	v3 =	vld [tilespmem:s4+$0x0];
	[tilespmem:s4+$0xFFFFFFC0] =	vst v5  }
0x18b: {  	[tilespmem:s4+$0xFFFFFFF0] =	vst v2;
	v5 =	vld [tilespmem:s4+$0x10]  }
0x18c: {  	v2 =	vld.idx.msk [tilespmem:v6+s13+$0x0], $0xffff  }
0x18d: {  	s26 =	simm.s32 $0x7600;
	s1 =	simm.s32 $0x3;
	s7 =	simm.s32 $0x7;
	v6 =	vld [tilespmem:s4+$0x30]  }
.LBB2_8:
0x18e: {  	p0 =	sne.s32 s7, $0x6F  }
0x18f: {  	v7 =	vld [tilespmem:s4+$0x70];
	s26 =	sadd.s32 $0x200, s26;
	s15 =	smov.u32 s7;
	s7 =	sadd.s32 $0x4, s7  }
0x190: {  	v8 =	vld [tilespmem:s4+$0x60];
	_ =	sdelay $0x1  }
0x191: {  	v5 =	vmul.f32 v2, v5;
	v3 =	vmul.f32 v2, v3  }
0x192: {  	v9 =	vmov s1;
	s1 =	smov.u32 s15;
	v4 =	vmul.f32 v2, v4;
	v6 =	vmul.f32 v2, v6  }
0x193: {  	v0 =	vmul.f32 v2, v0;
	v1 =	vmul.f32 v2, v1;
	[tilespmem:s4+$0x10] =	vst v5;
	v5 =	vand.u32 $0x7F, v9  }
0x194: {  	[tilespmem:s4+$0x20] =	vst v4;
	v4 =	vmul.f32 v2, v8;
	v2 =	vmul.f32 v2, v7;
	v5 =	vor.u32 $0x100, v5  }
0x195: {  	[tilespmem:s4+$0x30] =	vst v6;
	v5 =	vbroadcast v5, $0x0;
	v6 =	vld [tilespmem:s4+$0x80]  }
0x196: {  	[tilespmem:s4+$0x40] =	vst v0;
	v7 =	vld [tilespmem:s4+$0xF0]  }
0x197: {  	v0 =	vld [tilespmem:s26+$0x40];
	[tilespmem:s4+$0x50] =	vst v1  }
0x198: {  	v1 =	vld [tilespmem:s26+$0x50];
	[tilespmem:s4+$0x70] =	vst v2  }
0x199: {  	[tilespmem:s4+$0x60] =	vst v4;
	v2 =	vld [tilespmem:s4+$0xB0]  }
0x19a: {  	[tilespmem:s4+$0x0] =	vst v3;
	v3 =	vld [tilespmem:s4+$0xD0]  }
0x19b: {  	v4 =	vld.idx.msk [tilespmem:v5+s13+$0x0], $0xffff  }
0x19c: {  	v5 =	vld [tilespmem:s4+$0x90]  }
0x19d: {  	v8 =	vld [tilespmem:s4+$0xA0]  }
0x19e: {  	v9 =	vld [tilespmem:s4+$0xC0]  }
0x19f: {  	v10 =	vld [tilespmem:s4+$0xE0];
	_ =	sdelay $0x1  }
0x1a0: {  	s15 =	sadd.s32 $0xFFFFFFFD, s1;
	v6 =	vmul.f32 v4, v6;
	v5 =	vmul.f32 v4, v5  }
0x1a1: {  	v11 =	vmov s15;
	v2 =	vmul.f32 v4, v2;
	v8 =	vmul.f32 v4, v8  }
0x1a2: {  	v11 =	vand.u32 $0x7C, v11;
	v3 =	vmul.f32 v4, v3;
	[tilespmem:s4+$0x80] =	vst v6;
	v6 =	vmul.f32 v4, v9  }
0x1a3: {  	v9 =	vor.u32 $0x100, v11;
	[tilespmem:s4+$0xA0] =	vst v8;
	v8 =	vmul.f32 v4, v10;
	v4 =	vmul.f32 v4, v7  }
0x1a4: {  	v7 =	vbroadcast v9, $0x0;
	[tilespmem:s4+$0xB0] =	vst v2  }
0x1a5: {  	[tilespmem:s4+$0xF0] =	vst v4  }
0x1a6: {  	v2 =	vld [tilespmem:s26+$0xFFFFFF50];
	[tilespmem:s4+$0xD0] =	vst v3  }
0x1a7: {  	v3 =	vld [tilespmem:s26+$0xFFFFFF30];
	[tilespmem:s4+$0xC0] =	vst v6  }
0x1a8: {  	v4 =	vld [tilespmem:s26+$0xFFFFFF60];
	[tilespmem:s4+$0x90] =	vst v5  }
0x1a9: {  	v5 =	vld [tilespmem:s26+$0xFFFFFF70];
	[tilespmem:s4+$0xE0] =	vst v8;
	s4 =	smov.u32 s26  }
0x1aa: {  	v6 =	vld.idx.msk [tilespmem:v7+s13+$0x0], $0xffff  }
0x1ab: {  	v7 =	vld [tilespmem:s26+$0xFFFFFF00]  }
0x1ac: {  	v8 =	vld [tilespmem:s26+$0xFFFFFF20]  }
0x1ad: {  	v9 =	vld [tilespmem:s26+$0xFFFFFF10]  }
0x1ae: {  	v10 =	vld [tilespmem:s26+$0xFFFFFF40];
	_ =	sdelay $0x1  }
0x1af: {  	s15 =	sadd.s32 $0xFFFFFFFE, s1;
	v5 =	vmul.f32 v6, v5;
	v7 =	vmul.f32 v6, v7  }
0x1b0: {  	v11 =	vmov s15;
	v4 =	vmul.f32 v6, v4;
	v8 =	vmul.f32 v6, v8  }
0x1b1: {  	v3 =	vmul.f32 v6, v3;
	v9 =	vmul.f32 v6, v9;
	[tilespmem:s26+$0xFFFFFF70] =	vst v5;
	v5 =	vand.u32 $0x7D, v11  }
0x1b2: {  	v2 =	vmul.f32 v6, v2;
	[tilespmem:s26+$0xFFFFFF00] =	vst v7;
	v7 =	vmul.f32 v6, v10;
	v5 =	vor.u32 $0x100, v5  }
0x1b3: {  	[tilespmem:s26+$0xFFFFFF20] =	vst v8;
	v5 =	vbroadcast v5, $0x0  }
0x1b4: {  	[tilespmem:s26+$0xFFFFFF30] =	vst v3  }
0x1b5: {  	[tilespmem:s26+$0xFFFFFF50] =	vst v2;
	v2 =	vld [tilespmem:s26+$0xFFFFFFF0]  }
0x1b6: {  	[tilespmem:s26+$0xFFFFFF10] =	vst v9;
	v3 =	vld [tilespmem:s26+$0xFFFFFFC0]  }
0x1b7: {  	[tilespmem:s26+$0xFFFFFF60] =	vst v4;
	v4 =	vld [tilespmem:s26+$0xFFFFFFB0]  }
0x1b8: {  	[tilespmem:s26+$0xFFFFFF40] =	vst v7;
	v6 =	vld [tilespmem:s26+$0xFFFFFFD0]  }
0x1b9: {  	v5 =	vld.idx.msk [tilespmem:v5+s13+$0x0], $0xffff  }
0x1ba: {  	v7 =	vld [tilespmem:s26+$0xFFFFFF80]  }
0x1bb: {  	v8 =	vld [tilespmem:s26+$0xFFFFFF90]  }
0x1bc: {  	v9 =	vld [tilespmem:s26+$0xFFFFFFA0]  }
0x1bd: {  	v10 =	vld [tilespmem:s26+$0xFFFFFFE0];
	_ =	sdelay $0x1  }
0x1be: {  	s15 =	sadd.s32 $0xFFFFFFFF, s1;
	v6 =	vmul.f32 v5, v6;
	v7 =	vmul.f32 v5, v7  }
0x1bf: {  	v11 =	vmov s15;
	v4 =	vmul.f32 v5, v4;
	v8 =	vmul.f32 v5, v8  }
0x1c0: {  	v3 =	vmul.f32 v5, v3;
	v9 =	vmul.f32 v5, v9;
	[tilespmem:s26+$0xFFFFFFD0] =	vst v6;
	v6 =	vand.u32 $0x7E, v11  }
0x1c1: {  	v2 =	vmul.f32 v5, v2;
	[tilespmem:s26+$0xFFFFFF80] =	vst v7;
	v7 =	vmul.f32 v5, v10;
	v5 =	vor.u32 $0x100, v6  }
0x1c2: {  	[tilespmem:s26+$0xFFFFFF90] =	vst v8;
	v6 =	vbroadcast v5, $0x0  }
0x1c3: {  	[tilespmem:s26+$0xFFFFFFB0] =	vst v4  }
0x1c4: {  	[tilespmem:s26+$0xFFFFFFE0] =	vst v7  }
0x1c5: {  	[tilespmem:s26+$0xFFFFFFA0] =	vst v9  }
.Ltmp3:
0x1c6: {  	[tilespmem:s26+$0xFFFFFFC0] =	vst v3;
	v4 =	vld [tilespmem:s26+$0x20];
	(pc) =	sbr.rel @p0 .LBB2_8-.Ltmp3, $4  }
0x1c7: {  	[tilespmem:s26+$0xFFFFFFF0] =	vst v2;
	v5 =	vld [tilespmem:s26+$0x10]  }
0x1c8: {  	v2 =	vld.idx.msk [tilespmem:v6+s13+$0x0], $0xffff  }
0x1c9: {  	v3 =	vld [tilespmem:s26+$0x0]  }
0x1ca: {  	v6 =	vld [tilespmem:s26+$0x30]  }
0x1cb: {  	_ =	sdelay $0x1  }
0x1cc: {  	v5 =	vmul.f32 v2, v5  }
0x1cd: {  	v7 =	vld [tilespmem:s4+$0x70];
	v9 =	vmov s1;
	v4 =	vmul.f32 v2, v4  }
0x1ce: {  	v8 =	vld [tilespmem:s4+$0x60];
	v0 =	vmul.f32 v2, v0;
	[tilespmem:s4+$0x10] =	vst v5;
	v5 =	vand.u32 $0x7F, v9  }
0x1cf: {  	v1 =	vmul.f32 v2, v1;
	[tilespmem:s4+$0x20] =	vst v4;
	v4 =	vor.u32 $0x100, v5  }
0x1d0: {  	v6 =	vmul.f32 v2, v6;
	[tilespmem:s4+$0x40] =	vst v0;
	v4 =	vbroadcast v4, $0x0  }
0x1d1: {  	[tilespmem:s4+$0x50] =	vst v1;
	v1 =	vmul.f32 v2, v3  }
0x1d2: {  	v5 =	vmul.f32 v2, v7;
	[tilespmem:s4+$0x30] =	vst v6  }
0x1d3: {  	v0 =	vmul.f32 v2, v8;
	[tilespmem:s4+$0x0] =	vst v1  }
0x1d4: {  	[tilespmem:s4+$0x70] =	vst v5  }
0x1d5: {  	v6 =	vld [tilespmem:s4+$0x80];
	[tilespmem:s4+$0x60] =	vst v0  }
0x1d6: {  	v0 =	vld.idx.msk [tilespmem:v4+s13+$0x0], $0xffff  }
0x1d7: {  	v1 =	vld [tilespmem:s4+$0xA0]  }
0x1d8: {  	v2 =	vld [tilespmem:s4+$0xB0]  }
0x1d9: {  	v3 =	vld [tilespmem:s4+$0xF0]  }
0x1da: {  	v4 =	vld [tilespmem:s4+$0xD0]  }
0x1db: {  	v5 =	vld [tilespmem:s4+$0xC0];
	v6 =	vmul.f32 v0, v6  }
0x1dc: {  	v7 =	vld [tilespmem:s4+$0x90];
	v1 =	vmul.f32 v0, v1  }
0x1dd: {  	v8 =	vld [tilespmem:s4+$0xE0];
	v2 =	vmul.f32 v0, v2;
	[tilespmem:s4+$0x80] =	vst v6  }
0x1de: {  	[tilespmem:s4+$0xA0] =	vst v1;
	v1 =	vmul.f32 v0, v3  }
0x1df: {  	v3 =	vmul.f32 v0, v4;
	[tilespmem:s4+$0xB0] =	vst v2  }
0x1e0: {  	v2 =	vmul.f32 v0, v5;
	[tilespmem:s4+$0xF0] =	vst v1  }
0x1e1: {  	v1 =	vmul.f32 v0, v7;
	[tilespmem:s4+$0xD0] =	vst v3  }
0x1e2: {  	v0 =	vmul.f32 v0, v8;
	[tilespmem:s4+$0xC0] =	vst v2  }
0x1e3: {  	[tilespmem:s4+$0x90] =	vst v1  }
0x1e4: {  	[tilespmem:s4+$0xE0] =	vst v0  }
0x1e5: {  	_ =	swait.ge [sflag:s18], $0x100  }
0x1e6: {  	[sflag:s18] =	ssyncset.done $0x0  }
0x1e7: {  	[sflag:s18] =	ssyncadd.s32 $0xFFFFFF00  }
0x1e8: {  	_ =	swait.ge [sflag:s18], $0x80  }
0x1e9: {  	[sflag:s18] =	ssyncset.done $0x0  }
0x1ea: {  	s7 =	sadd.s32 $0x5, s0;
	[sflag:s18] =	ssyncadd.s32 $0xFFFFFF80  }
0x1eb: {  	[tilespmem:s19], [sflag:$0x5] =	stream.indirect.gather [hbm4b:s3+s17], $0x80, s14, s17, $0xb8;
	[tilespmem:$0x1ED00] =	vst v63  }
0x1ec: {  	s15 =	sshll.u32 s7, $0x8  }
0x1ed: {  	[spmem:s2] =	stream.indirect.scatter.add.f32 [tilespmem:s23], [sflag:$0x7], $0x80, s29, s17, $0xb8;
	[tilespmem:$0x1ED00] =	vst v63  }
0x1ee: {  	s4 =	sadd.s32 s10, s15;
	_ =	swait.ge [sflag:s9], $0x3800  }
0x1ef: {  	s1 =	sshll.u32 s7, $0x7;
	s4 =	sshrl.u32 s4, $0x3;
	[sflag:s9] =	ssyncset.done $0x0  }
0x1f0: {  	s26 =	sand.u32 $0xFC00, s1;
	s4 =	sadd.s32 s5, s4;
	[sflag:s9] =	ssyncadd.s32 $0xFFFFC800  }
0x1f1: {  	[tilespmem:s20], [sflag:$0x3] =	stream.linear.gather [hbm4b:s4+s12], $0x100, $0x38;
	[tilespmem:$0x1ED00] =	vst v63  }
0x1f2: {  	s7 =	simm.s32 $0x0;
	s1 =	sand.u32 $0x380, s1;
	s4 =	sadd.s32 s11, s26  }
0x1f3: {  	v0 =	vmov s7;
	s1 =	sor.u32 s1, s4  }
0x1f4: {  	v0 =	vand.u32 $0xFFFFFFFC, v0;
	s1 =	sshrl.u32 s1, $0x3  }
0x1f5: {  	v0 =	vbroadcast v0, $0x0;
	s1 =	sadd.s32 s6, s1  }
0x1f6: {  	[tilespmem:s21], [sflag:$0x3] =	stream.linear.gather [hbm4b:s1+s12], $0x80, $0x38;
	[tilespmem:$0x1ED00] =	vst v63  }
0x1f7: {  	_ =	swait.ge [sflag:s22], $0x3800  }
0x1f8: {  	[sflag:s22] =	ssyncset.done $0x0  }
0x1f9: {  	s1 =	simm.s32 $0x600;
	[sflag:s22] =	ssyncadd.s32 $0xFFFFC800  }
0x1fa: {  	v2 =	vld [tilespmem:s1+$0xFFFFFF70]  }
0x1fb: {  	v0 =	vld.idx.msk [tilespmem:v0+s13+$0x0], $0xffff  }
0x1fc: {  	v3 =	vld [tilespmem:s1+$0xFFFFFF00]  }
0x1fd: {  	v4 =	vld [tilespmem:s1+$0xFFFFFF20]  }
0x1fe: {  	v5 =	vld [tilespmem:s1+$0xFFFFFF30]  }
0x1ff: {  	v1 =	vld [tilespmem:s1+$0xFFFFFF50]  }
0x200: {  	v7 =	vld [tilespmem:s1+$0xFFFFFF10];
	v2 =	vmul.f32 v0, v2  }
0x201: {  	s15 =	simm.s32 $0x1;
	v6 =	vld [tilespmem:s1+$0xFFFFFF60];
	v3 =	vmul.f32 v0, v3  }
0x202: {  	v8 =	vld [tilespmem:s1+$0xFFFFFF40];
	v4 =	vmul.f32 v0, v4;
	[tilespmem:s1+$0xFFFFFF70] =	vst v2;
	v2 =	vmov s15  }
0x203: {  	v5 =	vmul.f32 v0, v5;
	[tilespmem:s1+$0xFFFFFF00] =	vst v3;
	v2 =	vand.u32 $0xFFFFFFFD, v2  }
0x204: {  	v1 =	vmul.f32 v0, v1;
	[tilespmem:s1+$0xFFFFFF20] =	vst v4;
	v2 =	vbroadcast v2, $0x0  }
0x205: {  	v3 =	vmul.f32 v0, v7;
	[tilespmem:s1+$0xFFFFFF30] =	vst v5  }
0x206: {  	v4 =	vmul.f32 v0, v6;
	[tilespmem:s1+$0xFFFFFF50] =	vst v1  }
0x207: {  	v0 =	vmul.f32 v0, v8;
	[tilespmem:s1+$0xFFFFFF10] =	vst v3  }
0x208: {  	[tilespmem:s1+$0xFFFFFF60] =	vst v4  }
0x209: {  	[tilespmem:s1+$0xFFFFFF40] =	vst v0;
	v0 =	vld [tilespmem:s1+$0xFFFFFF80]  }
0x20a: {  	v2 =	vld.idx.msk [tilespmem:v2+s13+$0x0], $0xffff  }
0x20b: {  	v1 =	vld [tilespmem:s1+$0xFFFFFFA0]  }
0x20c: {  	v3 =	vld [tilespmem:s1+$0xFFFFFF90]  }
0x20d: {  	v4 =	vld [tilespmem:s1+$0xFFFFFFD0]  }
0x20e: {  	v5 =	vld [tilespmem:s1+$0xFFFFFFE0]  }
0x20f: {  	v6 =	vld [tilespmem:s1+$0xFFFFFFF0];
	v0 =	vmul.f32 v2, v0  }
0x210: {  	s26 =	simm.s32 $0x2;
	v7 =	vld [tilespmem:s1+$0xFFFFFFB0];
	v1 =	vmul.f32 v2, v1  }
0x211: {  	v8 =	vld [tilespmem:s1+$0xFFFFFFC0];
	v3 =	vmul.f32 v2, v3;
	[tilespmem:s1+$0xFFFFFF80] =	vst v0;
	v0 =	vmov s26  }
0x212: {  	v4 =	vmul.f32 v2, v4;
	[tilespmem:s1+$0xFFFFFFA0] =	vst v1;
	v0 =	vand.u32 $0xFFFFFFFE, v0  }
0x213: {  	v1 =	vmul.f32 v2, v5;
	[tilespmem:s1+$0xFFFFFF90] =	vst v3;
	v3 =	vbroadcast v0, $0x0  }
0x214: {  	v5 =	vmul.f32 v2, v6;
	[tilespmem:s1+$0xFFFFFFD0] =	vst v4;
	v6 =	vld [tilespmem:s1+$0x30]  }
0x215: {  	v4 =	vmul.f32 v2, v7;
	v0 =	vld [tilespmem:s1+$0x40];
	[tilespmem:s1+$0xFFFFFFE0] =	vst v1  }
0x216: {  	v2 =	vmul.f32 v2, v8;
	v1 =	vld [tilespmem:s1+$0x70];
	[tilespmem:s1+$0xFFFFFFF0] =	vst v5  }
0x217: {  	[tilespmem:s1+$0xFFFFFFB0] =	vst v4;
	v4 =	vld [tilespmem:s1+$0x20]  }
0x218: {  	[tilespmem:s1+$0xFFFFFFC0] =	vst v2;
	v5 =	vld [tilespmem:s1+$0x0]  }
0x219: {  	v2 =	vld.idx.msk [tilespmem:v3+s13+$0x0], $0xffff  }
0x21a: {  	s7 =	simm.s32 $0x7;
	s4 =	simm.s32 $0x3;
	s26 =	simm.s32 $0x600;
	v3 =	vld [tilespmem:s1+$0x10]  }
.LBB2_10:
0x21b: {  	p0 =	sne.s32 s7, $0x6F  }
0x21c: {  	v7 =	vld [tilespmem:s1+$0x50];
	s26 =	sadd.s32 $0x200, s26;
	s15 =	smov.u32 s7;
	s7 =	sadd.s32 $0x4, s7  }
0x21d: {  	v8 =	vld [tilespmem:s1+$0x60];
	_ =	sdelay $0x1  }
0x21e: {  	v5 =	vmul.f32 v2, v5;
	v3 =	vmul.f32 v2, v3  }
0x21f: {  	v4 =	vmul.f32 v2, v4;
	v6 =	vmul.f32 v2, v6  }
0x220: {  	v0 =	vmul.f32 v2, v0;
	v1 =	vmul.f32 v2, v1;
	[tilespmem:s1+$0x0] =	vst v5  }
0x221: {  	[tilespmem:s1+$0x20] =	vst v4;
	v4 =	vmul.f32 v2, v7;
	v2 =	vmul.f32 v2, v8  }
0x222: {  	[tilespmem:s1+$0x30] =	vst v6;
	v5 =	vld [tilespmem:s1+$0x80]  }
0x223: {  	[tilespmem:s1+$0x60] =	vst v2;
	v2 =	vmov s4;
	v6 =	vld [tilespmem:s1+$0xD0];
	s4 =	smov.u32 s15  }
0x224: {  	[tilespmem:s1+$0x50] =	vst v4;
	v4 =	vld [tilespmem:s1+$0xE0]  }
0x225: {  	[tilespmem:s1+$0x40] =	vst v0;
	v7 =	vld [tilespmem:s1+$0xB0]  }
0x226: {  	v0 =	vld [tilespmem:s26+$0x40];
	[tilespmem:s1+$0x70] =	vst v1  }
0x227: {  	v1 =	vld [tilespmem:s26+$0x70];
	[tilespmem:s1+$0x10] =	vst v3  }
0x228: {  	v2 =	vld.idx.msk [tilespmem:v2+s13+$0x0], $0xffff  }
0x229: {  	v3 =	vld [tilespmem:s1+$0x90]  }
0x22a: {  	v8 =	vld [tilespmem:s1+$0xA0]  }
0x22b: {  	v9 =	vld [tilespmem:s1+$0xC0]  }
0x22c: {  	v10 =	vld [tilespmem:s1+$0xF0];
	_ =	sdelay $0x1  }
0x22d: {  	v5 =	vmul.f32 v2, v5;
	v3 =	vmul.f32 v2, v3  }
0x22e: {  	s15 =	sadd.s32 $0xFFFFFFFD, s4;
	v7 =	vmul.f32 v2, v7;
	v8 =	vmul.f32 v2, v8  }
0x22f: {  	v11 =	vmov s15;
	v6 =	vmul.f32 v2, v6;
	[tilespmem:s1+$0x80] =	vst v5;
	v5 =	vmul.f32 v2, v9  }
0x230: {  	v9 =	vand.u32 $0xFFFFFFFC, v11;
	[tilespmem:s1+$0x90] =	vst v3;
	v3 =	vmul.f32 v2, v4;
	v2 =	vmul.f32 v2, v10  }
0x231: {  	v4 =	vbroadcast v9, $0x0;
	[tilespmem:s1+$0xA0] =	vst v8  }
0x232: {  	[tilespmem:s1+$0xD0] =	vst v6  }
0x233: {  	v6 =	vld [tilespmem:s26+$0xFFFFFF50];
	[tilespmem:s1+$0xB0] =	vst v7  }
0x234: {  	v7 =	vld [tilespmem:s26+$0xFFFFFF30];
	[tilespmem:s1+$0xC0] =	vst v5  }
0x235: {  	v5 =	vld [tilespmem:s26+$0xFFFFFF60];
	[tilespmem:s1+$0xE0] =	vst v3  }
0x236: {  	v3 =	vld [tilespmem:s26+$0xFFFFFF70];
	[tilespmem:s1+$0xF0] =	vst v2;
	s1 =	smov.u32 s26  }
0x237: {  	v2 =	vld.idx.msk [tilespmem:v4+s13+$0x0], $0xffff  }
0x238: {  	v4 =	vld [tilespmem:s26+$0xFFFFFF00]  }
0x239: {  	v8 =	vld [tilespmem:s26+$0xFFFFFF20]  }
0x23a: {  	v9 =	vld [tilespmem:s26+$0xFFFFFF10]  }
0x23b: {  	v10 =	vld [tilespmem:s26+$0xFFFFFF40];
	_ =	sdelay $0x1  }
0x23c: {  	v3 =	vmul.f32 v2, v3;
	v4 =	vmul.f32 v2, v4  }
0x23d: {  	s15 =	sadd.s32 $0xFFFFFFFE, s4;
	v5 =	vmul.f32 v2, v5;
	v8 =	vmul.f32 v2, v8  }
0x23e: {  	v7 =	vmul.f32 v2, v7;
	v9 =	vmul.f32 v2, v9;
	[tilespmem:s26+$0xFFFFFF70] =	vst v3;
	v3 =	vmov s15  }
0x23f: {  	[tilespmem:s26+$0xFFFFFF00] =	vst v4;
	v4 =	vmul.f32 v2, v10;
	v2 =	vmul.f32 v2, v6;
	v3 =	vand.u32 $0xFFFFFFFD, v3  }
0x240: {  	[tilespmem:s26+$0xFFFFFF20] =	vst v8;
	v3 =	vbroadcast v3, $0x0  }
0x241: {  	[tilespmem:s26+$0xFFFFFF30] =	vst v7  }
0x242: {  	[tilespmem:s26+$0xFFFFFF50] =	vst v2;
	v2 =	vld [tilespmem:s26+$0xFFFFFFF0]  }
0x243: {  	[tilespmem:s26+$0xFFFFFF10] =	vst v9;
	v6 =	vld [tilespmem:s26+$0xFFFFFFD0]  }
0x244: {  	[tilespmem:s26+$0xFFFFFF60] =	vst v5;
	v5 =	vld [tilespmem:s26+$0xFFFFFFB0]  }
0x245: {  	[tilespmem:s26+$0xFFFFFF40] =	vst v4;
	v4 =	vld [tilespmem:s26+$0xFFFFFF90]  }
0x246: {  	v3 =	vld.idx.msk [tilespmem:v3+s13+$0x0], $0xffff  }
0x247: {  	v7 =	vld [tilespmem:s26+$0xFFFFFF80]  }
0x248: {  	v8 =	vld [tilespmem:s26+$0xFFFFFFA0]  }
0x249: {  	v9 =	vld [tilespmem:s26+$0xFFFFFFC0]  }
0x24a: {  	v10 =	vld [tilespmem:s26+$0xFFFFFFE0];
	_ =	sdelay $0x1  }
0x24b: {  	v4 =	vmul.f32 v3, v4;
	v7 =	vmul.f32 v3, v7  }
0x24c: {  	s15 =	sadd.s32 $0xFFFFFFFF, s4;
	v5 =	vmul.f32 v3, v5;
	v8 =	vmul.f32 v3, v8  }
0x24d: {  	v6 =	vmul.f32 v3, v6;
	[tilespmem:s26+$0xFFFFFF80] =	vst v7;
	v7 =	vmul.f32 v3, v9;
	v9 =	vmov s15  }
0x24e: {  	v2 =	vmul.f32 v3, v2;
	[tilespmem:s26+$0xFFFFFFA0] =	vst v8;
	v8 =	vmul.f32 v3, v10;
	v3 =	vand.u32 $0xFFFFFFFE, v9  }
0x24f: {  	[tilespmem:s26+$0xFFFFFF90] =	vst v4;
	v3 =	vbroadcast v3, $0x0  }
0x250: {  	[tilespmem:s26+$0xFFFFFFD0] =	vst v6  }
0x251: {  	[tilespmem:s26+$0xFFFFFFE0] =	vst v8  }
0x252: {  	[tilespmem:s26+$0xFFFFFFB0] =	vst v5  }
.Ltmp4:
0x253: {  	[tilespmem:s26+$0xFFFFFFF0] =	vst v2;
	v4 =	vld [tilespmem:s26+$0x20];
	(pc) =	sbr.rel @p0 .LBB2_10-.Ltmp4, $4  }
0x254: {  	[tilespmem:s26+$0xFFFFFFC0] =	vst v7;
	v5 =	vld [tilespmem:s26+$0x0]  }
0x255: {  	v2 =	vld.idx.msk [tilespmem:v3+s13+$0x0], $0xffff  }
0x256: {  	v3 =	vld [tilespmem:s26+$0x10]  }
0x257: {  	v6 =	vld [tilespmem:s26+$0x30]  }
0x258: {  	v7 =	vld [tilespmem:s1+$0x60];
	_ =	sdelay $0x1  }
0x259: {  	v5 =	vmul.f32 v2, v5  }
0x25a: {  	v8 =	vld [tilespmem:s1+$0x50];
	v4 =	vmul.f32 v2, v4  }
0x25b: {  	v0 =	vmul.f32 v2, v0;
	[tilespmem:s1+$0x0] =	vst v5  }
0x25c: {  	[tilespmem:s1+$0x20] =	vst v4;
	v4 =	vmul.f32 v2, v7  }
0x25d: {  	v1 =	vmul.f32 v2, v1;
	[tilespmem:s1+$0x40] =	vst v0  }
0x25e: {  	v6 =	vmul.f32 v2, v6;
	[tilespmem:s1+$0x60] =	vst v4;
	v4 =	vmov s4  }
0x25f: {  	[tilespmem:s1+$0x70] =	vst v1;
	v5 =	vmul.f32 v2, v8  }
0x260: {  	v2 =	vmul.f32 v2, v3;
	[tilespmem:s1+$0x30] =	vst v6  }
0x261: {  	[tilespmem:s1+$0x50] =	vst v5  }
0x262: {  	v6 =	vld [tilespmem:s1+$0x80];
	[tilespmem:s1+$0x10] =	vst v2  }
0x263: {  	v0 =	vld.idx.msk [tilespmem:v4+s13+$0x0], $0xffff  }
0x264: {  	v1 =	vld [tilespmem:s1+$0x90]  }
0x265: {  	v2 =	vld [tilespmem:s1+$0xA0]  }
0x266: {  	v3 =	vld [tilespmem:s1+$0xD0]  }
0x267: {  	v4 =	vld [tilespmem:s1+$0xB0]  }
0x268: {  	v5 =	vld [tilespmem:s1+$0xC0];
	v6 =	vmul.f32 v0, v6  }
0x269: {  	v7 =	vld [tilespmem:s1+$0xE0];
	v1 =	vmul.f32 v0, v1  }
0x26a: {  	v8 =	vld [tilespmem:s1+$0xF0];
	v2 =	vmul.f32 v0, v2;
	[tilespmem:s1+$0x80] =	vst v6  }
0x26b: {  	v3 =	vmul.f32 v0, v3;
	[tilespmem:s1+$0x90] =	vst v1  }
0x26c: {  	v1 =	vmul.f32 v0, v4;
	[tilespmem:s1+$0xA0] =	vst v2  }
0x26d: {  	v2 =	vmul.f32 v0, v5;
	[tilespmem:s1+$0xD0] =	vst v3  }
0x26e: {  	v3 =	vmul.f32 v0, v7;
	[tilespmem:s1+$0xB0] =	vst v1  }
0x26f: {  	v0 =	vmul.f32 v0, v8;
	[tilespmem:s1+$0xC0] =	vst v2  }
0x270: {  	[tilespmem:s1+$0xE0] =	vst v3  }
0x271: {  	[tilespmem:s1+$0xF0] =	vst v0  }
0x272: {  	_ =	swait.ge [sflag:s30], $0x100  }
0x273: {  	[sflag:s30] =	ssyncset.done $0x0  }
0x274: {  	[sflag:s30] =	ssyncadd.s32 $0xFFFFFF00  }
0x275: {  	_ =	swait.ge [sflag:s30], $0x80  }
0x276: {  	p0 =	seq.s32 s31, $0x1D;
	[sflag:s30] =	ssyncset.done $0x0  }
0x277: {  	s1 =	sadd.s32 @!p0 $0x6, s0;
	[sflag:s30] =	ssyncadd.s32 $0xFFFFFF80  }
0x278: {  	[tilespmem:s23], [sflag:$0x6] =	stream.indirect.gather [hbm4b:s3+s17], $0x80, s20, s17, $0xb8;
	[tilespmem:$0x1ED00] =	vst v63  }
0x279: {  	s4 =	sshll.u32 @!p0 s1, $0x8  }
0x27a: {  	[spmem:s2] =	stream.indirect.scatter.add.f32 [tilespmem:s8], [sflag:$0x7], $0x80, s24, s17, $0xb8;
	[tilespmem:$0x1ED00] =	vst v63  }
0x27b: {  	s4 =	sadd.s32 @!p0 s10, s4;
	_ =	swait.ge [sflag:s9], $0x3800  }
0x27c: {  	s7 =	simm.s32 @!p0 $0x0;
	s4 =	sshrl.u32 @!p0 s4, $0x3;
	[sflag:s9] =	ssyncset.done $0x0  }
0x27d: {  	s1 =	sshll.u32 @!p0 s1, $0x7;
	s4 =	sadd.s32 @!p0 s5, s4;
	[sflag:s9] =	ssyncadd.s32 $0xFFFFC800  }
0x27e: {  	[tilespmem:s7], [sflag:$0x1] =	stream.linear.gather @!p0 [hbm4b:s4+s7], $0x100, $0x38;
	[tilespmem:$0x1ED00] =	vst v63  }
0x27f: {  	s15 =	simm.s32 $0x0;
	s4 =	sand.u32 @!p0 $0xFC00, s1  }
0x280: {  	v0 =	vmov s15;
	s1 =	sand.u32 @!p0 $0x300, s1;
	s4 =	sadd.s32 @!p0 s11, s4  }
0x281: {  	v0 =	vand.u32 $0x7C, v0;
	s1 =	sor.u32 @!p0 s1, s4  }
0x282: {  	v0 =	vor.u32 $0x80, v0;
	s1 =	sshrl.u32 @!p0 s1, $0x3  }
0x283: {  	v0 =	vbroadcast v0, $0x0;
	s4 =	simm.s32 @!p0 $0x300;
	s1 =	sadd.s32 @!p0 s6, s1  }
0x284: {  	[tilespmem:s4], [sflag:$0x1] =	stream.linear.gather @!p0 [hbm4b:s1+s7], $0x80, $0x38;
	[tilespmem:$0x1ED00] =	vst v63  }
0x285: {  	_ =	swait.ge [sflag:s25], $0x3800  }
0x286: {  	[sflag:s25] =	ssyncset.done $0x0  }
0x287: {  	s4 =	simm.s32 $0x3E00;
	[sflag:s25] =	ssyncadd.s32 $0xFFFFC800  }
0x288: {  	v2 =	vld [tilespmem:s4+$0xFFFFFF70]  }
0x289: {  	v0 =	vld.idx.msk [tilespmem:v0+s13+$0x0], $0xffff  }
0x28a: {  	v3 =	vld [tilespmem:s4+$0xFFFFFF00]  }
0x28b: {  	v4 =	vld [tilespmem:s4+$0xFFFFFF20]  }
0x28c: {  	v5 =	vld [tilespmem:s4+$0xFFFFFF30]  }
0x28d: {  	v1 =	vld [tilespmem:s4+$0xFFFFFF50]  }
0x28e: {  	s15 =	simm.s32 $0x1;
	v7 =	vld [tilespmem:s4+$0xFFFFFF10];
	v2 =	vmul.f32 v0, v2  }
0x28f: {  	v9 =	vmov s15;
	v6 =	vld [tilespmem:s4+$0xFFFFFF60];
	v3 =	vmul.f32 v0, v3  }
0x290: {  	v8 =	vld [tilespmem:s4+$0xFFFFFF40];
	v4 =	vmul.f32 v0, v4;
	[tilespmem:s4+$0xFFFFFF70] =	vst v2;
	v2 =	vand.u32 $0x7D, v9  }
0x291: {  	v5 =	vmul.f32 v0, v5;
	[tilespmem:s4+$0xFFFFFF00] =	vst v3;
	v2 =	vor.u32 $0x80, v2  }
0x292: {  	v1 =	vmul.f32 v0, v1;
	[tilespmem:s4+$0xFFFFFF20] =	vst v4;
	v2 =	vbroadcast v2, $0x0  }
0x293: {  	v3 =	vmul.f32 v0, v7;
	[tilespmem:s4+$0xFFFFFF30] =	vst v5  }
0x294: {  	v4 =	vmul.f32 v0, v6;
	[tilespmem:s4+$0xFFFFFF50] =	vst v1  }
0x295: {  	v0 =	vmul.f32 v0, v8;
	[tilespmem:s4+$0xFFFFFF10] =	vst v3  }
0x296: {  	v5 =	vld [tilespmem:s4+$0xFFFFFFB0];
	[tilespmem:s4+$0xFFFFFF60] =	vst v4  }
0x297: {  	[tilespmem:s4+$0xFFFFFF40] =	vst v0;
	v0 =	vld [tilespmem:s4+$0xFFFFFFD0]  }
0x298: {  	v2 =	vld.idx.msk [tilespmem:v2+s13+$0x0], $0xffff  }
0x299: {  	v3 =	vld [tilespmem:s4+$0xFFFFFF80]  }
0x29a: {  	v4 =	vld [tilespmem:s4+$0xFFFFFF90]  }
0x29b: {  	v6 =	vld [tilespmem:s4+$0xFFFFFFE0]  }
0x29c: {  	v7 =	vld [tilespmem:s4+$0xFFFFFFA0]  }
0x29d: {  	s26 =	simm.s32 $0x2;
	v0 =	vmul.f32 v2, v0  }
0x29e: {  	v63 =	vmov s26;
	v8 =	vld [tilespmem:s4+$0xFFFFFFC0];
	v3 =	vmul.f32 v2, v3  }
0x29f: {  	v1 =	vld [tilespmem:s4+$0xFFFFFFF0];
	v4 =	vmul.f32 v2, v4;
	[tilespmem:s4+$0xFFFFFFD0] =	vst v0;
	v0 =	vmul.f32 v2, v5;
	v5 =	vand.u32 $0x7E, v63  }
0x2a0: {  	[tilespmem:s4+$0xFFFFFF80] =	vst v3;
	v3 =	vmul.f32 v2, v6;
	v5 =	vor.u32 $0x80, v5  }
0x2a1: {  	[tilespmem:s4+$0xFFFFFF90] =	vst v4;
	v4 =	vmul.f32 v2, v7;
	v6 =	vbroadcast v5, $0x0  }
0x2a2: {  	[tilespmem:s4+$0xFFFFFFB0] =	vst v0;
	v0 =	vld [tilespmem:s4+$0x40]  }
0x2a3: {  	v5 =	vmul.f32 v2, v8;
	[tilespmem:s4+$0xFFFFFFA0] =	vst v4;
	v4 =	vld [tilespmem:s4+$0x20]  }
0x2a4: {  	[tilespmem:s4+$0xFFFFFFE0] =	vst v3;
	v2 =	vmul.f32 v2, v1;
	v1 =	vld [tilespmem:s4+$0x50]  }
0x2a5: {  	v3 =	vld [tilespmem:s4+$0x0];
	[tilespmem:s4+$0xFFFFFFC0] =	vst v5  }
0x2a6: {  	[tilespmem:s4+$0xFFFFFFF0] =	vst v2;
	v5 =	vld [tilespmem:s4+$0x10]  }
0x2a7: {  	v2 =	vld.idx.msk [tilespmem:v6+s13+$0x0], $0xffff  }
0x2a8: {  	s26 =	simm.s32 $0x3E00;
	s1 =	simm.s32 $0x3;
	s7 =	simm.s32 $0x7;
	v6 =	vld [tilespmem:s4+$0x30]  }
.LBB2_12:
0x2a9: {  	p1 =	sne.s32 s7, $0x6F  }
0x2aa: {  	v7 =	vld [tilespmem:s4+$0x70];
	s26 =	sadd.s32 $0x200, s26;
	s15 =	smov.u32 s7;
	s7 =	sadd.s32 $0x4, s7  }
0x2ab: {  	v8 =	vld [tilespmem:s4+$0x60];
	_ =	sdelay $0x1  }
0x2ac: {  	v5 =	vmul.f32 v2, v5;
	v3 =	vmul.f32 v2, v3  }
0x2ad: {  	v9 =	vmov s1;
	s1 =	smov.u32 s15;
	v4 =	vmul.f32 v2, v4;
	v6 =	vmul.f32 v2, v6  }
0x2ae: {  	v0 =	vmul.f32 v2, v0;
	v1 =	vmul.f32 v2, v1;
	[tilespmem:s4+$0x10] =	vst v5;
	v5 =	vand.u32 $0x7F, v9  }
0x2af: {  	[tilespmem:s4+$0x20] =	vst v4;
	v4 =	vmul.f32 v2, v8;
	v2 =	vmul.f32 v2, v7;
	v5 =	vor.u32 $0x80, v5  }
0x2b0: {  	[tilespmem:s4+$0x30] =	vst v6;
	v5 =	vbroadcast v5, $0x0;
	v6 =	vld [tilespmem:s4+$0x80]  }
0x2b1: {  	[tilespmem:s4+$0x40] =	vst v0;
	v7 =	vld [tilespmem:s4+$0xF0]  }
0x2b2: {  	v0 =	vld [tilespmem:s26+$0x40];
	[tilespmem:s4+$0x50] =	vst v1  }
0x2b3: {  	v1 =	vld [tilespmem:s26+$0x50];
	[tilespmem:s4+$0x70] =	vst v2  }
0x2b4: {  	[tilespmem:s4+$0x60] =	vst v4;
	v2 =	vld [tilespmem:s4+$0xB0]  }
0x2b5: {  	[tilespmem:s4+$0x0] =	vst v3;
	v3 =	vld [tilespmem:s4+$0xD0]  }
0x2b6: {  	v4 =	vld.idx.msk [tilespmem:v5+s13+$0x0], $0xffff  }
0x2b7: {  	v5 =	vld [tilespmem:s4+$0x90]  }
0x2b8: {  	v8 =	vld [tilespmem:s4+$0xA0]  }
0x2b9: {  	v9 =	vld [tilespmem:s4+$0xC0]  }
0x2ba: {  	v10 =	vld [tilespmem:s4+$0xE0];
	_ =	sdelay $0x1  }
0x2bb: {  	s15 =	sadd.s32 $0xFFFFFFFD, s1;
	v6 =	vmul.f32 v4, v6;
	v5 =	vmul.f32 v4, v5  }
0x2bc: {  	v11 =	vmov s15;
	v2 =	vmul.f32 v4, v2;
	v8 =	vmul.f32 v4, v8  }
0x2bd: {  	v11 =	vand.u32 $0x7C, v11;
	v3 =	vmul.f32 v4, v3;
	[tilespmem:s4+$0x80] =	vst v6;
	v6 =	vmul.f32 v4, v9  }
0x2be: {  	v9 =	vor.u32 $0x80, v11;
	[tilespmem:s4+$0xA0] =	vst v8;
	v8 =	vmul.f32 v4, v10;
	v4 =	vmul.f32 v4, v7  }
0x2bf: {  	v7 =	vbroadcast v9, $0x0;
	[tilespmem:s4+$0xB0] =	vst v2  }
0x2c0: {  	[tilespmem:s4+$0xF0] =	vst v4  }
0x2c1: {  	v2 =	vld [tilespmem:s26+$0xFFFFFF50];
	[tilespmem:s4+$0xD0] =	vst v3  }
0x2c2: {  	v3 =	vld [tilespmem:s26+$0xFFFFFF30];
	[tilespmem:s4+$0xC0] =	vst v6  }
0x2c3: {  	v4 =	vld [tilespmem:s26+$0xFFFFFF60];
	[tilespmem:s4+$0x90] =	vst v5  }
0x2c4: {  	v5 =	vld [tilespmem:s26+$0xFFFFFF70];
	[tilespmem:s4+$0xE0] =	vst v8;
	s4 =	smov.u32 s26  }
0x2c5: {  	v6 =	vld.idx.msk [tilespmem:v7+s13+$0x0], $0xffff  }
0x2c6: {  	v7 =	vld [tilespmem:s26+$0xFFFFFF00]  }
0x2c7: {  	v8 =	vld [tilespmem:s26+$0xFFFFFF20]  }
0x2c8: {  	v9 =	vld [tilespmem:s26+$0xFFFFFF10]  }
0x2c9: {  	v10 =	vld [tilespmem:s26+$0xFFFFFF40];
	_ =	sdelay $0x1  }
0x2ca: {  	s15 =	sadd.s32 $0xFFFFFFFE, s1;
	v5 =	vmul.f32 v6, v5;
	v7 =	vmul.f32 v6, v7  }
0x2cb: {  	v11 =	vmov s15;
	v4 =	vmul.f32 v6, v4;
	v8 =	vmul.f32 v6, v8  }
0x2cc: {  	v3 =	vmul.f32 v6, v3;
	v9 =	vmul.f32 v6, v9;
	[tilespmem:s26+$0xFFFFFF70] =	vst v5;
	v5 =	vand.u32 $0x7D, v11  }
0x2cd: {  	v2 =	vmul.f32 v6, v2;
	[tilespmem:s26+$0xFFFFFF00] =	vst v7;
	v7 =	vmul.f32 v6, v10;
	v5 =	vor.u32 $0x80, v5  }
0x2ce: {  	[tilespmem:s26+$0xFFFFFF20] =	vst v8;
	v5 =	vbroadcast v5, $0x0  }
0x2cf: {  	[tilespmem:s26+$0xFFFFFF30] =	vst v3  }
0x2d0: {  	[tilespmem:s26+$0xFFFFFF50] =	vst v2;
	v2 =	vld [tilespmem:s26+$0xFFFFFFF0]  }
0x2d1: {  	[tilespmem:s26+$0xFFFFFF10] =	vst v9;
	v3 =	vld [tilespmem:s26+$0xFFFFFFC0]  }
0x2d2: {  	[tilespmem:s26+$0xFFFFFF60] =	vst v4;
	v4 =	vld [tilespmem:s26+$0xFFFFFFB0]  }
0x2d3: {  	[tilespmem:s26+$0xFFFFFF40] =	vst v7;
	v6 =	vld [tilespmem:s26+$0xFFFFFFD0]  }
0x2d4: {  	v5 =	vld.idx.msk [tilespmem:v5+s13+$0x0], $0xffff  }
0x2d5: {  	v7 =	vld [tilespmem:s26+$0xFFFFFF80]  }
0x2d6: {  	v8 =	vld [tilespmem:s26+$0xFFFFFF90]  }
0x2d7: {  	v9 =	vld [tilespmem:s26+$0xFFFFFFA0]  }
0x2d8: {  	v10 =	vld [tilespmem:s26+$0xFFFFFFE0];
	_ =	sdelay $0x1  }
0x2d9: {  	s15 =	sadd.s32 $0xFFFFFFFF, s1;
	v6 =	vmul.f32 v5, v6;
	v7 =	vmul.f32 v5, v7  }
0x2da: {  	v11 =	vmov s15;
	v4 =	vmul.f32 v5, v4;
	v8 =	vmul.f32 v5, v8  }
0x2db: {  	v3 =	vmul.f32 v5, v3;
	v9 =	vmul.f32 v5, v9;
	[tilespmem:s26+$0xFFFFFFD0] =	vst v6;
	v6 =	vand.u32 $0x7E, v11  }
0x2dc: {  	v2 =	vmul.f32 v5, v2;
	[tilespmem:s26+$0xFFFFFF80] =	vst v7;
	v7 =	vmul.f32 v5, v10;
	v5 =	vor.u32 $0x80, v6  }
0x2dd: {  	[tilespmem:s26+$0xFFFFFF90] =	vst v8;
	v6 =	vbroadcast v5, $0x0  }
0x2de: {  	[tilespmem:s26+$0xFFFFFFB0] =	vst v4  }
0x2df: {  	[tilespmem:s26+$0xFFFFFFE0] =	vst v7  }
0x2e0: {  	[tilespmem:s26+$0xFFFFFFA0] =	vst v9  }
.Ltmp5:
0x2e1: {  	[tilespmem:s26+$0xFFFFFFC0] =	vst v3;
	v4 =	vld [tilespmem:s26+$0x20];
	(pc) =	sbr.rel @p1 .LBB2_12-.Ltmp5, $4  }
0x2e2: {  	[tilespmem:s26+$0xFFFFFFF0] =	vst v2;
	v5 =	vld [tilespmem:s26+$0x10]  }
0x2e3: {  	v2 =	vld.idx.msk [tilespmem:v6+s13+$0x0], $0xffff  }
0x2e4: {  	v3 =	vld [tilespmem:s26+$0x0]  }
0x2e5: {  	v6 =	vld [tilespmem:s26+$0x30]  }
0x2e6: {  	_ =	sdelay $0x1  }
0x2e7: {  	v5 =	vmul.f32 v2, v5  }
0x2e8: {  	v7 =	vld [tilespmem:s4+$0x70];
	v9 =	vmov s1;
	v4 =	vmul.f32 v2, v4  }
0x2e9: {  	v8 =	vld [tilespmem:s4+$0x60];
	v0 =	vmul.f32 v2, v0;
	[tilespmem:s4+$0x10] =	vst v5;
	v5 =	vand.u32 $0x7F, v9  }
0x2ea: {  	v1 =	vmul.f32 v2, v1;
	[tilespmem:s4+$0x20] =	vst v4;
	v4 =	vor.u32 $0x80, v5  }
0x2eb: {  	v6 =	vmul.f32 v2, v6;
	[tilespmem:s4+$0x40] =	vst v0;
	v4 =	vbroadcast v4, $0x0  }
0x2ec: {  	[tilespmem:s4+$0x50] =	vst v1;
	v1 =	vmul.f32 v2, v3  }
0x2ed: {  	v5 =	vmul.f32 v2, v7;
	[tilespmem:s4+$0x30] =	vst v6  }
0x2ee: {  	v0 =	vmul.f32 v2, v8;
	[tilespmem:s4+$0x0] =	vst v1  }
0x2ef: {  	[tilespmem:s4+$0x70] =	vst v5  }
0x2f0: {  	v6 =	vld [tilespmem:s4+$0x80];
	[tilespmem:s4+$0x60] =	vst v0  }
0x2f1: {  	v0 =	vld.idx.msk [tilespmem:v4+s13+$0x0], $0xffff  }
0x2f2: {  	v1 =	vld [tilespmem:s4+$0xA0]  }
0x2f3: {  	v2 =	vld [tilespmem:s4+$0xB0]  }
0x2f4: {  	v3 =	vld [tilespmem:s4+$0xF0]  }
0x2f5: {  	v4 =	vld [tilespmem:s4+$0xD0]  }
0x2f6: {  	v5 =	vld [tilespmem:s4+$0xC0];
	v6 =	vmul.f32 v0, v6  }
0x2f7: {  	v7 =	vld [tilespmem:s4+$0x90];
	v1 =	vmul.f32 v0, v1  }
0x2f8: {  	v8 =	vld [tilespmem:s4+$0xE0];
	v2 =	vmul.f32 v0, v2;
	[tilespmem:s4+$0x80] =	vst v6  }
0x2f9: {  	[tilespmem:s4+$0xA0] =	vst v1;
	v1 =	vmul.f32 v0, v3  }
0x2fa: {  	v3 =	vmul.f32 v0, v4;
	[tilespmem:s4+$0xB0] =	vst v2  }
0x2fb: {  	v2 =	vmul.f32 v0, v5;
	[tilespmem:s4+$0xF0] =	vst v1  }
0x2fc: {  	v1 =	vmul.f32 v0, v7;
	[tilespmem:s4+$0xD0] =	vst v3  }
0x2fd: {  	v0 =	vmul.f32 v0, v8;
	[tilespmem:s4+$0xC0] =	vst v2  }
0x2fe: {  	[tilespmem:s4+$0x90] =	vst v1  }
0x2ff: {  	s1 =	simm.s32 @p0 $0x70;
	s7 =	simm.s32 @p0 $0x3D00;
	[tilespmem:s4+$0xE0] =	vst v0;
	s4 =	simm.s32 @p0 $0x180  }
0x300: {  	[spmem:s2] =	stream.indirect.scatter.add.f32 @p0 [tilespmem:s7], [sflag:$0x7], $0x80, s4, s1, $0xb8;
	[tilespmem:$0x1ED00] =	vst v63  }
0x301: {  	s1 =	simm.s32 @p0 $0x7  }
0x302: {  	_ =	swait.ge @p0 [sflag:s1], $0x3800  }
0x303: {  	[sflag:s1] =	ssyncset.done @p0 $0x0  }
0x304: {  	[sflag:s1] =	ssyncadd.s32 @p0 $0xFFFFC800;
	s1 =	simm.s32 @!p0 $0x1  }
0x305: {  	_ =	swait.ge @!p0 [sflag:s1], $0x100  }
0x306: {  	[sflag:s1] =	ssyncset.done @!p0 $0x0  }
0x307: {  	[sflag:s1] =	ssyncadd.s32 @!p0 $0xFFFFFF00  }
0x308: {  	_ =	swait.ge @!p0 [sflag:s1], $0x80  }
0x309: {  	s4 =	simm.s32 @!p0 $0x0;
	[sflag:s1] =	ssyncset.done @!p0 $0x0  }
0x30a: {  	s7 =	simm.s32 @!p0 $0x500;
	[sflag:s1] =	ssyncadd.s32 @!p0 $0xFFFFFF80;
	s1 =	simm.s32 @!p0 $0x70  }
0x30b: {  	[tilespmem:s7], [sflag:$0x4] =	stream.indirect.gather @!p0 [hbm4b:s3+s1], $0x80, s4, s1, $0xb8;
	[tilespmem:$0x1ED00] =	vst v63  }
0x30c: {  	s15 =	simm.s32 @!p0 $0x3D00;
	s0 =	sadd.s32 @!p0 $0x7, s0;
	s7 =	simm.s32 @!p0 $0x180  }
0x30d: {  	[spmem:s2] =	stream.indirect.scatter.add.f32 @!p0 [tilespmem:s15], [sflag:$0x7], $0x80, s7, s1, $0xb8;
	[tilespmem:$0x1ED00] =	vst v63  }
0x30e: {  	s1 =	simm.s32 @!p0 $0x7;
	s7 =	sshll.u32 @!p0 s0, $0x8  }
0x30f: {  	_ =	swait.ge @!p0 [sflag:s1], $0x3800;
	s7 =	sadd.s32 @!p0 s10, s7  }
0x310: {  	s0 =	sshll.u32 @!p0 s0, $0x7;
	[sflag:s1] =	ssyncset.done @!p0 $0x0;
	s7 =	sshrl.u32 @!p0 s7, $0x3  }
0x311: {  	[sflag:s1] =	ssyncadd.s32 @!p0 $0xFFFFC800;
	s1 =	sadd.s32 @!p0 s5, s7;
	s7 =	simm.s32 @!p0 $0x100  }
0x312: {  	[tilespmem:s7], [sflag:$0x2] =	stream.linear.gather @!p0 [hbm4b:s1+s4], $0x100, $0x38;
	[tilespmem:$0x1ED00] =	vst v63  }
0x313: {  	s26 =	simm.s32 $0x0;
	s1 =	sand.u32 @!p0 $0xFC00, s0  }
0x314: {  	v0 =	vmov s26;
	s0 =	sand.u32 @!p0 $0x380, s0;
	s1 =	sadd.s32 @!p0 s11, s1  }
0x315: {  	v0 =	vand.u32 $0x7C, v0;
	s0 =	sor.u32 @!p0 s0, s1  }
0x316: {  	v0 =	vor.u32 $0x100, v0;
	s0 =	sshrl.u32 @!p0 s0, $0x3  }
0x317: {  	v0 =	vbroadcast v0, $0x0;
	s1 =	simm.s32 @!p0 $0x380;
	s0 =	sadd.s32 @!p0 s6, s0  }
0x318: {  	[tilespmem:s1], [sflag:$0x2] =	stream.linear.gather @!p0 [hbm4b:s0+s4], $0x80, $0x38;
	[tilespmem:$0x1ED00] =	vst v63  }
0x319: {  	_ =	swait.ge [sflag:s28], $0x3800  }
0x31a: {  	[sflag:s28] =	ssyncset.done $0x0  }
0x31b: {  	s0 =	simm.s32 $0x7600;
	[sflag:s28] =	ssyncadd.s32 $0xFFFFC800  }
0x31c: {  	v2 =	vld [tilespmem:s0+$0xFFFFFF70]  }
0x31d: {  	v0 =	vld.idx.msk [tilespmem:v0+s13+$0x0], $0xffff  }
0x31e: {  	v3 =	vld [tilespmem:s0+$0xFFFFFF00]  }
0x31f: {  	v4 =	vld [tilespmem:s0+$0xFFFFFF20]  }
0x320: {  	v5 =	vld [tilespmem:s0+$0xFFFFFF30]  }
0x321: {  	v1 =	vld [tilespmem:s0+$0xFFFFFF50]  }
0x322: {  	s15 =	simm.s32 $0x1;
	v7 =	vld [tilespmem:s0+$0xFFFFFF10];
	v2 =	vmul.f32 v0, v2  }
0x323: {  	v62 =	vmov s15;
	v6 =	vld [tilespmem:s0+$0xFFFFFF60];
	v3 =	vmul.f32 v0, v3  }
0x324: {  	v8 =	vld [tilespmem:s0+$0xFFFFFF40];
	v4 =	vmul.f32 v0, v4;
	[tilespmem:s0+$0xFFFFFF70] =	vst v2;
	v2 =	vand.u32 $0x7D, v62  }
0x325: {  	v5 =	vmul.f32 v0, v5;
	[tilespmem:s0+$0xFFFFFF00] =	vst v3;
	v2 =	vor.u32 $0x100, v2  }
0x326: {  	v1 =	vmul.f32 v0, v1;
	[tilespmem:s0+$0xFFFFFF20] =	vst v4;
	v2 =	vbroadcast v2, $0x0  }
0x327: {  	v3 =	vmul.f32 v0, v7;
	[tilespmem:s0+$0xFFFFFF30] =	vst v5  }
0x328: {  	v4 =	vmul.f32 v0, v6;
	[tilespmem:s0+$0xFFFFFF50] =	vst v1  }
0x329: {  	v0 =	vmul.f32 v0, v8;
	[tilespmem:s0+$0xFFFFFF10] =	vst v3  }
0x32a: {  	v5 =	vld [tilespmem:s0+$0xFFFFFFB0];
	[tilespmem:s0+$0xFFFFFF60] =	vst v4  }
0x32b: {  	[tilespmem:s0+$0xFFFFFF40] =	vst v0;
	v0 =	vld [tilespmem:s0+$0xFFFFFFD0]  }
0x32c: {  	v2 =	vld.idx.msk [tilespmem:v2+s13+$0x0], $0xffff  }
0x32d: {  	v3 =	vld [tilespmem:s0+$0xFFFFFF80]  }
0x32e: {  	v4 =	vld [tilespmem:s0+$0xFFFFFF90]  }
0x32f: {  	v6 =	vld [tilespmem:s0+$0xFFFFFFE0]  }
0x330: {  	v7 =	vld [tilespmem:s0+$0xFFFFFFA0]  }
0x331: {  	s26 =	simm.s32 $0x2;
	v0 =	vmul.f32 v2, v0  }
0x332: {  	v63 =	vmov s26;
	v8 =	vld [tilespmem:s0+$0xFFFFFFC0];
	v3 =	vmul.f32 v2, v3  }
0x333: {  	v1 =	vld [tilespmem:s0+$0xFFFFFFF0];
	v4 =	vmul.f32 v2, v4;
	[tilespmem:s0+$0xFFFFFFD0] =	vst v0;
	v0 =	vmul.f32 v2, v5;
	v5 =	vand.u32 $0x7E, v63  }
0x334: {  	[tilespmem:s0+$0xFFFFFF80] =	vst v3;
	v3 =	vmul.f32 v2, v6;
	v5 =	vor.u32 $0x100, v5  }
0x335: {  	[tilespmem:s0+$0xFFFFFF90] =	vst v4;
	v4 =	vmul.f32 v2, v7;
	v6 =	vbroadcast v5, $0x0  }
0x336: {  	[tilespmem:s0+$0xFFFFFFB0] =	vst v0;
	v0 =	vld [tilespmem:s0+$0x40]  }
0x337: {  	v5 =	vmul.f32 v2, v8;
	[tilespmem:s0+$0xFFFFFFA0] =	vst v4;
	v4 =	vld [tilespmem:s0+$0x20]  }
0x338: {  	[tilespmem:s0+$0xFFFFFFE0] =	vst v3;
	v2 =	vmul.f32 v2, v1;
	v1 =	vld [tilespmem:s0+$0x50]  }
0x339: {  	v3 =	vld [tilespmem:s0+$0x0];
	[tilespmem:s0+$0xFFFFFFC0] =	vst v5  }
0x33a: {  	[tilespmem:s0+$0xFFFFFFF0] =	vst v2;
	v5 =	vld [tilespmem:s0+$0x10]  }
0x33b: {  	v2 =	vld.idx.msk [tilespmem:v6+s13+$0x0], $0xffff  }
0x33c: {  	s7 =	simm.s32 $0x7600;
	s1 =	simm.s32 $0x3;
	s4 =	simm.s32 $0x7;
	v6 =	vld [tilespmem:s0+$0x30]  }
.LBB2_14:
0x33d: {  	p1 =	sne.s32 s4, $0x6F  }
0x33e: {  	v7 =	vld [tilespmem:s0+$0x70];
	s7 =	sadd.s32 $0x200, s7;
	s15 =	smov.u32 s4;
	s4 =	sadd.s32 $0x4, s4  }
0x33f: {  	v8 =	vld [tilespmem:s0+$0x60];
	_ =	sdelay $0x1  }
0x340: {  	v5 =	vmul.f32 v2, v5;
	v3 =	vmul.f32 v2, v3  }
0x341: {  	v9 =	vmov s1;
	s1 =	smov.u32 s15;
	v4 =	vmul.f32 v2, v4;
	v6 =	vmul.f32 v2, v6  }
0x342: {  	v0 =	vmul.f32 v2, v0;
	v1 =	vmul.f32 v2, v1;
	[tilespmem:s0+$0x10] =	vst v5;
	v5 =	vand.u32 $0x7F, v9  }
0x343: {  	[tilespmem:s0+$0x20] =	vst v4;
	v4 =	vmul.f32 v2, v8;
	v2 =	vmul.f32 v2, v7;
	v5 =	vor.u32 $0x100, v5  }
0x344: {  	[tilespmem:s0+$0x30] =	vst v6;
	v5 =	vbroadcast v5, $0x0;
	v6 =	vld [tilespmem:s0+$0x80]  }
0x345: {  	[tilespmem:s0+$0x40] =	vst v0;
	v7 =	vld [tilespmem:s0+$0xF0]  }
0x346: {  	v0 =	vld [tilespmem:s7+$0x40];
	[tilespmem:s0+$0x50] =	vst v1  }
0x347: {  	v1 =	vld [tilespmem:s7+$0x50];
	[tilespmem:s0+$0x70] =	vst v2  }
0x348: {  	[tilespmem:s0+$0x60] =	vst v4;
	v2 =	vld [tilespmem:s0+$0xB0]  }
0x349: {  	[tilespmem:s0+$0x0] =	vst v3;
	v3 =	vld [tilespmem:s0+$0xD0]  }
0x34a: {  	v4 =	vld.idx.msk [tilespmem:v5+s13+$0x0], $0xffff  }
0x34b: {  	v5 =	vld [tilespmem:s0+$0x90]  }
0x34c: {  	v8 =	vld [tilespmem:s0+$0xA0]  }
0x34d: {  	v9 =	vld [tilespmem:s0+$0xC0]  }
0x34e: {  	v10 =	vld [tilespmem:s0+$0xE0];
	_ =	sdelay $0x1  }
0x34f: {  	s15 =	sadd.s32 $0xFFFFFFFD, s1;
	v6 =	vmul.f32 v4, v6;
	v5 =	vmul.f32 v4, v5  }
0x350: {  	v11 =	vmov s15;
	v2 =	vmul.f32 v4, v2;
	v8 =	vmul.f32 v4, v8  }
0x351: {  	v11 =	vand.u32 $0x7C, v11;
	v3 =	vmul.f32 v4, v3;
	[tilespmem:s0+$0x80] =	vst v6;
	v6 =	vmul.f32 v4, v9  }
0x352: {  	v9 =	vor.u32 $0x100, v11;
	[tilespmem:s0+$0xA0] =	vst v8;
	v8 =	vmul.f32 v4, v10;
	v4 =	vmul.f32 v4, v7  }
0x353: {  	v7 =	vbroadcast v9, $0x0;
	[tilespmem:s0+$0xB0] =	vst v2  }
0x354: {  	[tilespmem:s0+$0xF0] =	vst v4  }
0x355: {  	v2 =	vld [tilespmem:s7+$0xFFFFFF50];
	[tilespmem:s0+$0xD0] =	vst v3  }
0x356: {  	v3 =	vld [tilespmem:s7+$0xFFFFFF30];
	[tilespmem:s0+$0xC0] =	vst v6  }
0x357: {  	v4 =	vld [tilespmem:s7+$0xFFFFFF60];
	[tilespmem:s0+$0x90] =	vst v5  }
0x358: {  	v5 =	vld [tilespmem:s7+$0xFFFFFF70];
	[tilespmem:s0+$0xE0] =	vst v8;
	s0 =	smov.u32 s7  }
0x359: {  	v6 =	vld.idx.msk [tilespmem:v7+s13+$0x0], $0xffff  }
0x35a: {  	v7 =	vld [tilespmem:s7+$0xFFFFFF00]  }
0x35b: {  	v8 =	vld [tilespmem:s7+$0xFFFFFF20]  }
0x35c: {  	v9 =	vld [tilespmem:s7+$0xFFFFFF10]  }
0x35d: {  	v10 =	vld [tilespmem:s7+$0xFFFFFF40];
	_ =	sdelay $0x1  }
0x35e: {  	s15 =	sadd.s32 $0xFFFFFFFE, s1;
	v5 =	vmul.f32 v6, v5;
	v7 =	vmul.f32 v6, v7  }
0x35f: {  	v11 =	vmov s15;
	v4 =	vmul.f32 v6, v4;
	v8 =	vmul.f32 v6, v8  }
0x360: {  	v3 =	vmul.f32 v6, v3;
	v9 =	vmul.f32 v6, v9;
	[tilespmem:s7+$0xFFFFFF70] =	vst v5;
	v5 =	vand.u32 $0x7D, v11  }
0x361: {  	v2 =	vmul.f32 v6, v2;
	[tilespmem:s7+$0xFFFFFF00] =	vst v7;
	v7 =	vmul.f32 v6, v10;
	v5 =	vor.u32 $0x100, v5  }
0x362: {  	[tilespmem:s7+$0xFFFFFF20] =	vst v8;
	v5 =	vbroadcast v5, $0x0  }
0x363: {  	[tilespmem:s7+$0xFFFFFF30] =	vst v3  }
0x364: {  	[tilespmem:s7+$0xFFFFFF50] =	vst v2;
	v2 =	vld [tilespmem:s7+$0xFFFFFFF0]  }
0x365: {  	[tilespmem:s7+$0xFFFFFF10] =	vst v9;
	v3 =	vld [tilespmem:s7+$0xFFFFFFC0]  }
0x366: {  	[tilespmem:s7+$0xFFFFFF60] =	vst v4;
	v4 =	vld [tilespmem:s7+$0xFFFFFFB0]  }
0x367: {  	[tilespmem:s7+$0xFFFFFF40] =	vst v7;
	v6 =	vld [tilespmem:s7+$0xFFFFFFD0]  }
0x368: {  	v5 =	vld.idx.msk [tilespmem:v5+s13+$0x0], $0xffff  }
0x369: {  	v7 =	vld [tilespmem:s7+$0xFFFFFF80]  }
0x36a: {  	v8 =	vld [tilespmem:s7+$0xFFFFFF90]  }
0x36b: {  	v9 =	vld [tilespmem:s7+$0xFFFFFFA0]  }
0x36c: {  	v10 =	vld [tilespmem:s7+$0xFFFFFFE0];
	_ =	sdelay $0x1  }
0x36d: {  	s15 =	sadd.s32 $0xFFFFFFFF, s1;
	v6 =	vmul.f32 v5, v6;
	v7 =	vmul.f32 v5, v7  }
0x36e: {  	v11 =	vmov s15;
	v4 =	vmul.f32 v5, v4;
	v8 =	vmul.f32 v5, v8  }
0x36f: {  	v3 =	vmul.f32 v5, v3;
	v9 =	vmul.f32 v5, v9;
	[tilespmem:s7+$0xFFFFFFD0] =	vst v6;
	v6 =	vand.u32 $0x7E, v11  }
0x370: {  	v2 =	vmul.f32 v5, v2;
	[tilespmem:s7+$0xFFFFFF80] =	vst v7;
	v7 =	vmul.f32 v5, v10;
	v5 =	vor.u32 $0x100, v6  }
0x371: {  	[tilespmem:s7+$0xFFFFFF90] =	vst v8;
	v6 =	vbroadcast v5, $0x0  }
0x372: {  	[tilespmem:s7+$0xFFFFFFB0] =	vst v4  }
0x373: {  	[tilespmem:s7+$0xFFFFFFE0] =	vst v7  }
0x374: {  	[tilespmem:s7+$0xFFFFFFA0] =	vst v9  }
.Ltmp6:
0x375: {  	[tilespmem:s7+$0xFFFFFFC0] =	vst v3;
	v4 =	vld [tilespmem:s7+$0x20];
	(pc) =	sbr.rel @p1 .LBB2_14-.Ltmp6, $4  }
0x376: {  	[tilespmem:s7+$0xFFFFFFF0] =	vst v2;
	v5 =	vld [tilespmem:s7+$0x10]  }
0x377: {  	v2 =	vld.idx.msk [tilespmem:v6+s13+$0x0], $0xffff  }
0x378: {  	v3 =	vld [tilespmem:s7+$0x0]  }
0x379: {  	v6 =	vld [tilespmem:s7+$0x30]  }
0x37a: {  	_ =	sdelay $0x1  }
0x37b: {  	v5 =	vmul.f32 v2, v5  }
0x37c: {  	v7 =	vld [tilespmem:s0+$0x70];
	v9 =	vmov s1;
	v4 =	vmul.f32 v2, v4  }
0x37d: {  	v8 =	vld [tilespmem:s0+$0x60];
	v47 =	vand.u32 $0x7F, v9;
	v0 =	vmul.f32 v2, v0;
	[tilespmem:s0+$0x10] =	vst v5  }
0x37e: {  	v48 =	vor.u32 $0x100, v47;
	v1 =	vmul.f32 v2, v1;
	[tilespmem:s0+$0x20] =	vst v4  }
0x37f: {  	v52 =	vmul.f32 v2, v3;
	v4 =	vbroadcast v48, $0x0;
	[tilespmem:s0+$0x40] =	vst v0  }
0x380: {  	v6 =	vmul.f32 v2, v6;
	[tilespmem:s0+$0x50] =	vst v1  }
0x381: {  	v49 =	vmul.f32 v2, v7;
	[tilespmem:s0+$0x0] =	vst v52  }
0x382: {  	v51 =	vmul.f32 v2, v8;
	[tilespmem:s0+$0x30] =	vst v6  }
0x383: {  	[tilespmem:s0+$0x70] =	vst v49  }
0x384: {  	v50 =	vld [tilespmem:s0+$0x80];
	[tilespmem:s0+$0x60] =	vst v51  }
0x385: {  	v0 =	vld.idx.msk [tilespmem:v4+s13+$0x0], $0xffff  }
0x386: {  	v53 =	vld [tilespmem:s0+$0xA0]  }
0x387: {  	v54 =	vld [tilespmem:s0+$0xB0]  }
0x388: {  	v55 =	vld [tilespmem:s0+$0xF0]  }
0x389: {  	v56 =	vld [tilespmem:s0+$0xD0]  }
0x38a: {  	v57 =	vld [tilespmem:s0+$0xC0];
	v6 =	vmul.f32 v0, v50  }
0x38b: {  	v58 =	vld [tilespmem:s0+$0x90];
	v1 =	vmul.f32 v0, v53  }
0x38c: {  	v59 =	vld [tilespmem:s0+$0xE0];
	v2 =	vmul.f32 v0, v54;
	[tilespmem:s0+$0x80] =	vst v6  }
0x38d: {  	v60 =	vmul.f32 v0, v55;
	[tilespmem:s0+$0xA0] =	vst v1  }
0x38e: {  	v61 =	vmul.f32 v0, v56;
	[tilespmem:s0+$0xB0] =	vst v2  }
0x38f: {  	v62 =	vmul.f32 v0, v57;
	[tilespmem:s0+$0xF0] =	vst v60  }
0x390: {  	v63 =	vmul.f32 v0, v58;
	[tilespmem:s0+$0xD0] =	vst v61  }
0x391: {  	v0 =	vmul.f32 v0, v59;
	[tilespmem:s0+$0xC0] =	vst v62  }
0x392: {  	[tilespmem:s0+$0x90] =	vst v63  }
0x393: {  	[tilespmem:s0+$0xE0] =	vst v0;
	s0 =	simm.s32 @!p0 $0x2  }
0x394: {  	_ =	swait.ge @!p0 [sflag:s0], $0x100  }
0x395: {  	[sflag:s0] =	ssyncset.done @!p0 $0x0  }
0x396: {  	[sflag:s0] =	ssyncadd.s32 @!p0 $0xFFFFFF00  }
0x397: {  	_ =	swait.ge @!p0 [sflag:s0], $0x80  }
0x398: {  	s1 =	simm.s32 @!p0 $0x100;
	s4 =	simm.s32 @!p0 $0x3D00;
	[sflag:s0] =	ssyncset.done @!p0 $0x0  }
0x399: {  	s31 =	sadd.s32 $0x1, s31;
	[sflag:s0] =	ssyncadd.s32 @!p0 $0xFFFFFF80;
	s0 =	simm.s32 @!p0 $0x70  }
0x39a: {  	[tilespmem:s4], [sflag:$0x5] =	stream.indirect.gather @!p0 [hbm4b:s3+s0], $0x80, s1, s0, $0xb8;
	[tilespmem:$0x1ED00] =	vst v63  }
0x39b: {  	p0 =	sne.s32 s31, $0x1E  }
.Ltmp7:
0x39c: {  	_ = 	snop;
	(pc) =	sbr.rel @p0 .LBB2_3-.Ltmp7, $4  }
0x39d: {  	[spmem:s2] =	stream.indirect.scatter.add.f32 [tilespmem:s23], [sflag:$0x7], $0x80, s29, s17, $0xb8;
	[tilespmem:$0x1ED00] =	vst v63  }
0x39e: {  	_ =	swait.ge [sflag:s9], $0x3800  }
0x39f: {  	[sflag:s9] =	ssyncset.done $0x0  }
0x3a0: {  	[sflag:s9] =	ssyncadd.s32 $0xFFFFC800  }
0x3a1: {  	s3 =	stileid.u32  }
0x3a2: {  	s1 =	rddreg [dreg:$0x3];
	[bflag:$0x0] =	sbarrier.arrive $0xFFFF;
	s0 =	smul.u32 $0x2800, s3  }
0x3a3: {  	s31 =	simm.s32 $0x7;
	s30 =	sshll.u32 s3, $0x6;
	s2 =	rddreg [dreg:$0x4]  }
0x3a4: {  	s2 =	sshrl.u32 s2, $0x3;
	s0 =	sadd.s32 s1, s0;
	s1 =	sor.u32 $0x1C07, s30  }
0x3a5: {  	[hbm:s0], [sflag:s1] =	dma.local [spmem:s2], $0x2800  }
0x3a6: {  	_ =	swait.ge [sflag:s31], $0x2800  }
0x3a7: {  	[sflag:s31] =	ssyncset.done $0x0  }
0x3a8: {  	[sflag:s31] =	ssyncadd.s32 $0xFFFFD800  }
0x3a9: {  	_ =	sfence.sel $0x180000  }
0x3aa: {  	[bflag:$0x0] =	sbarrier.arrive $0xFFFF  }
0x3ab: {  	_ =	strace $0x9000004A  }
0x3ac: {  	[bflag:$0x2] =	sbarrier.arrive $0xFFFF  }
0x3ad: {  	p0 =	sne.s32 s3, $0x0;
	s0 =	rddreg [dreg:$0x2]  }
0x3ae: {  	s0 =	sadd.s32 @!p0 $0x100000, s0  }
0x3af: {  	[sflag:s0] =	ssyncadd.tile.s32 @!p0 $0x1;
	_ =	shalt  }
.Lfunc_end2:
_tile_overlayer_lowered:
.L_overlay_start_2:
0x3b0: {  	(tag) =	ssettag $0x2  }
0x3b1: {  	s0 =	rddreg [dreg:$0x0];
	s2 =	stileid.u32  }
0x3b2: {  	s1 =	rddreg [dreg:$0x1];
	p0 =	sne.s32 s2, $0x0  }
0x3b3: {  	s3 =	rddreg [dreg:$0x2];
	[bflag:$0x3] =	sbarrier.arrive $0xFFFF;
	s2 =	simm.s32 @!p0 $0x1C07  }
0x3b4: {  	[timem:s3], [sflag:s2] =	dma.local @!p0 [hbm:s0], s1  }
0x3b5: {  	s0 =	simm.s32 @!p0 $0x7  }
0x3b6: {  	_ =	swait.ge @!p0 [sflag:s0], s1  }
0x3b7: {  	s1 =	ssub.s32 @!p0 $0x0, s1;
	[sflag:s0] =	ssyncset.done @!p0 $0x0  }
0x3b8: {  	[sflag:s0] =	ssyncadd.s32 @!p0 s1  }
0x3b9: {  	[bflag:$0x3] =	sbarrier.arrive $0xFFFF  }
0x3ba: {  	_ =	shalt  }

</sc_bundles>
